<compile_context>
chip_gen: v7x
topology: tpu7x:2x2x1
jax: 0.10.2.dev20260603
libtpu: 0.0.44.dev20260713+nightly
codegen_flags: <defaults>
</compile_context>

<pallas_src>
import functools

import jax
import jax.numpy as jnp
from jax import lax
from jax.experimental import pallas as pl
from jax.experimental.pallas import tpu as pltpu
from jax.experimental.pallas import tpu_sc as plsc

_N = 10000
_E = 320000
_F = 128
_NC = 2
_NS = 16
_NW = _NC * _NS
_EPW = _E // _NW
_CB = 80
_NCH = _EPW // _CB
_IBC = 25
_NIB = _NCH // _IBC
_NP = 10240
_RPT = _NP // _NS

_mesh = plsc.VectorSubcoreMesh(core_axis_name="c", subcore_axis_name="s")


@functools.partial(
    pl.kernel,
    out_type=jax.ShapeDtypeStruct((_NC, _NP), jnp.float32),
    mesh=_mesh,
    scratch_types=[
        pltpu.VMEM((_NCH, _CB), jnp.int32),
        pltpu.VMEM((_CB,), jnp.float32),
        pltpu.SemaphoreType.DMA,
        pltpu.VMEM_SHARED((_NP,), jnp.float32),
    ],
)
def _deg_kernel(dst_hbm, zeros_hbm, out_hbm, dst_v, ones_v, sem, acc):
    c = lax.axis_index("c")
    s = lax.axis_index("s")
    w = s * _NC + c
    for blk in range(_NIB):
        pltpu.sync_copy(dst_hbm.at[w * _NIB + blk],
                        dst_v.at[pl.ds(blk * _IBC, _IBC)])
    for i in range(_CB // 16):
        ones_v[pl.ds(16 * i, 16)] = jnp.full((16,), 1.0, jnp.float32)
    pltpu.sync_copy(zeros_hbm.at[pl.ds(s * _RPT, _RPT)],
                    acc.at[pl.ds(s * _RPT, _RPT)])
    plsc.subcore_barrier()

    def fire(j, carry):
        pltpu.async_copy(ones_v, acc.at[dst_v.at[j]], sem, add=True)
        return carry

    lax.fori_loop(0, _NCH, fire, 0)

    def drain(j, carry):
        pltpu.make_async_copy(ones_v, acc.at[dst_v.at[0]], sem).wait()
        return carry

    lax.fori_loop(0, _NCH, drain, 0)
    plsc.subcore_barrier()
    pltpu.sync_copy(acc.at[pl.ds(s * _RPT, _RPT)],
                    out_hbm.at[c, pl.ds(s * _RPT, _RPT)])


@functools.partial(
    pl.kernel,
    out_type=jax.ShapeDtypeStruct((_NC, _NP, _F), jnp.float32),
    mesh=_mesh,
    scratch_types=[
        pltpu.VMEM((2, _IBC, _CB), jnp.int32),
        pltpu.VMEM((2, _IBC, _CB), jnp.int32),
        pltpu.VMEM((2, _CB, _F), jnp.float32),
        pltpu.SemaphoreType.DMA,
        pltpu.SemaphoreType.DMA,
        pltpu.SemaphoreType.DMA,
        pltpu.SemaphoreType.DMA,
        pltpu.VMEM_SHARED((_NP, _F), jnp.float32),
    ],
)
def _prop_kernel(xs_hbm, src_hbm, dst_hbm, zeros_hbm, out_hbm,
                 src_v, dst_v, buf, sem0, sem1, zsem, isem, acc):
    c = lax.axis_index("c")
    s = lax.axis_index("s")
    w = s * _NC + c

    sems = (sem0, sem1)

    def load_idx(blk, bank):
        pltpu.async_copy(src_hbm.at[w * _NIB + blk], src_v.at[bank], isem)
        pltpu.async_copy(dst_hbm.at[w * _NIB + blk], dst_v.at[bank], isem)

    def wait_idx(blk, bank):
        pltpu.make_async_copy(src_hbm.at[w * _NIB + blk], src_v.at[bank],
                              isem).wait()
        pltpu.make_async_copy(dst_hbm.at[w * _NIB + blk], dst_v.at[bank],
                              isem).wait()

    def gissue(bank, jj, b):
        pltpu.async_copy(xs_hbm.at[src_v.at[bank, jj]], buf.at[b], sems[b])

    def gwait(bank, jj, b):
        pltpu.make_async_copy(xs_hbm.at[src_v.at[bank, jj]], buf.at[b],
                              sems[b]).wait()

    def scat(bank, jj, b):
        pltpu.sync_copy(buf.at[b], acc.at[dst_v.at[bank, jj]], add=True)

    pltpu.async_copy(zeros_hbm.at[pl.ds(s * _RPT, _RPT)],
                     acc.at[pl.ds(s * _RPT, _RPT)], zsem)
    load_idx(0, 0)
    wait_idx(0, 0)
    gissue(0, 0, 0)
    pltpu.make_async_copy(zeros_hbm.at[pl.ds(s * _RPT, _RPT)],
                          acc.at[pl.ds(s * _RPT, _RPT)], zsem).wait()
    plsc.subcore_barrier()

    for blk in range(_NIB):
        bank = blk % 2
        p = blk % 2
        if blk + 1 < _NIB:
            load_idx(blk + 1, 1 - bank)

        def pair(j2, inner, bank=bank, p=p):
            j = 2 * j2
            gissue(bank, j + 1, 1 - p)
            gwait(bank, j, p)
            scat(bank, j, p)
            gissue(bank, j + 2, p)
            gwait(bank, j + 1, 1 - p)
            scat(bank, j + 1, 1 - p)
            return inner

        lax.fori_loop(0, (_IBC - 1) // 2, pair, 0)
        if blk + 1 < _NIB:
            wait_idx(blk + 1, 1 - bank)
            gissue(1 - bank, 0, 1 - p)
        gwait(bank, _IBC - 1, p)
        scat(bank, _IBC - 1, p)

    plsc.subcore_barrier()
    pltpu.sync_copy(acc.at[pl.ds(s * _RPT, _RPT)],
                    out_hbm.at[c, pl.ds(s * _RPT, _RPT)])


def _tc_first(x_ref, w_ref, deg_ref, xs_ref, dinv_ref):
    dinv = lax.rsqrt(deg_ref[...])
    h = jnp.dot(x_ref[...], w_ref[...], preferred_element_type=jnp.float32)
    dinv_ref[...] = dinv
    xs_ref[...] = dinv * h


def _tc_mid(z_ref, xs_ref, dinv_ref, b_ref, w_ref, out_ref):
    z = z_ref[0, :_N, :] + z_ref[1, :_N, :] + xs_ref[...]
    x1 = jnp.maximum(dinv_ref[...] * z + b_ref[...], 0.0)
    h = jnp.dot(x1, w_ref[...], preferred_element_type=jnp.float32)
    out_ref[...] = dinv_ref[...] * h


def _tc_last(z_ref, xs_ref, dinv_ref, b_ref, wl_ref, bl_ref, out_ref):
    z = z_ref[0, :_N, :] + z_ref[1, :_N, :] + xs_ref[...]
    x2 = jnp.maximum(dinv_ref[...] * z + b_ref[...], 0.0)
    out_ref[...] = (jnp.dot(x2, wl_ref[...], preferred_element_type=jnp.float32)
                    + bl_ref[...])


def kernel(node_features, edge_indices, W1, b1, W2, b2, Wl, bl):
    ei = edge_indices.astype(jnp.int32)
    src_blk = ei[0].reshape(_NW * _NIB, _IBC, _CB)
    dst_blk = ei[1].reshape(_NW * _NIB, _IBC, _CB)
    zeros_f = jnp.zeros((_NP, _F), jnp.float32)
    zeros_1 = jnp.zeros((_NP,), jnp.float32)

    degp = _deg_kernel(dst_blk, zeros_1)
    deg_col = (degp[0, :_N] + degp[1, :_N] + 1.0)[:, None]

    xs1, dinv = pl.pallas_call(
        _tc_first,
        out_shape=[
            jax.ShapeDtypeStruct((_N, _F), jnp.float32),
            jax.ShapeDtypeStruct((_N, 1), jnp.float32),
        ],
    )(node_features, W1, deg_col)

    z1 = _prop_kernel(xs1, src_blk, dst_blk, zeros_f)

    xs2 = pl.pallas_call(
        _tc_mid,
        out_shape=jax.ShapeDtypeStruct((_N, _F), jnp.float32),
    )(z1, xs1, dinv, b1.reshape(1, _F), W2)

    z2 = _prop_kernel(xs2, src_blk, dst_blk, zeros_f)

    out = pl.pallas_call(
        _tc_last,
        out_shape=jax.ShapeDtypeStruct((_N, 40), jnp.float32),
    )(z2, xs2, dinv, b2.reshape(1, _F), Wl, bl.reshape(1, 40))
    return out

# --- scband reference (transcript-rebuilt; emitter-appended) ---
"""Pipeline reference for scband-gcn-32332513804701 (READ-ONLY COPY).

The authoritative reference and input builder live on the scoring server;
editing this copy changes nothing except your own understanding.
"""

import jax, jax.numpy as jnp
import numpy as np

N = 10000
E = 320000
F_IN = 128
H1 = 128
H2 = 128
C = 40


def setup_inputs(seed: int = 0) -> dict:
    key = jax.random.key(seed)
    ks = [jax.random.fold_in(key, i) for i in range(10)]
    node_features = jax.random.normal(ks[0], (N, F_IN), dtype=jnp.float32)
    edge_indices = jax.random.randint(ks[1], (2, E), 0, N, dtype=jnp.int64)
    W1 = jax.random.normal(ks[2], (F_IN, H1), dtype=jnp.float32) / np.sqrt(F_IN)
    b1 = jnp.zeros((H1,), dtype=jnp.float32)
    W2 = jax.random.normal(ks[3], (H1, H2), dtype=jnp.float32) / np.sqrt(H1)
    b2 = jnp.zeros((H2,), dtype=jnp.float32)
    Wl = jax.random.normal(ks[4], (H2, C), dtype=jnp.float32) / np.sqrt(H2)
    bl = jnp.zeros((C,), dtype=jnp.float32)
    return {"node_features": node_features, "edge_indices": edge_indices,
            "W1": W1, "b1": b1, "W2": W2, "b2": b2, "Wl": Wl, "bl": bl}


def _gcn_conv(x, src, dst, W, b, n):
    # GCNConv: D^{-1/2} (A + I) D^{-1/2} X W + b
    x = x @ W
    loop = jnp.arange(n, dtype=src.dtype)
    s = jnp.concatenate([src, loop])
    d = jnp.concatenate([dst, loop])
    deg = jax.ops.segment_sum(jnp.ones(s.shape[0], dtype=x.dtype), d, num_segments=n)
    deg_inv_sqrt = jnp.where(deg > 0, 1.0 / jnp.sqrt(deg), 0.0)
    norm = deg_inv_sqrt[s] * deg_inv_sqrt[d]
    msg = norm[:, None] * x[s]
    out = jax.ops.segment_sum(msg, d, num_segments=n)
    return out + b


def reference(node_features, edge_indices, W1, b1, W2, b2, Wl, bl):
    src = edge_indices[0]
    dst = edge_indices[1]
    x = _gcn_conv(node_features, src, dst, W1, b1, N)
    x = jax.nn.relu(x)
    # dropout is identity in eval mode
    x = _gcn_conv(x, src, dst, W2, b2, N)
    x = jax.nn.relu(x)
    x = x @ Wl + bl
    return x

if __name__ == "__main__":
    import jax
    _d = setup_inputs()
    print(jax.jit(kernel)(*tuple(_d.values())))

</pallas_src>

<mosaic_0001>
#map = affine_map<(d0, d1) -> (0, 0, 0)>
#map1 = affine_map<(d0, d1) -> (0)>
#map2 = affine_map<(d0, d1) -> (0, 0)>
module attributes {stable_mosaic.version = 14 : i64} {
  func.func @_deg_kernel(%arg0: i32, %arg1: i32, %arg2: memref<160x25x80xi32, #tpu.memory_space<hbm>>, %arg3: memref<10240xf32, #tpu.memory_space<hbm>>, %arg4: memref<2x10240xf32, #tpu.memory_space<hbm>>, %arg5: memref<125x80xi32, #tpu.memory_space<vmem>>, %arg6: memref<80xf32, #tpu.memory_space<vmem>>, %arg7: memref<!tpu.dma_semaphore, #tpu.memory_space<semaphore_mem>>, %arg8: memref<10240xf32, #tpu.memory_space<vmem_shared>>) attributes {dimension_semantics = [#tpu.dimension_semantics<core_parallel>, #tpu.dimension_semantics<subcore_parallel>], iteration_bounds = array<i64: 2, 16>, scalar_prefetch = 0 : i64, scratch_operands = 4 : i64, tpu.core_type = #tpu.core_type<sc_vector_subcore>, window_params = [{transform_indices = #map}, {transform_indices = #map1}, {transform_indices = #map2}]} {
    %mul3A = arith.constant 2 : i32
    %mul3A_0 = arith.muli %arg1, %mul3A : i32
    %add3A = arith.addi %mul3A_0, %arg0 : i32
    %mul3A_1 = arith.constant 5 : i32
    %mul3A_2 = arith.muli %add3A, %mul3A_1 : i32
    %add3A_3 = arith.constant 0 : i32
    %add3A_4 = arith.addi %mul3A_2, %add3A_3 : i32
    "tpu.region"() ({
      %run_scoped3A = tpu.sem_alloc : memref<!tpu.dma_semaphore, #tpu.memory_space<semaphore_mem>>
      %dma_start3A = arith.constant 0 : i32
      %dma_start3A_69 = arith.constant 0 : i32
      %dma_start3A_70 = tpu.memref_slice %arg5[%dma_start3A, %dma_start3A_69] : memref<125x80xi32, #tpu.memory_space<vmem>> -> memref<25x80xi32, #tpu.memory_space<vmem>>
      %dma_start3A_71 = arith.constant 0 : i32
      %dma_start3A_72 = arith.constant 0 : i32
      %dma_start3A_73 = tpu.memref_slice %arg2[%add3A_4, %dma_start3A_71, %dma_start3A_72] : memref<160x25x80xi32, #tpu.memory_space<hbm>> -> memref<1x25x80xi32, #tpu.memory_space<hbm>>
      %dma_start3A_74 = tpu.memref_squeeze %dma_start3A_73 : memref<1x25x80xi32, #tpu.memory_space<hbm>> -> memref<25x80xi32, #tpu.memory_space<hbm>>
      %dma_start3A_75 = arith.constant 0 : i32
      %dma_start3A_76 = arith.constant 0 : i32
      %dma_start3A_77 = tpu.memref_slice %arg5[%dma_start3A_75, %dma_start3A_76] : memref<125x80xi32, #tpu.memory_space<vmem>> -> memref<25x80xi32, #tpu.memory_space<vmem>>
      %dma_start3A_78 = arith.constant 0 : i32
      %dma_start3A_79 = arith.constant 0 : i32
      %dma_start3A_80 = tpu.memref_slice %arg2[%add3A_4, %dma_start3A_78, %dma_start3A_79] : memref<160x25x80xi32, #tpu.memory_space<hbm>> -> memref<1x25x80xi32, #tpu.memory_space<hbm>>
      %dma_start3A_81 = tpu.memref_squeeze %dma_start3A_80 : memref<1x25x80xi32, #tpu.memory_space<hbm>> -> memref<25x80xi32, #tpu.memory_space<hbm>>
      tpu.enqueue_dma source(%dma_start3A_81 : memref<25x80xi32, #tpu.memory_space<hbm>>) target(%dma_start3A_77 : memref<25x80xi32, #tpu.memory_space<vmem>>) target_semaphore(%run_scoped3A : memref<!tpu.dma_semaphore, #tpu.memory_space<semaphore_mem>>)
      %dma_wait3A = arith.constant 0 : i32
      %dma_wait3A_82 = arith.constant 0 : i32
      %dma_wait3A_83 = tpu.memref_slice %arg5[%dma_wait3A, %dma_wait3A_82] : memref<125x80xi32, #tpu.memory_space<vmem>> -> memref<25x80xi32, #tpu.memory_space<vmem>>
      %dma_wait3A_84 = arith.constant 0 : i32
      %dma_wait3A_85 = arith.constant 0 : i32
      %dma_wait3A_86 = tpu.memref_slice %arg2[%add3A_4, %dma_wait3A_84, %dma_wait3A_85] : memref<160x25x80xi32, #tpu.memory_space<hbm>> -> memref<1x25x80xi32, #tpu.memory_space<hbm>>
      %dma_wait3A_87 = tpu.memref_squeeze %dma_wait3A_86 : memref<1x25x80xi32, #tpu.memory_space<hbm>> -> memref<25x80xi32, #tpu.memory_space<hbm>>
      %dma_wait3A_88 = arith.constant 0 : i32
      %dma_wait3A_89 = arith.constant 0 : i32
      %dma_wait3A_90 = tpu.memref_slice %arg5[%dma_wait3A_88, %dma_wait3A_89] : memref<125x80xi32, #tpu.memory_space<vmem>> -> memref<25x80xi32, #tpu.memory_space<vmem>>
      %dma_wait3A_91 = arith.constant 0 : i32
      %dma_wait3A_92 = arith.constant 0 : i32
      %dma_wait3A_93 = tpu.memref_slice %arg2[%add3A_4, %dma_wait3A_91, %dma_wait3A_92] : memref<160x25x80xi32, #tpu.memory_space<hbm>> -> memref<1x25x80xi32, #tpu.memory_space<hbm>>
      %dma_wait3A_94 = tpu.memref_squeeze %dma_wait3A_93 : memref<1x25x80xi32, #tpu.memory_space<hbm>> -> memref<25x80xi32, #tpu.memory_space<hbm>>
      tpu.wait_dma2 semaphore(%run_scoped3A : memref<!tpu.dma_semaphore, #tpu.memory_space<semaphore_mem>>) src(%dma_wait3A_94 : memref<25x80xi32, #tpu.memory_space<hbm>>) dst(%dma_wait3A_90 : memref<25x80xi32, #tpu.memory_space<vmem>>)
      tpu.yield
    }) : () -> ()
    %mul3A_5 = arith.constant 5 : i32
    %mul3A_6 = arith.muli %add3A, %mul3A_5 : i32
    %add3A_7 = arith.constant 1 : i32
    %add3A_8 = arith.addi %mul3A_6, %add3A_7 : i32
    "tpu.region"() ({
      %run_scoped3A = tpu.sem_alloc : memref<!tpu.dma_semaphore, #tpu.memory_space<semaphore_mem>>
      %dma_start3A = arith.constant 25 : i32
      %dma_start3A_69 = arith.constant 0 : i32
      %dma_start3A_70 = tpu.memref_slice %arg5[%dma_start3A, %dma_start3A_69] : memref<125x80xi32, #tpu.memory_space<vmem>> -> memref<25x80xi32, #tpu.memory_space<vmem>>
      %dma_start3A_71 = arith.constant 0 : i32
      %dma_start3A_72 = arith.constant 0 : i32
      %dma_start3A_73 = tpu.memref_slice %arg2[%add3A_8, %dma_start3A_71, %dma_start3A_72] : memref<160x25x80xi32, #tpu.memory_space<hbm>> -> memref<1x25x80xi32, #tpu.memory_space<hbm>>
      %dma_start3A_74 = tpu.memref_squeeze %dma_start3A_73 : memref<1x25x80xi32, #tpu.memory_space<hbm>> -> memref<25x80xi32, #tpu.memory_space<hbm>>
      %dma_start3A_75 = arith.constant 25 : i32
      %dma_start3A_76 = arith.constant 0 : i32
      %dma_start3A_77 = tpu.memref_slice %arg5[%dma_start3A_75, %dma_start3A_76] : memref<125x80xi32, #tpu.memory_space<vmem>> -> memref<25x80xi32, #tpu.memory_space<vmem>>
      %dma_start3A_78 = arith.constant 0 : i32
      %dma_start3A_79 = arith.constant 0 : i32
      %dma_start3A_80 = tpu.memref_slice %arg2[%add3A_8, %dma_start3A_78, %dma_start3A_79] : memref<160x25x80xi32, #tpu.memory_space<hbm>> -> memref<1x25x80xi32, #tpu.memory_space<hbm>>
      %dma_start3A_81 = tpu.memref_squeeze %dma_start3A_80 : memref<1x25x80xi32, #tpu.memory_space<hbm>> -> memref<25x80xi32, #tpu.memory_space<hbm>>
      tpu.enqueue_dma source(%dma_start3A_81 : memref<25x80xi32, #tpu.memory_space<hbm>>) target(%dma_start3A_77 : memref<25x80xi32, #tpu.memory_space<vmem>>) target_semaphore(%run_scoped3A : memref<!tpu.dma_semaphore, #tpu.memory_space<semaphore_mem>>)
      %dma_wait3A = arith.constant 25 : i32
      %dma_wait3A_82 = arith.constant 0 : i32
      %dma_wait3A_83 = tpu.memref_slice %arg5[%dma_wait3A, %dma_wait3A_82] : memref<125x80xi32, #tpu.memory_space<vmem>> -> memref<25x80xi32, #tpu.memory_space<vmem>>
      %dma_wait3A_84 = arith.constant 0 : i32
      %dma_wait3A_85 = arith.constant 0 : i32
      %dma_wait3A_86 = tpu.memref_slice %arg2[%add3A_8, %dma_wait3A_84, %dma_wait3A_85] : memref<160x25x80xi32, #tpu.memory_space<hbm>> -> memref<1x25x80xi32, #tpu.memory_space<hbm>>
      %dma_wait3A_87 = tpu.memref_squeeze %dma_wait3A_86 : memref<1x25x80xi32, #tpu.memory_space<hbm>> -> memref<25x80xi32, #tpu.memory_space<hbm>>
      %dma_wait3A_88 = arith.constant 25 : i32
      %dma_wait3A_89 = arith.constant 0 : i32
      %dma_wait3A_90 = tpu.memref_slice %arg5[%dma_wait3A_88, %dma_wait3A_89] : memref<125x80xi32, #tpu.memory_space<vmem>> -> memref<25x80xi32, #tpu.memory_space<vmem>>
      %dma_wait3A_91 = arith.constant 0 : i32
      %dma_wait3A_92 = arith.constant 0 : i32
      %dma_wait3A_93 = tpu.memref_slice %arg2[%add3A_8, %dma_wait3A_91, %dma_wait3A_92] : memref<160x25x80xi32, #tpu.memory_space<hbm>> -> memref<1x25x80xi32, #tpu.memory_space<hbm>>
      %dma_wait3A_94 = tpu.memref_squeeze %dma_wait3A_93 : memref<1x25x80xi32, #tpu.memory_space<hbm>> -> memref<25x80xi32, #tpu.memory_space<hbm>>
      tpu.wait_dma2 semaphore(%run_scoped3A : memref<!tpu.dma_semaphore, #tpu.memory_space<semaphore_mem>>) src(%dma_wait3A_94 : memref<25x80xi32, #tpu.memory_space<hbm>>) dst(%dma_wait3A_90 : memref<25x80xi32, #tpu.memory_space<vmem>>)
      tpu.yield
    }) : () -> ()
    %mul3A_9 = arith.constant 5 : i32
    %mul3A_10 = arith.muli %add3A, %mul3A_9 : i32
    %add3A_11 = arith.constant 2 : i32
    %add3A_12 = arith.addi %mul3A_10, %add3A_11 : i32
    "tpu.region"() ({
      %run_scoped3A = tpu.sem_alloc : memref<!tpu.dma_semaphore, #tpu.memory_space<semaphore_mem>>
      %dma_start3A = arith.constant 50 : i32
      %dma_start3A_69 = arith.constant 0 : i32
      %dma_start3A_70 = tpu.memref_slice %arg5[%dma_start3A, %dma_start3A_69] : memref<125x80xi32, #tpu.memory_space<vmem>> -> memref<25x80xi32, #tpu.memory_space<vmem>>
      %dma_start3A_71 = arith.constant 0 : i32
      %dma_start3A_72 = arith.constant 0 : i32
      %dma_start3A_73 = tpu.memref_slice %arg2[%add3A_12, %dma_start3A_71, %dma_start3A_72] : memref<160x25x80xi32, #tpu.memory_space<hbm>> -> memref<1x25x80xi32, #tpu.memory_space<hbm>>
      %dma_start3A_74 = tpu.memref_squeeze %dma_start3A_73 : memref<1x25x80xi32, #tpu.memory_space<hbm>> -> memref<25x80xi32, #tpu.memory_space<hbm>>
      %dma_start3A_75 = arith.constant 50 : i32
      %dma_start3A_76 = arith.constant 0 : i32
      %dma_start3A_77 = tpu.memref_slice %arg5[%dma_start3A_75, %dma_start3A_76] : memref<125x80xi32, #tpu.memory_space<vmem>> -> memref<25x80xi32, #tpu.memory_space<vmem>>
      %dma_start3A_78 = arith.constant 0 : i32
      %dma_start3A_79 = arith.constant 0 : i32
      %dma_start3A_80 = tpu.memref_slice %arg2[%add3A_12, %dma_start3A_78, %dma_start3A_79] : memref<160x25x80xi32, #tpu.memory_space<hbm>> -> memref<1x25x80xi32, #tpu.memory_space<hbm>>
      %dma_start3A_81 = tpu.memref_squeeze %dma_start3A_80 : memref<1x25x80xi32, #tpu.memory_space<hbm>> -> memref<25x80xi32, #tpu.memory_space<hbm>>
      tpu.enqueue_dma source(%dma_start3A_81 : memref<25x80xi32, #tpu.memory_space<hbm>>) target(%dma_start3A_77 : memref<25x80xi32, #tpu.memory_space<vmem>>) target_semaphore(%run_scoped3A : memref<!tpu.dma_semaphore, #tpu.memory_space<semaphore_mem>>)
      %dma_wait3A = arith.constant 50 : i32
      %dma_wait3A_82 = arith.constant 0 : i32
      %dma_wait3A_83 = tpu.memref_slice %arg5[%dma_wait3A, %dma_wait3A_82] : memref<125x80xi32, #tpu.memory_space<vmem>> -> memref<25x80xi32, #tpu.memory_space<vmem>>
      %dma_wait3A_84 = arith.constant 0 : i32
      %dma_wait3A_85 = arith.constant 0 : i32
      %dma_wait3A_86 = tpu.memref_slice %arg2[%add3A_12, %dma_wait3A_84, %dma_wait3A_85] : memref<160x25x80xi32, #tpu.memory_space<hbm>> -> memref<1x25x80xi32, #tpu.memory_space<hbm>>
      %dma_wait3A_87 = tpu.memref_squeeze %dma_wait3A_86 : memref<1x25x80xi32, #tpu.memory_space<hbm>> -> memref<25x80xi32, #tpu.memory_space<hbm>>
      %dma_wait3A_88 = arith.constant 50 : i32
      %dma_wait3A_89 = arith.constant 0 : i32
      %dma_wait3A_90 = tpu.memref_slice %arg5[%dma_wait3A_88, %dma_wait3A_89] : memref<125x80xi32, #tpu.memory_space<vmem>> -> memref<25x80xi32, #tpu.memory_space<vmem>>
      %dma_wait3A_91 = arith.constant 0 : i32
      %dma_wait3A_92 = arith.constant 0 : i32
      %dma_wait3A_93 = tpu.memref_slice %arg2[%add3A_12, %dma_wait3A_91, %dma_wait3A_92] : memref<160x25x80xi32, #tpu.memory_space<hbm>> -> memref<1x25x80xi32, #tpu.memory_space<hbm>>
      %dma_wait3A_94 = tpu.memref_squeeze %dma_wait3A_93 : memref<1x25x80xi32, #tpu.memory_space<hbm>> -> memref<25x80xi32, #tpu.memory_space<hbm>>
      tpu.wait_dma2 semaphore(%run_scoped3A : memref<!tpu.dma_semaphore, #tpu.memory_space<semaphore_mem>>) src(%dma_wait3A_94 : memref<25x80xi32, #tpu.memory_space<hbm>>) dst(%dma_wait3A_90 : memref<25x80xi32, #tpu.memory_space<vmem>>)
      tpu.yield
    }) : () -> ()
    %mul3A_13 = arith.constant 5 : i32
    %mul3A_14 = arith.muli %add3A, %mul3A_13 : i32
    %add3A_15 = arith.constant 3 : i32
    %add3A_16 = arith.addi %mul3A_14, %add3A_15 : i32
    "tpu.region"() ({
      %run_scoped3A = tpu.sem_alloc : memref<!tpu.dma_semaphore, #tpu.memory_space<semaphore_mem>>
      %dma_start3A = arith.constant 75 : i32
      %dma_start3A_69 = arith.constant 0 : i32
      %dma_start3A_70 = tpu.memref_slice %arg5[%dma_start3A, %dma_start3A_69] : memref<125x80xi32, #tpu.memory_space<vmem>> -> memref<25x80xi32, #tpu.memory_space<vmem>>
      %dma_start3A_71 = arith.constant 0 : i32
      %dma_start3A_72 = arith.constant 0 : i32
      %dma_start3A_73 = tpu.memref_slice %arg2[%add3A_16, %dma_start3A_71, %dma_start3A_72] : memref<160x25x80xi32, #tpu.memory_space<hbm>> -> memref<1x25x80xi32, #tpu.memory_space<hbm>>
      %dma_start3A_74 = tpu.memref_squeeze %dma_start3A_73 : memref<1x25x80xi32, #tpu.memory_space<hbm>> -> memref<25x80xi32, #tpu.memory_space<hbm>>
      %dma_start3A_75 = arith.constant 75 : i32
      %dma_start3A_76 = arith.constant 0 : i32
      %dma_start3A_77 = tpu.memref_slice %arg5[%dma_start3A_75, %dma_start3A_76] : memref<125x80xi32, #tpu.memory_space<vmem>> -> memref<25x80xi32, #tpu.memory_space<vmem>>
      %dma_start3A_78 = arith.constant 0 : i32
      %dma_start3A_79 = arith.constant 0 : i32
      %dma_start3A_80 = tpu.memref_slice %arg2[%add3A_16, %dma_start3A_78, %dma_start3A_79] : memref<160x25x80xi32, #tpu.memory_space<hbm>> -> memref<1x25x80xi32, #tpu.memory_space<hbm>>
      %dma_start3A_81 = tpu.memref_squeeze %dma_start3A_80 : memref<1x25x80xi32, #tpu.memory_space<hbm>> -> memref<25x80xi32, #tpu.memory_space<hbm>>
      tpu.enqueue_dma source(%dma_start3A_81 : memref<25x80xi32, #tpu.memory_space<hbm>>) target(%dma_start3A_77 : memref<25x80xi32, #tpu.memory_space<vmem>>) target_semaphore(%run_scoped3A : memref<!tpu.dma_semaphore, #tpu.memory_space<semaphore_mem>>)
      %dma_wait3A = arith.constant 75 : i32
      %dma_wait3A_82 = arith.constant 0 : i32
      %dma_wait3A_83 = tpu.memref_slice %arg5[%dma_wait3A, %dma_wait3A_82] : memref<125x80xi32, #tpu.memory_space<vmem>> -> memref<25x80xi32, #tpu.memory_space<vmem>>
      %dma_wait3A_84 = arith.constant 0 : i32
      %dma_wait3A_85 = arith.constant 0 : i32
      %dma_wait3A_86 = tpu.memref_slice %arg2[%add3A_16, %dma_wait3A_84, %dma_wait3A_85] : memref<160x25x80xi32, #tpu.memory_space<hbm>> -> memref<1x25x80xi32, #tpu.memory_space<hbm>>
      %dma_wait3A_87 = tpu.memref_squeeze %dma_wait3A_86 : memref<1x25x80xi32, #tpu.memory_space<hbm>> -> memref<25x80xi32, #tpu.memory_space<hbm>>
      %dma_wait3A_88 = arith.constant 75 : i32
      %dma_wait3A_89 = arith.constant 0 : i32
      %dma_wait3A_90 = tpu.memref_slice %arg5[%dma_wait3A_88, %dma_wait3A_89] : memref<125x80xi32, #tpu.memory_space<vmem>> -> memref<25x80xi32, #tpu.memory_space<vmem>>
      %dma_wait3A_91 = arith.constant 0 : i32
      %dma_wait3A_92 = arith.constant 0 : i32
      %dma_wait3A_93 = tpu.memref_slice %arg2[%add3A_16, %dma_wait3A_91, %dma_wait3A_92] : memref<160x25x80xi32, #tpu.memory_space<hbm>> -> memref<1x25x80xi32, #tpu.memory_space<hbm>>
      %dma_wait3A_94 = tpu.memref_squeeze %dma_wait3A_93 : memref<1x25x80xi32, #tpu.memory_space<hbm>> -> memref<25x80xi32, #tpu.memory_space<hbm>>
      tpu.wait_dma2 semaphore(%run_scoped3A : memref<!tpu.dma_semaphore, #tpu.memory_space<semaphore_mem>>) src(%dma_wait3A_94 : memref<25x80xi32, #tpu.memory_space<hbm>>) dst(%dma_wait3A_90 : memref<25x80xi32, #tpu.memory_space<vmem>>)
      tpu.yield
    }) : () -> ()
    %mul3A_17 = arith.constant 5 : i32
    %mul3A_18 = arith.muli %add3A, %mul3A_17 : i32
    %add3A_19 = arith.constant 4 : i32
    %add3A_20 = arith.addi %mul3A_18, %add3A_19 : i32
    "tpu.region"() ({
      %run_scoped3A = tpu.sem_alloc : memref<!tpu.dma_semaphore, #tpu.memory_space<semaphore_mem>>
      %dma_start3A = arith.constant 100 : i32
      %dma_start3A_69 = arith.constant 0 : i32
      %dma_start3A_70 = tpu.memref_slice %arg5[%dma_start3A, %dma_start3A_69] : memref<125x80xi32, #tpu.memory_space<vmem>> -> memref<25x80xi32, #tpu.memory_space<vmem>>
      %dma_start3A_71 = arith.constant 0 : i32
      %dma_start3A_72 = arith.constant 0 : i32
      %dma_start3A_73 = tpu.memref_slice %arg2[%add3A_20, %dma_start3A_71, %dma_start3A_72] : memref<160x25x80xi32, #tpu.memory_space<hbm>> -> memref<1x25x80xi32, #tpu.memory_space<hbm>>
      %dma_start3A_74 = tpu.memref_squeeze %dma_start3A_73 : memref<1x25x80xi32, #tpu.memory_space<hbm>> -> memref<25x80xi32, #tpu.memory_space<hbm>>
      %dma_start3A_75 = arith.constant 100 : i32
      %dma_start3A_76 = arith.constant 0 : i32
      %dma_start3A_77 = tpu.memref_slice %arg5[%dma_start3A_75, %dma_start3A_76] : memref<125x80xi32, #tpu.memory_space<vmem>> -> memref<25x80xi32, #tpu.memory_space<vmem>>
      %dma_start3A_78 = arith.constant 0 : i32
      %dma_start3A_79 = arith.constant 0 : i32
      %dma_start3A_80 = tpu.memref_slice %arg2[%add3A_20, %dma_start3A_78, %dma_start3A_79] : memref<160x25x80xi32, #tpu.memory_space<hbm>> -> memref<1x25x80xi32, #tpu.memory_space<hbm>>
      %dma_start3A_81 = tpu.memref_squeeze %dma_start3A_80 : memref<1x25x80xi32, #tpu.memory_space<hbm>> -> memref<25x80xi32, #tpu.memory_space<hbm>>
      tpu.enqueue_dma source(%dma_start3A_81 : memref<25x80xi32, #tpu.memory_space<hbm>>) target(%dma_start3A_77 : memref<25x80xi32, #tpu.memory_space<vmem>>) target_semaphore(%run_scoped3A : memref<!tpu.dma_semaphore, #tpu.memory_space<semaphore_mem>>)
      %dma_wait3A = arith.constant 100 : i32
      %dma_wait3A_82 = arith.constant 0 : i32
      %dma_wait3A_83 = tpu.memref_slice %arg5[%dma_wait3A, %dma_wait3A_82] : memref<125x80xi32, #tpu.memory_space<vmem>> -> memref<25x80xi32, #tpu.memory_space<vmem>>
      %dma_wait3A_84 = arith.constant 0 : i32
      %dma_wait3A_85 = arith.constant 0 : i32
      %dma_wait3A_86 = tpu.memref_slice %arg2[%add3A_20, %dma_wait3A_84, %dma_wait3A_85] : memref<160x25x80xi32, #tpu.memory_space<hbm>> -> memref<1x25x80xi32, #tpu.memory_space<hbm>>
      %dma_wait3A_87 = tpu.memref_squeeze %dma_wait3A_86 : memref<1x25x80xi32, #tpu.memory_space<hbm>> -> memref<25x80xi32, #tpu.memory_space<hbm>>
      %dma_wait3A_88 = arith.constant 100 : i32
      %dma_wait3A_89 = arith.constant 0 : i32
      %dma_wait3A_90 = tpu.memref_slice %arg5[%dma_wait3A_88, %dma_wait3A_89] : memref<125x80xi32, #tpu.memory_space<vmem>> -> memref<25x80xi32, #tpu.memory_space<vmem>>
      %dma_wait3A_91 = arith.constant 0 : i32
      %dma_wait3A_92 = arith.constant 0 : i32
      %dma_wait3A_93 = tpu.memref_slice %arg2[%add3A_20, %dma_wait3A_91, %dma_wait3A_92] : memref<160x25x80xi32, #tpu.memory_space<hbm>> -> memref<1x25x80xi32, #tpu.memory_space<hbm>>
      %dma_wait3A_94 = tpu.memref_squeeze %dma_wait3A_93 : memref<1x25x80xi32, #tpu.memory_space<hbm>> -> memref<25x80xi32, #tpu.memory_space<hbm>>
      tpu.wait_dma2 semaphore(%run_scoped3A : memref<!tpu.dma_semaphore, #tpu.memory_space<semaphore_mem>>) src(%dma_wait3A_94 : memref<25x80xi32, #tpu.memory_space<hbm>>) dst(%dma_wait3A_90 : memref<25x80xi32, #tpu.memory_space<vmem>>)
      tpu.yield
    }) : () -> ()
    %broadcast_in_dim3A = arith.constant 1.000000e+00 : f32
    %broadcast_in_dim3A_21 = vector.broadcast %broadcast_in_dim3A : f32 to vector<16xf32>
    %swap3A = arith.constant 0 : index
    %swap3A_22 = tpu.vector_load %arg6[%swap3A] {strides = array<i32>} : memref<80xf32, #tpu.memory_space<vmem>>, vector<16xf32>,
    %swap3A_23 = vector.shape_cast %swap3A_22 : vector<16xf32> to vector<16xf32>
    %swap3A_24 = vector.shape_cast %broadcast_in_dim3A_21 : vector<16xf32> to vector<16xf32>
    tpu.vector_store %arg6[%swap3A], %swap3A_24 {strides = array<i32>} : memref<80xf32, #tpu.memory_space<vmem>>, vector<16xf32>,
    %broadcast_in_dim3A_25 = arith.constant 1.000000e+00 : f32
    %broadcast_in_dim3A_26 = vector.broadcast %broadcast_in_dim3A_25 : f32 to vector<16xf32>
    %swap3A_27 = arith.constant 16 : index
    %swap3A_28 = tpu.vector_load %arg6[%swap3A_27] {strides = array<i32>} : memref<80xf32, #tpu.memory_space<vmem>>, vector<16xf32>,
    %swap3A_29 = vector.shape_cast %swap3A_28 : vector<16xf32> to vector<16xf32>
    %swap3A_30 = vector.shape_cast %broadcast_in_dim3A_26 : vector<16xf32> to vector<16xf32>
    tpu.vector_store %arg6[%swap3A_27], %swap3A_30 {strides = array<i32>} : memref<80xf32, #tpu.memory_space<vmem>>, vector<16xf32>,
    %broadcast_in_dim3A_31 = arith.constant 1.000000e+00 : f32
    %broadcast_in_dim3A_32 = vector.broadcast %broadcast_in_dim3A_31 : f32 to vector<16xf32>
    %swap3A_33 = arith.constant 32 : index
    %swap3A_34 = tpu.vector_load %arg6[%swap3A_33] {strides = array<i32>} : memref<80xf32, #tpu.memory_space<vmem>>, vector<16xf32>,
    %swap3A_35 = vector.shape_cast %swap3A_34 : vector<16xf32> to vector<16xf32>
    %swap3A_36 = vector.shape_cast %broadcast_in_dim3A_32 : vector<16xf32> to vector<16xf32>
    tpu.vector_store %arg6[%swap3A_33], %swap3A_36 {strides = array<i32>} : memref<80xf32, #tpu.memory_space<vmem>>, vector<16xf32>,
    %broadcast_in_dim3A_37 = arith.constant 1.000000e+00 : f32
    %broadcast_in_dim3A_38 = vector.broadcast %broadcast_in_dim3A_37 : f32 to vector<16xf32>
    %swap3A_39 = arith.constant 48 : index
    %swap3A_40 = tpu.vector_load %arg6[%swap3A_39] {strides = array<i32>} : memref<80xf32, #tpu.memory_space<vmem>>, vector<16xf32>,
    %swap3A_41 = vector.shape_cast %swap3A_40 : vector<16xf32> to vector<16xf32>
    %swap3A_42 = vector.shape_cast %broadcast_in_dim3A_38 : vector<16xf32> to vector<16xf32>
    tpu.vector_store %arg6[%swap3A_39], %swap3A_42 {strides = array<i32>} : memref<80xf32, #tpu.memory_space<vmem>>, vector<16xf32>,
    %broadcast_in_dim3A_43 = arith.constant 1.000000e+00 : f32
    %broadcast_in_dim3A_44 = vector.broadcast %broadcast_in_dim3A_43 : f32 to vector<16xf32>
    %swap3A_45 = arith.constant 64 : index
    %swap3A_46 = tpu.vector_load %arg6[%swap3A_45] {strides = array<i32>} : memref<80xf32, #tpu.memory_space<vmem>>, vector<16xf32>,
    %swap3A_47 = vector.shape_cast %swap3A_46 : vector<16xf32> to vector<16xf32>
    %swap3A_48 = vector.shape_cast %broadcast_in_dim3A_44 : vector<16xf32> to vector<16xf32>
    tpu.vector_store %arg6[%swap3A_45], %swap3A_48 {strides = array<i32>} : memref<80xf32, #tpu.memory_space<vmem>>, vector<16xf32>,
    %mul3A_49 = arith.constant 640 : i32
    %mul3A_50 = arith.muli %arg1, %mul3A_49 : i32
    %mul3A_51 = arith.constant 640 : i32
    %mul3A_52 = arith.muli %arg1, %mul3A_51 : i32
    "tpu.region"() ({
      %run_scoped3A = tpu.sem_alloc : memref<!tpu.dma_semaphore, #tpu.memory_space<semaphore_mem>>
      %dma_start3A = tpu.memref_slice %arg8[%mul3A_52] : memref<10240xf32, #tpu.memory_space<vmem_shared>> -> memref<640xf32, #tpu.memory_space<vmem_shared>>
      %dma_start3A_69 = tpu.memref_slice %arg3[%mul3A_50] : memref<10240xf32, #tpu.memory_space<hbm>> -> memref<640xf32, #tpu.memory_space<hbm>>
      tpu.enqueue_dma source(%dma_start3A_69 : memref<640xf32, #tpu.memory_space<hbm>>) target(%dma_start3A : memref<640xf32, #tpu.memory_space<vmem_shared>>) target_semaphore(%run_scoped3A : memref<!tpu.dma_semaphore, #tpu.memory_space<semaphore_mem>>)
      %dma_wait3A = tpu.memref_slice %arg8[%mul3A_52] : memref<10240xf32, #tpu.memory_space<vmem_shared>> -> memref<640xf32, #tpu.memory_space<vmem_shared>>
      %dma_wait3A_70 = tpu.memref_slice %arg3[%mul3A_50] : memref<10240xf32, #tpu.memory_space<hbm>> -> memref<640xf32, #tpu.memory_space<hbm>>
      tpu.wait_dma2 semaphore(%run_scoped3A : memref<!tpu.dma_semaphore, #tpu.memory_space<semaphore_mem>>) src(%dma_wait3A_70 : memref<640xf32, #tpu.memory_space<hbm>>) dst(%dma_wait3A : memref<640xf32, #tpu.memory_space<vmem_shared>>)
      tpu.yield
    }) : () -> ()
    %barrier3A = arith.constant 0 : index
    tpu.barrier barrier_id(%barrier3A)
    %scan3A = arith.constant 0 : i32
    %scan3A_53 = arith.constant 0 : i32
    %scan3A_54 = arith.constant 125 : i32
    %scan3A_55 = arith.addi %scan3A_53, %scan3A_54 : i32
    %scan3A_56 = arith.constant 1 : i32
    scf.for %scan3A_69 = %scan3A_53 to %scan3A_55 step %scan3A_56  : i32 {
      %dma_start3A = arith.constant 0 : i32
      %dma_start3A_70 = tpu.memref_slice %arg5[%scan3A_69, %dma_start3A] : memref<125x80xi32, #tpu.memory_space<vmem>> -> memref<1x80xi32, #tpu.memory_space<vmem>>
      %dma_start3A_71 = tpu.memref_squeeze %dma_start3A_70 : memref<1x80xi32, #tpu.memory_space<vmem>> -> memref<80xi32, #tpu.memory_space<vmem>>
      %dma_start3A_72 = arith.constant 0 : i32
      %dma_start3A_73 = tpu.memref_slice %arg8[%dma_start3A_72] : memref<10240xf32, #tpu.memory_space<vmem_shared>> -> memref<10240xf32, #tpu.memory_space<vmem_shared>>
      tpu.enqueue_indirect_dma source(%arg6 : memref<80xf32, #tpu.memory_space<vmem>>) target(%dma_start3A_73 : memref<10240xf32, #tpu.memory_space<vmem_shared>>) offsets(%dma_start3A_71 : memref<80xi32, #tpu.memory_space<vmem>>) semaphore(%arg7 : memref<!tpu.dma_semaphore, #tpu.memory_space<semaphore_mem>>) {add = true}
    }
    %scan3A_57 = arith.constant 125 : i32
    %scan3A_58 = arith.constant 0 : i32
    %scan3A_59 = arith.constant 0 : i32
    %scan3A_60 = arith.constant 125 : i32
    %scan3A_61 = arith.addi %scan3A_59, %scan3A_60 : i32
    %scan3A_62 = arith.constant 1 : i32
    scf.for %scan3A_69 = %scan3A_59 to %scan3A_61 step %scan3A_62  : i32 {
      %dma_wait3A = arith.constant 0 : i32
      %dma_wait3A_70 = arith.constant 0 : i32
      %dma_wait3A_71 = tpu.memref_slice %arg5[%dma_wait3A, %dma_wait3A_70] : memref<125x80xi32, #tpu.memory_space<vmem>> -> memref<1x80xi32, #tpu.memory_space<vmem>>
      %dma_wait3A_72 = tpu.memref_squeeze %dma_wait3A_71 : memref<1x80xi32, #tpu.memory_space<vmem>> -> memref<80xi32, #tpu.memory_space<vmem>>
      %dma_wait3A_73 = arith.constant 0 : i32
      %dma_wait3A_74 = tpu.memref_slice %arg8[%dma_wait3A_73] : memref<10240xf32, #tpu.memory_space<vmem_shared>> -> memref<10240xf32, #tpu.memory_space<vmem_shared>>
      tpu.wait_indirect_dma semaphore(%arg7 : memref<!tpu.dma_semaphore, #tpu.memory_space<semaphore_mem>>) src(%arg6 : memref<80xf32, #tpu.memory_space<vmem>>) dst(%dma_wait3A_74 : memref<10240xf32, #tpu.memory_space<vmem_shared>>)
    }
    %scan3A_63 = arith.constant 125 : i32
    %barrier3A_64 = arith.constant 0 : index
    tpu.barrier barrier_id(%barrier3A_64)
    %mul3A_65 = arith.constant 640 : i32
    %mul3A_66 = arith.muli %arg1, %mul3A_65 : i32
    %mul3A_67 = arith.constant 640 : i32
    %mul3A_68 = arith.muli %arg1, %mul3A_67 : i32
    "tpu.region"() ({
      %run_scoped3A = tpu.sem_alloc : memref<!tpu.dma_semaphore, #tpu.memory_space<semaphore_mem>>
      %dma_start3A = tpu.memref_slice %arg4[%arg0, %mul3A_68] : memref<2x10240xf32, #tpu.memory_space<hbm>> -> memref<1x640xf32, #tpu.memory_space<hbm>>
      %dma_start3A_69 = tpu.memref_squeeze %dma_start3A : memref<1x640xf32, #tpu.memory_space<hbm>> -> memref<640xf32, #tpu.memory_space<hbm>>
      %dma_start3A_70 = tpu.memref_slice %arg8[%mul3A_66] : memref<10240xf32, #tpu.memory_space<vmem_shared>> -> memref<640xf32, #tpu.memory_space<vmem_shared>>
      tpu.enqueue_dma source(%dma_start3A_70 : memref<640xf32, #tpu.memory_space<vmem_shared>>) target(%dma_start3A_69 : memref<640xf32, #tpu.memory_space<hbm>>) target_semaphore(%run_scoped3A : memref<!tpu.dma_semaphore, #tpu.memory_space<semaphore_mem>>)
      %dma_wait3A = tpu.memref_slice %arg4[%arg0, %mul3A_68] : memref<2x10240xf32, #tpu.memory_space<hbm>> -> memref<1x640xf32, #tpu.memory_space<hbm>>
      %dma_wait3A_71 = tpu.memref_squeeze %dma_wait3A : memref<1x640xf32, #tpu.memory_space<hbm>> -> memref<640xf32, #tpu.memory_space<hbm>>
      %dma_wait3A_72 = tpu.memref_slice %arg8[%mul3A_66] : memref<10240xf32, #tpu.memory_space<vmem_shared>> -> memref<640xf32, #tpu.memory_space<vmem_shared>>
      tpu.wait_dma2 semaphore(%run_scoped3A : memref<!tpu.dma_semaphore, #tpu.memory_space<semaphore_mem>>) src(%dma_wait3A_72 : memref<640xf32, #tpu.memory_space<vmem_shared>>) dst(%dma_wait3A_71 : memref<640xf32, #tpu.memory_space<hbm>>)
      tpu.yield
    }) : () -> ()
    return
  }
}

#map = affine_map<(d0, d1) -> (0, 0)>
#map1 = affine_map<(d0, d1) -> (0, 0, 0)>
module attributes {stable_mosaic.version = 14 : i64} {
  func.func @_prop_kernel(%arg0: i32, %arg1: i32, %arg2: memref<10000x128xf32, #tpu.memory_space<hbm>>, %arg3: memref<160x25x80xi32, #tpu.memory_space<hbm>>, %arg4: memref<160x25x80xi32, #tpu.memory_space<hbm>>, %arg5: memref<10240x128xf32, #tpu.memory_space<hbm>>, %arg6: memref<2x10240x128xf32, #tpu.memory_space<hbm>>, %arg7: memref<2x25x80xi32, #tpu.memory_space<vmem>>, %arg8: memref<2x25x80xi32, #tpu.memory_space<vmem>>, %arg9: memref<2x80x128xf32, #tpu.memory_space<vmem>>, %arg10: memref<!tpu.dma_semaphore, #tpu.memory_space<semaphore_mem>>, %arg11: memref<!tpu.dma_semaphore, #tpu.memory_space<semaphore_mem>>, %arg12: memref<!tpu.dma_semaphore, #tpu.memory_space<semaphore_mem>>, %arg13: memref<!tpu.dma_semaphore, #tpu.memory_space<semaphore_mem>>, %arg14: memref<10240x128xf32, #tpu.memory_space<vmem_shared>>) attributes {dimension_semantics = [#tpu.dimension_semantics<core_parallel>, #tpu.dimension_semantics<subcore_parallel>], iteration_bounds = array<i64: 2, 16>, scalar_prefetch = 0 : i64, scratch_operands = 8 : i64, tpu.core_type = #tpu.core_type<sc_vector_subcore>, window_params = [{transform_indices = #map}, {transform_indices = #map1}, {transform_indices = #map1}, {transform_indices = #map}, {transform_indices = #map1}]} {
    %mul3A = arith.constant 2 : i32
    %mul3A_0 = arith.muli %arg1, %mul3A : i32
    %add3A = arith.addi %mul3A_0, %arg0 : i32
    %mul3A_1 = arith.constant 640 : i32
    %mul3A_2 = arith.muli %arg1, %mul3A_1 : i32
    %mul3A_3 = arith.constant 640 : i32
    %mul3A_4 = arith.muli %arg1, %mul3A_3 : i32
    %dma_start3A = arith.constant 0 : i32
    %dma_start3A_5 = tpu.memref_slice %arg14[%mul3A_4, %dma_start3A] : memref<10240x128xf32, #tpu.memory_space<vmem_shared>> -> memref<640x128xf32, #tpu.memory_space<vmem_shared>>
    %dma_start3A_6 = arith.constant 0 : i32
    %dma_start3A_7 = tpu.memref_slice %arg5[%mul3A_2, %dma_start3A_6] : memref<10240x128xf32, #tpu.memory_space<hbm>> -> memref<640x128xf32, #tpu.memory_space<hbm>>
    tpu.enqueue_dma source(%dma_start3A_7 : memref<640x128xf32, #tpu.memory_space<hbm>>) target(%dma_start3A_5 : memref<640x128xf32, #tpu.memory_space<vmem_shared>>) target_semaphore(%arg12 : memref<!tpu.dma_semaphore, #tpu.memory_space<semaphore_mem>>)
    %mul3A_8 = arith.constant 5 : i32
    %mul3A_9 = arith.muli %add3A, %mul3A_8 : i32
    %add3A_10 = arith.constant 0 : i32
    %add3A_11 = arith.addi %mul3A_9, %add3A_10 : i32
    %dma_start3A_12 = arith.constant 0 : i32
    %dma_start3A_13 = arith.constant 0 : i32
    %dma_start3A_14 = arith.constant 0 : i32
    %dma_start3A_15 = tpu.memref_slice %arg7[%dma_start3A_12, %dma_start3A_13, %dma_start3A_14] : memref<2x25x80xi32, #tpu.memory_space<vmem>> -> memref<1x25x80xi32, #tpu.memory_space<vmem>>
    %dma_start3A_16 = tpu.memref_squeeze %dma_start3A_15 : memref<1x25x80xi32, #tpu.memory_space<vmem>> -> memref<25x80xi32, #tpu.memory_space<vmem>>
    %dma_start3A_17 = arith.constant 0 : i32
    %dma_start3A_18 = arith.constant 0 : i32
    %dma_start3A_19 = tpu.memref_slice %arg3[%add3A_11, %dma_start3A_17, %dma_start3A_18] : memref<160x25x80xi32, #tpu.memory_space<hbm>> -> memref<1x25x80xi32, #tpu.memory_space<hbm>>
    %dma_start3A_20 = tpu.memref_squeeze %dma_start3A_19 : memref<1x25x80xi32, #tpu.memory_space<hbm>> -> memref<25x80xi32, #tpu.memory_space<hbm>>
    %dma_start3A_21 = arith.constant 0 : i32
    %dma_start3A_22 = arith.constant 0 : i32
    %dma_start3A_23 = tpu.memref_slice %arg7[%dma_start3A_12, %dma_start3A_21, %dma_start3A_22] : memref<2x25x80xi32, #tpu.memory_space<vmem>> -> memref<1x25x80xi32, #tpu.memory_space<vmem>>
    %dma_start3A_24 = tpu.memref_squeeze %dma_start3A_23 : memref<1x25x80xi32, #tpu.memory_space<vmem>> -> memref<25x80xi32, #tpu.memory_space<vmem>>
    %dma_start3A_25 = arith.constant 0 : i32
    %dma_start3A_26 = arith.constant 0 : i32
    %dma_start3A_27 = tpu.memref_slice %arg3[%add3A_11, %dma_start3A_25, %dma_start3A_26] : memref<160x25x80xi32, #tpu.memory_space<hbm>> -> memref<1x25x80xi32, #tpu.memory_space<hbm>>
    %dma_start3A_28 = tpu.memref_squeeze %dma_start3A_27 : memref<1x25x80xi32, #tpu.memory_space<hbm>> -> memref<25x80xi32, #tpu.memory_space<hbm>>
    tpu.enqueue_dma source(%dma_start3A_28 : memref<25x80xi32, #tpu.memory_space<hbm>>) target(%dma_start3A_24 : memref<25x80xi32, #tpu.memory_space<vmem>>) target_semaphore(%arg13 : memref<!tpu.dma_semaphore, #tpu.memory_space<semaphore_mem>>)
    %mul3A_29 = arith.constant 5 : i32
    %mul3A_30 = arith.muli %add3A, %mul3A_29 : i32
    %add3A_31 = arith.constant 0 : i32
    %add3A_32 = arith.addi %mul3A_30, %add3A_31 : i32
    %dma_start3A_33 = arith.constant 0 : i32
    %dma_start3A_34 = arith.constant 0 : i32
    %dma_start3A_35 = arith.constant 0 : i32
    %dma_start3A_36 = tpu.memref_slice %arg8[%dma_start3A_33, %dma_start3A_34, %dma_start3A_35] : memref<2x25x80xi32, #tpu.memory_space<vmem>> -> memref<1x25x80xi32, #tpu.memory_space<vmem>>
    %dma_start3A_37 = tpu.memref_squeeze %dma_start3A_36 : memref<1x25x80xi32, #tpu.memory_space<vmem>> -> memref<25x80xi32, #tpu.memory_space<vmem>>
    %dma_start3A_38 = arith.constant 0 : i32
    %dma_start3A_39 = arith.constant 0 : i32
    %dma_start3A_40 = tpu.memref_slice %arg4[%add3A_32, %dma_start3A_38, %dma_start3A_39] : memref<160x25x80xi32, #tpu.memory_space<hbm>> -> memref<1x25x80xi32, #tpu.memory_space<hbm>>
    %dma_start3A_41 = tpu.memref_squeeze %dma_start3A_40 : memref<1x25x80xi32, #tpu.memory_space<hbm>> -> memref<25x80xi32, #tpu.memory_space<hbm>>
    %dma_start3A_42 = arith.constant 0 : i32
    %dma_start3A_43 = arith.constant 0 : i32
    %dma_start3A_44 = tpu.memref_slice %arg8[%dma_start3A_33, %dma_start3A_42, %dma_start3A_43] : memref<2x25x80xi32, #tpu.memory_space<vmem>> -> memref<1x25x80xi32, #tpu.memory_space<vmem>>
    %dma_start3A_45 = tpu.memref_squeeze %dma_start3A_44 : memref<1x25x80xi32, #tpu.memory_space<vmem>> -> memref<25x80xi32, #tpu.memory_space<vmem>>
    %dma_start3A_46 = arith.constant 0 : i32
    %dma_start3A_47 = arith.constant 0 : i32
    %dma_start3A_48 = tpu.memref_slice %arg4[%add3A_32, %dma_start3A_46, %dma_start3A_47] : memref<160x25x80xi32, #tpu.memory_space<hbm>> -> memref<1x25x80xi32, #tpu.memory_space<hbm>>
    %dma_start3A_49 = tpu.memref_squeeze %dma_start3A_48 : memref<1x25x80xi32, #tpu.memory_space<hbm>> -> memref<25x80xi32, #tpu.memory_space<hbm>>
    tpu.enqueue_dma source(%dma_start3A_49 : memref<25x80xi32, #tpu.memory_space<hbm>>) target(%dma_start3A_45 : memref<25x80xi32, #tpu.memory_space<vmem>>) target_semaphore(%arg13 : memref<!tpu.dma_semaphore, #tpu.memory_space<semaphore_mem>>)
    %mul3A_50 = arith.constant 5 : i32
    %mul3A_51 = arith.muli %add3A, %mul3A_50 : i32
    %add3A_52 = arith.constant 0 : i32
    %add3A_53 = arith.addi %mul3A_51, %add3A_52 : i32
    %dma_wait3A = arith.constant 0 : i32
    %dma_wait3A_54 = arith.constant 0 : i32
    %dma_wait3A_55 = arith.constant 0 : i32
    %dma_wait3A_56 = tpu.memref_slice %arg7[%dma_wait3A, %dma_wait3A_54, %dma_wait3A_55] : memref<2x25x80xi32, #tpu.memory_space<vmem>> -> memref<1x25x80xi32, #tpu.memory_space<vmem>>
    %dma_wait3A_57 = tpu.memref_squeeze %dma_wait3A_56 : memref<1x25x80xi32, #tpu.memory_space<vmem>> -> memref<25x80xi32, #tpu.memory_space<vmem>>
    %dma_wait3A_58 = arith.constant 0 : i32
    %dma_wait3A_59 = arith.constant 0 : i32
    %dma_wait3A_60 = tpu.memref_slice %arg3[%add3A_53, %dma_wait3A_58, %dma_wait3A_59] : memref<160x25x80xi32, #tpu.memory_space<hbm>> -> memref<1x25x80xi32, #tpu.memory_space<hbm>>
    %dma_wait3A_61 = tpu.memref_squeeze %dma_wait3A_60 : memref<1x25x80xi32, #tpu.memory_space<hbm>> -> memref<25x80xi32, #tpu.memory_space<hbm>>
    %dma_wait3A_62 = arith.constant 0 : i32
    %dma_wait3A_63 = arith.constant 0 : i32
    %dma_wait3A_64 = tpu.memref_slice %arg7[%dma_wait3A, %dma_wait3A_62, %dma_wait3A_63] : memref<2x25x80xi32, #tpu.memory_space<vmem>> -> memref<1x25x80xi32, #tpu.memory_space<vmem>>
    %dma_wait3A_65 = tpu.memref_squeeze %dma_wait3A_64 : memref<1x25x80xi32, #tpu.memory_space<vmem>> -> memref<25x80xi32, #tpu.memory_space<vmem>>
    %dma_wait3A_66 = arith.constant 0 : i32
    %dma_wait3A_67 = arith.constant 0 : i32
    %dma_wait3A_68 = tpu.memref_slice %arg3[%add3A_53, %dma_wait3A_66, %dma_wait3A_67] : memref<160x25x80xi32, #tpu.memory_space<hbm>> -> memref<1x25x80xi32, #tpu.memory_space<hbm>>
    %dma_wait3A_69 = tpu.memref_squeeze %dma_wait3A_68 : memref<1x25x80xi32, #tpu.memory_space<hbm>> -> memref<25x80xi32, #tpu.memory_space<hbm>>
    tpu.wait_dma2 semaphore(%arg13 : memref<!tpu.dma_semaphore, #tpu.memory_space<semaphore_mem>>) src(%dma_wait3A_69 : memref<25x80xi32, #tpu.memory_space<hbm>>) dst(%dma_wait3A_65 : memref<25x80xi32, #tpu.memory_space<vmem>>)
    %mul3A_70 = arith.constant 5 : i32
    %mul3A_71 = arith.muli %add3A, %mul3A_70 : i32
    %add3A_72 = arith.constant 0 : i32
    %add3A_73 = arith.addi %mul3A_71, %add3A_72 : i32
    %dma_wait3A_74 = arith.constant 0 : i32
    %dma_wait3A_75 = arith.constant 0 : i32
    %dma_wait3A_76 = arith.constant 0 : i32
    %dma_wait3A_77 = tpu.memref_slice %arg8[%dma_wait3A_74, %dma_wait3A_75, %dma_wait3A_76] : memref<2x25x80xi32, #tpu.memory_space<vmem>> -> memref<1x25x80xi32, #tpu.memory_space<vmem>>
    %dma_wait3A_78 = tpu.memref_squeeze %dma_wait3A_77 : memref<1x25x80xi32, #tpu.memory_space<vmem>> -> memref<25x80xi32, #tpu.memory_space<vmem>>
    %dma_wait3A_79 = arith.constant 0 : i32
    %dma_wait3A_80 = arith.constant 0 : i32
    %dma_wait3A_81 = tpu.memref_slice %arg4[%add3A_73, %dma_wait3A_79, %dma_wait3A_80] : memref<160x25x80xi32, #tpu.memory_space<hbm>> -> memref<1x25x80xi32, #tpu.memory_space<hbm>>
    %dma_wait3A_82 = tpu.memref_squeeze %dma_wait3A_81 : memref<1x25x80xi32, #tpu.memory_space<hbm>> -> memref<25x80xi32, #tpu.memory_space<hbm>>
    %dma_wait3A_83 = arith.constant 0 : i32
    %dma_wait3A_84 = arith.constant 0 : i32
    %dma_wait3A_85 = tpu.memref_slice %arg8[%dma_wait3A_74, %dma_wait3A_83, %dma_wait3A_84] : memref<2x25x80xi32, #tpu.memory_space<vmem>> -> memref<1x25x80xi32, #tpu.memory_space<vmem>>
    %dma_wait3A_86 = tpu.memref_squeeze %dma_wait3A_85 : memref<1x25x80xi32, #tpu.memory_space<vmem>> -> memref<25x80xi32, #tpu.memory_space<vmem>>
    %dma_wait3A_87 = arith.constant 0 : i32
    %dma_wait3A_88 = arith.constant 0 : i32
    %dma_wait3A_89 = tpu.memref_slice %arg4[%add3A_73, %dma_wait3A_87, %dma_wait3A_88] : memref<160x25x80xi32, #tpu.memory_space<hbm>> -> memref<1x25x80xi32, #tpu.memory_space<hbm>>
    %dma_wait3A_90 = tpu.memref_squeeze %dma_wait3A_89 : memref<1x25x80xi32, #tpu.memory_space<hbm>> -> memref<25x80xi32, #tpu.memory_space<hbm>>
    tpu.wait_dma2 semaphore(%arg13 : memref<!tpu.dma_semaphore, #tpu.memory_space<semaphore_mem>>) src(%dma_wait3A_90 : memref<25x80xi32, #tpu.memory_space<hbm>>) dst(%dma_wait3A_86 : memref<25x80xi32, #tpu.memory_space<vmem>>)
    %dma_start3A_91 = arith.constant 0 : i32
    %dma_start3A_92 = arith.constant 0 : i32
    %dma_start3A_93 = arith.constant 0 : i32
    %dma_start3A_94 = arith.constant 0 : i32
    %dma_start3A_95 = arith.constant 0 : i32
    %dma_start3A_96 = tpu.memref_slice %arg9[%dma_start3A_93, %dma_start3A_94, %dma_start3A_95] : memref<2x80x128xf32, #tpu.memory_space<vmem>> -> memref<1x80x128xf32, #tpu.memory_space<vmem>>
    %dma_start3A_97 = tpu.memref_squeeze %dma_start3A_96 : memref<1x80x128xf32, #tpu.memory_space<vmem>> -> memref<80x128xf32, #tpu.memory_space<vmem>>
    %dma_start3A_98 = arith.constant 0 : i32
    %dma_start3A_99 = tpu.memref_slice %arg7[%dma_start3A_91, %dma_start3A_92, %dma_start3A_98] : memref<2x25x80xi32, #tpu.memory_space<vmem>> -> memref<1x1x80xi32, #tpu.memory_space<vmem>>
    %dma_start3A_100 = tpu.memref_squeeze %dma_start3A_99 : memref<1x1x80xi32, #tpu.memory_space<vmem>> -> memref<80xi32, #tpu.memory_space<vmem>>
    %dma_start3A_101 = arith.constant 0 : i32
    %dma_start3A_102 = arith.constant 0 : i32
    %dma_start3A_103 = tpu.memref_slice %arg2[%dma_start3A_101, %dma_start3A_102] : memref<10000x128xf32, #tpu.memory_space<hbm>> -> memref<10000x128xf32, #tpu.memory_space<hbm>>
    tpu.enqueue_indirect_dma source(%dma_start3A_103 : memref<10000x128xf32, #tpu.memory_space<hbm>>) target(%dma_start3A_97 : memref<80x128xf32, #tpu.memory_space<vmem>>) offsets(%dma_start3A_100 : memref<80xi32, #tpu.memory_space<vmem>>) semaphore(%arg10 : memref<!tpu.dma_semaphore, #tpu.memory_space<semaphore_mem>>)
    %mul3A_104 = arith.constant 640 : i32
    %mul3A_105 = arith.muli %arg1, %mul3A_104 : i32
    %mul3A_106 = arith.constant 640 : i32
    %mul3A_107 = arith.muli %arg1, %mul3A_106 : i32
    %dma_wait3A_108 = arith.constant 0 : i32
    %dma_wait3A_109 = tpu.memref_slice %arg14[%mul3A_107, %dma_wait3A_108] : memref<10240x128xf32, #tpu.memory_space<vmem_shared>> -> memref<640x128xf32, #tpu.memory_space<vmem_shared>>
    %dma_wait3A_110 = arith.constant 0 : i32
    %dma_wait3A_111 = tpu.memref_slice %arg5[%mul3A_105, %dma_wait3A_110] : memref<10240x128xf32, #tpu.memory_space<hbm>> -> memref<640x128xf32, #tpu.memory_space<hbm>>
    tpu.wait_dma2 semaphore(%arg12 : memref<!tpu.dma_semaphore, #tpu.memory_space<semaphore_mem>>) src(%dma_wait3A_111 : memref<640x128xf32, #tpu.memory_space<hbm>>) dst(%dma_wait3A_109 : memref<640x128xf32, #tpu.memory_space<vmem_shared>>)
    %barrier3A = arith.constant 0 : index
    tpu.barrier barrier_id(%barrier3A)
    %mul3A_112 = arith.constant 5 : i32
    %mul3A_113 = arith.muli %add3A, %mul3A_112 : i32
    %add3A_114 = arith.constant 1 : i32
    %add3A_115 = arith.addi %mul3A_113, %add3A_114 : i32
    %dma_start3A_116 = arith.constant 1 : i32
    %dma_start3A_117 = arith.constant 0 : i32
    %dma_start3A_118 = arith.constant 0 : i32
    %dma_start3A_119 = tpu.memref_slice %arg7[%dma_start3A_116, %dma_start3A_117, %dma_start3A_118] : memref<2x25x80xi32, #tpu.memory_space<vmem>> -> memref<1x25x80xi32, #tpu.memory_space<vmem>>
    %dma_start3A_120 = tpu.memref_squeeze %dma_start3A_119 : memref<1x25x80xi32, #tpu.memory_space<vmem>> -> memref<25x80xi32, #tpu.memory_space<vmem>>
    %dma_start3A_121 = arith.constant 0 : i32
    %dma_start3A_122 = arith.constant 0 : i32
    %dma_start3A_123 = tpu.memref_slice %arg3[%add3A_115, %dma_start3A_121, %dma_start3A_122] : memref<160x25x80xi32, #tpu.memory_space<hbm>> -> memref<1x25x80xi32, #tpu.memory_space<hbm>>
    %dma_start3A_124 = tpu.memref_squeeze %dma_start3A_123 : memref<1x25x80xi32, #tpu.memory_space<hbm>> -> memref<25x80xi32, #tpu.memory_space<hbm>>
    %dma_start3A_125 = arith.constant 0 : i32
    %dma_start3A_126 = arith.constant 0 : i32
    %dma_start3A_127 = tpu.memref_slice %arg7[%dma_start3A_116, %dma_start3A_125, %dma_start3A_126] : memref<2x25x80xi32, #tpu.memory_space<vmem>> -> memref<1x25x80xi32, #tpu.memory_space<vmem>>
    %dma_start3A_128 = tpu.memref_squeeze %dma_start3A_127 : memref<1x25x80xi32, #tpu.memory_space<vmem>> -> memref<25x80xi32, #tpu.memory_space<vmem>>
    %dma_start3A_129 = arith.constant 0 : i32
    %dma_start3A_130 = arith.constant 0 : i32
    %dma_start3A_131 = tpu.memref_slice %arg3[%add3A_115, %dma_start3A_129, %dma_start3A_130] : memref<160x25x80xi32, #tpu.memory_space<hbm>> -> memref<1x25x80xi32, #tpu.memory_space<hbm>>
    %dma_start3A_132 = tpu.memref_squeeze %dma_start3A_131 : memref<1x25x80xi32, #tpu.memory_space<hbm>> -> memref<25x80xi32, #tpu.memory_space<hbm>>
    tpu.enqueue_dma source(%dma_start3A_132 : memref<25x80xi32, #tpu.memory_space<hbm>>) target(%dma_start3A_128 : memref<25x80xi32, #tpu.memory_space<vmem>>) target_semaphore(%arg13 : memref<!tpu.dma_semaphore, #tpu.memory_space<semaphore_mem>>)
    %mul3A_133 = arith.constant 5 : i32
    %mul3A_134 = arith.muli %add3A, %mul3A_133 : i32
    %add3A_135 = arith.constant 1 : i32
    %add3A_136 = arith.addi %mul3A_134, %add3A_135 : i32
    %dma_start3A_137 = arith.constant 1 : i32
    %dma_start3A_138 = arith.constant 0 : i32
    %dma_start3A_139 = arith.constant 0 : i32
    %dma_start3A_140 = tpu.memref_slice %arg8[%dma_start3A_137, %dma_start3A_138, %dma_start3A_139] : memref<2x25x80xi32, #tpu.memory_space<vmem>> -> memref<1x25x80xi32, #tpu.memory_space<vmem>>
    %dma_start3A_141 = tpu.memref_squeeze %dma_start3A_140 : memref<1x25x80xi32, #tpu.memory_space<vmem>> -> memref<25x80xi32, #tpu.memory_space<vmem>>
    %dma_start3A_142 = arith.constant 0 : i32
    %dma_start3A_143 = arith.constant 0 : i32
    %dma_start3A_144 = tpu.memref_slice %arg4[%add3A_136, %dma_start3A_142, %dma_start3A_143] : memref<160x25x80xi32, #tpu.memory_space<hbm>> -> memref<1x25x80xi32, #tpu.memory_space<hbm>>
    %dma_start3A_145 = tpu.memref_squeeze %dma_start3A_144 : memref<1x25x80xi32, #tpu.memory_space<hbm>> -> memref<25x80xi32, #tpu.memory_space<hbm>>
    %dma_start3A_146 = arith.constant 0 : i32
    %dma_start3A_147 = arith.constant 0 : i32
    %dma_start3A_148 = tpu.memref_slice %arg8[%dma_start3A_137, %dma_start3A_146, %dma_start3A_147] : memref<2x25x80xi32, #tpu.memory_space<vmem>> -> memref<1x25x80xi32, #tpu.memory_space<vmem>>
    %dma_start3A_149 = tpu.memref_squeeze %dma_start3A_148 : memref<1x25x80xi32, #tpu.memory_space<vmem>> -> memref<25x80xi32, #tpu.memory_space<vmem>>
    %dma_start3A_150 = arith.constant 0 : i32
    %dma_start3A_151 = arith.constant 0 : i32
    %dma_start3A_152 = tpu.memref_slice %arg4[%add3A_136, %dma_start3A_150, %dma_start3A_151] : memref<160x25x80xi32, #tpu.memory_space<hbm>> -> memref<1x25x80xi32, #tpu.memory_space<hbm>>
    %dma_start3A_153 = tpu.memref_squeeze %dma_start3A_152 : memref<1x25x80xi32, #tpu.memory_space<hbm>> -> memref<25x80xi32, #tpu.memory_space<hbm>>
    tpu.enqueue_dma source(%dma_start3A_153 : memref<25x80xi32, #tpu.memory_space<hbm>>) target(%dma_start3A_149 : memref<25x80xi32, #tpu.memory_space<vmem>>) target_semaphore(%arg13 : memref<!tpu.dma_semaphore, #tpu.memory_space<semaphore_mem>>)
    %scan3A = arith.constant 0 : i32
    %scan3A_154 = arith.constant 0 : i32
    %scan3A_155 = arith.constant 12 : i32
    %scan3A_156 = arith.addi %scan3A_154, %scan3A_155 : i32
    %scan3A_157 = arith.constant 1 : i32
    scf.for %scan3A_613 = %scan3A_154 to %scan3A_156 step %scan3A_157  : i32 {
      %mul3A_614 = arith.constant 2 : i32
      %mul3A_615 = arith.muli %mul3A_614, %scan3A_613 : i32
      %add3A_616 = arith.constant 1 : i32
      %add3A_617 = arith.addi %mul3A_615, %add3A_616 : i32
      %dma_start3A_618 = arith.constant 0 : i32
      %dma_start3A_619 = arith.constant 1 : i32
      %dma_start3A_620 = arith.constant 0 : i32
      %dma_start3A_621 = arith.constant 0 : i32
      %dma_start3A_622 = tpu.memref_slice %arg9[%dma_start3A_619, %dma_start3A_620, %dma_start3A_621] : memref<2x80x128xf32, #tpu.memory_space<vmem>> -> memref<1x80x128xf32, #tpu.memory_space<vmem>>
      %dma_start3A_623 = tpu.memref_squeeze %dma_start3A_622 : memref<1x80x128xf32, #tpu.memory_space<vmem>> -> memref<80x128xf32, #tpu.memory_space<vmem>>
      %dma_start3A_624 = arith.constant 0 : i32
      %dma_start3A_625 = tpu.memref_slice %arg7[%dma_start3A_618, %add3A_617, %dma_start3A_624] : memref<2x25x80xi32, #tpu.memory_space<vmem>> -> memref<1x1x80xi32, #tpu.memory_space<vmem>>
      %dma_start3A_626 = tpu.memref_squeeze %dma_start3A_625 : memref<1x1x80xi32, #tpu.memory_space<vmem>> -> memref<80xi32, #tpu.memory_space<vmem>>
      %dma_start3A_627 = arith.constant 0 : i32
      %dma_start3A_628 = arith.constant 0 : i32
      %dma_start3A_629 = tpu.memref_slice %arg2[%dma_start3A_627, %dma_start3A_628] : memref<10000x128xf32, #tpu.memory_space<hbm>> -> memref<10000x128xf32, #tpu.memory_space<hbm>>
      tpu.enqueue_indirect_dma source(%dma_start3A_629 : memref<10000x128xf32, #tpu.memory_space<hbm>>) target(%dma_start3A_623 : memref<80x128xf32, #tpu.memory_space<vmem>>) offsets(%dma_start3A_626 : memref<80xi32, #tpu.memory_space<vmem>>) semaphore(%arg11 : memref<!tpu.dma_semaphore, #tpu.memory_space<semaphore_mem>>)
      %dma_wait3A_630 = arith.constant 0 : i32
      %dma_wait3A_631 = arith.constant 0 : i32
      %dma_wait3A_632 = arith.constant 0 : i32
      %dma_wait3A_633 = arith.constant 0 : i32
      %dma_wait3A_634 = tpu.memref_slice %arg9[%dma_wait3A_631, %dma_wait3A_632, %dma_wait3A_633] : memref<2x80x128xf32, #tpu.memory_space<vmem>> -> memref<1x80x128xf32, #tpu.memory_space<vmem>>
      %dma_wait3A_635 = tpu.memref_squeeze %dma_wait3A_634 : memref<1x80x128xf32, #tpu.memory_space<vmem>> -> memref<80x128xf32, #tpu.memory_space<vmem>>
      %dma_wait3A_636 = arith.constant 0 : i32
      %dma_wait3A_637 = tpu.memref_slice %arg7[%dma_wait3A_630, %mul3A_615, %dma_wait3A_636] : memref<2x25x80xi32, #tpu.memory_space<vmem>> -> memref<1x1x80xi32, #tpu.memory_space<vmem>>
      %dma_wait3A_638 = tpu.memref_squeeze %dma_wait3A_637 : memref<1x1x80xi32, #tpu.memory_space<vmem>> -> memref<80xi32, #tpu.memory_space<vmem>>
      %dma_wait3A_639 = arith.constant 0 : i32
      %dma_wait3A_640 = arith.constant 0 : i32
      %dma_wait3A_641 = tpu.memref_slice %arg2[%dma_wait3A_639, %dma_wait3A_640] : memref<10000x128xf32, #tpu.memory_space<hbm>> -> memref<10000x128xf32, #tpu.memory_space<hbm>>
      tpu.wait_indirect_dma semaphore(%arg10 : memref<!tpu.dma_semaphore, #tpu.memory_space<semaphore_mem>>) src(%dma_wait3A_641 : memref<10000x128xf32, #tpu.memory_space<hbm>>) dst(%dma_wait3A_635 : memref<80x128xf32, #tpu.memory_space<vmem>>)
      %run_scoped3A_642 = arith.constant 0 : i32
      %run_scoped3A_643 = arith.constant 0 : i32
      "tpu.region"() ({
        %run_scoped3A_676 = tpu.sem_alloc : memref<!tpu.dma_semaphore, #tpu.memory_space<semaphore_mem>>
        %dma_start3A_677 = arith.constant 0 : i32
        %dma_start3A_678 = arith.constant 0 : i32
        %dma_start3A_679 = tpu.memref_slice %arg9[%run_scoped3A_642, %dma_start3A_677, %dma_start3A_678] : memref<2x80x128xf32, #tpu.memory_space<vmem>> -> memref<1x80x128xf32, #tpu.memory_space<vmem>>
        %dma_start3A_680 = tpu.memref_squeeze %dma_start3A_679 : memref<1x80x128xf32, #tpu.memory_space<vmem>> -> memref<80x128xf32, #tpu.memory_space<vmem>>
        %dma_start3A_681 = arith.constant 0 : i32
        %dma_start3A_682 = tpu.memref_slice %arg8[%run_scoped3A_643, %mul3A_615, %dma_start3A_681] : memref<2x25x80xi32, #tpu.memory_space<vmem>> -> memref<1x1x80xi32, #tpu.memory_space<vmem>>
        %dma_start3A_683 = tpu.memref_squeeze %dma_start3A_682 : memref<1x1x80xi32, #tpu.memory_space<vmem>> -> memref<80xi32, #tpu.memory_space<vmem>>
        %dma_start3A_684 = arith.constant 0 : i32
        %dma_start3A_685 = arith.constant 0 : i32
        %dma_start3A_686 = tpu.memref_slice %arg14[%dma_start3A_684, %dma_start3A_685] : memref<10240x128xf32, #tpu.memory_space<vmem_shared>> -> memref<10240x128xf32, #tpu.memory_space<vmem_shared>>
        tpu.enqueue_indirect_dma source(%dma_start3A_680 : memref<80x128xf32, #tpu.memory_space<vmem>>) target(%dma_start3A_686 : memref<10240x128xf32, #tpu.memory_space<vmem_shared>>) offsets(%dma_start3A_683 : memref<80xi32, #tpu.memory_space<vmem>>) semaphore(%run_scoped3A_676 : memref<!tpu.dma_semaphore, #tpu.memory_space<semaphore_mem>>) {add = true}
        %dma_wait3A_687 = arith.constant 0 : i32
        %dma_wait3A_688 = arith.constant 0 : i32
        %dma_wait3A_689 = tpu.memref_slice %arg9[%run_scoped3A_642, %dma_wait3A_687, %dma_wait3A_688] : memref<2x80x128xf32, #tpu.memory_space<vmem>> -> memref<1x80x128xf32, #tpu.memory_space<vmem>>
        %dma_wait3A_690 = tpu.memref_squeeze %dma_wait3A_689 : memref<1x80x128xf32, #tpu.memory_space<vmem>> -> memref<80x128xf32, #tpu.memory_space<vmem>>
        %dma_wait3A_691 = arith.constant 0 : i32
        %dma_wait3A_692 = tpu.memref_slice %arg8[%run_scoped3A_643, %mul3A_615, %dma_wait3A_691] : memref<2x25x80xi32, #tpu.memory_space<vmem>> -> memref<1x1x80xi32, #tpu.memory_space<vmem>>
        %dma_wait3A_693 = tpu.memref_squeeze %dma_wait3A_692 : memref<1x1x80xi32, #tpu.memory_space<vmem>> -> memref<80xi32, #tpu.memory_space<vmem>>
        %dma_wait3A_694 = arith.constant 0 : i32
        %dma_wait3A_695 = arith.constant 0 : i32
        %dma_wait3A_696 = tpu.memref_slice %arg14[%dma_wait3A_694, %dma_wait3A_695] : memref<10240x128xf32, #tpu.memory_space<vmem_shared>> -> memref<10240x128xf32, #tpu.memory_space<vmem_shared>>
        tpu.wait_indirect_dma semaphore(%run_scoped3A_676 : memref<!tpu.dma_semaphore, #tpu.memory_space<semaphore_mem>>) src(%dma_wait3A_690 : memref<80x128xf32, #tpu.memory_space<vmem>>) dst(%dma_wait3A_696 : memref<10240x128xf32, #tpu.memory_space<vmem_shared>>)
        tpu.yield
      }) : () -> ()
      %add3A_644 = arith.constant 2 : i32
      %add3A_645 = arith.addi %mul3A_615, %add3A_644 : i32
      %dma_start3A_646 = arith.constant 0 : i32
      %dma_start3A_647 = arith.constant 0 : i32
      %dma_start3A_648 = arith.constant 0 : i32
      %dma_start3A_649 = arith.constant 0 : i32
      %dma_start3A_650 = tpu.memref_slice %arg9[%dma_start3A_647, %dma_start3A_648, %dma_start3A_649] : memref<2x80x128xf32, #tpu.memory_space<vmem>> -> memref<1x80x128xf32, #tpu.memory_space<vmem>>
      %dma_start3A_651 = tpu.memref_squeeze %dma_start3A_650 : memref<1x80x128xf32, #tpu.memory_space<vmem>> -> memref<80x128xf32, #tpu.memory_space<vmem>>
      %dma_start3A_652 = arith.constant 0 : i32
      %dma_start3A_653 = tpu.memref_slice %arg7[%dma_start3A_646, %add3A_645, %dma_start3A_652] : memref<2x25x80xi32, #tpu.memory_space<vmem>> -> memref<1x1x80xi32, #tpu.memory_space<vmem>>
      %dma_start3A_654 = tpu.memref_squeeze %dma_start3A_653 : memref<1x1x80xi32, #tpu.memory_space<vmem>> -> memref<80xi32, #tpu.memory_space<vmem>>
      %dma_start3A_655 = arith.constant 0 : i32
      %dma_start3A_656 = arith.constant 0 : i32
      %dma_start3A_657 = tpu.memref_slice %arg2[%dma_start3A_655, %dma_start3A_656] : memref<10000x128xf32, #tpu.memory_space<hbm>> -> memref<10000x128xf32, #tpu.memory_space<hbm>>
      tpu.enqueue_indirect_dma source(%dma_start3A_657 : memref<10000x128xf32, #tpu.memory_space<hbm>>) target(%dma_start3A_651 : memref<80x128xf32, #tpu.memory_space<vmem>>) offsets(%dma_start3A_654 : memref<80xi32, #tpu.memory_space<vmem>>) semaphore(%arg10 : memref<!tpu.dma_semaphore, #tpu.memory_space<semaphore_mem>>)
      %add3A_658 = arith.constant 1 : i32
      %add3A_659 = arith.addi %mul3A_615, %add3A_658 : i32
      %dma_wait3A_660 = arith.constant 0 : i32
      %dma_wait3A_661 = arith.constant 1 : i32
      %dma_wait3A_662 = arith.constant 0 : i32
      %dma_wait3A_663 = arith.constant 0 : i32
      %dma_wait3A_664 = tpu.memref_slice %arg9[%dma_wait3A_661, %dma_wait3A_662, %dma_wait3A_663] : memref<2x80x128xf32, #tpu.memory_space<vmem>> -> memref<1x80x128xf32, #tpu.memory_space<vmem>>
      %dma_wait3A_665 = tpu.memref_squeeze %dma_wait3A_664 : memref<1x80x128xf32, #tpu.memory_space<vmem>> -> memref<80x128xf32, #tpu.memory_space<vmem>>
      %dma_wait3A_666 = arith.constant 0 : i32
      %dma_wait3A_667 = tpu.memref_slice %arg7[%dma_wait3A_660, %add3A_659, %dma_wait3A_666] : memref<2x25x80xi32, #tpu.memory_space<vmem>> -> memref<1x1x80xi32, #tpu.memory_space<vmem>>
      %dma_wait3A_668 = tpu.memref_squeeze %dma_wait3A_667 : memref<1x1x80xi32, #tpu.memory_space<vmem>> -> memref<80xi32, #tpu.memory_space<vmem>>
      %dma_wait3A_669 = arith.constant 0 : i32
      %dma_wait3A_670 = arith.constant 0 : i32
      %dma_wait3A_671 = tpu.memref_slice %arg2[%dma_wait3A_669, %dma_wait3A_670] : memref<10000x128xf32, #tpu.memory_space<hbm>> -> memref<10000x128xf32, #tpu.memory_space<hbm>>
      tpu.wait_indirect_dma semaphore(%arg11 : memref<!tpu.dma_semaphore, #tpu.memory_space<semaphore_mem>>) src(%dma_wait3A_671 : memref<10000x128xf32, #tpu.memory_space<hbm>>) dst(%dma_wait3A_665 : memref<80x128xf32, #tpu.memory_space<vmem>>)
      %add3A_672 = arith.constant 1 : i32
      %add3A_673 = arith.addi %mul3A_615, %add3A_672 : i32
      %run_scoped3A_674 = arith.constant 1 : i32
      %run_scoped3A_675 = arith.constant 0 : i32
      "tpu.region"() ({
        %run_scoped3A_676 = tpu.sem_alloc : memref<!tpu.dma_semaphore, #tpu.memory_space<semaphore_mem>>
        %dma_start3A_677 = arith.constant 0 : i32
        %dma_start3A_678 = arith.constant 0 : i32
        %dma_start3A_679 = tpu.memref_slice %arg9[%run_scoped3A_674, %dma_start3A_677, %dma_start3A_678] : memref<2x80x128xf32, #tpu.memory_space<vmem>> -> memref<1x80x128xf32, #tpu.memory_space<vmem>>
        %dma_start3A_680 = tpu.memref_squeeze %dma_start3A_679 : memref<1x80x128xf32, #tpu.memory_space<vmem>> -> memref<80x128xf32, #tpu.memory_space<vmem>>
        %dma_start3A_681 = arith.constant 0 : i32
        %dma_start3A_682 = tpu.memref_slice %arg8[%run_scoped3A_675, %add3A_673, %dma_start3A_681] : memref<2x25x80xi32, #tpu.memory_space<vmem>> -> memref<1x1x80xi32, #tpu.memory_space<vmem>>
        %dma_start3A_683 = tpu.memref_squeeze %dma_start3A_682 : memref<1x1x80xi32, #tpu.memory_space<vmem>> -> memref<80xi32, #tpu.memory_space<vmem>>
        %dma_start3A_684 = arith.constant 0 : i32
        %dma_start3A_685 = arith.constant 0 : i32
        %dma_start3A_686 = tpu.memref_slice %arg14[%dma_start3A_684, %dma_start3A_685] : memref<10240x128xf32, #tpu.memory_space<vmem_shared>> -> memref<10240x128xf32, #tpu.memory_space<vmem_shared>>
        tpu.enqueue_indirect_dma source(%dma_start3A_680 : memref<80x128xf32, #tpu.memory_space<vmem>>) target(%dma_start3A_686 : memref<10240x128xf32, #tpu.memory_space<vmem_shared>>) offsets(%dma_start3A_683 : memref<80xi32, #tpu.memory_space<vmem>>) semaphore(%run_scoped3A_676 : memref<!tpu.dma_semaphore, #tpu.memory_space<semaphore_mem>>) {add = true}
        %dma_wait3A_687 = arith.constant 0 : i32
        %dma_wait3A_688 = arith.constant 0 : i32
        %dma_wait3A_689 = tpu.memref_slice %arg9[%run_scoped3A_674, %dma_wait3A_687, %dma_wait3A_688] : memref<2x80x128xf32, #tpu.memory_space<vmem>> -> memref<1x80x128xf32, #tpu.memory_space<vmem>>
        %dma_wait3A_690 = tpu.memref_squeeze %dma_wait3A_689 : memref<1x80x128xf32, #tpu.memory_space<vmem>> -> memref<80x128xf32, #tpu.memory_space<vmem>>
        %dma_wait3A_691 = arith.constant 0 : i32
        %dma_wait3A_692 = tpu.memref_slice %arg8[%run_scoped3A_675, %add3A_673, %dma_wait3A_691] : memref<2x25x80xi32, #tpu.memory_space<vmem>> -> memref<1x1x80xi32, #tpu.memory_space<vmem>>
        %dma_wait3A_693 = tpu.memref_squeeze %dma_wait3A_692 : memref<1x1x80xi32, #tpu.memory_space<vmem>> -> memref<80xi32, #tpu.memory_space<vmem>>
        %dma_wait3A_694 = arith.constant 0 : i32
        %dma_wait3A_695 = arith.constant 0 : i32
        %dma_wait3A_696 = tpu.memref_slice %arg14[%dma_wait3A_694, %dma_wait3A_695] : memref<10240x128xf32, #tpu.memory_space<vmem_shared>> -> memref<10240x128xf32, #tpu.memory_space<vmem_shared>>
        tpu.wait_indirect_dma semaphore(%run_scoped3A_676 : memref<!tpu.dma_semaphore, #tpu.memory_space<semaphore_mem>>) src(%dma_wait3A_690 : memref<80x128xf32, #tpu.memory_space<vmem>>) dst(%dma_wait3A_696 : memref<10240x128xf32, #tpu.memory_space<vmem_shared>>)
        tpu.yield
      }) : () -> ()
    }
    %scan3A_158 = arith.constant 12 : i32
    %mul3A_159 = arith.constant 5 : i32
    %mul3A_160 = arith.muli %add3A, %mul3A_159 : i32
    %add3A_161 = arith.constant 1 : i32
    %add3A_162 = arith.addi %mul3A_160, %add3A_161 : i32
    %dma_wait3A_163 = arith.constant 1 : i32
    %dma_wait3A_164 = arith.constant 0 : i32
    %dma_wait3A_165 = arith.constant 0 : i32
    %dma_wait3A_166 = tpu.memref_slice %arg7[%dma_wait3A_163, %dma_wait3A_164, %dma_wait3A_165] : memref<2x25x80xi32, #tpu.memory_space<vmem>> -> memref<1x25x80xi32, #tpu.memory_space<vmem>>
    %dma_wait3A_167 = tpu.memref_squeeze %dma_wait3A_166 : memref<1x25x80xi32, #tpu.memory_space<vmem>> -> memref<25x80xi32, #tpu.memory_space<vmem>>
    %dma_wait3A_168 = arith.constant 0 : i32
    %dma_wait3A_169 = arith.constant 0 : i32
    %dma_wait3A_170 = tpu.memref_slice %arg3[%add3A_162, %dma_wait3A_168, %dma_wait3A_169] : memref<160x25x80xi32, #tpu.memory_space<hbm>> -> memref<1x25x80xi32, #tpu.memory_space<hbm>>
    %dma_wait3A_171 = tpu.memref_squeeze %dma_wait3A_170 : memref<1x25x80xi32, #tpu.memory_space<hbm>> -> memref<25x80xi32, #tpu.memory_space<hbm>>
    %dma_wait3A_172 = arith.constant 0 : i32
    %dma_wait3A_173 = arith.constant 0 : i32
    %dma_wait3A_174 = tpu.memref_slice %arg7[%dma_wait3A_163, %dma_wait3A_172, %dma_wait3A_173] : memref<2x25x80xi32, #tpu.memory_space<vmem>> -> memref<1x25x80xi32, #tpu.memory_space<vmem>>
    %dma_wait3A_175 = tpu.memref_squeeze %dma_wait3A_174 : memref<1x25x80xi32, #tpu.memory_space<vmem>> -> memref<25x80xi32, #tpu.memory_space<vmem>>
    %dma_wait3A_176 = arith.constant 0 : i32
    %dma_wait3A_177 = arith.constant 0 : i32
    %dma_wait3A_178 = tpu.memref_slice %arg3[%add3A_162, %dma_wait3A_176, %dma_wait3A_177] : memref<160x25x80xi32, #tpu.memory_space<hbm>> -> memref<1x25x80xi32, #tpu.memory_space<hbm>>
    %dma_wait3A_179 = tpu.memref_squeeze %dma_wait3A_178 : memref<1x25x80xi32, #tpu.memory_space<hbm>> -> memref<25x80xi32, #tpu.memory_space<hbm>>
    tpu.wait_dma2 semaphore(%arg13 : memref<!tpu.dma_semaphore, #tpu.memory_space<semaphore_mem>>) src(%dma_wait3A_179 : memref<25x80xi32, #tpu.memory_space<hbm>>) dst(%dma_wait3A_175 : memref<25x80xi32, #tpu.memory_space<vmem>>)
    %mul3A_180 = arith.constant 5 : i32
    %mul3A_181 = arith.muli %add3A, %mul3A_180 : i32
    %add3A_182 = arith.constant 1 : i32
    %add3A_183 = arith.addi %mul3A_181, %add3A_182 : i32
    %dma_wait3A_184 = arith.constant 1 : i32
    %dma_wait3A_185 = arith.constant 0 : i32
    %dma_wait3A_186 = arith.constant 0 : i32
    %dma_wait3A_187 = tpu.memref_slice %arg8[%dma_wait3A_184, %dma_wait3A_185, %dma_wait3A_186] : memref<2x25x80xi32, #tpu.memory_space<vmem>> -> memref<1x25x80xi32, #tpu.memory_space<vmem>>
    %dma_wait3A_188 = tpu.memref_squeeze %dma_wait3A_187 : memref<1x25x80xi32, #tpu.memory_space<vmem>> -> memref<25x80xi32, #tpu.memory_space<vmem>>
    %dma_wait3A_189 = arith.constant 0 : i32
    %dma_wait3A_190 = arith.constant 0 : i32
    %dma_wait3A_191 = tpu.memref_slice %arg4[%add3A_183, %dma_wait3A_189, %dma_wait3A_190] : memref<160x25x80xi32, #tpu.memory_space<hbm>> -> memref<1x25x80xi32, #tpu.memory_space<hbm>>
    %dma_wait3A_192 = tpu.memref_squeeze %dma_wait3A_191 : memref<1x25x80xi32, #tpu.memory_space<hbm>> -> memref<25x80xi32, #tpu.memory_space<hbm>>
    %dma_wait3A_193 = arith.constant 0 : i32
    %dma_wait3A_194 = arith.constant 0 : i32
    %dma_wait3A_195 = tpu.memref_slice %arg8[%dma_wait3A_184, %dma_wait3A_193, %dma_wait3A_194] : memref<2x25x80xi32, #tpu.memory_space<vmem>> -> memref<1x25x80xi32, #tpu.memory_space<vmem>>
    %dma_wait3A_196 = tpu.memref_squeeze %dma_wait3A_195 : memref<1x25x80xi32, #tpu.memory_space<vmem>> -> memref<25x80xi32, #tpu.memory_space<vmem>>
    %dma_wait3A_197 = arith.constant 0 : i32
    %dma_wait3A_198 = arith.constant 0 : i32
    %dma_wait3A_199 = tpu.memref_slice %arg4[%add3A_183, %dma_wait3A_197, %dma_wait3A_198] : memref<160x25x80xi32, #tpu.memory_space<hbm>> -> memref<1x25x80xi32, #tpu.memory_space<hbm>>
    %dma_wait3A_200 = tpu.memref_squeeze %dma_wait3A_199 : memref<1x25x80xi32, #tpu.memory_space<hbm>> -> memref<25x80xi32, #tpu.memory_space<hbm>>
    tpu.wait_dma2 semaphore(%arg13 : memref<!tpu.dma_semaphore, #tpu.memory_space<semaphore_mem>>) src(%dma_wait3A_200 : memref<25x80xi32, #tpu.memory_space<hbm>>) dst(%dma_wait3A_196 : memref<25x80xi32, #tpu.memory_space<vmem>>)
    %dma_start3A_201 = arith.constant 1 : i32
    %dma_start3A_202 = arith.constant 0 : i32
    %dma_start3A_203 = arith.constant 1 : i32
    %dma_start3A_204 = arith.constant 0 : i32
    %dma_start3A_205 = arith.constant 0 : i32
    %dma_start3A_206 = tpu.memref_slice %arg9[%dma_start3A_203, %dma_start3A_204, %dma_start3A_205] : memref<2x80x128xf32, #tpu.memory_space<vmem>> -> memref<1x80x128xf32, #tpu.memory_space<vmem>>
    %dma_start3A_207 = tpu.memref_squeeze %dma_start3A_206 : memref<1x80x128xf32, #tpu.memory_space<vmem>> -> memref<80x128xf32, #tpu.memory_space<vmem>>
    %dma_start3A_208 = arith.constant 0 : i32
    %dma_start3A_209 = tpu.memref_slice %arg7[%dma_start3A_201, %dma_start3A_202, %dma_start3A_208] : memref<2x25x80xi32, #tpu.memory_space<vmem>> -> memref<1x1x80xi32, #tpu.memory_space<vmem>>
    %dma_start3A_210 = tpu.memref_squeeze %dma_start3A_209 : memref<1x1x80xi32, #tpu.memory_space<vmem>> -> memref<80xi32, #tpu.memory_space<vmem>>
    %dma_start3A_211 = arith.constant 0 : i32
    %dma_start3A_212 = arith.constant 0 : i32
    %dma_start3A_213 = tpu.memref_slice %arg2[%dma_start3A_211, %dma_start3A_212] : memref<10000x128xf32, #tpu.memory_space<hbm>> -> memref<10000x128xf32, #tpu.memory_space<hbm>>
    tpu.enqueue_indirect_dma source(%dma_start3A_213 : memref<10000x128xf32, #tpu.memory_space<hbm>>) target(%dma_start3A_207 : memref<80x128xf32, #tpu.memory_space<vmem>>) offsets(%dma_start3A_210 : memref<80xi32, #tpu.memory_space<vmem>>) semaphore(%arg11 : memref<!tpu.dma_semaphore, #tpu.memory_space<semaphore_mem>>)
    %dma_wait3A_214 = arith.constant 0 : i32
    %dma_wait3A_215 = arith.constant 24 : i32
    %dma_wait3A_216 = arith.constant 0 : i32
    %dma_wait3A_217 = arith.constant 0 : i32
    %dma_wait3A_218 = arith.constant 0 : i32
    %dma_wait3A_219 = tpu.memref_slice %arg9[%dma_wait3A_216, %dma_wait3A_217, %dma_wait3A_218] : memref<2x80x128xf32, #tpu.memory_space<vmem>> -> memref<1x80x128xf32, #tpu.memory_space<vmem>>
    %dma_wait3A_220 = tpu.memref_squeeze %dma_wait3A_219 : memref<1x80x128xf32, #tpu.memory_space<vmem>> -> memref<80x128xf32, #tpu.memory_space<vmem>>
    %dma_wait3A_221 = arith.constant 0 : i32
    %dma_wait3A_222 = tpu.memref_slice %arg7[%dma_wait3A_214, %dma_wait3A_215, %dma_wait3A_221] : memref<2x25x80xi32, #tpu.memory_space<vmem>> -> memref<1x1x80xi32, #tpu.memory_space<vmem>>
    %dma_wait3A_223 = tpu.memref_squeeze %dma_wait3A_222 : memref<1x1x80xi32, #tpu.memory_space<vmem>> -> memref<80xi32, #tpu.memory_space<vmem>>
    %dma_wait3A_224 = arith.constant 0 : i32
    %dma_wait3A_225 = arith.constant 0 : i32
    %dma_wait3A_226 = tpu.memref_slice %arg2[%dma_wait3A_224, %dma_wait3A_225] : memref<10000x128xf32, #tpu.memory_space<hbm>> -> memref<10000x128xf32, #tpu.memory_space<hbm>>
    tpu.wait_indirect_dma semaphore(%arg10 : memref<!tpu.dma_semaphore, #tpu.memory_space<semaphore_mem>>) src(%dma_wait3A_226 : memref<10000x128xf32, #tpu.memory_space<hbm>>) dst(%dma_wait3A_220 : memref<80x128xf32, #tpu.memory_space<vmem>>)
    %run_scoped3A = arith.constant 0 : i32
    %run_scoped3A_227 = arith.constant 0 : i32
    %run_scoped3A_228 = arith.constant 24 : i32
    "tpu.region"() ({
      %run_scoped3A_613 = tpu.sem_alloc : memref<!tpu.dma_semaphore, #tpu.memory_space<semaphore_mem>>
      %dma_start3A_614 = arith.constant 0 : i32
      %dma_start3A_615 = arith.constant 0 : i32
      %dma_start3A_616 = tpu.memref_slice %arg9[%run_scoped3A, %dma_start3A_614, %dma_start3A_615] : memref<2x80x128xf32, #tpu.memory_space<vmem>> -> memref<1x80x128xf32, #tpu.memory_space<vmem>>
      %dma_start3A_617 = tpu.memref_squeeze %dma_start3A_616 : memref<1x80x128xf32, #tpu.memory_space<vmem>> -> memref<80x128xf32, #tpu.memory_space<vmem>>
      %dma_start3A_618 = arith.constant 0 : i32
      %dma_start3A_619 = tpu.memref_slice %arg8[%run_scoped3A_227, %run_scoped3A_228, %dma_start3A_618] : memref<2x25x80xi32, #tpu.memory_space<vmem>> -> memref<1x1x80xi32, #tpu.memory_space<vmem>>
      %dma_start3A_620 = tpu.memref_squeeze %dma_start3A_619 : memref<1x1x80xi32, #tpu.memory_space<vmem>> -> memref<80xi32, #tpu.memory_space<vmem>>
      %dma_start3A_621 = arith.constant 0 : i32
      %dma_start3A_622 = arith.constant 0 : i32
      %dma_start3A_623 = tpu.memref_slice %arg14[%dma_start3A_621, %dma_start3A_622] : memref<10240x128xf32, #tpu.memory_space<vmem_shared>> -> memref<10240x128xf32, #tpu.memory_space<vmem_shared>>
      tpu.enqueue_indirect_dma source(%dma_start3A_617 : memref<80x128xf32, #tpu.memory_space<vmem>>) target(%dma_start3A_623 : memref<10240x128xf32, #tpu.memory_space<vmem_shared>>) offsets(%dma_start3A_620 : memref<80xi32, #tpu.memory_space<vmem>>) semaphore(%run_scoped3A_613 : memref<!tpu.dma_semaphore, #tpu.memory_space<semaphore_mem>>) {add = true}
      %dma_wait3A_624 = arith.constant 0 : i32
      %dma_wait3A_625 = arith.constant 0 : i32
      %dma_wait3A_626 = tpu.memref_slice %arg9[%run_scoped3A, %dma_wait3A_624, %dma_wait3A_625] : memref<2x80x128xf32, #tpu.memory_space<vmem>> -> memref<1x80x128xf32, #tpu.memory_space<vmem>>
      %dma_wait3A_627 = tpu.memref_squeeze %dma_wait3A_626 : memref<1x80x128xf32, #tpu.memory_space<vmem>> -> memref<80x128xf32, #tpu.memory_space<vmem>>
      %dma_wait3A_628 = arith.constant 0 : i32
      %dma_wait3A_629 = tpu.memref_slice %arg8[%run_scoped3A_227, %run_scoped3A_228, %dma_wait3A_628] : memref<2x25x80xi32, #tpu.memory_space<vmem>> -> memref<1x1x80xi32, #tpu.memory_space<vmem>>
      %dma_wait3A_630 = tpu.memref_squeeze %dma_wait3A_629 : memref<1x1x80xi32, #tpu.memory_space<vmem>> -> memref<80xi32, #tpu.memory_space<vmem>>
      %dma_wait3A_631 = arith.constant 0 : i32
      %dma_wait3A_632 = arith.constant 0 : i32
      %dma_wait3A_633 = tpu.memref_slice %arg14[%dma_wait3A_631, %dma_wait3A_632] : memref<10240x128xf32, #tpu.memory_space<vmem_shared>> -> memref<10240x128xf32, #tpu.memory_space<vmem_shared>>
      tpu.wait_indirect_dma semaphore(%run_scoped3A_613 : memref<!tpu.dma_semaphore, #tpu.memory_space<semaphore_mem>>) src(%dma_wait3A_627 : memref<80x128xf32, #tpu.memory_space<vmem>>) dst(%dma_wait3A_633 : memref<10240x128xf32, #tpu.memory_space<vmem_shared>>)
      tpu.yield
    }) : () -> ()
    %mul3A_229 = arith.constant 5 : i32
    %mul3A_230 = arith.muli %add3A, %mul3A_229 : i32
    %add3A_231 = arith.constant 2 : i32
    %add3A_232 = arith.addi %mul3A_230, %add3A_231 : i32
    %dma_start3A_233 = arith.constant 0 : i32
    %dma_start3A_234 = arith.constant 0 : i32
    %dma_start3A_235 = arith.constant 0 : i32
    %dma_start3A_236 = tpu.memref_slice %arg7[%dma_start3A_233, %dma_start3A_234, %dma_start3A_235] : memref<2x25x80xi32, #tpu.memory_space<vmem>> -> memref<1x25x80xi32, #tpu.memory_space<vmem>>
    %dma_start3A_237 = tpu.memref_squeeze %dma_start3A_236 : memref<1x25x80xi32, #tpu.memory_space<vmem>> -> memref<25x80xi32, #tpu.memory_space<vmem>>
    %dma_start3A_238 = arith.constant 0 : i32
    %dma_start3A_239 = arith.constant 0 : i32
    %dma_start3A_240 = tpu.memref_slice %arg3[%add3A_232, %dma_start3A_238, %dma_start3A_239] : memref<160x25x80xi32, #tpu.memory_space<hbm>> -> memref<1x25x80xi32, #tpu.memory_space<hbm>>
    %dma_start3A_241 = tpu.memref_squeeze %dma_start3A_240 : memref<1x25x80xi32, #tpu.memory_space<hbm>> -> memref<25x80xi32, #tpu.memory_space<hbm>>
    %dma_start3A_242 = arith.constant 0 : i32
    %dma_start3A_243 = arith.constant 0 : i32
    %dma_start3A_244 = tpu.memref_slice %arg7[%dma_start3A_233, %dma_start3A_242, %dma_start3A_243] : memref<2x25x80xi32, #tpu.memory_space<vmem>> -> memref<1x25x80xi32, #tpu.memory_space<vmem>>
    %dma_start3A_245 = tpu.memref_squeeze %dma_start3A_244 : memref<1x25x80xi32, #tpu.memory_space<vmem>> -> memref<25x80xi32, #tpu.memory_space<vmem>>
    %dma_start3A_246 = arith.constant 0 : i32
    %dma_start3A_247 = arith.constant 0 : i32
    %dma_start3A_248 = tpu.memref_slice %arg3[%add3A_232, %dma_start3A_246, %dma_start3A_247] : memref<160x25x80xi32, #tpu.memory_space<hbm>> -> memref<1x25x80xi32, #tpu.memory_space<hbm>>
    %dma_start3A_249 = tpu.memref_squeeze %dma_start3A_248 : memref<1x25x80xi32, #tpu.memory_space<hbm>> -> memref<25x80xi32, #tpu.memory_space<hbm>>
    tpu.enqueue_dma source(%dma_start3A_249 : memref<25x80xi32, #tpu.memory_space<hbm>>) target(%dma_start3A_245 : memref<25x80xi32, #tpu.memory_space<vmem>>) target_semaphore(%arg13 : memref<!tpu.dma_semaphore, #tpu.memory_space<semaphore_mem>>)
    %mul3A_250 = arith.constant 5 : i32
    %mul3A_251 = arith.muli %add3A, %mul3A_250 : i32
    %add3A_252 = arith.constant 2 : i32
    %add3A_253 = arith.addi %mul3A_251, %add3A_252 : i32
    %dma_start3A_254 = arith.constant 0 : i32
    %dma_start3A_255 = arith.constant 0 : i32
    %dma_start3A_256 = arith.constant 0 : i32
    %dma_start3A_257 = tpu.memref_slice %arg8[%dma_start3A_254, %dma_start3A_255, %dma_start3A_256] : memref<2x25x80xi32, #tpu.memory_space<vmem>> -> memref<1x25x80xi32, #tpu.memory_space<vmem>>
    %dma_start3A_258 = tpu.memref_squeeze %dma_start3A_257 : memref<1x25x80xi32, #tpu.memory_space<vmem>> -> memref<25x80xi32, #tpu.memory_space<vmem>>
    %dma_start3A_259 = arith.constant 0 : i32
    %dma_start3A_260 = arith.constant 0 : i32
    %dma_start3A_261 = tpu.memref_slice %arg4[%add3A_253, %dma_start3A_259, %dma_start3A_260] : memref<160x25x80xi32, #tpu.memory_space<hbm>> -> memref<1x25x80xi32, #tpu.memory_space<hbm>>
    %dma_start3A_262 = tpu.memref_squeeze %dma_start3A_261 : memref<1x25x80xi32, #tpu.memory_space<hbm>> -> memref<25x80xi32, #tpu.memory_space<hbm>>
    %dma_start3A_263 = arith.constant 0 : i32
    %dma_start3A_264 = arith.constant 0 : i32
    %dma_start3A_265 = tpu.memref_slice %arg8[%dma_start3A_254, %dma_start3A_263, %dma_start3A_264] : memref<2x25x80xi32, #tpu.memory_space<vmem>> -> memref<1x25x80xi32, #tpu.memory_space<vmem>>
    %dma_start3A_266 = tpu.memref_squeeze %dma_start3A_265 : memref<1x25x80xi32, #tpu.memory_space<vmem>> -> memref<25x80xi32, #tpu.memory_space<vmem>>
    %dma_start3A_267 = arith.constant 0 : i32
    %dma_start3A_268 = arith.constant 0 : i32
    %dma_start3A_269 = tpu.memref_slice %arg4[%add3A_253, %dma_start3A_267, %dma_start3A_268] : memref<160x25x80xi32, #tpu.memory_space<hbm>> -> memref<1x25x80xi32, #tpu.memory_space<hbm>>
    %dma_start3A_270 = tpu.memref_squeeze %dma_start3A_269 : memref<1x25x80xi32, #tpu.memory_space<hbm>> -> memref<25x80xi32, #tpu.memory_space<hbm>>
    tpu.enqueue_dma source(%dma_start3A_270 : memref<25x80xi32, #tpu.memory_space<hbm>>) target(%dma_start3A_266 : memref<25x80xi32, #tpu.memory_space<vmem>>) target_semaphore(%arg13 : memref<!tpu.dma_semaphore, #tpu.memory_space<semaphore_mem>>)
    %scan3A_271 = arith.constant 0 : i32
    %scan3A_272 = arith.constant 0 : i32
    %scan3A_273 = arith.constant 12 : i32
    %scan3A_274 = arith.addi %scan3A_272, %scan3A_273 : i32
    %scan3A_275 = arith.constant 1 : i32
    scf.for %scan3A_613 = %scan3A_272 to %scan3A_274 step %scan3A_275  : i32 {
      %mul3A_614 = arith.constant 2 : i32
      %mul3A_615 = arith.muli %mul3A_614, %scan3A_613 : i32
      %add3A_616 = arith.constant 1 : i32
      %add3A_617 = arith.addi %mul3A_615, %add3A_616 : i32
      %dma_start3A_618 = arith.constant 1 : i32
      %dma_start3A_619 = arith.constant 0 : i32
      %dma_start3A_620 = arith.constant 0 : i32
      %dma_start3A_621 = arith.constant 0 : i32
      %dma_start3A_622 = tpu.memref_slice %arg9[%dma_start3A_619, %dma_start3A_620, %dma_start3A_621] : memref<2x80x128xf32, #tpu.memory_space<vmem>> -> memref<1x80x128xf32, #tpu.memory_space<vmem>>
      %dma_start3A_623 = tpu.memref_squeeze %dma_start3A_622 : memref<1x80x128xf32, #tpu.memory_space<vmem>> -> memref<80x128xf32, #tpu.memory_space<vmem>>
      %dma_start3A_624 = arith.constant 0 : i32
      %dma_start3A_625 = tpu.memref_slice %arg7[%dma_start3A_618, %add3A_617, %dma_start3A_624] : memref<2x25x80xi32, #tpu.memory_space<vmem>> -> memref<1x1x80xi32, #tpu.memory_space<vmem>>
      %dma_start3A_626 = tpu.memref_squeeze %dma_start3A_625 : memref<1x1x80xi32, #tpu.memory_space<vmem>> -> memref<80xi32, #tpu.memory_space<vmem>>
      %dma_start3A_627 = arith.constant 0 : i32
      %dma_start3A_628 = arith.constant 0 : i32
      %dma_start3A_629 = tpu.memref_slice %arg2[%dma_start3A_627, %dma_start3A_628] : memref<10000x128xf32, #tpu.memory_space<hbm>> -> memref<10000x128xf32, #tpu.memory_space<hbm>>
      tpu.enqueue_indirect_dma source(%dma_start3A_629 : memref<10000x128xf32, #tpu.memory_space<hbm>>) target(%dma_start3A_623 : memref<80x128xf32, #tpu.memory_space<vmem>>) offsets(%dma_start3A_626 : memref<80xi32, #tpu.memory_space<vmem>>) semaphore(%arg10 : memref<!tpu.dma_semaphore, #tpu.memory_space<semaphore_mem>>)
      %dma_wait3A_630 = arith.constant 1 : i32
      %dma_wait3A_631 = arith.constant 1 : i32
      %dma_wait3A_632 = arith.constant 0 : i32
      %dma_wait3A_633 = arith.constant 0 : i32
      %dma_wait3A_634 = tpu.memref_slice %arg9[%dma_wait3A_631, %dma_wait3A_632, %dma_wait3A_633] : memref<2x80x128xf32, #tpu.memory_space<vmem>> -> memref<1x80x128xf32, #tpu.memory_space<vmem>>
      %dma_wait3A_635 = tpu.memref_squeeze %dma_wait3A_634 : memref<1x80x128xf32, #tpu.memory_space<vmem>> -> memref<80x128xf32, #tpu.memory_space<vmem>>
      %dma_wait3A_636 = arith.constant 0 : i32
      %dma_wait3A_637 = tpu.memref_slice %arg7[%dma_wait3A_630, %mul3A_615, %dma_wait3A_636] : memref<2x25x80xi32, #tpu.memory_space<vmem>> -> memref<1x1x80xi32, #tpu.memory_space<vmem>>
      %dma_wait3A_638 = tpu.memref_squeeze %dma_wait3A_637 : memref<1x1x80xi32, #tpu.memory_space<vmem>> -> memref<80xi32, #tpu.memory_space<vmem>>
      %dma_wait3A_639 = arith.constant 0 : i32
      %dma_wait3A_640 = arith.constant 0 : i32
      %dma_wait3A_641 = tpu.memref_slice %arg2[%dma_wait3A_639, %dma_wait3A_640] : memref<10000x128xf32, #tpu.memory_space<hbm>> -> memref<10000x128xf32, #tpu.memory_space<hbm>>
      tpu.wait_indirect_dma semaphore(%arg11 : memref<!tpu.dma_semaphore, #tpu.memory_space<semaphore_mem>>) src(%dma_wait3A_641 : memref<10000x128xf32, #tpu.memory_space<hbm>>) dst(%dma_wait3A_635 : memref<80x128xf32, #tpu.memory_space<vmem>>)
      %run_scoped3A_642 = arith.constant 1 : i32
      %run_scoped3A_643 = arith.constant 1 : i32
      "tpu.region"() ({
        %run_scoped3A_676 = tpu.sem_alloc : memref<!tpu.dma_semaphore, #tpu.memory_space<semaphore_mem>>
        %dma_start3A_677 = arith.constant 0 : i32
        %dma_start3A_678 = arith.constant 0 : i32
        %dma_start3A_679 = tpu.memref_slice %arg9[%run_scoped3A_642, %dma_start3A_677, %dma_start3A_678] : memref<2x80x128xf32, #tpu.memory_space<vmem>> -> memref<1x80x128xf32, #tpu.memory_space<vmem>>
        %dma_start3A_680 = tpu.memref_squeeze %dma_start3A_679 : memref<1x80x128xf32, #tpu.memory_space<vmem>> -> memref<80x128xf32, #tpu.memory_space<vmem>>
        %dma_start3A_681 = arith.constant 0 : i32
        %dma_start3A_682 = tpu.memref_slice %arg8[%run_scoped3A_643, %mul3A_615, %dma_start3A_681] : memref<2x25x80xi32, #tpu.memory_space<vmem>> -> memref<1x1x80xi32, #tpu.memory_space<vmem>>
        %dma_start3A_683 = tpu.memref_squeeze %dma_start3A_682 : memref<1x1x80xi32, #tpu.memory_space<vmem>> -> memref<80xi32, #tpu.memory_space<vmem>>
        %dma_start3A_684 = arith.constant 0 : i32
        %dma_start3A_685 = arith.constant 0 : i32
        %dma_start3A_686 = tpu.memref_slice %arg14[%dma_start3A_684, %dma_start3A_685] : memref<10240x128xf32, #tpu.memory_space<vmem_shared>> -> memref<10240x128xf32, #tpu.memory_space<vmem_shared>>
        tpu.enqueue_indirect_dma source(%dma_start3A_680 : memref<80x128xf32, #tpu.memory_space<vmem>>) target(%dma_start3A_686 : memref<10240x128xf32, #tpu.memory_space<vmem_shared>>) offsets(%dma_start3A_683 : memref<80xi32, #tpu.memory_space<vmem>>) semaphore(%run_scoped3A_676 : memref<!tpu.dma_semaphore, #tpu.memory_space<semaphore_mem>>) {add = true}
        %dma_wait3A_687 = arith.constant 0 : i32
        %dma_wait3A_688 = arith.constant 0 : i32
        %dma_wait3A_689 = tpu.memref_slice %arg9[%run_scoped3A_642, %dma_wait3A_687, %dma_wait3A_688] : memref<2x80x128xf32, #tpu.memory_space<vmem>> -> memref<1x80x128xf32, #tpu.memory_space<vmem>>
        %dma_wait3A_690 = tpu.memref_squeeze %dma_wait3A_689 : memref<1x80x128xf32, #tpu.memory_space<vmem>> -> memref<80x128xf32, #tpu.memory_space<vmem>>
        %dma_wait3A_691 = arith.constant 0 : i32
        %dma_wait3A_692 = tpu.memref_slice %arg8[%run_scoped3A_643, %mul3A_615, %dma_wait3A_691] : memref<2x25x80xi32, #tpu.memory_space<vmem>> -> memref<1x1x80xi32, #tpu.memory_space<vmem>>
        %dma_wait3A_693 = tpu.memref_squeeze %dma_wait3A_692 : memref<1x1x80xi32, #tpu.memory_space<vmem>> -> memref<80xi32, #tpu.memory_space<vmem>>
        %dma_wait3A_694 = arith.constant 0 : i32
        %dma_wait3A_695 = arith.constant 0 : i32
        %dma_wait3A_696 = tpu.memref_slice %arg14[%dma_wait3A_694, %dma_wait3A_695] : memref<10240x128xf32, #tpu.memory_space<vmem_shared>> -> memref<10240x128xf32, #tpu.memory_space<vmem_shared>>
        tpu.wait_indirect_dma semaphore(%run_scoped3A_676 : memref<!tpu.dma_semaphore, #tpu.memory_space<semaphore_mem>>) src(%dma_wait3A_690 : memref<80x128xf32, #tpu.memory_space<vmem>>) dst(%dma_wait3A_696 : memref<10240x128xf32, #tpu.memory_space<vmem_shared>>)
        tpu.yield
      }) : () -> ()
      %add3A_644 = arith.constant 2 : i32
      %add3A_645 = arith.addi %mul3A_615, %add3A_644 : i32
      %dma_start3A_646 = arith.constant 1 : i32
      %dma_start3A_647 = arith.constant 1 : i32
      %dma_start3A_648 = arith.constant 0 : i32
      %dma_start3A_649 = arith.constant 0 : i32
      %dma_start3A_650 = tpu.memref_slice %arg9[%dma_start3A_647, %dma_start3A_648, %dma_start3A_649] : memref<2x80x128xf32, #tpu.memory_space<vmem>> -> memref<1x80x128xf32, #tpu.memory_space<vmem>>
      %dma_start3A_651 = tpu.memref_squeeze %dma_start3A_650 : memref<1x80x128xf32, #tpu.memory_space<vmem>> -> memref<80x128xf32, #tpu.memory_space<vmem>>
      %dma_start3A_652 = arith.constant 0 : i32
      %dma_start3A_653 = tpu.memref_slice %arg7[%dma_start3A_646, %add3A_645, %dma_start3A_652] : memref<2x25x80xi32, #tpu.memory_space<vmem>> -> memref<1x1x80xi32, #tpu.memory_space<vmem>>
      %dma_start3A_654 = tpu.memref_squeeze %dma_start3A_653 : memref<1x1x80xi32, #tpu.memory_space<vmem>> -> memref<80xi32, #tpu.memory_space<vmem>>
      %dma_start3A_655 = arith.constant 0 : i32
      %dma_start3A_656 = arith.constant 0 : i32
      %dma_start3A_657 = tpu.memref_slice %arg2[%dma_start3A_655, %dma_start3A_656] : memref<10000x128xf32, #tpu.memory_space<hbm>> -> memref<10000x128xf32, #tpu.memory_space<hbm>>
      tpu.enqueue_indirect_dma source(%dma_start3A_657 : memref<10000x128xf32, #tpu.memory_space<hbm>>) target(%dma_start3A_651 : memref<80x128xf32, #tpu.memory_space<vmem>>) offsets(%dma_start3A_654 : memref<80xi32, #tpu.memory_space<vmem>>) semaphore(%arg11 : memref<!tpu.dma_semaphore, #tpu.memory_space<semaphore_mem>>)
      %add3A_658 = arith.constant 1 : i32
      %add3A_659 = arith.addi %mul3A_615, %add3A_658 : i32
      %dma_wait3A_660 = arith.constant 1 : i32
      %dma_wait3A_661 = arith.constant 0 : i32
      %dma_wait3A_662 = arith.constant 0 : i32
      %dma_wait3A_663 = arith.constant 0 : i32
      %dma_wait3A_664 = tpu.memref_slice %arg9[%dma_wait3A_661, %dma_wait3A_662, %dma_wait3A_663] : memref<2x80x128xf32, #tpu.memory_space<vmem>> -> memref<1x80x128xf32, #tpu.memory_space<vmem>>
      %dma_wait3A_665 = tpu.memref_squeeze %dma_wait3A_664 : memref<1x80x128xf32, #tpu.memory_space<vmem>> -> memref<80x128xf32, #tpu.memory_space<vmem>>
      %dma_wait3A_666 = arith.constant 0 : i32
      %dma_wait3A_667 = tpu.memref_slice %arg7[%dma_wait3A_660, %add3A_659, %dma_wait3A_666] : memref<2x25x80xi32, #tpu.memory_space<vmem>> -> memref<1x1x80xi32, #tpu.memory_space<vmem>>
      %dma_wait3A_668 = tpu.memref_squeeze %dma_wait3A_667 : memref<1x1x80xi32, #tpu.memory_space<vmem>> -> memref<80xi32, #tpu.memory_space<vmem>>
      %dma_wait3A_669 = arith.constant 0 : i32
      %dma_wait3A_670 = arith.constant 0 : i32
      %dma_wait3A_671 = tpu.memref_slice %arg2[%dma_wait3A_669, %dma_wait3A_670] : memref<10000x128xf32, #tpu.memory_space<hbm>> -> memref<10000x128xf32, #tpu.memory_space<hbm>>
      tpu.wait_indirect_dma semaphore(%arg10 : memref<!tpu.dma_semaphore, #tpu.memory_space<semaphore_mem>>) src(%dma_wait3A_671 : memref<10000x128xf32, #tpu.memory_space<hbm>>) dst(%dma_wait3A_665 : memref<80x128xf32, #tpu.memory_space<vmem>>)
      %add3A_672 = arith.constant 1 : i32
      %add3A_673 = arith.addi %mul3A_615, %add3A_672 : i32
      %run_scoped3A_674 = arith.constant 0 : i32
      %run_scoped3A_675 = arith.constant 1 : i32
      "tpu.region"() ({
        %run_scoped3A_676 = tpu.sem_alloc : memref<!tpu.dma_semaphore, #tpu.memory_space<semaphore_mem>>
        %dma_start3A_677 = arith.constant 0 : i32
        %dma_start3A_678 = arith.constant 0 : i32
        %dma_start3A_679 = tpu.memref_slice %arg9[%run_scoped3A_674, %dma_start3A_677, %dma_start3A_678] : memref<2x80x128xf32, #tpu.memory_space<vmem>> -> memref<1x80x128xf32, #tpu.memory_space<vmem>>
        %dma_start3A_680 = tpu.memref_squeeze %dma_start3A_679 : memref<1x80x128xf32, #tpu.memory_space<vmem>> -> memref<80x128xf32, #tpu.memory_space<vmem>>
        %dma_start3A_681 = arith.constant 0 : i32
        %dma_start3A_682 = tpu.memref_slice %arg8[%run_scoped3A_675, %add3A_673, %dma_start3A_681] : memref<2x25x80xi32, #tpu.memory_space<vmem>> -> memref<1x1x80xi32, #tpu.memory_space<vmem>>
        %dma_start3A_683 = tpu.memref_squeeze %dma_start3A_682 : memref<1x1x80xi32, #tpu.memory_space<vmem>> -> memref<80xi32, #tpu.memory_space<vmem>>
        %dma_start3A_684 = arith.constant 0 : i32
        %dma_start3A_685 = arith.constant 0 : i32
        %dma_start3A_686 = tpu.memref_slice %arg14[%dma_start3A_684, %dma_start3A_685] : memref<10240x128xf32, #tpu.memory_space<vmem_shared>> -> memref<10240x128xf32, #tpu.memory_space<vmem_shared>>
        tpu.enqueue_indirect_dma source(%dma_start3A_680 : memref<80x128xf32, #tpu.memory_space<vmem>>) target(%dma_start3A_686 : memref<10240x128xf32, #tpu.memory_space<vmem_shared>>) offsets(%dma_start3A_683 : memref<80xi32, #tpu.memory_space<vmem>>) semaphore(%run_scoped3A_676 : memref<!tpu.dma_semaphore, #tpu.memory_space<semaphore_mem>>) {add = true}
        %dma_wait3A_687 = arith.constant 0 : i32
        %dma_wait3A_688 = arith.constant 0 : i32
        %dma_wait3A_689 = tpu.memref_slice %arg9[%run_scoped3A_674, %dma_wait3A_687, %dma_wait3A_688] : memref<2x80x128xf32, #tpu.memory_space<vmem>> -> memref<1x80x128xf32, #tpu.memory_space<vmem>>
        %dma_wait3A_690 = tpu.memref_squeeze %dma_wait3A_689 : memref<1x80x128xf32, #tpu.memory_space<vmem>> -> memref<80x128xf32, #tpu.memory_space<vmem>>
        %dma_wait3A_691 = arith.constant 0 : i32
        %dma_wait3A_692 = tpu.memref_slice %arg8[%run_scoped3A_675, %add3A_673, %dma_wait3A_691] : memref<2x25x80xi32, #tpu.memory_space<vmem>> -> memref<1x1x80xi32, #tpu.memory_space<vmem>>
        %dma_wait3A_693 = tpu.memref_squeeze %dma_wait3A_692 : memref<1x1x80xi32, #tpu.memory_space<vmem>> -> memref<80xi32, #tpu.memory_space<vmem>>
        %dma_wait3A_694 = arith.constant 0 : i32
        %dma_wait3A_695 = arith.constant 0 : i32
        %dma_wait3A_696 = tpu.memref_slice %arg14[%dma_wait3A_694, %dma_wait3A_695] : memref<10240x128xf32, #tpu.memory_space<vmem_shared>> -> memref<10240x128xf32, #tpu.memory_space<vmem_shared>>
        tpu.wait_indirect_dma semaphore(%run_scoped3A_676 : memref<!tpu.dma_semaphore, #tpu.memory_space<semaphore_mem>>) src(%dma_wait3A_690 : memref<80x128xf32, #tpu.memory_space<vmem>>) dst(%dma_wait3A_696 : memref<10240x128xf32, #tpu.memory_space<vmem_shared>>)
        tpu.yield
      }) : () -> ()
    }
    %scan3A_276 = arith.constant 12 : i32
    %mul3A_277 = arith.constant 5 : i32
    %mul3A_278 = arith.muli %add3A, %mul3A_277 : i32
    %add3A_279 = arith.constant 2 : i32
    %add3A_280 = arith.addi %mul3A_278, %add3A_279 : i32
    %dma_wait3A_281 = arith.constant 0 : i32
    %dma_wait3A_282 = arith.constant 0 : i32
    %dma_wait3A_283 = arith.constant 0 : i32
    %dma_wait3A_284 = tpu.memref_slice %arg7[%dma_wait3A_281, %dma_wait3A_282, %dma_wait3A_283] : memref<2x25x80xi32, #tpu.memory_space<vmem>> -> memref<1x25x80xi32, #tpu.memory_space<vmem>>
    %dma_wait3A_285 = tpu.memref_squeeze %dma_wait3A_284 : memref<1x25x80xi32, #tpu.memory_space<vmem>> -> memref<25x80xi32, #tpu.memory_space<vmem>>
    %dma_wait3A_286 = arith.constant 0 : i32
    %dma_wait3A_287 = arith.constant 0 : i32
    %dma_wait3A_288 = tpu.memref_slice %arg3[%add3A_280, %dma_wait3A_286, %dma_wait3A_287] : memref<160x25x80xi32, #tpu.memory_space<hbm>> -> memref<1x25x80xi32, #tpu.memory_space<hbm>>
    %dma_wait3A_289 = tpu.memref_squeeze %dma_wait3A_288 : memref<1x25x80xi32, #tpu.memory_space<hbm>> -> memref<25x80xi32, #tpu.memory_space<hbm>>
    %dma_wait3A_290 = arith.constant 0 : i32
    %dma_wait3A_291 = arith.constant 0 : i32
    %dma_wait3A_292 = tpu.memref_slice %arg7[%dma_wait3A_281, %dma_wait3A_290, %dma_wait3A_291] : memref<2x25x80xi32, #tpu.memory_space<vmem>> -> memref<1x25x80xi32, #tpu.memory_space<vmem>>
    %dma_wait3A_293 = tpu.memref_squeeze %dma_wait3A_292 : memref<1x25x80xi32, #tpu.memory_space<vmem>> -> memref<25x80xi32, #tpu.memory_space<vmem>>
    %dma_wait3A_294 = arith.constant 0 : i32
    %dma_wait3A_295 = arith.constant 0 : i32
    %dma_wait3A_296 = tpu.memref_slice %arg3[%add3A_280, %dma_wait3A_294, %dma_wait3A_295] : memref<160x25x80xi32, #tpu.memory_space<hbm>> -> memref<1x25x80xi32, #tpu.memory_space<hbm>>
    %dma_wait3A_297 = tpu.memref_squeeze %dma_wait3A_296 : memref<1x25x80xi32, #tpu.memory_space<hbm>> -> memref<25x80xi32, #tpu.memory_space<hbm>>
    tpu.wait_dma2 semaphore(%arg13 : memref<!tpu.dma_semaphore, #tpu.memory_space<semaphore_mem>>) src(%dma_wait3A_297 : memref<25x80xi32, #tpu.memory_space<hbm>>) dst(%dma_wait3A_293 : memref<25x80xi32, #tpu.memory_space<vmem>>)
    %mul3A_298 = arith.constant 5 : i32
    %mul3A_299 = arith.muli %add3A, %mul3A_298 : i32
    %add3A_300 = arith.constant 2 : i32
    %add3A_301 = arith.addi %mul3A_299, %add3A_300 : i32
    %dma_wait3A_302 = arith.constant 0 : i32
    %dma_wait3A_303 = arith.constant 0 : i32
    %dma_wait3A_304 = arith.constant 0 : i32
    %dma_wait3A_305 = tpu.memref_slice %arg8[%dma_wait3A_302, %dma_wait3A_303, %dma_wait3A_304] : memref<2x25x80xi32, #tpu.memory_space<vmem>> -> memref<1x25x80xi32, #tpu.memory_space<vmem>>
    %dma_wait3A_306 = tpu.memref_squeeze %dma_wait3A_305 : memref<1x25x80xi32, #tpu.memory_space<vmem>> -> memref<25x80xi32, #tpu.memory_space<vmem>>
    %dma_wait3A_307 = arith.constant 0 : i32
    %dma_wait3A_308 = arith.constant 0 : i32
    %dma_wait3A_309 = tpu.memref_slice %arg4[%add3A_301, %dma_wait3A_307, %dma_wait3A_308] : memref<160x25x80xi32, #tpu.memory_space<hbm>> -> memref<1x25x80xi32, #tpu.memory_space<hbm>>
    %dma_wait3A_310 = tpu.memref_squeeze %dma_wait3A_309 : memref<1x25x80xi32, #tpu.memory_space<hbm>> -> memref<25x80xi32, #tpu.memory_space<hbm>>
    %dma_wait3A_311 = arith.constant 0 : i32
    %dma_wait3A_312 = arith.constant 0 : i32
    %dma_wait3A_313 = tpu.memref_slice %arg8[%dma_wait3A_302, %dma_wait3A_311, %dma_wait3A_312] : memref<2x25x80xi32, #tpu.memory_space<vmem>> -> memref<1x25x80xi32, #tpu.memory_space<vmem>>
    %dma_wait3A_314 = tpu.memref_squeeze %dma_wait3A_313 : memref<1x25x80xi32, #tpu.memory_space<vmem>> -> memref<25x80xi32, #tpu.memory_space<vmem>>
    %dma_wait3A_315 = arith.constant 0 : i32
    %dma_wait3A_316 = arith.constant 0 : i32
    %dma_wait3A_317 = tpu.memref_slice %arg4[%add3A_301, %dma_wait3A_315, %dma_wait3A_316] : memref<160x25x80xi32, #tpu.memory_space<hbm>> -> memref<1x25x80xi32, #tpu.memory_space<hbm>>
    %dma_wait3A_318 = tpu.memref_squeeze %dma_wait3A_317 : memref<1x25x80xi32, #tpu.memory_space<hbm>> -> memref<25x80xi32, #tpu.memory_space<hbm>>
    tpu.wait_dma2 semaphore(%arg13 : memref<!tpu.dma_semaphore, #tpu.memory_space<semaphore_mem>>) src(%dma_wait3A_318 : memref<25x80xi32, #tpu.memory_space<hbm>>) dst(%dma_wait3A_314 : memref<25x80xi32, #tpu.memory_space<vmem>>)
    %dma_start3A_319 = arith.constant 0 : i32
    %dma_start3A_320 = arith.constant 0 : i32
    %dma_start3A_321 = arith.constant 0 : i32
    %dma_start3A_322 = arith.constant 0 : i32
    %dma_start3A_323 = arith.constant 0 : i32
    %dma_start3A_324 = tpu.memref_slice %arg9[%dma_start3A_321, %dma_start3A_322, %dma_start3A_323] : memref<2x80x128xf32, #tpu.memory_space<vmem>> -> memref<1x80x128xf32, #tpu.memory_space<vmem>>
    %dma_start3A_325 = tpu.memref_squeeze %dma_start3A_324 : memref<1x80x128xf32, #tpu.memory_space<vmem>> -> memref<80x128xf32, #tpu.memory_space<vmem>>
    %dma_start3A_326 = arith.constant 0 : i32
    %dma_start3A_327 = tpu.memref_slice %arg7[%dma_start3A_319, %dma_start3A_320, %dma_start3A_326] : memref<2x25x80xi32, #tpu.memory_space<vmem>> -> memref<1x1x80xi32, #tpu.memory_space<vmem>>
    %dma_start3A_328 = tpu.memref_squeeze %dma_start3A_327 : memref<1x1x80xi32, #tpu.memory_space<vmem>> -> memref<80xi32, #tpu.memory_space<vmem>>
    %dma_start3A_329 = arith.constant 0 : i32
    %dma_start3A_330 = arith.constant 0 : i32
    %dma_start3A_331 = tpu.memref_slice %arg2[%dma_start3A_329, %dma_start3A_330] : memref<10000x128xf32, #tpu.memory_space<hbm>> -> memref<10000x128xf32, #tpu.memory_space<hbm>>
    tpu.enqueue_indirect_dma source(%dma_start3A_331 : memref<10000x128xf32, #tpu.memory_space<hbm>>) target(%dma_start3A_325 : memref<80x128xf32, #tpu.memory_space<vmem>>) offsets(%dma_start3A_328 : memref<80xi32, #tpu.memory_space<vmem>>) semaphore(%arg10 : memref<!tpu.dma_semaphore, #tpu.memory_space<semaphore_mem>>)
    %dma_wait3A_332 = arith.constant 1 : i32
    %dma_wait3A_333 = arith.constant 24 : i32
    %dma_wait3A_334 = arith.constant 1 : i32
    %dma_wait3A_335 = arith.constant 0 : i32
    %dma_wait3A_336 = arith.constant 0 : i32
    %dma_wait3A_337 = tpu.memref_slice %arg9[%dma_wait3A_334, %dma_wait3A_335, %dma_wait3A_336] : memref<2x80x128xf32, #tpu.memory_space<vmem>> -> memref<1x80x128xf32, #tpu.memory_space<vmem>>
    %dma_wait3A_338 = tpu.memref_squeeze %dma_wait3A_337 : memref<1x80x128xf32, #tpu.memory_space<vmem>> -> memref<80x128xf32, #tpu.memory_space<vmem>>
    %dma_wait3A_339 = arith.constant 0 : i32
    %dma_wait3A_340 = tpu.memref_slice %arg7[%dma_wait3A_332, %dma_wait3A_333, %dma_wait3A_339] : memref<2x25x80xi32, #tpu.memory_space<vmem>> -> memref<1x1x80xi32, #tpu.memory_space<vmem>>
    %dma_wait3A_341 = tpu.memref_squeeze %dma_wait3A_340 : memref<1x1x80xi32, #tpu.memory_space<vmem>> -> memref<80xi32, #tpu.memory_space<vmem>>
    %dma_wait3A_342 = arith.constant 0 : i32
    %dma_wait3A_343 = arith.constant 0 : i32
    %dma_wait3A_344 = tpu.memref_slice %arg2[%dma_wait3A_342, %dma_wait3A_343] : memref<10000x128xf32, #tpu.memory_space<hbm>> -> memref<10000x128xf32, #tpu.memory_space<hbm>>
    tpu.wait_indirect_dma semaphore(%arg11 : memref<!tpu.dma_semaphore, #tpu.memory_space<semaphore_mem>>) src(%dma_wait3A_344 : memref<10000x128xf32, #tpu.memory_space<hbm>>) dst(%dma_wait3A_338 : memref<80x128xf32, #tpu.memory_space<vmem>>)
    %run_scoped3A_345 = arith.constant 1 : i32
    %run_scoped3A_346 = arith.constant 1 : i32
    %run_scoped3A_347 = arith.constant 24 : i32
    "tpu.region"() ({
      %run_scoped3A_613 = tpu.sem_alloc : memref<!tpu.dma_semaphore, #tpu.memory_space<semaphore_mem>>
      %dma_start3A_614 = arith.constant 0 : i32
      %dma_start3A_615 = arith.constant 0 : i32
      %dma_start3A_616 = tpu.memref_slice %arg9[%run_scoped3A_345, %dma_start3A_614, %dma_start3A_615] : memref<2x80x128xf32, #tpu.memory_space<vmem>> -> memref<1x80x128xf32, #tpu.memory_space<vmem>>
      %dma_start3A_617 = tpu.memref_squeeze %dma_start3A_616 : memref<1x80x128xf32, #tpu.memory_space<vmem>> -> memref<80x128xf32, #tpu.memory_space<vmem>>
      %dma_start3A_618 = arith.constant 0 : i32
      %dma_start3A_619 = tpu.memref_slice %arg8[%run_scoped3A_346, %run_scoped3A_347, %dma_start3A_618] : memref<2x25x80xi32, #tpu.memory_space<vmem>> -> memref<1x1x80xi32, #tpu.memory_space<vmem>>
      %dma_start3A_620 = tpu.memref_squeeze %dma_start3A_619 : memref<1x1x80xi32, #tpu.memory_space<vmem>> -> memref<80xi32, #tpu.memory_space<vmem>>
      %dma_start3A_621 = arith.constant 0 : i32
      %dma_start3A_622 = arith.constant 0 : i32
      %dma_start3A_623 = tpu.memref_slice %arg14[%dma_start3A_621, %dma_start3A_622] : memref<10240x128xf32, #tpu.memory_space<vmem_shared>> -> memref<10240x128xf32, #tpu.memory_space<vmem_shared>>
      tpu.enqueue_indirect_dma source(%dma_start3A_617 : memref<80x128xf32, #tpu.memory_space<vmem>>) target(%dma_start3A_623 : memref<10240x128xf32, #tpu.memory_space<vmem_shared>>) offsets(%dma_start3A_620 : memref<80xi32, #tpu.memory_space<vmem>>) semaphore(%run_scoped3A_613 : memref<!tpu.dma_semaphore, #tpu.memory_space<semaphore_mem>>) {add = true}
      %dma_wait3A_624 = arith.constant 0 : i32
      %dma_wait3A_625 = arith.constant 0 : i32
      %dma_wait3A_626 = tpu.memref_slice %arg9[%run_scoped3A_345, %dma_wait3A_624, %dma_wait3A_625] : memref<2x80x128xf32, #tpu.memory_space<vmem>> -> memref<1x80x128xf32, #tpu.memory_space<vmem>>
      %dma_wait3A_627 = tpu.memref_squeeze %dma_wait3A_626 : memref<1x80x128xf32, #tpu.memory_space<vmem>> -> memref<80x128xf32, #tpu.memory_space<vmem>>
      %dma_wait3A_628 = arith.constant 0 : i32
      %dma_wait3A_629 = tpu.memref_slice %arg8[%run_scoped3A_346, %run_scoped3A_347, %dma_wait3A_628] : memref<2x25x80xi32, #tpu.memory_space<vmem>> -> memref<1x1x80xi32, #tpu.memory_space<vmem>>
      %dma_wait3A_630 = tpu.memref_squeeze %dma_wait3A_629 : memref<1x1x80xi32, #tpu.memory_space<vmem>> -> memref<80xi32, #tpu.memory_space<vmem>>
      %dma_wait3A_631 = arith.constant 0 : i32
      %dma_wait3A_632 = arith.constant 0 : i32
      %dma_wait3A_633 = tpu.memref_slice %arg14[%dma_wait3A_631, %dma_wait3A_632] : memref<10240x128xf32, #tpu.memory_space<vmem_shared>> -> memref<10240x128xf32, #tpu.memory_space<vmem_shared>>
      tpu.wait_indirect_dma semaphore(%run_scoped3A_613 : memref<!tpu.dma_semaphore, #tpu.memory_space<semaphore_mem>>) src(%dma_wait3A_627 : memref<80x128xf32, #tpu.memory_space<vmem>>) dst(%dma_wait3A_633 : memref<10240x128xf32, #tpu.memory_space<vmem_shared>>)
      tpu.yield
    }) : () -> ()
    %mul3A_348 = arith.constant 5 : i32
    %mul3A_349 = arith.muli %add3A, %mul3A_348 : i32
    %add3A_350 = arith.constant 3 : i32
    %add3A_351 = arith.addi %mul3A_349, %add3A_350 : i32
    %dma_start3A_352 = arith.constant 1 : i32
    %dma_start3A_353 = arith.constant 0 : i32
    %dma_start3A_354 = arith.constant 0 : i32
    %dma_start3A_355 = tpu.memref_slice %arg7[%dma_start3A_352, %dma_start3A_353, %dma_start3A_354] : memref<2x25x80xi32, #tpu.memory_space<vmem>> -> memref<1x25x80xi32, #tpu.memory_space<vmem>>
    %dma_start3A_356 = tpu.memref_squeeze %dma_start3A_355 : memref<1x25x80xi32, #tpu.memory_space<vmem>> -> memref<25x80xi32, #tpu.memory_space<vmem>>
    %dma_start3A_357 = arith.constant 0 : i32
    %dma_start3A_358 = arith.constant 0 : i32
    %dma_start3A_359 = tpu.memref_slice %arg3[%add3A_351, %dma_start3A_357, %dma_start3A_358] : memref<160x25x80xi32, #tpu.memory_space<hbm>> -> memref<1x25x80xi32, #tpu.memory_space<hbm>>
    %dma_start3A_360 = tpu.memref_squeeze %dma_start3A_359 : memref<1x25x80xi32, #tpu.memory_space<hbm>> -> memref<25x80xi32, #tpu.memory_space<hbm>>
    %dma_start3A_361 = arith.constant 0 : i32
    %dma_start3A_362 = arith.constant 0 : i32
    %dma_start3A_363 = tpu.memref_slice %arg7[%dma_start3A_352, %dma_start3A_361, %dma_start3A_362] : memref<2x25x80xi32, #tpu.memory_space<vmem>> -> memref<1x25x80xi32, #tpu.memory_space<vmem>>
    %dma_start3A_364 = tpu.memref_squeeze %dma_start3A_363 : memref<1x25x80xi32, #tpu.memory_space<vmem>> -> memref<25x80xi32, #tpu.memory_space<vmem>>
    %dma_start3A_365 = arith.constant 0 : i32
    %dma_start3A_366 = arith.constant 0 : i32
    %dma_start3A_367 = tpu.memref_slice %arg3[%add3A_351, %dma_start3A_365, %dma_start3A_366] : memref<160x25x80xi32, #tpu.memory_space<hbm>> -> memref<1x25x80xi32, #tpu.memory_space<hbm>>
    %dma_start3A_368 = tpu.memref_squeeze %dma_start3A_367 : memref<1x25x80xi32, #tpu.memory_space<hbm>> -> memref<25x80xi32, #tpu.memory_space<hbm>>
    tpu.enqueue_dma source(%dma_start3A_368 : memref<25x80xi32, #tpu.memory_space<hbm>>) target(%dma_start3A_364 : memref<25x80xi32, #tpu.memory_space<vmem>>) target_semaphore(%arg13 : memref<!tpu.dma_semaphore, #tpu.memory_space<semaphore_mem>>)
    %mul3A_369 = arith.constant 5 : i32
    %mul3A_370 = arith.muli %add3A, %mul3A_369 : i32
    %add3A_371 = arith.constant 3 : i32
    %add3A_372 = arith.addi %mul3A_370, %add3A_371 : i32
    %dma_start3A_373 = arith.constant 1 : i32
    %dma_start3A_374 = arith.constant 0 : i32
    %dma_start3A_375 = arith.constant 0 : i32
    %dma_start3A_376 = tpu.memref_slice %arg8[%dma_start3A_373, %dma_start3A_374, %dma_start3A_375] : memref<2x25x80xi32, #tpu.memory_space<vmem>> -> memref<1x25x80xi32, #tpu.memory_space<vmem>>
    %dma_start3A_377 = tpu.memref_squeeze %dma_start3A_376 : memref<1x25x80xi32, #tpu.memory_space<vmem>> -> memref<25x80xi32, #tpu.memory_space<vmem>>
    %dma_start3A_378 = arith.constant 0 : i32
    %dma_start3A_379 = arith.constant 0 : i32
    %dma_start3A_380 = tpu.memref_slice %arg4[%add3A_372, %dma_start3A_378, %dma_start3A_379] : memref<160x25x80xi32, #tpu.memory_space<hbm>> -> memref<1x25x80xi32, #tpu.memory_space<hbm>>
    %dma_start3A_381 = tpu.memref_squeeze %dma_start3A_380 : memref<1x25x80xi32, #tpu.memory_space<hbm>> -> memref<25x80xi32, #tpu.memory_space<hbm>>
    %dma_start3A_382 = arith.constant 0 : i32
    %dma_start3A_383 = arith.constant 0 : i32
    %dma_start3A_384 = tpu.memref_slice %arg8[%dma_start3A_373, %dma_start3A_382, %dma_start3A_383] : memref<2x25x80xi32, #tpu.memory_space<vmem>> -> memref<1x25x80xi32, #tpu.memory_space<vmem>>
    %dma_start3A_385 = tpu.memref_squeeze %dma_start3A_384 : memref<1x25x80xi32, #tpu.memory_space<vmem>> -> memref<25x80xi32, #tpu.memory_space<vmem>>
    %dma_start3A_386 = arith.constant 0 : i32
    %dma_start3A_387 = arith.constant 0 : i32
    %dma_start3A_388 = tpu.memref_slice %arg4[%add3A_372, %dma_start3A_386, %dma_start3A_387] : memref<160x25x80xi32, #tpu.memory_space<hbm>> -> memref<1x25x80xi32, #tpu.memory_space<hbm>>
    %dma_start3A_389 = tpu.memref_squeeze %dma_start3A_388 : memref<1x25x80xi32, #tpu.memory_space<hbm>> -> memref<25x80xi32, #tpu.memory_space<hbm>>
    tpu.enqueue_dma source(%dma_start3A_389 : memref<25x80xi32, #tpu.memory_space<hbm>>) target(%dma_start3A_385 : memref<25x80xi32, #tpu.memory_space<vmem>>) target_semaphore(%arg13 : memref<!tpu.dma_semaphore, #tpu.memory_space<semaphore_mem>>)
    %scan3A_390 = arith.constant 0 : i32
    %scan3A_391 = arith.constant 0 : i32
    %scan3A_392 = arith.constant 12 : i32
    %scan3A_393 = arith.addi %scan3A_391, %scan3A_392 : i32
    %scan3A_394 = arith.constant 1 : i32
    scf.for %scan3A_613 = %scan3A_391 to %scan3A_393 step %scan3A_394  : i32 {
      %mul3A_614 = arith.constant 2 : i32
      %mul3A_615 = arith.muli %mul3A_614, %scan3A_613 : i32
      %add3A_616 = arith.constant 1 : i32
      %add3A_617 = arith.addi %mul3A_615, %add3A_616 : i32
      %dma_start3A_618 = arith.constant 0 : i32
      %dma_start3A_619 = arith.constant 1 : i32
      %dma_start3A_620 = arith.constant 0 : i32
      %dma_start3A_621 = arith.constant 0 : i32
      %dma_start3A_622 = tpu.memref_slice %arg9[%dma_start3A_619, %dma_start3A_620, %dma_start3A_621] : memref<2x80x128xf32, #tpu.memory_space<vmem>> -> memref<1x80x128xf32, #tpu.memory_space<vmem>>
      %dma_start3A_623 = tpu.memref_squeeze %dma_start3A_622 : memref<1x80x128xf32, #tpu.memory_space<vmem>> -> memref<80x128xf32, #tpu.memory_space<vmem>>
      %dma_start3A_624 = arith.constant 0 : i32
      %dma_start3A_625 = tpu.memref_slice %arg7[%dma_start3A_618, %add3A_617, %dma_start3A_624] : memref<2x25x80xi32, #tpu.memory_space<vmem>> -> memref<1x1x80xi32, #tpu.memory_space<vmem>>
      %dma_start3A_626 = tpu.memref_squeeze %dma_start3A_625 : memref<1x1x80xi32, #tpu.memory_space<vmem>> -> memref<80xi32, #tpu.memory_space<vmem>>
      %dma_start3A_627 = arith.constant 0 : i32
      %dma_start3A_628 = arith.constant 0 : i32
      %dma_start3A_629 = tpu.memref_slice %arg2[%dma_start3A_627, %dma_start3A_628] : memref<10000x128xf32, #tpu.memory_space<hbm>> -> memref<10000x128xf32, #tpu.memory_space<hbm>>
      tpu.enqueue_indirect_dma source(%dma_start3A_629 : memref<10000x128xf32, #tpu.memory_space<hbm>>) target(%dma_start3A_623 : memref<80x128xf32, #tpu.memory_space<vmem>>) offsets(%dma_start3A_626 : memref<80xi32, #tpu.memory_space<vmem>>) semaphore(%arg11 : memref<!tpu.dma_semaphore, #tpu.memory_space<semaphore_mem>>)
      %dma_wait3A_630 = arith.constant 0 : i32
      %dma_wait3A_631 = arith.constant 0 : i32
      %dma_wait3A_632 = arith.constant 0 : i32
      %dma_wait3A_633 = arith.constant 0 : i32
      %dma_wait3A_634 = tpu.memref_slice %arg9[%dma_wait3A_631, %dma_wait3A_632, %dma_wait3A_633] : memref<2x80x128xf32, #tpu.memory_space<vmem>> -> memref<1x80x128xf32, #tpu.memory_space<vmem>>
      %dma_wait3A_635 = tpu.memref_squeeze %dma_wait3A_634 : memref<1x80x128xf32, #tpu.memory_space<vmem>> -> memref<80x128xf32, #tpu.memory_space<vmem>>
      %dma_wait3A_636 = arith.constant 0 : i32
      %dma_wait3A_637 = tpu.memref_slice %arg7[%dma_wait3A_630, %mul3A_615, %dma_wait3A_636] : memref<2x25x80xi32, #tpu.memory_space<vmem>> -> memref<1x1x80xi32, #tpu.memory_space<vmem>>
      %dma_wait3A_638 = tpu.memref_squeeze %dma_wait3A_637 : memref<1x1x80xi32, #tpu.memory_space<vmem>> -> memref<80xi32, #tpu.memory_space<vmem>>
      %dma_wait3A_639 = arith.constant 0 : i32
      %dma_wait3A_640 = arith.constant 0 : i32
      %dma_wait3A_641 = tpu.memref_slice %arg2[%dma_wait3A_639, %dma_wait3A_640] : memref<10000x128xf32, #tpu.memory_space<hbm>> -> memref<10000x128xf32, #tpu.memory_space<hbm>>
      tpu.wait_indirect_dma semaphore(%arg10 : memref<!tpu.dma_semaphore, #tpu.memory_space<semaphore_mem>>) src(%dma_wait3A_641 : memref<10000x128xf32, #tpu.memory_space<hbm>>) dst(%dma_wait3A_635 : memref<80x128xf32, #tpu.memory_space<vmem>>)
      %run_scoped3A_642 = arith.constant 0 : i32
      %run_scoped3A_643 = arith.constant 0 : i32
      "tpu.region"() ({
        %run_scoped3A_676 = tpu.sem_alloc : memref<!tpu.dma_semaphore, #tpu.memory_space<semaphore_mem>>
        %dma_start3A_677 = arith.constant 0 : i32
        %dma_start3A_678 = arith.constant 0 : i32
        %dma_start3A_679 = tpu.memref_slice %arg9[%run_scoped3A_642, %dma_start3A_677, %dma_start3A_678] : memref<2x80x128xf32, #tpu.memory_space<vmem>> -> memref<1x80x128xf32, #tpu.memory_space<vmem>>
        %dma_start3A_680 = tpu.memref_squeeze %dma_start3A_679 : memref<1x80x128xf32, #tpu.memory_space<vmem>> -> memref<80x128xf32, #tpu.memory_space<vmem>>
        %dma_start3A_681 = arith.constant 0 : i32
        %dma_start3A_682 = tpu.memref_slice %arg8[%run_scoped3A_643, %mul3A_615, %dma_start3A_681] : memref<2x25x80xi32, #tpu.memory_space<vmem>> -> memref<1x1x80xi32, #tpu.memory_space<vmem>>
        %dma_start3A_683 = tpu.memref_squeeze %dma_start3A_682 : memref<1x1x80xi32, #tpu.memory_space<vmem>> -> memref<80xi32, #tpu.memory_space<vmem>>
        %dma_start3A_684 = arith.constant 0 : i32
        %dma_start3A_685 = arith.constant 0 : i32
        %dma_start3A_686 = tpu.memref_slice %arg14[%dma_start3A_684, %dma_start3A_685] : memref<10240x128xf32, #tpu.memory_space<vmem_shared>> -> memref<10240x128xf32, #tpu.memory_space<vmem_shared>>
        tpu.enqueue_indirect_dma source(%dma_start3A_680 : memref<80x128xf32, #tpu.memory_space<vmem>>) target(%dma_start3A_686 : memref<10240x128xf32, #tpu.memory_space<vmem_shared>>) offsets(%dma_start3A_683 : memref<80xi32, #tpu.memory_space<vmem>>) semaphore(%run_scoped3A_676 : memref<!tpu.dma_semaphore, #tpu.memory_space<semaphore_mem>>) {add = true}
        %dma_wait3A_687 = arith.constant 0 : i32
        %dma_wait3A_688 = arith.constant 0 : i32
        %dma_wait3A_689 = tpu.memref_slice %arg9[%run_scoped3A_642, %dma_wait3A_687, %dma_wait3A_688] : memref<2x80x128xf32, #tpu.memory_space<vmem>> -> memref<1x80x128xf32, #tpu.memory_space<vmem>>
        %dma_wait3A_690 = tpu.memref_squeeze %dma_wait3A_689 : memref<1x80x128xf32, #tpu.memory_space<vmem>> -> memref<80x128xf32, #tpu.memory_space<vmem>>
        %dma_wait3A_691 = arith.constant 0 : i32
        %dma_wait3A_692 = tpu.memref_slice %arg8[%run_scoped3A_643, %mul3A_615, %dma_wait3A_691] : memref<2x25x80xi32, #tpu.memory_space<vmem>> -> memref<1x1x80xi32, #tpu.memory_space<vmem>>
        %dma_wait3A_693 = tpu.memref_squeeze %dma_wait3A_692 : memref<1x1x80xi32, #tpu.memory_space<vmem>> -> memref<80xi32, #tpu.memory_space<vmem>>
        %dma_wait3A_694 = arith.constant 0 : i32
        %dma_wait3A_695 = arith.constant 0 : i32
        %dma_wait3A_696 = tpu.memref_slice %arg14[%dma_wait3A_694, %dma_wait3A_695] : memref<10240x128xf32, #tpu.memory_space<vmem_shared>> -> memref<10240x128xf32, #tpu.memory_space<vmem_shared>>
        tpu.wait_indirect_dma semaphore(%run_scoped3A_676 : memref<!tpu.dma_semaphore, #tpu.memory_space<semaphore_mem>>) src(%dma_wait3A_690 : memref<80x128xf32, #tpu.memory_space<vmem>>) dst(%dma_wait3A_696 : memref<10240x128xf32, #tpu.memory_space<vmem_shared>>)
        tpu.yield
      }) : () -> ()
      %add3A_644 = arith.constant 2 : i32
      %add3A_645 = arith.addi %mul3A_615, %add3A_644 : i32
      %dma_start3A_646 = arith.constant 0 : i32
      %dma_start3A_647 = arith.constant 0 : i32
      %dma_start3A_648 = arith.constant 0 : i32
      %dma_start3A_649 = arith.constant 0 : i32
      %dma_start3A_650 = tpu.memref_slice %arg9[%dma_start3A_647, %dma_start3A_648, %dma_start3A_649] : memref<2x80x128xf32, #tpu.memory_space<vmem>> -> memref<1x80x128xf32, #tpu.memory_space<vmem>>
      %dma_start3A_651 = tpu.memref_squeeze %dma_start3A_650 : memref<1x80x128xf32, #tpu.memory_space<vmem>> -> memref<80x128xf32, #tpu.memory_space<vmem>>
      %dma_start3A_652 = arith.constant 0 : i32
      %dma_start3A_653 = tpu.memref_slice %arg7[%dma_start3A_646, %add3A_645, %dma_start3A_652] : memref<2x25x80xi32, #tpu.memory_space<vmem>> -> memref<1x1x80xi32, #tpu.memory_space<vmem>>
      %dma_start3A_654 = tpu.memref_squeeze %dma_start3A_653 : memref<1x1x80xi32, #tpu.memory_space<vmem>> -> memref<80xi32, #tpu.memory_space<vmem>>
      %dma_start3A_655 = arith.constant 0 : i32
      %dma_start3A_656 = arith.constant 0 : i32
      %dma_start3A_657 = tpu.memref_slice %arg2[%dma_start3A_655, %dma_start3A_656] : memref<10000x128xf32, #tpu.memory_space<hbm>> -> memref<10000x128xf32, #tpu.memory_space<hbm>>
      tpu.enqueue_indirect_dma source(%dma_start3A_657 : memref<10000x128xf32, #tpu.memory_space<hbm>>) target(%dma_start3A_651 : memref<80x128xf32, #tpu.memory_space<vmem>>) offsets(%dma_start3A_654 : memref<80xi32, #tpu.memory_space<vmem>>) semaphore(%arg10 : memref<!tpu.dma_semaphore, #tpu.memory_space<semaphore_mem>>)
      %add3A_658 = arith.constant 1 : i32
      %add3A_659 = arith.addi %mul3A_615, %add3A_658 : i32
      %dma_wait3A_660 = arith.constant 0 : i32
      %dma_wait3A_661 = arith.constant 1 : i32
      %dma_wait3A_662 = arith.constant 0 : i32
      %dma_wait3A_663 = arith.constant 0 : i32
      %dma_wait3A_664 = tpu.memref_slice %arg9[%dma_wait3A_661, %dma_wait3A_662, %dma_wait3A_663] : memref<2x80x128xf32, #tpu.memory_space<vmem>> -> memref<1x80x128xf32, #tpu.memory_space<vmem>>
      %dma_wait3A_665 = tpu.memref_squeeze %dma_wait3A_664 : memref<1x80x128xf32, #tpu.memory_space<vmem>> -> memref<80x128xf32, #tpu.memory_space<vmem>>
      %dma_wait3A_666 = arith.constant 0 : i32
      %dma_wait3A_667 = tpu.memref_slice %arg7[%dma_wait3A_660, %add3A_659, %dma_wait3A_666] : memref<2x25x80xi32, #tpu.memory_space<vmem>> -> memref<1x1x80xi32, #tpu.memory_space<vmem>>
      %dma_wait3A_668 = tpu.memref_squeeze %dma_wait3A_667 : memref<1x1x80xi32, #tpu.memory_space<vmem>> -> memref<80xi32, #tpu.memory_space<vmem>>
      %dma_wait3A_669 = arith.constant 0 : i32
      %dma_wait3A_670 = arith.constant 0 : i32
      %dma_wait3A_671 = tpu.memref_slice %arg2[%dma_wait3A_669, %dma_wait3A_670] : memref<10000x128xf32, #tpu.memory_space<hbm>> -> memref<10000x128xf32, #tpu.memory_space<hbm>>
      tpu.wait_indirect_dma semaphore(%arg11 : memref<!tpu.dma_semaphore, #tpu.memory_space<semaphore_mem>>) src(%dma_wait3A_671 : memref<10000x128xf32, #tpu.memory_space<hbm>>) dst(%dma_wait3A_665 : memref<80x128xf32, #tpu.memory_space<vmem>>)
      %add3A_672 = arith.constant 1 : i32
      %add3A_673 = arith.addi %mul3A_615, %add3A_672 : i32
      %run_scoped3A_674 = arith.constant 1 : i32
      %run_scoped3A_675 = arith.constant 0 : i32
      "tpu.region"() ({
        %run_scoped3A_676 = tpu.sem_alloc : memref<!tpu.dma_semaphore, #tpu.memory_space<semaphore_mem>>
        %dma_start3A_677 = arith.constant 0 : i32
        %dma_start3A_678 = arith.constant 0 : i32
        %dma_start3A_679 = tpu.memref_slice %arg9[%run_scoped3A_674, %dma_start3A_677, %dma_start3A_678] : memref<2x80x128xf32, #tpu.memory_space<vmem>> -> memref<1x80x128xf32, #tpu.memory_space<vmem>>
        %dma_start3A_680 = tpu.memref_squeeze %dma_start3A_679 : memref<1x80x128xf32, #tpu.memory_space<vmem>> -> memref<80x128xf32, #tpu.memory_space<vmem>>
        %dma_start3A_681 = arith.constant 0 : i32
        %dma_start3A_682 = tpu.memref_slice %arg8[%run_scoped3A_675, %add3A_673, %dma_start3A_681] : memref<2x25x80xi32, #tpu.memory_space<vmem>> -> memref<1x1x80xi32, #tpu.memory_space<vmem>>
        %dma_start3A_683 = tpu.memref_squeeze %dma_start3A_682 : memref<1x1x80xi32, #tpu.memory_space<vmem>> -> memref<80xi32, #tpu.memory_space<vmem>>
        %dma_start3A_684 = arith.constant 0 : i32
        %dma_start3A_685 = arith.constant 0 : i32
        %dma_start3A_686 = tpu.memref_slice %arg14[%dma_start3A_684, %dma_start3A_685] : memref<10240x128xf32, #tpu.memory_space<vmem_shared>> -> memref<10240x128xf32, #tpu.memory_space<vmem_shared>>
        tpu.enqueue_indirect_dma source(%dma_start3A_680 : memref<80x128xf32, #tpu.memory_space<vmem>>) target(%dma_start3A_686 : memref<10240x128xf32, #tpu.memory_space<vmem_shared>>) offsets(%dma_start3A_683 : memref<80xi32, #tpu.memory_space<vmem>>) semaphore(%run_scoped3A_676 : memref<!tpu.dma_semaphore, #tpu.memory_space<semaphore_mem>>) {add = true}
        %dma_wait3A_687 = arith.constant 0 : i32
        %dma_wait3A_688 = arith.constant 0 : i32
        %dma_wait3A_689 = tpu.memref_slice %arg9[%run_scoped3A_674, %dma_wait3A_687, %dma_wait3A_688] : memref<2x80x128xf32, #tpu.memory_space<vmem>> -> memref<1x80x128xf32, #tpu.memory_space<vmem>>
        %dma_wait3A_690 = tpu.memref_squeeze %dma_wait3A_689 : memref<1x80x128xf32, #tpu.memory_space<vmem>> -> memref<80x128xf32, #tpu.memory_space<vmem>>
        %dma_wait3A_691 = arith.constant 0 : i32
        %dma_wait3A_692 = tpu.memref_slice %arg8[%run_scoped3A_675, %add3A_673, %dma_wait3A_691] : memref<2x25x80xi32, #tpu.memory_space<vmem>> -> memref<1x1x80xi32, #tpu.memory_space<vmem>>
        %dma_wait3A_693 = tpu.memref_squeeze %dma_wait3A_692 : memref<1x1x80xi32, #tpu.memory_space<vmem>> -> memref<80xi32, #tpu.memory_space<vmem>>
        %dma_wait3A_694 = arith.constant 0 : i32
        %dma_wait3A_695 = arith.constant 0 : i32
        %dma_wait3A_696 = tpu.memref_slice %arg14[%dma_wait3A_694, %dma_wait3A_695] : memref<10240x128xf32, #tpu.memory_space<vmem_shared>> -> memref<10240x128xf32, #tpu.memory_space<vmem_shared>>
        tpu.wait_indirect_dma semaphore(%run_scoped3A_676 : memref<!tpu.dma_semaphore, #tpu.memory_space<semaphore_mem>>) src(%dma_wait3A_690 : memref<80x128xf32, #tpu.memory_space<vmem>>) dst(%dma_wait3A_696 : memref<10240x128xf32, #tpu.memory_space<vmem_shared>>)
        tpu.yield
      }) : () -> ()
    }
    %scan3A_395 = arith.constant 12 : i32
    %mul3A_396 = arith.constant 5 : i32
    %mul3A_397 = arith.muli %add3A, %mul3A_396 : i32
    %add3A_398 = arith.constant 3 : i32
    %add3A_399 = arith.addi %mul3A_397, %add3A_398 : i32
    %dma_wait3A_400 = arith.constant 1 : i32
    %dma_wait3A_401 = arith.constant 0 : i32
    %dma_wait3A_402 = arith.constant 0 : i32
    %dma_wait3A_403 = tpu.memref_slice %arg7[%dma_wait3A_400, %dma_wait3A_401, %dma_wait3A_402] : memref<2x25x80xi32, #tpu.memory_space<vmem>> -> memref<1x25x80xi32, #tpu.memory_space<vmem>>
    %dma_wait3A_404 = tpu.memref_squeeze %dma_wait3A_403 : memref<1x25x80xi32, #tpu.memory_space<vmem>> -> memref<25x80xi32, #tpu.memory_space<vmem>>
    %dma_wait3A_405 = arith.constant 0 : i32
    %dma_wait3A_406 = arith.constant 0 : i32
    %dma_wait3A_407 = tpu.memref_slice %arg3[%add3A_399, %dma_wait3A_405, %dma_wait3A_406] : memref<160x25x80xi32, #tpu.memory_space<hbm>> -> memref<1x25x80xi32, #tpu.memory_space<hbm>>
    %dma_wait3A_408 = tpu.memref_squeeze %dma_wait3A_407 : memref<1x25x80xi32, #tpu.memory_space<hbm>> -> memref<25x80xi32, #tpu.memory_space<hbm>>
    %dma_wait3A_409 = arith.constant 0 : i32
    %dma_wait3A_410 = arith.constant 0 : i32
    %dma_wait3A_411 = tpu.memref_slice %arg7[%dma_wait3A_400, %dma_wait3A_409, %dma_wait3A_410] : memref<2x25x80xi32, #tpu.memory_space<vmem>> -> memref<1x25x80xi32, #tpu.memory_space<vmem>>
    %dma_wait3A_412 = tpu.memref_squeeze %dma_wait3A_411 : memref<1x25x80xi32, #tpu.memory_space<vmem>> -> memref<25x80xi32, #tpu.memory_space<vmem>>
    %dma_wait3A_413 = arith.constant 0 : i32
    %dma_wait3A_414 = arith.constant 0 : i32
    %dma_wait3A_415 = tpu.memref_slice %arg3[%add3A_399, %dma_wait3A_413, %dma_wait3A_414] : memref<160x25x80xi32, #tpu.memory_space<hbm>> -> memref<1x25x80xi32, #tpu.memory_space<hbm>>
    %dma_wait3A_416 = tpu.memref_squeeze %dma_wait3A_415 : memref<1x25x80xi32, #tpu.memory_space<hbm>> -> memref<25x80xi32, #tpu.memory_space<hbm>>
    tpu.wait_dma2 semaphore(%arg13 : memref<!tpu.dma_semaphore, #tpu.memory_space<semaphore_mem>>) src(%dma_wait3A_416 : memref<25x80xi32, #tpu.memory_space<hbm>>) dst(%dma_wait3A_412 : memref<25x80xi32, #tpu.memory_space<vmem>>)
    %mul3A_417 = arith.constant 5 : i32
    %mul3A_418 = arith.muli %add3A, %mul3A_417 : i32
    %add3A_419 = arith.constant 3 : i32
    %add3A_420 = arith.addi %mul3A_418, %add3A_419 : i32
    %dma_wait3A_421 = arith.constant 1 : i32
    %dma_wait3A_422 = arith.constant 0 : i32
    %dma_wait3A_423 = arith.constant 0 : i32
    %dma_wait3A_424 = tpu.memref_slice %arg8[%dma_wait3A_421, %dma_wait3A_422, %dma_wait3A_423] : memref<2x25x80xi32, #tpu.memory_space<vmem>> -> memref<1x25x80xi32, #tpu.memory_space<vmem>>
    %dma_wait3A_425 = tpu.memref_squeeze %dma_wait3A_424 : memref<1x25x80xi32, #tpu.memory_space<vmem>> -> memref<25x80xi32, #tpu.memory_space<vmem>>
    %dma_wait3A_426 = arith.constant 0 : i32
    %dma_wait3A_427 = arith.constant 0 : i32
    %dma_wait3A_428 = tpu.memref_slice %arg4[%add3A_420, %dma_wait3A_426, %dma_wait3A_427] : memref<160x25x80xi32, #tpu.memory_space<hbm>> -> memref<1x25x80xi32, #tpu.memory_space<hbm>>
    %dma_wait3A_429 = tpu.memref_squeeze %dma_wait3A_428 : memref<1x25x80xi32, #tpu.memory_space<hbm>> -> memref<25x80xi32, #tpu.memory_space<hbm>>
    %dma_wait3A_430 = arith.constant 0 : i32
    %dma_wait3A_431 = arith.constant 0 : i32
    %dma_wait3A_432 = tpu.memref_slice %arg8[%dma_wait3A_421, %dma_wait3A_430, %dma_wait3A_431] : memref<2x25x80xi32, #tpu.memory_space<vmem>> -> memref<1x25x80xi32, #tpu.memory_space<vmem>>
    %dma_wait3A_433 = tpu.memref_squeeze %dma_wait3A_432 : memref<1x25x80xi32, #tpu.memory_space<vmem>> -> memref<25x80xi32, #tpu.memory_space<vmem>>
    %dma_wait3A_434 = arith.constant 0 : i32
    %dma_wait3A_435 = arith.constant 0 : i32
    %dma_wait3A_436 = tpu.memref_slice %arg4[%add3A_420, %dma_wait3A_434, %dma_wait3A_435] : memref<160x25x80xi32, #tpu.memory_space<hbm>> -> memref<1x25x80xi32, #tpu.memory_space<hbm>>
    %dma_wait3A_437 = tpu.memref_squeeze %dma_wait3A_436 : memref<1x25x80xi32, #tpu.memory_space<hbm>> -> memref<25x80xi32, #tpu.memory_space<hbm>>
    tpu.wait_dma2 semaphore(%arg13 : memref<!tpu.dma_semaphore, #tpu.memory_space<semaphore_mem>>) src(%dma_wait3A_437 : memref<25x80xi32, #tpu.memory_space<hbm>>) dst(%dma_wait3A_433 : memref<25x80xi32, #tpu.memory_space<vmem>>)
    %dma_start3A_438 = arith.constant 1 : i32
    %dma_start3A_439 = arith.constant 0 : i32
    %dma_start3A_440 = arith.constant 1 : i32
    %dma_start3A_441 = arith.constant 0 : i32
    %dma_start3A_442 = arith.constant 0 : i32
    %dma_start3A_443 = tpu.memref_slice %arg9[%dma_start3A_440, %dma_start3A_441, %dma_start3A_442] : memref<2x80x128xf32, #tpu.memory_space<vmem>> -> memref<1x80x128xf32, #tpu.memory_space<vmem>>
    %dma_start3A_444 = tpu.memref_squeeze %dma_start3A_443 : memref<1x80x128xf32, #tpu.memory_space<vmem>> -> memref<80x128xf32, #tpu.memory_space<vmem>>
    %dma_start3A_445 = arith.constant 0 : i32
    %dma_start3A_446 = tpu.memref_slice %arg7[%dma_start3A_438, %dma_start3A_439, %dma_start3A_445] : memref<2x25x80xi32, #tpu.memory_space<vmem>> -> memref<1x1x80xi32, #tpu.memory_space<vmem>>
    %dma_start3A_447 = tpu.memref_squeeze %dma_start3A_446 : memref<1x1x80xi32, #tpu.memory_space<vmem>> -> memref<80xi32, #tpu.memory_space<vmem>>
    %dma_start3A_448 = arith.constant 0 : i32
    %dma_start3A_449 = arith.constant 0 : i32
    %dma_start3A_450 = tpu.memref_slice %arg2[%dma_start3A_448, %dma_start3A_449] : memref<10000x128xf32, #tpu.memory_space<hbm>> -> memref<10000x128xf32, #tpu.memory_space<hbm>>
    tpu.enqueue_indirect_dma source(%dma_start3A_450 : memref<10000x128xf32, #tpu.memory_space<hbm>>) target(%dma_start3A_444 : memref<80x128xf32, #tpu.memory_space<vmem>>) offsets(%dma_start3A_447 : memref<80xi32, #tpu.memory_space<vmem>>) semaphore(%arg11 : memref<!tpu.dma_semaphore, #tpu.memory_space<semaphore_mem>>)
    %dma_wait3A_451 = arith.constant 0 : i32
    %dma_wait3A_452 = arith.constant 24 : i32
    %dma_wait3A_453 = arith.constant 0 : i32
    %dma_wait3A_454 = arith.constant 0 : i32
    %dma_wait3A_455 = arith.constant 0 : i32
    %dma_wait3A_456 = tpu.memref_slice %arg9[%dma_wait3A_453, %dma_wait3A_454, %dma_wait3A_455] : memref<2x80x128xf32, #tpu.memory_space<vmem>> -> memref<1x80x128xf32, #tpu.memory_space<vmem>>
    %dma_wait3A_457 = tpu.memref_squeeze %dma_wait3A_456 : memref<1x80x128xf32, #tpu.memory_space<vmem>> -> memref<80x128xf32, #tpu.memory_space<vmem>>
    %dma_wait3A_458 = arith.constant 0 : i32
    %dma_wait3A_459 = tpu.memref_slice %arg7[%dma_wait3A_451, %dma_wait3A_452, %dma_wait3A_458] : memref<2x25x80xi32, #tpu.memory_space<vmem>> -> memref<1x1x80xi32, #tpu.memory_space<vmem>>
    %dma_wait3A_460 = tpu.memref_squeeze %dma_wait3A_459 : memref<1x1x80xi32, #tpu.memory_space<vmem>> -> memref<80xi32, #tpu.memory_space<vmem>>
    %dma_wait3A_461 = arith.constant 0 : i32
    %dma_wait3A_462 = arith.constant 0 : i32
    %dma_wait3A_463 = tpu.memref_slice %arg2[%dma_wait3A_461, %dma_wait3A_462] : memref<10000x128xf32, #tpu.memory_space<hbm>> -> memref<10000x128xf32, #tpu.memory_space<hbm>>
    tpu.wait_indirect_dma semaphore(%arg10 : memref<!tpu.dma_semaphore, #tpu.memory_space<semaphore_mem>>) src(%dma_wait3A_463 : memref<10000x128xf32, #tpu.memory_space<hbm>>) dst(%dma_wait3A_457 : memref<80x128xf32, #tpu.memory_space<vmem>>)
    %run_scoped3A_464 = arith.constant 0 : i32
    %run_scoped3A_465 = arith.constant 0 : i32
    %run_scoped3A_466 = arith.constant 24 : i32
    "tpu.region"() ({
      %run_scoped3A_613 = tpu.sem_alloc : memref<!tpu.dma_semaphore, #tpu.memory_space<semaphore_mem>>
      %dma_start3A_614 = arith.constant 0 : i32
      %dma_start3A_615 = arith.constant 0 : i32
      %dma_start3A_616 = tpu.memref_slice %arg9[%run_scoped3A_464, %dma_start3A_614, %dma_start3A_615] : memref<2x80x128xf32, #tpu.memory_space<vmem>> -> memref<1x80x128xf32, #tpu.memory_space<vmem>>
      %dma_start3A_617 = tpu.memref_squeeze %dma_start3A_616 : memref<1x80x128xf32, #tpu.memory_space<vmem>> -> memref<80x128xf32, #tpu.memory_space<vmem>>
      %dma_start3A_618 = arith.constant 0 : i32
      %dma_start3A_619 = tpu.memref_slice %arg8[%run_scoped3A_465, %run_scoped3A_466, %dma_start3A_618] : memref<2x25x80xi32, #tpu.memory_space<vmem>> -> memref<1x1x80xi32, #tpu.memory_space<vmem>>
      %dma_start3A_620 = tpu.memref_squeeze %dma_start3A_619 : memref<1x1x80xi32, #tpu.memory_space<vmem>> -> memref<80xi32, #tpu.memory_space<vmem>>
      %dma_start3A_621 = arith.constant 0 : i32
      %dma_start3A_622 = arith.constant 0 : i32
      %dma_start3A_623 = tpu.memref_slice %arg14[%dma_start3A_621, %dma_start3A_622] : memref<10240x128xf32, #tpu.memory_space<vmem_shared>> -> memref<10240x128xf32, #tpu.memory_space<vmem_shared>>
      tpu.enqueue_indirect_dma source(%dma_start3A_617 : memref<80x128xf32, #tpu.memory_space<vmem>>) target(%dma_start3A_623 : memref<10240x128xf32, #tpu.memory_space<vmem_shared>>) offsets(%dma_start3A_620 : memref<80xi32, #tpu.memory_space<vmem>>) semaphore(%run_scoped3A_613 : memref<!tpu.dma_semaphore, #tpu.memory_space<semaphore_mem>>) {add = true}
      %dma_wait3A_624 = arith.constant 0 : i32
      %dma_wait3A_625 = arith.constant 0 : i32
      %dma_wait3A_626 = tpu.memref_slice %arg9[%run_scoped3A_464, %dma_wait3A_624, %dma_wait3A_625] : memref<2x80x128xf32, #tpu.memory_space<vmem>> -> memref<1x80x128xf32, #tpu.memory_space<vmem>>
      %dma_wait3A_627 = tpu.memref_squeeze %dma_wait3A_626 : memref<1x80x128xf32, #tpu.memory_space<vmem>> -> memref<80x128xf32, #tpu.memory_space<vmem>>
      %dma_wait3A_628 = arith.constant 0 : i32
      %dma_wait3A_629 = tpu.memref_slice %arg8[%run_scoped3A_465, %run_scoped3A_466, %dma_wait3A_628] : memref<2x25x80xi32, #tpu.memory_space<vmem>> -> memref<1x1x80xi32, #tpu.memory_space<vmem>>
      %dma_wait3A_630 = tpu.memref_squeeze %dma_wait3A_629 : memref<1x1x80xi32, #tpu.memory_space<vmem>> -> memref<80xi32, #tpu.memory_space<vmem>>
      %dma_wait3A_631 = arith.constant 0 : i32
      %dma_wait3A_632 = arith.constant 0 : i32
      %dma_wait3A_633 = tpu.memref_slice %arg14[%dma_wait3A_631, %dma_wait3A_632] : memref<10240x128xf32, #tpu.memory_space<vmem_shared>> -> memref<10240x128xf32, #tpu.memory_space<vmem_shared>>
      tpu.wait_indirect_dma semaphore(%run_scoped3A_613 : memref<!tpu.dma_semaphore, #tpu.memory_space<semaphore_mem>>) src(%dma_wait3A_627 : memref<80x128xf32, #tpu.memory_space<vmem>>) dst(%dma_wait3A_633 : memref<10240x128xf32, #tpu.memory_space<vmem_shared>>)
      tpu.yield
    }) : () -> ()
    %mul3A_467 = arith.constant 5 : i32
    %mul3A_468 = arith.muli %add3A, %mul3A_467 : i32
    %add3A_469 = arith.constant 4 : i32
    %add3A_470 = arith.addi %mul3A_468, %add3A_469 : i32
    %dma_start3A_471 = arith.constant 0 : i32
    %dma_start3A_472 = arith.constant 0 : i32
    %dma_start3A_473 = arith.constant 0 : i32
    %dma_start3A_474 = tpu.memref_slice %arg7[%dma_start3A_471, %dma_start3A_472, %dma_start3A_473] : memref<2x25x80xi32, #tpu.memory_space<vmem>> -> memref<1x25x80xi32, #tpu.memory_space<vmem>>
    %dma_start3A_475 = tpu.memref_squeeze %dma_start3A_474 : memref<1x25x80xi32, #tpu.memory_space<vmem>> -> memref<25x80xi32, #tpu.memory_space<vmem>>
    %dma_start3A_476 = arith.constant 0 : i32
    %dma_start3A_477 = arith.constant 0 : i32
    %dma_start3A_478 = tpu.memref_slice %arg3[%add3A_470, %dma_start3A_476, %dma_start3A_477] : memref<160x25x80xi32, #tpu.memory_space<hbm>> -> memref<1x25x80xi32, #tpu.memory_space<hbm>>
    %dma_start3A_479 = tpu.memref_squeeze %dma_start3A_478 : memref<1x25x80xi32, #tpu.memory_space<hbm>> -> memref<25x80xi32, #tpu.memory_space<hbm>>
    %dma_start3A_480 = arith.constant 0 : i32
    %dma_start3A_481 = arith.constant 0 : i32
    %dma_start3A_482 = tpu.memref_slice %arg7[%dma_start3A_471, %dma_start3A_480, %dma_start3A_481] : memref<2x25x80xi32, #tpu.memory_space<vmem>> -> memref<1x25x80xi32, #tpu.memory_space<vmem>>
    %dma_start3A_483 = tpu.memref_squeeze %dma_start3A_482 : memref<1x25x80xi32, #tpu.memory_space<vmem>> -> memref<25x80xi32, #tpu.memory_space<vmem>>
    %dma_start3A_484 = arith.constant 0 : i32
    %dma_start3A_485 = arith.constant 0 : i32
    %dma_start3A_486 = tpu.memref_slice %arg3[%add3A_470, %dma_start3A_484, %dma_start3A_485] : memref<160x25x80xi32, #tpu.memory_space<hbm>> -> memref<1x25x80xi32, #tpu.memory_space<hbm>>
    %dma_start3A_487 = tpu.memref_squeeze %dma_start3A_486 : memref<1x25x80xi32, #tpu.memory_space<hbm>> -> memref<25x80xi32, #tpu.memory_space<hbm>>
    tpu.enqueue_dma source(%dma_start3A_487 : memref<25x80xi32, #tpu.memory_space<hbm>>) target(%dma_start3A_483 : memref<25x80xi32, #tpu.memory_space<vmem>>) target_semaphore(%arg13 : memref<!tpu.dma_semaphore, #tpu.memory_space<semaphore_mem>>)
    %mul3A_488 = arith.constant 5 : i32
    %mul3A_489 = arith.muli %add3A, %mul3A_488 : i32
    %add3A_490 = arith.constant 4 : i32
    %add3A_491 = arith.addi %mul3A_489, %add3A_490 : i32
    %dma_start3A_492 = arith.constant 0 : i32
    %dma_start3A_493 = arith.constant 0 : i32
    %dma_start3A_494 = arith.constant 0 : i32
    %dma_start3A_495 = tpu.memref_slice %arg8[%dma_start3A_492, %dma_start3A_493, %dma_start3A_494] : memref<2x25x80xi32, #tpu.memory_space<vmem>> -> memref<1x25x80xi32, #tpu.memory_space<vmem>>
    %dma_start3A_496 = tpu.memref_squeeze %dma_start3A_495 : memref<1x25x80xi32, #tpu.memory_space<vmem>> -> memref<25x80xi32, #tpu.memory_space<vmem>>
    %dma_start3A_497 = arith.constant 0 : i32
    %dma_start3A_498 = arith.constant 0 : i32
    %dma_start3A_499 = tpu.memref_slice %arg4[%add3A_491, %dma_start3A_497, %dma_start3A_498] : memref<160x25x80xi32, #tpu.memory_space<hbm>> -> memref<1x25x80xi32, #tpu.memory_space<hbm>>
    %dma_start3A_500 = tpu.memref_squeeze %dma_start3A_499 : memref<1x25x80xi32, #tpu.memory_space<hbm>> -> memref<25x80xi32, #tpu.memory_space<hbm>>
    %dma_start3A_501 = arith.constant 0 : i32
    %dma_start3A_502 = arith.constant 0 : i32
    %dma_start3A_503 = tpu.memref_slice %arg8[%dma_start3A_492, %dma_start3A_501, %dma_start3A_502] : memref<2x25x80xi32, #tpu.memory_space<vmem>> -> memref<1x25x80xi32, #tpu.memory_space<vmem>>
    %dma_start3A_504 = tpu.memref_squeeze %dma_start3A_503 : memref<1x25x80xi32, #tpu.memory_space<vmem>> -> memref<25x80xi32, #tpu.memory_space<vmem>>
    %dma_start3A_505 = arith.constant 0 : i32
    %dma_start3A_506 = arith.constant 0 : i32
    %dma_start3A_507 = tpu.memref_slice %arg4[%add3A_491, %dma_start3A_505, %dma_start3A_506] : memref<160x25x80xi32, #tpu.memory_space<hbm>> -> memref<1x25x80xi32, #tpu.memory_space<hbm>>
    %dma_start3A_508 = tpu.memref_squeeze %dma_start3A_507 : memref<1x25x80xi32, #tpu.memory_space<hbm>> -> memref<25x80xi32, #tpu.memory_space<hbm>>
    tpu.enqueue_dma source(%dma_start3A_508 : memref<25x80xi32, #tpu.memory_space<hbm>>) target(%dma_start3A_504 : memref<25x80xi32, #tpu.memory_space<vmem>>) target_semaphore(%arg13 : memref<!tpu.dma_semaphore, #tpu.memory_space<semaphore_mem>>)
    %scan3A_509 = arith.constant 0 : i32
    %scan3A_510 = arith.constant 0 : i32
    %scan3A_511 = arith.constant 12 : i32
    %scan3A_512 = arith.addi %scan3A_510, %scan3A_511 : i32
    %scan3A_513 = arith.constant 1 : i32
    scf.for %scan3A_613 = %scan3A_510 to %scan3A_512 step %scan3A_513  : i32 {
      %mul3A_614 = arith.constant 2 : i32
      %mul3A_615 = arith.muli %mul3A_614, %scan3A_613 : i32
      %add3A_616 = arith.constant 1 : i32
      %add3A_617 = arith.addi %mul3A_615, %add3A_616 : i32
      %dma_start3A_618 = arith.constant 1 : i32
      %dma_start3A_619 = arith.constant 0 : i32
      %dma_start3A_620 = arith.constant 0 : i32
      %dma_start3A_621 = arith.constant 0 : i32
      %dma_start3A_622 = tpu.memref_slice %arg9[%dma_start3A_619, %dma_start3A_620, %dma_start3A_621] : memref<2x80x128xf32, #tpu.memory_space<vmem>> -> memref<1x80x128xf32, #tpu.memory_space<vmem>>
      %dma_start3A_623 = tpu.memref_squeeze %dma_start3A_622 : memref<1x80x128xf32, #tpu.memory_space<vmem>> -> memref<80x128xf32, #tpu.memory_space<vmem>>
      %dma_start3A_624 = arith.constant 0 : i32
      %dma_start3A_625 = tpu.memref_slice %arg7[%dma_start3A_618, %add3A_617, %dma_start3A_624] : memref<2x25x80xi32, #tpu.memory_space<vmem>> -> memref<1x1x80xi32, #tpu.memory_space<vmem>>
      %dma_start3A_626 = tpu.memref_squeeze %dma_start3A_625 : memref<1x1x80xi32, #tpu.memory_space<vmem>> -> memref<80xi32, #tpu.memory_space<vmem>>
      %dma_start3A_627 = arith.constant 0 : i32
      %dma_start3A_628 = arith.constant 0 : i32
      %dma_start3A_629 = tpu.memref_slice %arg2[%dma_start3A_627, %dma_start3A_628] : memref<10000x128xf32, #tpu.memory_space<hbm>> -> memref<10000x128xf32, #tpu.memory_space<hbm>>
      tpu.enqueue_indirect_dma source(%dma_start3A_629 : memref<10000x128xf32, #tpu.memory_space<hbm>>) target(%dma_start3A_623 : memref<80x128xf32, #tpu.memory_space<vmem>>) offsets(%dma_start3A_626 : memref<80xi32, #tpu.memory_space<vmem>>) semaphore(%arg10 : memref<!tpu.dma_semaphore, #tpu.memory_space<semaphore_mem>>)
      %dma_wait3A_630 = arith.constant 1 : i32
      %dma_wait3A_631 = arith.constant 1 : i32
      %dma_wait3A_632 = arith.constant 0 : i32
      %dma_wait3A_633 = arith.constant 0 : i32
      %dma_wait3A_634 = tpu.memref_slice %arg9[%dma_wait3A_631, %dma_wait3A_632, %dma_wait3A_633] : memref<2x80x128xf32, #tpu.memory_space<vmem>> -> memref<1x80x128xf32, #tpu.memory_space<vmem>>
      %dma_wait3A_635 = tpu.memref_squeeze %dma_wait3A_634 : memref<1x80x128xf32, #tpu.memory_space<vmem>> -> memref<80x128xf32, #tpu.memory_space<vmem>>
      %dma_wait3A_636 = arith.constant 0 : i32
      %dma_wait3A_637 = tpu.memref_slice %arg7[%dma_wait3A_630, %mul3A_615, %dma_wait3A_636] : memref<2x25x80xi32, #tpu.memory_space<vmem>> -> memref<1x1x80xi32, #tpu.memory_space<vmem>>
      %dma_wait3A_638 = tpu.memref_squeeze %dma_wait3A_637 : memref<1x1x80xi32, #tpu.memory_space<vmem>> -> memref<80xi32, #tpu.memory_space<vmem>>
      %dma_wait3A_639 = arith.constant 0 : i32
      %dma_wait3A_640 = arith.constant 0 : i32
      %dma_wait3A_641 = tpu.memref_slice %arg2[%dma_wait3A_639, %dma_wait3A_640] : memref<10000x128xf32, #tpu.memory_space<hbm>> -> memref<10000x128xf32, #tpu.memory_space<hbm>>
      tpu.wait_indirect_dma semaphore(%arg11 : memref<!tpu.dma_semaphore, #tpu.memory_space<semaphore_mem>>) src(%dma_wait3A_641 : memref<10000x128xf32, #tpu.memory_space<hbm>>) dst(%dma_wait3A_635 : memref<80x128xf32, #tpu.memory_space<vmem>>)
      %run_scoped3A_642 = arith.constant 1 : i32
      %run_scoped3A_643 = arith.constant 1 : i32
      "tpu.region"() ({
        %run_scoped3A_676 = tpu.sem_alloc : memref<!tpu.dma_semaphore, #tpu.memory_space<semaphore_mem>>
        %dma_start3A_677 = arith.constant 0 : i32
        %dma_start3A_678 = arith.constant 0 : i32
        %dma_start3A_679 = tpu.memref_slice %arg9[%run_scoped3A_642, %dma_start3A_677, %dma_start3A_678] : memref<2x80x128xf32, #tpu.memory_space<vmem>> -> memref<1x80x128xf32, #tpu.memory_space<vmem>>
        %dma_start3A_680 = tpu.memref_squeeze %dma_start3A_679 : memref<1x80x128xf32, #tpu.memory_space<vmem>> -> memref<80x128xf32, #tpu.memory_space<vmem>>
        %dma_start3A_681 = arith.constant 0 : i32
        %dma_start3A_682 = tpu.memref_slice %arg8[%run_scoped3A_643, %mul3A_615, %dma_start3A_681] : memref<2x25x80xi32, #tpu.memory_space<vmem>> -> memref<1x1x80xi32, #tpu.memory_space<vmem>>
        %dma_start3A_683 = tpu.memref_squeeze %dma_start3A_682 : memref<1x1x80xi32, #tpu.memory_space<vmem>> -> memref<80xi32, #tpu.memory_space<vmem>>
        %dma_start3A_684 = arith.constant 0 : i32
        %dma_start3A_685 = arith.constant 0 : i32
        %dma_start3A_686 = tpu.memref_slice %arg14[%dma_start3A_684, %dma_start3A_685] : memref<10240x128xf32, #tpu.memory_space<vmem_shared>> -> memref<10240x128xf32, #tpu.memory_space<vmem_shared>>
        tpu.enqueue_indirect_dma source(%dma_start3A_680 : memref<80x128xf32, #tpu.memory_space<vmem>>) target(%dma_start3A_686 : memref<10240x128xf32, #tpu.memory_space<vmem_shared>>) offsets(%dma_start3A_683 : memref<80xi32, #tpu.memory_space<vmem>>) semaphore(%run_scoped3A_676 : memref<!tpu.dma_semaphore, #tpu.memory_space<semaphore_mem>>) {add = true}
        %dma_wait3A_687 = arith.constant 0 : i32
        %dma_wait3A_688 = arith.constant 0 : i32
        %dma_wait3A_689 = tpu.memref_slice %arg9[%run_scoped3A_642, %dma_wait3A_687, %dma_wait3A_688] : memref<2x80x128xf32, #tpu.memory_space<vmem>> -> memref<1x80x128xf32, #tpu.memory_space<vmem>>
        %dma_wait3A_690 = tpu.memref_squeeze %dma_wait3A_689 : memref<1x80x128xf32, #tpu.memory_space<vmem>> -> memref<80x128xf32, #tpu.memory_space<vmem>>
        %dma_wait3A_691 = arith.constant 0 : i32
        %dma_wait3A_692 = tpu.memref_slice %arg8[%run_scoped3A_643, %mul3A_615, %dma_wait3A_691] : memref<2x25x80xi32, #tpu.memory_space<vmem>> -> memref<1x1x80xi32, #tpu.memory_space<vmem>>
        %dma_wait3A_693 = tpu.memref_squeeze %dma_wait3A_692 : memref<1x1x80xi32, #tpu.memory_space<vmem>> -> memref<80xi32, #tpu.memory_space<vmem>>
        %dma_wait3A_694 = arith.constant 0 : i32
        %dma_wait3A_695 = arith.constant 0 : i32
        %dma_wait3A_696 = tpu.memref_slice %arg14[%dma_wait3A_694, %dma_wait3A_695] : memref<10240x128xf32, #tpu.memory_space<vmem_shared>> -> memref<10240x128xf32, #tpu.memory_space<vmem_shared>>
        tpu.wait_indirect_dma semaphore(%run_scoped3A_676 : memref<!tpu.dma_semaphore, #tpu.memory_space<semaphore_mem>>) src(%dma_wait3A_690 : memref<80x128xf32, #tpu.memory_space<vmem>>) dst(%dma_wait3A_696 : memref<10240x128xf32, #tpu.memory_space<vmem_shared>>)
        tpu.yield
      }) : () -> ()
      %add3A_644 = arith.constant 2 : i32
      %add3A_645 = arith.addi %mul3A_615, %add3A_644 : i32
      %dma_start3A_646 = arith.constant 1 : i32
      %dma_start3A_647 = arith.constant 1 : i32
      %dma_start3A_648 = arith.constant 0 : i32
      %dma_start3A_649 = arith.constant 0 : i32
      %dma_start3A_650 = tpu.memref_slice %arg9[%dma_start3A_647, %dma_start3A_648, %dma_start3A_649] : memref<2x80x128xf32, #tpu.memory_space<vmem>> -> memref<1x80x128xf32, #tpu.memory_space<vmem>>
      %dma_start3A_651 = tpu.memref_squeeze %dma_start3A_650 : memref<1x80x128xf32, #tpu.memory_space<vmem>> -> memref<80x128xf32, #tpu.memory_space<vmem>>
      %dma_start3A_652 = arith.constant 0 : i32
      %dma_start3A_653 = tpu.memref_slice %arg7[%dma_start3A_646, %add3A_645, %dma_start3A_652] : memref<2x25x80xi32, #tpu.memory_space<vmem>> -> memref<1x1x80xi32, #tpu.memory_space<vmem>>
      %dma_start3A_654 = tpu.memref_squeeze %dma_start3A_653 : memref<1x1x80xi32, #tpu.memory_space<vmem>> -> memref<80xi32, #tpu.memory_space<vmem>>
      %dma_start3A_655 = arith.constant 0 : i32
      %dma_start3A_656 = arith.constant 0 : i32
      %dma_start3A_657 = tpu.memref_slice %arg2[%dma_start3A_655, %dma_start3A_656] : memref<10000x128xf32, #tpu.memory_space<hbm>> -> memref<10000x128xf32, #tpu.memory_space<hbm>>
      tpu.enqueue_indirect_dma source(%dma_start3A_657 : memref<10000x128xf32, #tpu.memory_space<hbm>>) target(%dma_start3A_651 : memref<80x128xf32, #tpu.memory_space<vmem>>) offsets(%dma_start3A_654 : memref<80xi32, #tpu.memory_space<vmem>>) semaphore(%arg11 : memref<!tpu.dma_semaphore, #tpu.memory_space<semaphore_mem>>)
      %add3A_658 = arith.constant 1 : i32
      %add3A_659 = arith.addi %mul3A_615, %add3A_658 : i32
      %dma_wait3A_660 = arith.constant 1 : i32
      %dma_wait3A_661 = arith.constant 0 : i32
      %dma_wait3A_662 = arith.constant 0 : i32
      %dma_wait3A_663 = arith.constant 0 : i32
      %dma_wait3A_664 = tpu.memref_slice %arg9[%dma_wait3A_661, %dma_wait3A_662, %dma_wait3A_663] : memref<2x80x128xf32, #tpu.memory_space<vmem>> -> memref<1x80x128xf32, #tpu.memory_space<vmem>>
      %dma_wait3A_665 = tpu.memref_squeeze %dma_wait3A_664 : memref<1x80x128xf32, #tpu.memory_space<vmem>> -> memref<80x128xf32, #tpu.memory_space<vmem>>
      %dma_wait3A_666 = arith.constant 0 : i32
      %dma_wait3A_667 = tpu.memref_slice %arg7[%dma_wait3A_660, %add3A_659, %dma_wait3A_666] : memref<2x25x80xi32, #tpu.memory_space<vmem>> -> memref<1x1x80xi32, #tpu.memory_space<vmem>>
      %dma_wait3A_668 = tpu.memref_squeeze %dma_wait3A_667 : memref<1x1x80xi32, #tpu.memory_space<vmem>> -> memref<80xi32, #tpu.memory_space<vmem>>
      %dma_wait3A_669 = arith.constant 0 : i32
      %dma_wait3A_670 = arith.constant 0 : i32
      %dma_wait3A_671 = tpu.memref_slice %arg2[%dma_wait3A_669, %dma_wait3A_670] : memref<10000x128xf32, #tpu.memory_space<hbm>> -> memref<10000x128xf32, #tpu.memory_space<hbm>>
      tpu.wait_indirect_dma semaphore(%arg10 : memref<!tpu.dma_semaphore, #tpu.memory_space<semaphore_mem>>) src(%dma_wait3A_671 : memref<10000x128xf32, #tpu.memory_space<hbm>>) dst(%dma_wait3A_665 : memref<80x128xf32, #tpu.memory_space<vmem>>)
      %add3A_672 = arith.constant 1 : i32
      %add3A_673 = arith.addi %mul3A_615, %add3A_672 : i32
      %run_scoped3A_674 = arith.constant 0 : i32
      %run_scoped3A_675 = arith.constant 1 : i32
      "tpu.region"() ({
        %run_scoped3A_676 = tpu.sem_alloc : memref<!tpu.dma_semaphore, #tpu.memory_space<semaphore_mem>>
        %dma_start3A_677 = arith.constant 0 : i32
        %dma_start3A_678 = arith.constant 0 : i32
        %dma_start3A_679 = tpu.memref_slice %arg9[%run_scoped3A_674, %dma_start3A_677, %dma_start3A_678] : memref<2x80x128xf32, #tpu.memory_space<vmem>> -> memref<1x80x128xf32, #tpu.memory_space<vmem>>
        %dma_start3A_680 = tpu.memref_squeeze %dma_start3A_679 : memref<1x80x128xf32, #tpu.memory_space<vmem>> -> memref<80x128xf32, #tpu.memory_space<vmem>>
        %dma_start3A_681 = arith.constant 0 : i32
        %dma_start3A_682 = tpu.memref_slice %arg8[%run_scoped3A_675, %add3A_673, %dma_start3A_681] : memref<2x25x80xi32, #tpu.memory_space<vmem>> -> memref<1x1x80xi32, #tpu.memory_space<vmem>>
        %dma_start3A_683 = tpu.memref_squeeze %dma_start3A_682 : memref<1x1x80xi32, #tpu.memory_space<vmem>> -> memref<80xi32, #tpu.memory_space<vmem>>
        %dma_start3A_684 = arith.constant 0 : i32
        %dma_start3A_685 = arith.constant 0 : i32
        %dma_start3A_686 = tpu.memref_slice %arg14[%dma_start3A_684, %dma_start3A_685] : memref<10240x128xf32, #tpu.memory_space<vmem_shared>> -> memref<10240x128xf32, #tpu.memory_space<vmem_shared>>
        tpu.enqueue_indirect_dma source(%dma_start3A_680 : memref<80x128xf32, #tpu.memory_space<vmem>>) target(%dma_start3A_686 : memref<10240x128xf32, #tpu.memory_space<vmem_shared>>) offsets(%dma_start3A_683 : memref<80xi32, #tpu.memory_space<vmem>>) semaphore(%run_scoped3A_676 : memref<!tpu.dma_semaphore, #tpu.memory_space<semaphore_mem>>) {add = true}
        %dma_wait3A_687 = arith.constant 0 : i32
        %dma_wait3A_688 = arith.constant 0 : i32
        %dma_wait3A_689 = tpu.memref_slice %arg9[%run_scoped3A_674, %dma_wait3A_687, %dma_wait3A_688] : memref<2x80x128xf32, #tpu.memory_space<vmem>> -> memref<1x80x128xf32, #tpu.memory_space<vmem>>
        %dma_wait3A_690 = tpu.memref_squeeze %dma_wait3A_689 : memref<1x80x128xf32, #tpu.memory_space<vmem>> -> memref<80x128xf32, #tpu.memory_space<vmem>>
        %dma_wait3A_691 = arith.constant 0 : i32
        %dma_wait3A_692 = tpu.memref_slice %arg8[%run_scoped3A_675, %add3A_673, %dma_wait3A_691] : memref<2x25x80xi32, #tpu.memory_space<vmem>> -> memref<1x1x80xi32, #tpu.memory_space<vmem>>
        %dma_wait3A_693 = tpu.memref_squeeze %dma_wait3A_692 : memref<1x1x80xi32, #tpu.memory_space<vmem>> -> memref<80xi32, #tpu.memory_space<vmem>>
        %dma_wait3A_694 = arith.constant 0 : i32
        %dma_wait3A_695 = arith.constant 0 : i32
        %dma_wait3A_696 = tpu.memref_slice %arg14[%dma_wait3A_694, %dma_wait3A_695] : memref<10240x128xf32, #tpu.memory_space<vmem_shared>> -> memref<10240x128xf32, #tpu.memory_space<vmem_shared>>
        tpu.wait_indirect_dma semaphore(%run_scoped3A_676 : memref<!tpu.dma_semaphore, #tpu.memory_space<semaphore_mem>>) src(%dma_wait3A_690 : memref<80x128xf32, #tpu.memory_space<vmem>>) dst(%dma_wait3A_696 : memref<10240x128xf32, #tpu.memory_space<vmem_shared>>)
        tpu.yield
      }) : () -> ()
    }
    %scan3A_514 = arith.constant 12 : i32
    %mul3A_515 = arith.constant 5 : i32
    %mul3A_516 = arith.muli %add3A, %mul3A_515 : i32
    %add3A_517 = arith.constant 4 : i32
    %add3A_518 = arith.addi %mul3A_516, %add3A_517 : i32
    %dma_wait3A_519 = arith.constant 0 : i32
    %dma_wait3A_520 = arith.constant 0 : i32
    %dma_wait3A_521 = arith.constant 0 : i32
    %dma_wait3A_522 = tpu.memref_slice %arg7[%dma_wait3A_519, %dma_wait3A_520, %dma_wait3A_521] : memref<2x25x80xi32, #tpu.memory_space<vmem>> -> memref<1x25x80xi32, #tpu.memory_space<vmem>>
    %dma_wait3A_523 = tpu.memref_squeeze %dma_wait3A_522 : memref<1x25x80xi32, #tpu.memory_space<vmem>> -> memref<25x80xi32, #tpu.memory_space<vmem>>
    %dma_wait3A_524 = arith.constant 0 : i32
    %dma_wait3A_525 = arith.constant 0 : i32
    %dma_wait3A_526 = tpu.memref_slice %arg3[%add3A_518, %dma_wait3A_524, %dma_wait3A_525] : memref<160x25x80xi32, #tpu.memory_space<hbm>> -> memref<1x25x80xi32, #tpu.memory_space<hbm>>
    %dma_wait3A_527 = tpu.memref_squeeze %dma_wait3A_526 : memref<1x25x80xi32, #tpu.memory_space<hbm>> -> memref<25x80xi32, #tpu.memory_space<hbm>>
    %dma_wait3A_528 = arith.constant 0 : i32
    %dma_wait3A_529 = arith.constant 0 : i32
    %dma_wait3A_530 = tpu.memref_slice %arg7[%dma_wait3A_519, %dma_wait3A_528, %dma_wait3A_529] : memref<2x25x80xi32, #tpu.memory_space<vmem>> -> memref<1x25x80xi32, #tpu.memory_space<vmem>>
    %dma_wait3A_531 = tpu.memref_squeeze %dma_wait3A_530 : memref<1x25x80xi32, #tpu.memory_space<vmem>> -> memref<25x80xi32, #tpu.memory_space<vmem>>
    %dma_wait3A_532 = arith.constant 0 : i32
    %dma_wait3A_533 = arith.constant 0 : i32
    %dma_wait3A_534 = tpu.memref_slice %arg3[%add3A_518, %dma_wait3A_532, %dma_wait3A_533] : memref<160x25x80xi32, #tpu.memory_space<hbm>> -> memref<1x25x80xi32, #tpu.memory_space<hbm>>
    %dma_wait3A_535 = tpu.memref_squeeze %dma_wait3A_534 : memref<1x25x80xi32, #tpu.memory_space<hbm>> -> memref<25x80xi32, #tpu.memory_space<hbm>>
    tpu.wait_dma2 semaphore(%arg13 : memref<!tpu.dma_semaphore, #tpu.memory_space<semaphore_mem>>) src(%dma_wait3A_535 : memref<25x80xi32, #tpu.memory_space<hbm>>) dst(%dma_wait3A_531 : memref<25x80xi32, #tpu.memory_space<vmem>>)
    %mul3A_536 = arith.constant 5 : i32
    %mul3A_537 = arith.muli %add3A, %mul3A_536 : i32
    %add3A_538 = arith.constant 4 : i32
    %add3A_539 = arith.addi %mul3A_537, %add3A_538 : i32
    %dma_wait3A_540 = arith.constant 0 : i32
    %dma_wait3A_541 = arith.constant 0 : i32
    %dma_wait3A_542 = arith.constant 0 : i32
    %dma_wait3A_543 = tpu.memref_slice %arg8[%dma_wait3A_540, %dma_wait3A_541, %dma_wait3A_542] : memref<2x25x80xi32, #tpu.memory_space<vmem>> -> memref<1x25x80xi32, #tpu.memory_space<vmem>>
    %dma_wait3A_544 = tpu.memref_squeeze %dma_wait3A_543 : memref<1x25x80xi32, #tpu.memory_space<vmem>> -> memref<25x80xi32, #tpu.memory_space<vmem>>
    %dma_wait3A_545 = arith.constant 0 : i32
    %dma_wait3A_546 = arith.constant 0 : i32
    %dma_wait3A_547 = tpu.memref_slice %arg4[%add3A_539, %dma_wait3A_545, %dma_wait3A_546] : memref<160x25x80xi32, #tpu.memory_space<hbm>> -> memref<1x25x80xi32, #tpu.memory_space<hbm>>
    %dma_wait3A_548 = tpu.memref_squeeze %dma_wait3A_547 : memref<1x25x80xi32, #tpu.memory_space<hbm>> -> memref<25x80xi32, #tpu.memory_space<hbm>>
    %dma_wait3A_549 = arith.constant 0 : i32
    %dma_wait3A_550 = arith.constant 0 : i32
    %dma_wait3A_551 = tpu.memref_slice %arg8[%dma_wait3A_540, %dma_wait3A_549, %dma_wait3A_550] : memref<2x25x80xi32, #tpu.memory_space<vmem>> -> memref<1x25x80xi32, #tpu.memory_space<vmem>>
    %dma_wait3A_552 = tpu.memref_squeeze %dma_wait3A_551 : memref<1x25x80xi32, #tpu.memory_space<vmem>> -> memref<25x80xi32, #tpu.memory_space<vmem>>
    %dma_wait3A_553 = arith.constant 0 : i32
    %dma_wait3A_554 = arith.constant 0 : i32
    %dma_wait3A_555 = tpu.memref_slice %arg4[%add3A_539, %dma_wait3A_553, %dma_wait3A_554] : memref<160x25x80xi32, #tpu.memory_space<hbm>> -> memref<1x25x80xi32, #tpu.memory_space<hbm>>
    %dma_wait3A_556 = tpu.memref_squeeze %dma_wait3A_555 : memref<1x25x80xi32, #tpu.memory_space<hbm>> -> memref<25x80xi32, #tpu.memory_space<hbm>>
    tpu.wait_dma2 semaphore(%arg13 : memref<!tpu.dma_semaphore, #tpu.memory_space<semaphore_mem>>) src(%dma_wait3A_556 : memref<25x80xi32, #tpu.memory_space<hbm>>) dst(%dma_wait3A_552 : memref<25x80xi32, #tpu.memory_space<vmem>>)
    %dma_start3A_557 = arith.constant 0 : i32
    %dma_start3A_558 = arith.constant 0 : i32
    %dma_start3A_559 = arith.constant 0 : i32
    %dma_start3A_560 = arith.constant 0 : i32
    %dma_start3A_561 = arith.constant 0 : i32
    %dma_start3A_562 = tpu.memref_slice %arg9[%dma_start3A_559, %dma_start3A_560, %dma_start3A_561] : memref<2x80x128xf32, #tpu.memory_space<vmem>> -> memref<1x80x128xf32, #tpu.memory_space<vmem>>
    %dma_start3A_563 = tpu.memref_squeeze %dma_start3A_562 : memref<1x80x128xf32, #tpu.memory_space<vmem>> -> memref<80x128xf32, #tpu.memory_space<vmem>>
    %dma_start3A_564 = arith.constant 0 : i32
    %dma_start3A_565 = tpu.memref_slice %arg7[%dma_start3A_557, %dma_start3A_558, %dma_start3A_564] : memref<2x25x80xi32, #tpu.memory_space<vmem>> -> memref<1x1x80xi32, #tpu.memory_space<vmem>>
    %dma_start3A_566 = tpu.memref_squeeze %dma_start3A_565 : memref<1x1x80xi32, #tpu.memory_space<vmem>> -> memref<80xi32, #tpu.memory_space<vmem>>
    %dma_start3A_567 = arith.constant 0 : i32
    %dma_start3A_568 = arith.constant 0 : i32
    %dma_start3A_569 = tpu.memref_slice %arg2[%dma_start3A_567, %dma_start3A_568] : memref<10000x128xf32, #tpu.memory_space<hbm>> -> memref<10000x128xf32, #tpu.memory_space<hbm>>
    tpu.enqueue_indirect_dma source(%dma_start3A_569 : memref<10000x128xf32, #tpu.memory_space<hbm>>) target(%dma_start3A_563 : memref<80x128xf32, #tpu.memory_space<vmem>>) offsets(%dma_start3A_566 : memref<80xi32, #tpu.memory_space<vmem>>) semaphore(%arg10 : memref<!tpu.dma_semaphore, #tpu.memory_space<semaphore_mem>>)
    %dma_wait3A_570 = arith.constant 1 : i32
    %dma_wait3A_571 = arith.constant 24 : i32
    %dma_wait3A_572 = arith.constant 1 : i32
    %dma_wait3A_573 = arith.constant 0 : i32
    %dma_wait3A_574 = arith.constant 0 : i32
    %dma_wait3A_575 = tpu.memref_slice %arg9[%dma_wait3A_572, %dma_wait3A_573, %dma_wait3A_574] : memref<2x80x128xf32, #tpu.memory_space<vmem>> -> memref<1x80x128xf32, #tpu.memory_space<vmem>>
    %dma_wait3A_576 = tpu.memref_squeeze %dma_wait3A_575 : memref<1x80x128xf32, #tpu.memory_space<vmem>> -> memref<80x128xf32, #tpu.memory_space<vmem>>
    %dma_wait3A_577 = arith.constant 0 : i32
    %dma_wait3A_578 = tpu.memref_slice %arg7[%dma_wait3A_570, %dma_wait3A_571, %dma_wait3A_577] : memref<2x25x80xi32, #tpu.memory_space<vmem>> -> memref<1x1x80xi32, #tpu.memory_space<vmem>>
    %dma_wait3A_579 = tpu.memref_squeeze %dma_wait3A_578 : memref<1x1x80xi32, #tpu.memory_space<vmem>> -> memref<80xi32, #tpu.memory_space<vmem>>
    %dma_wait3A_580 = arith.constant 0 : i32
    %dma_wait3A_581 = arith.constant 0 : i32
    %dma_wait3A_582 = tpu.memref_slice %arg2[%dma_wait3A_580, %dma_wait3A_581] : memref<10000x128xf32, #tpu.memory_space<hbm>> -> memref<10000x128xf32, #tpu.memory_space<hbm>>
    tpu.wait_indirect_dma semaphore(%arg11 : memref<!tpu.dma_semaphore, #tpu.memory_space<semaphore_mem>>) src(%dma_wait3A_582 : memref<10000x128xf32, #tpu.memory_space<hbm>>) dst(%dma_wait3A_576 : memref<80x128xf32, #tpu.memory_space<vmem>>)
    %run_scoped3A_583 = arith.constant 1 : i32
    %run_scoped3A_584 = arith.constant 1 : i32
    %run_scoped3A_585 = arith.constant 24 : i32
    "tpu.region"() ({
      %run_scoped3A_613 = tpu.sem_alloc : memref<!tpu.dma_semaphore, #tpu.memory_space<semaphore_mem>>
      %dma_start3A_614 = arith.constant 0 : i32
      %dma_start3A_615 = arith.constant 0 : i32
      %dma_start3A_616 = tpu.memref_slice %arg9[%run_scoped3A_583, %dma_start3A_614, %dma_start3A_615] : memref<2x80x128xf32, #tpu.memory_space<vmem>> -> memref<1x80x128xf32, #tpu.memory_space<vmem>>
      %dma_start3A_617 = tpu.memref_squeeze %dma_start3A_616 : memref<1x80x128xf32, #tpu.memory_space<vmem>> -> memref<80x128xf32, #tpu.memory_space<vmem>>
      %dma_start3A_618 = arith.constant 0 : i32
      %dma_start3A_619 = tpu.memref_slice %arg8[%run_scoped3A_584, %run_scoped3A_585, %dma_start3A_618] : memref<2x25x80xi32, #tpu.memory_space<vmem>> -> memref<1x1x80xi32, #tpu.memory_space<vmem>>
      %dma_start3A_620 = tpu.memref_squeeze %dma_start3A_619 : memref<1x1x80xi32, #tpu.memory_space<vmem>> -> memref<80xi32, #tpu.memory_space<vmem>>
      %dma_start3A_621 = arith.constant 0 : i32
      %dma_start3A_622 = arith.constant 0 : i32
      %dma_start3A_623 = tpu.memref_slice %arg14[%dma_start3A_621, %dma_start3A_622] : memref<10240x128xf32, #tpu.memory_space<vmem_shared>> -> memref<10240x128xf32, #tpu.memory_space<vmem_shared>>
      tpu.enqueue_indirect_dma source(%dma_start3A_617 : memref<80x128xf32, #tpu.memory_space<vmem>>) target(%dma_start3A_623 : memref<10240x128xf32, #tpu.memory_space<vmem_shared>>) offsets(%dma_start3A_620 : memref<80xi32, #tpu.memory_space<vmem>>) semaphore(%run_scoped3A_613 : memref<!tpu.dma_semaphore, #tpu.memory_space<semaphore_mem>>) {add = true}
      %dma_wait3A_624 = arith.constant 0 : i32
      %dma_wait3A_625 = arith.constant 0 : i32
      %dma_wait3A_626 = tpu.memref_slice %arg9[%run_scoped3A_583, %dma_wait3A_624, %dma_wait3A_625] : memref<2x80x128xf32, #tpu.memory_space<vmem>> -> memref<1x80x128xf32, #tpu.memory_space<vmem>>
      %dma_wait3A_627 = tpu.memref_squeeze %dma_wait3A_626 : memref<1x80x128xf32, #tpu.memory_space<vmem>> -> memref<80x128xf32, #tpu.memory_space<vmem>>
      %dma_wait3A_628 = arith.constant 0 : i32
      %dma_wait3A_629 = tpu.memref_slice %arg8[%run_scoped3A_584, %run_scoped3A_585, %dma_wait3A_628] : memref<2x25x80xi32, #tpu.memory_space<vmem>> -> memref<1x1x80xi32, #tpu.memory_space<vmem>>
      %dma_wait3A_630 = tpu.memref_squeeze %dma_wait3A_629 : memref<1x1x80xi32, #tpu.memory_space<vmem>> -> memref<80xi32, #tpu.memory_space<vmem>>
      %dma_wait3A_631 = arith.constant 0 : i32
      %dma_wait3A_632 = arith.constant 0 : i32
      %dma_wait3A_633 = tpu.memref_slice %arg14[%dma_wait3A_631, %dma_wait3A_632] : memref<10240x128xf32, #tpu.memory_space<vmem_shared>> -> memref<10240x128xf32, #tpu.memory_space<vmem_shared>>
      tpu.wait_indirect_dma semaphore(%run_scoped3A_613 : memref<!tpu.dma_semaphore, #tpu.memory_space<semaphore_mem>>) src(%dma_wait3A_627 : memref<80x128xf32, #tpu.memory_space<vmem>>) dst(%dma_wait3A_633 : memref<10240x128xf32, #tpu.memory_space<vmem_shared>>)
      tpu.yield
    }) : () -> ()
    %scan3A_586 = arith.constant 0 : i32
    %scan3A_587 = arith.constant 0 : i32
    %scan3A_588 = arith.constant 12 : i32
    %scan3A_589 = arith.addi %scan3A_587, %scan3A_588 : i32
    %scan3A_590 = arith.constant 1 : i32
    scf.for %scan3A_613 = %scan3A_587 to %scan3A_589 step %scan3A_590  : i32 {
      %mul3A_614 = arith.constant 2 : i32
      %mul3A_615 = arith.muli %mul3A_614, %scan3A_613 : i32
      %add3A_616 = arith.constant 1 : i32
      %add3A_617 = arith.addi %mul3A_615, %add3A_616 : i32
      %dma_start3A_618 = arith.constant 0 : i32
      %dma_start3A_619 = arith.constant 1 : i32
      %dma_start3A_620 = arith.constant 0 : i32
      %dma_start3A_621 = arith.constant 0 : i32
      %dma_start3A_622 = tpu.memref_slice %arg9[%dma_start3A_619, %dma_start3A_620, %dma_start3A_621] : memref<2x80x128xf32, #tpu.memory_space<vmem>> -> memref<1x80x128xf32, #tpu.memory_space<vmem>>
      %dma_start3A_623 = tpu.memref_squeeze %dma_start3A_622 : memref<1x80x128xf32, #tpu.memory_space<vmem>> -> memref<80x128xf32, #tpu.memory_space<vmem>>
      %dma_start3A_624 = arith.constant 0 : i32
      %dma_start3A_625 = tpu.memref_slice %arg7[%dma_start3A_618, %add3A_617, %dma_start3A_624] : memref<2x25x80xi32, #tpu.memory_space<vmem>> -> memref<1x1x80xi32, #tpu.memory_space<vmem>>
      %dma_start3A_626 = tpu.memref_squeeze %dma_start3A_625 : memref<1x1x80xi32, #tpu.memory_space<vmem>> -> memref<80xi32, #tpu.memory_space<vmem>>
      %dma_start3A_627 = arith.constant 0 : i32
      %dma_start3A_628 = arith.constant 0 : i32
      %dma_start3A_629 = tpu.memref_slice %arg2[%dma_start3A_627, %dma_start3A_628] : memref<10000x128xf32, #tpu.memory_space<hbm>> -> memref<10000x128xf32, #tpu.memory_space<hbm>>
      tpu.enqueue_indirect_dma source(%dma_start3A_629 : memref<10000x128xf32, #tpu.memory_space<hbm>>) target(%dma_start3A_623 : memref<80x128xf32, #tpu.memory_space<vmem>>) offsets(%dma_start3A_626 : memref<80xi32, #tpu.memory_space<vmem>>) semaphore(%arg11 : memref<!tpu.dma_semaphore, #tpu.memory_space<semaphore_mem>>)
      %dma_wait3A_630 = arith.constant 0 : i32
      %dma_wait3A_631 = arith.constant 0 : i32
      %dma_wait3A_632 = arith.constant 0 : i32
      %dma_wait3A_633 = arith.constant 0 : i32
      %dma_wait3A_634 = tpu.memref_slice %arg9[%dma_wait3A_631, %dma_wait3A_632, %dma_wait3A_633] : memref<2x80x128xf32, #tpu.memory_space<vmem>> -> memref<1x80x128xf32, #tpu.memory_space<vmem>>
      %dma_wait3A_635 = tpu.memref_squeeze %dma_wait3A_634 : memref<1x80x128xf32, #tpu.memory_space<vmem>> -> memref<80x128xf32, #tpu.memory_space<vmem>>
      %dma_wait3A_636 = arith.constant 0 : i32
      %dma_wait3A_637 = tpu.memref_slice %arg7[%dma_wait3A_630, %mul3A_615, %dma_wait3A_636] : memref<2x25x80xi32, #tpu.memory_space<vmem>> -> memref<1x1x80xi32, #tpu.memory_space<vmem>>
      %dma_wait3A_638 = tpu.memref_squeeze %dma_wait3A_637 : memref<1x1x80xi32, #tpu.memory_space<vmem>> -> memref<80xi32, #tpu.memory_space<vmem>>
      %dma_wait3A_639 = arith.constant 0 : i32
      %dma_wait3A_640 = arith.constant 0 : i32
      %dma_wait3A_641 = tpu.memref_slice %arg2[%dma_wait3A_639, %dma_wait3A_640] : memref<10000x128xf32, #tpu.memory_space<hbm>> -> memref<10000x128xf32, #tpu.memory_space<hbm>>
      tpu.wait_indirect_dma semaphore(%arg10 : memref<!tpu.dma_semaphore, #tpu.memory_space<semaphore_mem>>) src(%dma_wait3A_641 : memref<10000x128xf32, #tpu.memory_space<hbm>>) dst(%dma_wait3A_635 : memref<80x128xf32, #tpu.memory_space<vmem>>)
      %run_scoped3A_642 = arith.constant 0 : i32
      %run_scoped3A_643 = arith.constant 0 : i32
      "tpu.region"() ({
        %run_scoped3A_676 = tpu.sem_alloc : memref<!tpu.dma_semaphore, #tpu.memory_space<semaphore_mem>>
        %dma_start3A_677 = arith.constant 0 : i32
        %dma_start3A_678 = arith.constant 0 : i32
        %dma_start3A_679 = tpu.memref_slice %arg9[%run_scoped3A_642, %dma_start3A_677, %dma_start3A_678] : memref<2x80x128xf32, #tpu.memory_space<vmem>> -> memref<1x80x128xf32, #tpu.memory_space<vmem>>
        %dma_start3A_680 = tpu.memref_squeeze %dma_start3A_679 : memref<1x80x128xf32, #tpu.memory_space<vmem>> -> memref<80x128xf32, #tpu.memory_space<vmem>>
        %dma_start3A_681 = arith.constant 0 : i32
        %dma_start3A_682 = tpu.memref_slice %arg8[%run_scoped3A_643, %mul3A_615, %dma_start3A_681] : memref<2x25x80xi32, #tpu.memory_space<vmem>> -> memref<1x1x80xi32, #tpu.memory_space<vmem>>
        %dma_start3A_683 = tpu.memref_squeeze %dma_start3A_682 : memref<1x1x80xi32, #tpu.memory_space<vmem>> -> memref<80xi32, #tpu.memory_space<vmem>>
        %dma_start3A_684 = arith.constant 0 : i32
        %dma_start3A_685 = arith.constant 0 : i32
        %dma_start3A_686 = tpu.memref_slice %arg14[%dma_start3A_684, %dma_start3A_685] : memref<10240x128xf32, #tpu.memory_space<vmem_shared>> -> memref<10240x128xf32, #tpu.memory_space<vmem_shared>>
        tpu.enqueue_indirect_dma source(%dma_start3A_680 : memref<80x128xf32, #tpu.memory_space<vmem>>) target(%dma_start3A_686 : memref<10240x128xf32, #tpu.memory_space<vmem_shared>>) offsets(%dma_start3A_683 : memref<80xi32, #tpu.memory_space<vmem>>) semaphore(%run_scoped3A_676 : memref<!tpu.dma_semaphore, #tpu.memory_space<semaphore_mem>>) {add = true}
        %dma_wait3A_687 = arith.constant 0 : i32
        %dma_wait3A_688 = arith.constant 0 : i32
        %dma_wait3A_689 = tpu.memref_slice %arg9[%run_scoped3A_642, %dma_wait3A_687, %dma_wait3A_688] : memref<2x80x128xf32, #tpu.memory_space<vmem>> -> memref<1x80x128xf32, #tpu.memory_space<vmem>>
        %dma_wait3A_690 = tpu.memref_squeeze %dma_wait3A_689 : memref<1x80x128xf32, #tpu.memory_space<vmem>> -> memref<80x128xf32, #tpu.memory_space<vmem>>
        %dma_wait3A_691 = arith.constant 0 : i32
        %dma_wait3A_692 = tpu.memref_slice %arg8[%run_scoped3A_643, %mul3A_615, %dma_wait3A_691] : memref<2x25x80xi32, #tpu.memory_space<vmem>> -> memref<1x1x80xi32, #tpu.memory_space<vmem>>
        %dma_wait3A_693 = tpu.memref_squeeze %dma_wait3A_692 : memref<1x1x80xi32, #tpu.memory_space<vmem>> -> memref<80xi32, #tpu.memory_space<vmem>>
        %dma_wait3A_694 = arith.constant 0 : i32
        %dma_wait3A_695 = arith.constant 0 : i32
        %dma_wait3A_696 = tpu.memref_slice %arg14[%dma_wait3A_694, %dma_wait3A_695] : memref<10240x128xf32, #tpu.memory_space<vmem_shared>> -> memref<10240x128xf32, #tpu.memory_space<vmem_shared>>
        tpu.wait_indirect_dma semaphore(%run_scoped3A_676 : memref<!tpu.dma_semaphore, #tpu.memory_space<semaphore_mem>>) src(%dma_wait3A_690 : memref<80x128xf32, #tpu.memory_space<vmem>>) dst(%dma_wait3A_696 : memref<10240x128xf32, #tpu.memory_space<vmem_shared>>)
        tpu.yield
      }) : () -> ()
      %add3A_644 = arith.constant 2 : i32
      %add3A_645 = arith.addi %mul3A_615, %add3A_644 : i32
      %dma_start3A_646 = arith.constant 0 : i32
      %dma_start3A_647 = arith.constant 0 : i32
      %dma_start3A_648 = arith.constant 0 : i32
      %dma_start3A_649 = arith.constant 0 : i32
      %dma_start3A_650 = tpu.memref_slice %arg9[%dma_start3A_647, %dma_start3A_648, %dma_start3A_649] : memref<2x80x128xf32, #tpu.memory_space<vmem>> -> memref<1x80x128xf32, #tpu.memory_space<vmem>>
      %dma_start3A_651 = tpu.memref_squeeze %dma_start3A_650 : memref<1x80x128xf32, #tpu.memory_space<vmem>> -> memref<80x128xf32, #tpu.memory_space<vmem>>
      %dma_start3A_652 = arith.constant 0 : i32
      %dma_start3A_653 = tpu.memref_slice %arg7[%dma_start3A_646, %add3A_645, %dma_start3A_652] : memref<2x25x80xi32, #tpu.memory_space<vmem>> -> memref<1x1x80xi32, #tpu.memory_space<vmem>>
      %dma_start3A_654 = tpu.memref_squeeze %dma_start3A_653 : memref<1x1x80xi32, #tpu.memory_space<vmem>> -> memref<80xi32, #tpu.memory_space<vmem>>
      %dma_start3A_655 = arith.constant 0 : i32
      %dma_start3A_656 = arith.constant 0 : i32
      %dma_start3A_657 = tpu.memref_slice %arg2[%dma_start3A_655, %dma_start3A_656] : memref<10000x128xf32, #tpu.memory_space<hbm>> -> memref<10000x128xf32, #tpu.memory_space<hbm>>
      tpu.enqueue_indirect_dma source(%dma_start3A_657 : memref<10000x128xf32, #tpu.memory_space<hbm>>) target(%dma_start3A_651 : memref<80x128xf32, #tpu.memory_space<vmem>>) offsets(%dma_start3A_654 : memref<80xi32, #tpu.memory_space<vmem>>) semaphore(%arg10 : memref<!tpu.dma_semaphore, #tpu.memory_space<semaphore_mem>>)
      %add3A_658 = arith.constant 1 : i32
      %add3A_659 = arith.addi %mul3A_615, %add3A_658 : i32
      %dma_wait3A_660 = arith.constant 0 : i32
      %dma_wait3A_661 = arith.constant 1 : i32
      %dma_wait3A_662 = arith.constant 0 : i32
      %dma_wait3A_663 = arith.constant 0 : i32
      %dma_wait3A_664 = tpu.memref_slice %arg9[%dma_wait3A_661, %dma_wait3A_662, %dma_wait3A_663] : memref<2x80x128xf32, #tpu.memory_space<vmem>> -> memref<1x80x128xf32, #tpu.memory_space<vmem>>
      %dma_wait3A_665 = tpu.memref_squeeze %dma_wait3A_664 : memref<1x80x128xf32, #tpu.memory_space<vmem>> -> memref<80x128xf32, #tpu.memory_space<vmem>>
      %dma_wait3A_666 = arith.constant 0 : i32
      %dma_wait3A_667 = tpu.memref_slice %arg7[%dma_wait3A_660, %add3A_659, %dma_wait3A_666] : memref<2x25x80xi32, #tpu.memory_space<vmem>> -> memref<1x1x80xi32, #tpu.memory_space<vmem>>
      %dma_wait3A_668 = tpu.memref_squeeze %dma_wait3A_667 : memref<1x1x80xi32, #tpu.memory_space<vmem>> -> memref<80xi32, #tpu.memory_space<vmem>>
      %dma_wait3A_669 = arith.constant 0 : i32
      %dma_wait3A_670 = arith.constant 0 : i32
      %dma_wait3A_671 = tpu.memref_slice %arg2[%dma_wait3A_669, %dma_wait3A_670] : memref<10000x128xf32, #tpu.memory_space<hbm>> -> memref<10000x128xf32, #tpu.memory_space<hbm>>
      tpu.wait_indirect_dma semaphore(%arg11 : memref<!tpu.dma_semaphore, #tpu.memory_space<semaphore_mem>>) src(%dma_wait3A_671 : memref<10000x128xf32, #tpu.memory_space<hbm>>) dst(%dma_wait3A_665 : memref<80x128xf32, #tpu.memory_space<vmem>>)
      %add3A_672 = arith.constant 1 : i32
      %add3A_673 = arith.addi %mul3A_615, %add3A_672 : i32
      %run_scoped3A_674 = arith.constant 1 : i32
      %run_scoped3A_675 = arith.constant 0 : i32
      "tpu.region"() ({
        %run_scoped3A_676 = tpu.sem_alloc : memref<!tpu.dma_semaphore, #tpu.memory_space<semaphore_mem>>
        %dma_start3A_677 = arith.constant 0 : i32
        %dma_start3A_678 = arith.constant 0 : i32
        %dma_start3A_679 = tpu.memref_slice %arg9[%run_scoped3A_674, %dma_start3A_677, %dma_start3A_678] : memref<2x80x128xf32, #tpu.memory_space<vmem>> -> memref<1x80x128xf32, #tpu.memory_space<vmem>>
        %dma_start3A_680 = tpu.memref_squeeze %dma_start3A_679 : memref<1x80x128xf32, #tpu.memory_space<vmem>> -> memref<80x128xf32, #tpu.memory_space<vmem>>
        %dma_start3A_681 = arith.constant 0 : i32
        %dma_start3A_682 = tpu.memref_slice %arg8[%run_scoped3A_675, %add3A_673, %dma_start3A_681] : memref<2x25x80xi32, #tpu.memory_space<vmem>> -> memref<1x1x80xi32, #tpu.memory_space<vmem>>
        %dma_start3A_683 = tpu.memref_squeeze %dma_start3A_682 : memref<1x1x80xi32, #tpu.memory_space<vmem>> -> memref<80xi32, #tpu.memory_space<vmem>>
        %dma_start3A_684 = arith.constant 0 : i32
        %dma_start3A_685 = arith.constant 0 : i32
        %dma_start3A_686 = tpu.memref_slice %arg14[%dma_start3A_684, %dma_start3A_685] : memref<10240x128xf32, #tpu.memory_space<vmem_shared>> -> memref<10240x128xf32, #tpu.memory_space<vmem_shared>>
        tpu.enqueue_indirect_dma source(%dma_start3A_680 : memref<80x128xf32, #tpu.memory_space<vmem>>) target(%dma_start3A_686 : memref<10240x128xf32, #tpu.memory_space<vmem_shared>>) offsets(%dma_start3A_683 : memref<80xi32, #tpu.memory_space<vmem>>) semaphore(%run_scoped3A_676 : memref<!tpu.dma_semaphore, #tpu.memory_space<semaphore_mem>>) {add = true}
        %dma_wait3A_687 = arith.constant 0 : i32
        %dma_wait3A_688 = arith.constant 0 : i32
        %dma_wait3A_689 = tpu.memref_slice %arg9[%run_scoped3A_674, %dma_wait3A_687, %dma_wait3A_688] : memref<2x80x128xf32, #tpu.memory_space<vmem>> -> memref<1x80x128xf32, #tpu.memory_space<vmem>>
        %dma_wait3A_690 = tpu.memref_squeeze %dma_wait3A_689 : memref<1x80x128xf32, #tpu.memory_space<vmem>> -> memref<80x128xf32, #tpu.memory_space<vmem>>
        %dma_wait3A_691 = arith.constant 0 : i32
        %dma_wait3A_692 = tpu.memref_slice %arg8[%run_scoped3A_675, %add3A_673, %dma_wait3A_691] : memref<2x25x80xi32, #tpu.memory_space<vmem>> -> memref<1x1x80xi32, #tpu.memory_space<vmem>>
        %dma_wait3A_693 = tpu.memref_squeeze %dma_wait3A_692 : memref<1x1x80xi32, #tpu.memory_space<vmem>> -> memref<80xi32, #tpu.memory_space<vmem>>
        %dma_wait3A_694 = arith.constant 0 : i32
        %dma_wait3A_695 = arith.constant 0 : i32
        %dma_wait3A_696 = tpu.memref_slice %arg14[%dma_wait3A_694, %dma_wait3A_695] : memref<10240x128xf32, #tpu.memory_space<vmem_shared>> -> memref<10240x128xf32, #tpu.memory_space<vmem_shared>>
        tpu.wait_indirect_dma semaphore(%run_scoped3A_676 : memref<!tpu.dma_semaphore, #tpu.memory_space<semaphore_mem>>) src(%dma_wait3A_690 : memref<80x128xf32, #tpu.memory_space<vmem>>) dst(%dma_wait3A_696 : memref<10240x128xf32, #tpu.memory_space<vmem_shared>>)
        tpu.yield
      }) : () -> ()
    }
    %scan3A_591 = arith.constant 12 : i32
    %dma_wait3A_592 = arith.constant 0 : i32
    %dma_wait3A_593 = arith.constant 24 : i32
    %dma_wait3A_594 = arith.constant 0 : i32
    %dma_wait3A_595 = arith.constant 0 : i32
    %dma_wait3A_596 = arith.constant 0 : i32
    %dma_wait3A_597 = tpu.memref_slice %arg9[%dma_wait3A_594, %dma_wait3A_595, %dma_wait3A_596] : memref<2x80x128xf32, #tpu.memory_space<vmem>> -> memref<1x80x128xf32, #tpu.memory_space<vmem>>
    %dma_wait3A_598 = tpu.memref_squeeze %dma_wait3A_597 : memref<1x80x128xf32, #tpu.memory_space<vmem>> -> memref<80x128xf32, #tpu.memory_space<vmem>>
    %dma_wait3A_599 = arith.constant 0 : i32
    %dma_wait3A_600 = tpu.memref_slice %arg7[%dma_wait3A_592, %dma_wait3A_593, %dma_wait3A_599] : memref<2x25x80xi32, #tpu.memory_space<vmem>> -> memref<1x1x80xi32, #tpu.memory_space<vmem>>
    %dma_wait3A_601 = tpu.memref_squeeze %dma_wait3A_600 : memref<1x1x80xi32, #tpu.memory_space<vmem>> -> memref<80xi32, #tpu.memory_space<vmem>>
    %dma_wait3A_602 = arith.constant 0 : i32
    %dma_wait3A_603 = arith.constant 0 : i32
    %dma_wait3A_604 = tpu.memref_slice %arg2[%dma_wait3A_602, %dma_wait3A_603] : memref<10000x128xf32, #tpu.memory_space<hbm>> -> memref<10000x128xf32, #tpu.memory_space<hbm>>
    tpu.wait_indirect_dma semaphore(%arg10 : memref<!tpu.dma_semaphore, #tpu.memory_space<semaphore_mem>>) src(%dma_wait3A_604 : memref<10000x128xf32, #tpu.memory_space<hbm>>) dst(%dma_wait3A_598 : memref<80x128xf32, #tpu.memory_space<vmem>>)
    %run_scoped3A_605 = arith.constant 0 : i32
    %run_scoped3A_606 = arith.constant 0 : i32
    %run_scoped3A_607 = arith.constant 24 : i32
    "tpu.region"() ({
      %run_scoped3A_613 = tpu.sem_alloc : memref<!tpu.dma_semaphore, #tpu.memory_space<semaphore_mem>>
      %dma_start3A_614 = arith.constant 0 : i32
      %dma_start3A_615 = arith.constant 0 : i32
      %dma_start3A_616 = tpu.memref_slice %arg9[%run_scoped3A_605, %dma_start3A_614, %dma_start3A_615] : memref<2x80x128xf32, #tpu.memory_space<vmem>> -> memref<1x80x128xf32, #tpu.memory_space<vmem>>
      %dma_start3A_617 = tpu.memref_squeeze %dma_start3A_616 : memref<1x80x128xf32, #tpu.memory_space<vmem>> -> memref<80x128xf32, #tpu.memory_space<vmem>>
      %dma_start3A_618 = arith.constant 0 : i32
      %dma_start3A_619 = tpu.memref_slice %arg8[%run_scoped3A_606, %run_scoped3A_607, %dma_start3A_618] : memref<2x25x80xi32, #tpu.memory_space<vmem>> -> memref<1x1x80xi32, #tpu.memory_space<vmem>>
      %dma_start3A_620 = tpu.memref_squeeze %dma_start3A_619 : memref<1x1x80xi32, #tpu.memory_space<vmem>> -> memref<80xi32, #tpu.memory_space<vmem>>
      %dma_start3A_621 = arith.constant 0 : i32
      %dma_start3A_622 = arith.constant 0 : i32
      %dma_start3A_623 = tpu.memref_slice %arg14[%dma_start3A_621, %dma_start3A_622] : memref<10240x128xf32, #tpu.memory_space<vmem_shared>> -> memref<10240x128xf32, #tpu.memory_space<vmem_shared>>
      tpu.enqueue_indirect_dma source(%dma_start3A_617 : memref<80x128xf32, #tpu.memory_space<vmem>>) target(%dma_start3A_623 : memref<10240x128xf32, #tpu.memory_space<vmem_shared>>) offsets(%dma_start3A_620 : memref<80xi32, #tpu.memory_space<vmem>>) semaphore(%run_scoped3A_613 : memref<!tpu.dma_semaphore, #tpu.memory_space<semaphore_mem>>) {add = true}
      %dma_wait3A_624 = arith.constant 0 : i32
      %dma_wait3A_625 = arith.constant 0 : i32
      %dma_wait3A_626 = tpu.memref_slice %arg9[%run_scoped3A_605, %dma_wait3A_624, %dma_wait3A_625] : memref<2x80x128xf32, #tpu.memory_space<vmem>> -> memref<1x80x128xf32, #tpu.memory_space<vmem>>
      %dma_wait3A_627 = tpu.memref_squeeze %dma_wait3A_626 : memref<1x80x128xf32, #tpu.memory_space<vmem>> -> memref<80x128xf32, #tpu.memory_space<vmem>>
      %dma_wait3A_628 = arith.constant 0 : i32
      %dma_wait3A_629 = tpu.memref_slice %arg8[%run_scoped3A_606, %run_scoped3A_607, %dma_wait3A_628] : memref<2x25x80xi32, #tpu.memory_space<vmem>> -> memref<1x1x80xi32, #tpu.memory_space<vmem>>
      %dma_wait3A_630 = tpu.memref_squeeze %dma_wait3A_629 : memref<1x1x80xi32, #tpu.memory_space<vmem>> -> memref<80xi32, #tpu.memory_space<vmem>>
      %dma_wait3A_631 = arith.constant 0 : i32
      %dma_wait3A_632 = arith.constant 0 : i32
      %dma_wait3A_633 = tpu.memref_slice %arg14[%dma_wait3A_631, %dma_wait3A_632] : memref<10240x128xf32, #tpu.memory_space<vmem_shared>> -> memref<10240x128xf32, #tpu.memory_space<vmem_shared>>
      tpu.wait_indirect_dma semaphore(%run_scoped3A_613 : memref<!tpu.dma_semaphore, #tpu.memory_space<semaphore_mem>>) src(%dma_wait3A_627 : memref<80x128xf32, #tpu.memory_space<vmem>>) dst(%dma_wait3A_633 : memref<10240x128xf32, #tpu.memory_space<vmem_shared>>)
      tpu.yield
    }) : () -> ()
    %barrier3A_608 = arith.constant 0 : index
    tpu.barrier barrier_id(%barrier3A_608)
    %mul3A_609 = arith.constant 640 : i32
    %mul3A_610 = arith.muli %arg1, %mul3A_609 : i32
    %mul3A_611 = arith.constant 640 : i32
    %mul3A_612 = arith.muli %arg1, %mul3A_611 : i32
    "tpu.region"() ({
      %run_scoped3A_613 = tpu.sem_alloc : memref<!tpu.dma_semaphore, #tpu.memory_space<semaphore_mem>>
      %dma_start3A_614 = arith.constant 0 : i32
      %dma_start3A_615 = tpu.memref_slice %arg6[%arg0, %mul3A_612, %dma_start3A_614] : memref<2x10240x128xf32, #tpu.memory_space<hbm>> -> memref<1x640x128xf32, #tpu.memory_space<hbm>>
      %dma_start3A_616 = tpu.memref_squeeze %dma_start3A_615 : memref<1x640x128xf32, #tpu.memory_space<hbm>> -> memref<640x128xf32, #tpu.memory_space<hbm>>
      %dma_start3A_617 = arith.constant 0 : i32
      %dma_start3A_618 = tpu.memref_slice %arg14[%mul3A_610, %dma_start3A_617] : memref<10240x128xf32, #tpu.memory_space<vmem_shared>> -> memref<640x128xf32, #tpu.memory_space<vmem_shared>>
      tpu.enqueue_dma source(%dma_start3A_618 : memref<640x128xf32, #tpu.memory_space<vmem_shared>>) target(%dma_start3A_616 : memref<640x128xf32, #tpu.memory_space<hbm>>) target_semaphore(%run_scoped3A_613 : memref<!tpu.dma_semaphore, #tpu.memory_space<semaphore_mem>>)
      %dma_wait3A_619 = arith.constant 0 : i32
      %dma_wait3A_620 = tpu.memref_slice %arg6[%arg0, %mul3A_612, %dma_wait3A_619] : memref<2x10240x128xf32, #tpu.memory_space<hbm>> -> memref<1x640x128xf32, #tpu.memory_space<hbm>>
      %dma_wait3A_621 = tpu.memref_squeeze %dma_wait3A_620 : memref<1x640x128xf32, #tpu.memory_space<hbm>> -> memref<640x128xf32, #tpu.memory_space<hbm>>
      %dma_wait3A_622 = arith.constant 0 : i32
      %dma_wait3A_623 = tpu.memref_slice %arg14[%mul3A_610, %dma_wait3A_622] : memref<10240x128xf32, #tpu.memory_space<vmem_shared>> -> memref<640x128xf32, #tpu.memory_space<vmem_shared>>
      tpu.wait_dma2 semaphore(%run_scoped3A_613 : memref<!tpu.dma_semaphore, #tpu.memory_space<semaphore_mem>>) src(%dma_wait3A_623 : memref<640x128xf32, #tpu.memory_space<vmem_shared>>) dst(%dma_wait3A_621 : memref<640x128xf32, #tpu.memory_space<hbm>>)
      tpu.yield
    }) : () -> ()
    return
  }
}

#map = affine_map<(d0, d1) -> (0, 0)>
#map1 = affine_map<(d0, d1) -> (0, 0, 0)>
module attributes {stable_mosaic.version = 14 : i64} {
  func.func @_prop_kernel(%arg0: i32, %arg1: i32, %arg2: memref<10000x128xf32, #tpu.memory_space<hbm>>, %arg3: memref<160x25x80xi32, #tpu.memory_space<hbm>>, %arg4: memref<160x25x80xi32, #tpu.memory_space<hbm>>, %arg5: memref<10240x128xf32, #tpu.memory_space<hbm>>, %arg6: memref<2x10240x128xf32, #tpu.memory_space<hbm>>, %arg7: memref<2x25x80xi32, #tpu.memory_space<vmem>>, %arg8: memref<2x25x80xi32, #tpu.memory_space<vmem>>, %arg9: memref<2x80x128xf32, #tpu.memory_space<vmem>>, %arg10: memref<!tpu.dma_semaphore, #tpu.memory_space<semaphore_mem>>, %arg11: memref<!tpu.dma_semaphore, #tpu.memory_space<semaphore_mem>>, %arg12: memref<!tpu.dma_semaphore, #tpu.memory_space<semaphore_mem>>, %arg13: memref<!tpu.dma_semaphore, #tpu.memory_space<semaphore_mem>>, %arg14: memref<10240x128xf32, #tpu.memory_space<vmem_shared>>) attributes {dimension_semantics = [#tpu.dimension_semantics<core_parallel>, #tpu.dimension_semantics<subcore_parallel>], iteration_bounds = array<i64: 2, 16>, scalar_prefetch = 0 : i64, scratch_operands = 8 : i64, tpu.core_type = #tpu.core_type<sc_vector_subcore>, window_params = [{transform_indices = #map}, {transform_indices = #map1}, {transform_indices = #map1}, {transform_indices = #map}, {transform_indices = #map1}]} {
    %mul3A = arith.constant 2 : i32
    %mul3A_0 = arith.muli %arg1, %mul3A : i32
    %add3A = arith.addi %mul3A_0, %arg0 : i32
    %mul3A_1 = arith.constant 640 : i32
    %mul3A_2 = arith.muli %arg1, %mul3A_1 : i32
    %mul3A_3 = arith.constant 640 : i32
    %mul3A_4 = arith.muli %arg1, %mul3A_3 : i32
    %dma_start3A = arith.constant 0 : i32
    %dma_start3A_5 = tpu.memref_slice %arg14[%mul3A_4, %dma_start3A] : memref<10240x128xf32, #tpu.memory_space<vmem_shared>> -> memref<640x128xf32, #tpu.memory_space<vmem_shared>>
    %dma_start3A_6 = arith.constant 0 : i32
    %dma_start3A_7 = tpu.memref_slice %arg5[%mul3A_2, %dma_start3A_6] : memref<10240x128xf32, #tpu.memory_space<hbm>> -> memref<640x128xf32, #tpu.memory_space<hbm>>
    tpu.enqueue_dma source(%dma_start3A_7 : memref<640x128xf32, #tpu.memory_space<hbm>>) target(%dma_start3A_5 : memref<640x128xf32, #tpu.memory_space<vmem_shared>>) target_semaphore(%arg12 : memref<!tpu.dma_semaphore, #tpu.memory_space<semaphore_mem>>)
    %mul3A_8 = arith.constant 5 : i32
    %mul3A_9 = arith.muli %add3A, %mul3A_8 : i32
    %add3A_10 = arith.constant 0 : i32
    %add3A_11 = arith.addi %mul3A_9, %add3A_10 : i32
    %dma_start3A_12 = arith.constant 0 : i32
    %dma_start3A_13 = arith.constant 0 : i32
    %dma_start3A_14 = arith.constant 0 : i32
    %dma_start3A_15 = tpu.memref_slice %arg7[%dma_start3A_12, %dma_start3A_13, %dma_start3A_14] : memref<2x25x80xi32, #tpu.memory_space<vmem>> -> memref<1x25x80xi32, #tpu.memory_space<vmem>>
    %dma_start3A_16 = tpu.memref_squeeze %dma_start3A_15 : memref<1x25x80xi32, #tpu.memory_space<vmem>> -> memref<25x80xi32, #tpu.memory_space<vmem>>
    %dma_start3A_17 = arith.constant 0 : i32
    %dma_start3A_18 = arith.constant 0 : i32
    %dma_start3A_19 = tpu.memref_slice %arg3[%add3A_11, %dma_start3A_17, %dma_start3A_18] : memref<160x25x80xi32, #tpu.memory_space<hbm>> -> memref<1x25x80xi32, #tpu.memory_space<hbm>>
    %dma_start3A_20 = tpu.memref_squeeze %dma_start3A_19 : memref<1x25x80xi32, #tpu.memory_space<hbm>> -> memref<25x80xi32, #tpu.memory_space<hbm>>
    %dma_start3A_21 = arith.constant 0 : i32
    %dma_start3A_22 = arith.constant 0 : i32
    %dma_start3A_23 = tpu.memref_slice %arg7[%dma_start3A_12, %dma_start3A_21, %dma_start3A_22] : memref<2x25x80xi32, #tpu.memory_space<vmem>> -> memref<1x25x80xi32, #tpu.memory_space<vmem>>
    %dma_start3A_24 = tpu.memref_squeeze %dma_start3A_23 : memref<1x25x80xi32, #tpu.memory_space<vmem>> -> memref<25x80xi32, #tpu.memory_space<vmem>>
    %dma_start3A_25 = arith.constant 0 : i32
    %dma_start3A_26 = arith.constant 0 : i32
    %dma_start3A_27 = tpu.memref_slice %arg3[%add3A_11, %dma_start3A_25, %dma_start3A_26] : memref<160x25x80xi32, #tpu.memory_space<hbm>> -> memref<1x25x80xi32, #tpu.memory_space<hbm>>
    %dma_start3A_28 = tpu.memref_squeeze %dma_start3A_27 : memref<1x25x80xi32, #tpu.memory_space<hbm>> -> memref<25x80xi32, #tpu.memory_space<hbm>>
    tpu.enqueue_dma source(%dma_start3A_28 : memref<25x80xi32, #tpu.memory_space<hbm>>) target(%dma_start3A_24 : memref<25x80xi32, #tpu.memory_space<vmem>>) target_semaphore(%arg13 : memref<!tpu.dma_semaphore, #tpu.memory_space<semaphore_mem>>)
    %mul3A_29 = arith.constant 5 : i32
    %mul3A_30 = arith.muli %add3A, %mul3A_29 : i32
    %add3A_31 = arith.constant 0 : i32
    %add3A_32 = arith.addi %mul3A_30, %add3A_31 : i32
    %dma_start3A_33 = arith.constant 0 : i32
    %dma_start3A_34 = arith.constant 0 : i32
    %dma_start3A_35 = arith.constant 0 : i32
    %dma_start3A_36 = tpu.memref_slice %arg8[%dma_start3A_33, %dma_start3A_34, %dma_start3A_35] : memref<2x25x80xi32, #tpu.memory_space<vmem>> -> memref<1x25x80xi32, #tpu.memory_space<vmem>>
    %dma_start3A_37 = tpu.memref_squeeze %dma_start3A_36 : memref<1x25x80xi32, #tpu.memory_space<vmem>> -> memref<25x80xi32, #tpu.memory_space<vmem>>
    %dma_start3A_38 = arith.constant 0 : i32
    %dma_start3A_39 = arith.constant 0 : i32
    %dma_start3A_40 = tpu.memref_slice %arg4[%add3A_32, %dma_start3A_38, %dma_start3A_39] : memref<160x25x80xi32, #tpu.memory_space<hbm>> -> memref<1x25x80xi32, #tpu.memory_space<hbm>>
    %dma_start3A_41 = tpu.memref_squeeze %dma_start3A_40 : memref<1x25x80xi32, #tpu.memory_space<hbm>> -> memref<25x80xi32, #tpu.memory_space<hbm>>
    %dma_start3A_42 = arith.constant 0 : i32
    %dma_start3A_43 = arith.constant 0 : i32
    %dma_start3A_44 = tpu.memref_slice %arg8[%dma_start3A_33, %dma_start3A_42, %dma_start3A_43] : memref<2x25x80xi32, #tpu.memory_space<vmem>> -> memref<1x25x80xi32, #tpu.memory_space<vmem>>
    %dma_start3A_45 = tpu.memref_squeeze %dma_start3A_44 : memref<1x25x80xi32, #tpu.memory_space<vmem>> -> memref<25x80xi32, #tpu.memory_space<vmem>>
    %dma_start3A_46 = arith.constant 0 : i32
    %dma_start3A_47 = arith.constant 0 : i32
    %dma_start3A_48 = tpu.memref_slice %arg4[%add3A_32, %dma_start3A_46, %dma_start3A_47] : memref<160x25x80xi32, #tpu.memory_space<hbm>> -> memref<1x25x80xi32, #tpu.memory_space<hbm>>
    %dma_start3A_49 = tpu.memref_squeeze %dma_start3A_48 : memref<1x25x80xi32, #tpu.memory_space<hbm>> -> memref<25x80xi32, #tpu.memory_space<hbm>>
    tpu.enqueue_dma source(%dma_start3A_49 : memref<25x80xi32, #tpu.memory_space<hbm>>) target(%dma_start3A_45 : memref<25x80xi32, #tpu.memory_space<vmem>>) target_semaphore(%arg13 : memref<!tpu.dma_semaphore, #tpu.memory_space<semaphore_mem>>)
    %mul3A_50 = arith.constant 5 : i32
    %mul3A_51 = arith.muli %add3A, %mul3A_50 : i32
    %add3A_52 = arith.constant 0 : i32
    %add3A_53 = arith.addi %mul3A_51, %add3A_52 : i32
    %dma_wait3A = arith.constant 0 : i32
    %dma_wait3A_54 = arith.constant 0 : i32
    %dma_wait3A_55 = arith.constant 0 : i32
    %dma_wait3A_56 = tpu.memref_slice %arg7[%dma_wait3A, %dma_wait3A_54, %dma_wait3A_55] : memref<2x25x80xi32, #tpu.memory_space<vmem>> -> memref<1x25x80xi32, #tpu.memory_space<vmem>>
    %dma_wait3A_57 = tpu.memref_squeeze %dma_wait3A_56 : memref<1x25x80xi32, #tpu.memory_space<vmem>> -> memref<25x80xi32, #tpu.memory_space<vmem>>
    %dma_wait3A_58 = arith.constant 0 : i32
    %dma_wait3A_59 = arith.constant 0 : i32
    %dma_wait3A_60 = tpu.memref_slice %arg3[%add3A_53, %dma_wait3A_58, %dma_wait3A_59] : memref<160x25x80xi32, #tpu.memory_space<hbm>> -> memref<1x25x80xi32, #tpu.memory_space<hbm>>
    %dma_wait3A_61 = tpu.memref_squeeze %dma_wait3A_60 : memref<1x25x80xi32, #tpu.memory_space<hbm>> -> memref<25x80xi32, #tpu.memory_space<hbm>>
    %dma_wait3A_62 = arith.constant 0 : i32
    %dma_wait3A_63 = arith.constant 0 : i32
    %dma_wait3A_64 = tpu.memref_slice %arg7[%dma_wait3A, %dma_wait3A_62, %dma_wait3A_63] : memref<2x25x80xi32, #tpu.memory_space<vmem>> -> memref<1x25x80xi32, #tpu.memory_space<vmem>>
    %dma_wait3A_65 = tpu.memref_squeeze %dma_wait3A_64 : memref<1x25x80xi32, #tpu.memory_space<vmem>> -> memref<25x80xi32, #tpu.memory_space<vmem>>
    %dma_wait3A_66 = arith.constant 0 : i32
    %dma_wait3A_67 = arith.constant 0 : i32
    %dma_wait3A_68 = tpu.memref_slice %arg3[%add3A_53, %dma_wait3A_66, %dma_wait3A_67] : memref<160x25x80xi32, #tpu.memory_space<hbm>> -> memref<1x25x80xi32, #tpu.memory_space<hbm>>
    %dma_wait3A_69 = tpu.memref_squeeze %dma_wait3A_68 : memref<1x25x80xi32, #tpu.memory_space<hbm>> -> memref<25x80xi32, #tpu.memory_space<hbm>>
    tpu.wait_dma2 semaphore(%arg13 : memref<!tpu.dma_semaphore, #tpu.memory_space<semaphore_mem>>) src(%dma_wait3A_69 : memref<25x80xi32, #tpu.memory_space<hbm>>) dst(%dma_wait3A_65 : memref<25x80xi32, #tpu.memory_space<vmem>>)
    %mul3A_70 = arith.constant 5 : i32
    %mul3A_71 = arith.muli %add3A, %mul3A_70 : i32
    %add3A_72 = arith.constant 0 : i32
    %add3A_73 = arith.addi %mul3A_71, %add3A_72 : i32
    %dma_wait3A_74 = arith.constant 0 : i32
    %dma_wait3A_75 = arith.constant 0 : i32
    %dma_wait3A_76 = arith.constant 0 : i32
    %dma_wait3A_77 = tpu.memref_slice %arg8[%dma_wait3A_74, %dma_wait3A_75, %dma_wait3A_76] : memref<2x25x80xi32, #tpu.memory_space<vmem>> -> memref<1x25x80xi32, #tpu.memory_space<vmem>>
    %dma_wait3A_78 = tpu.memref_squeeze %dma_wait3A_77 : memref<1x25x80xi32, #tpu.memory_space<vmem>> -> memref<25x80xi32, #tpu.memory_space<vmem>>
    %dma_wait3A_79 = arith.constant 0 : i32
    %dma_wait3A_80 = arith.constant 0 : i32
    %dma_wait3A_81 = tpu.memref_slice %arg4[%add3A_73, %dma_wait3A_79, %dma_wait3A_80] : memref<160x25x80xi32, #tpu.memory_space<hbm>> -> memref<1x25x80xi32, #tpu.memory_space<hbm>>
    %dma_wait3A_82 = tpu.memref_squeeze %dma_wait3A_81 : memref<1x25x80xi32, #tpu.memory_space<hbm>> -> memref<25x80xi32, #tpu.memory_space<hbm>>
    %dma_wait3A_83 = arith.constant 0 : i32
    %dma_wait3A_84 = arith.constant 0 : i32
    %dma_wait3A_85 = tpu.memref_slice %arg8[%dma_wait3A_74, %dma_wait3A_83, %dma_wait3A_84] : memref<2x25x80xi32, #tpu.memory_space<vmem>> -> memref<1x25x80xi32, #tpu.memory_space<vmem>>
    %dma_wait3A_86 = tpu.memref_squeeze %dma_wait3A_85 : memref<1x25x80xi32, #tpu.memory_space<vmem>> -> memref<25x80xi32, #tpu.memory_space<vmem>>
    %dma_wait3A_87 = arith.constant 0 : i32
    %dma_wait3A_88 = arith.constant 0 : i32
    %dma_wait3A_89 = tpu.memref_slice %arg4[%add3A_73, %dma_wait3A_87, %dma_wait3A_88] : memref<160x25x80xi32, #tpu.memory_space<hbm>> -> memref<1x25x80xi32, #tpu.memory_space<hbm>>
    %dma_wait3A_90 = tpu.memref_squeeze %dma_wait3A_89 : memref<1x25x80xi32, #tpu.memory_space<hbm>> -> memref<25x80xi32, #tpu.memory_space<hbm>>
    tpu.wait_dma2 semaphore(%arg13 : memref<!tpu.dma_semaphore, #tpu.memory_space<semaphore_mem>>) src(%dma_wait3A_90 : memref<25x80xi32, #tpu.memory_space<hbm>>) dst(%dma_wait3A_86 : memref<25x80xi32, #tpu.memory_space<vmem>>)
    %dma_start3A_91 = arith.constant 0 : i32
    %dma_start3A_92 = arith.constant 0 : i32
    %dma_start3A_93 = arith.constant 0 : i32
    %dma_start3A_94 = arith.constant 0 : i32
    %dma_start3A_95 = arith.constant 0 : i32
    %dma_start3A_96 = tpu.memref_slice %arg9[%dma_start3A_93, %dma_start3A_94, %dma_start3A_95] : memref<2x80x128xf32, #tpu.memory_space<vmem>> -> memref<1x80x128xf32, #tpu.memory_space<vmem>>
    %dma_start3A_97 = tpu.memref_squeeze %dma_start3A_96 : memref<1x80x128xf32, #tpu.memory_space<vmem>> -> memref<80x128xf32, #tpu.memory_space<vmem>>
    %dma_start3A_98 = arith.constant 0 : i32
    %dma_start3A_99 = tpu.memref_slice %arg7[%dma_start3A_91, %dma_start3A_92, %dma_start3A_98] : memref<2x25x80xi32, #tpu.memory_space<vmem>> -> memref<1x1x80xi32, #tpu.memory_space<vmem>>
    %dma_start3A_100 = tpu.memref_squeeze %dma_start3A_99 : memref<1x1x80xi32, #tpu.memory_space<vmem>> -> memref<80xi32, #tpu.memory_space<vmem>>
    %dma_start3A_101 = arith.constant 0 : i32
    %dma_start3A_102 = arith.constant 0 : i32
    %dma_start3A_103 = tpu.memref_slice %arg2[%dma_start3A_101, %dma_start3A_102] : memref<10000x128xf32, #tpu.memory_space<hbm>> -> memref<10000x128xf32, #tpu.memory_space<hbm>>
    tpu.enqueue_indirect_dma source(%dma_start3A_103 : memref<10000x128xf32, #tpu.memory_space<hbm>>) target(%dma_start3A_97 : memref<80x128xf32, #tpu.memory_space<vmem>>) offsets(%dma_start3A_100 : memref<80xi32, #tpu.memory_space<vmem>>) semaphore(%arg10 : memref<!tpu.dma_semaphore, #tpu.memory_space<semaphore_mem>>)
    %mul3A_104 = arith.constant 640 : i32
    %mul3A_105 = arith.muli %arg1, %mul3A_104 : i32
    %mul3A_106 = arith.constant 640 : i32
    %mul3A_107 = arith.muli %arg1, %mul3A_106 : i32
    %dma_wait3A_108 = arith.constant 0 : i32
    %dma_wait3A_109 = tpu.memref_slice %arg14[%mul3A_107, %dma_wait3A_108] : memref<10240x128xf32, #tpu.memory_space<vmem_shared>> -> memref<640x128xf32, #tpu.memory_space<vmem_shared>>
    %dma_wait3A_110 = arith.constant 0 : i32
    %dma_wait3A_111 = tpu.memref_slice %arg5[%mul3A_105, %dma_wait3A_110] : memref<10240x128xf32, #tpu.memory_space<hbm>> -> memref<640x128xf32, #tpu.memory_space<hbm>>
    tpu.wait_dma2 semaphore(%arg12 : memref<!tpu.dma_semaphore, #tpu.memory_space<semaphore_mem>>) src(%dma_wait3A_111 : memref<640x128xf32, #tpu.memory_space<hbm>>) dst(%dma_wait3A_109 : memref<640x128xf32, #tpu.memory_space<vmem_shared>>)
    %barrier3A = arith.constant 0 : index
    tpu.barrier barrier_id(%barrier3A)
    %mul3A_112 = arith.constant 5 : i32
    %mul3A_113 = arith.muli %add3A, %mul3A_112 : i32
    %add3A_114 = arith.constant 1 : i32
    %add3A_115 = arith.addi %mul3A_113, %add3A_114 : i32
    %dma_start3A_116 = arith.constant 1 : i32
    %dma_start3A_117 = arith.constant 0 : i32
    %dma_start3A_118 = arith.constant 0 : i32
    %dma_start3A_119 = tpu.memref_slice %arg7[%dma_start3A_116, %dma_start3A_117, %dma_start3A_118] : memref<2x25x80xi32, #tpu.memory_space<vmem>> -> memref<1x25x80xi32, #tpu.memory_space<vmem>>
    %dma_start3A_120 = tpu.memref_squeeze %dma_start3A_119 : memref<1x25x80xi32, #tpu.memory_space<vmem>> -> memref<25x80xi32, #tpu.memory_space<vmem>>
    %dma_start3A_121 = arith.constant 0 : i32
    %dma_start3A_122 = arith.constant 0 : i32
    %dma_start3A_123 = tpu.memref_slice %arg3[%add3A_115, %dma_start3A_121, %dma_start3A_122] : memref<160x25x80xi32, #tpu.memory_space<hbm>> -> memref<1x25x80xi32, #tpu.memory_space<hbm>>
    %dma_start3A_124 = tpu.memref_squeeze %dma_start3A_123 : memref<1x25x80xi32, #tpu.memory_space<hbm>> -> memref<25x80xi32, #tpu.memory_space<hbm>>
    %dma_start3A_125 = arith.constant 0 : i32
    %dma_start3A_126 = arith.constant 0 : i32
    %dma_start3A_127 = tpu.memref_slice %arg7[%dma_start3A_116, %dma_start3A_125, %dma_start3A_126] : memref<2x25x80xi32, #tpu.memory_space<vmem>> -> memref<1x25x80xi32, #tpu.memory_space<vmem>>
    %dma_start3A_128 = tpu.memref_squeeze %dma_start3A_127 : memref<1x25x80xi32, #tpu.memory_space<vmem>> -> memref<25x80xi32, #tpu.memory_space<vmem>>
    %dma_start3A_129 = arith.constant 0 : i32
    %dma_start3A_130 = arith.constant 0 : i32
    %dma_start3A_131 = tpu.memref_slice %arg3[%add3A_115, %dma_start3A_129, %dma_start3A_130] : memref<160x25x80xi32, #tpu.memory_space<hbm>> -> memref<1x25x80xi32, #tpu.memory_space<hbm>>
    %dma_start3A_132 = tpu.memref_squeeze %dma_start3A_131 : memref<1x25x80xi32, #tpu.memory_space<hbm>> -> memref<25x80xi32, #tpu.memory_space<hbm>>
    tpu.enqueue_dma source(%dma_start3A_132 : memref<25x80xi32, #tpu.memory_space<hbm>>) target(%dma_start3A_128 : memref<25x80xi32, #tpu.memory_space<vmem>>) target_semaphore(%arg13 : memref<!tpu.dma_semaphore, #tpu.memory_space<semaphore_mem>>)
    %mul3A_133 = arith.constant 5 : i32
    %mul3A_134 = arith.muli %add3A, %mul3A_133 : i32
    %add3A_135 = arith.constant 1 : i32
    %add3A_136 = arith.addi %mul3A_134, %add3A_135 : i32
    %dma_start3A_137 = arith.constant 1 : i32
    %dma_start3A_138 = arith.constant 0 : i32
    %dma_start3A_139 = arith.constant 0 : i32
    %dma_start3A_140 = tpu.memref_slice %arg8[%dma_start3A_137, %dma_start3A_138, %dma_start3A_139] : memref<2x25x80xi32, #tpu.memory_space<vmem>> -> memref<1x25x80xi32, #tpu.memory_space<vmem>>
    %dma_start3A_141 = tpu.memref_squeeze %dma_start3A_140 : memref<1x25x80xi32, #tpu.memory_space<vmem>> -> memref<25x80xi32, #tpu.memory_space<vmem>>
    %dma_start3A_142 = arith.constant 0 : i32
    %dma_start3A_143 = arith.constant 0 : i32
    %dma_start3A_144 = tpu.memref_slice %arg4[%add3A_136, %dma_start3A_142, %dma_start3A_143] : memref<160x25x80xi32, #tpu.memory_space<hbm>> -> memref<1x25x80xi32, #tpu.memory_space<hbm>>
    %dma_start3A_145 = tpu.memref_squeeze %dma_start3A_144 : memref<1x25x80xi32, #tpu.memory_space<hbm>> -> memref<25x80xi32, #tpu.memory_space<hbm>>
    %dma_start3A_146 = arith.constant 0 : i32
    %dma_start3A_147 = arith.constant 0 : i32
    %dma_start3A_148 = tpu.memref_slice %arg8[%dma_start3A_137, %dma_start3A_146, %dma_start3A_147] : memref<2x25x80xi32, #tpu.memory_space<vmem>> -> memref<1x25x80xi32, #tpu.memory_space<vmem>>
    %dma_start3A_149 = tpu.memref_squeeze %dma_start3A_148 : memref<1x25x80xi32, #tpu.memory_space<vmem>> -> memref<25x80xi32, #tpu.memory_space<vmem>>
    %dma_start3A_150 = arith.constant 0 : i32
    %dma_start3A_151 = arith.constant 0 : i32
    %dma_start3A_152 = tpu.memref_slice %arg4[%add3A_136, %dma_start3A_150, %dma_start3A_151] : memref<160x25x80xi32, #tpu.memory_space<hbm>> -> memref<1x25x80xi32, #tpu.memory_space<hbm>>
    %dma_start3A_153 = tpu.memref_squeeze %dma_start3A_152 : memref<1x25x80xi32, #tpu.memory_space<hbm>> -> memref<25x80xi32, #tpu.memory_space<hbm>>
    tpu.enqueue_dma source(%dma_start3A_153 : memref<25x80xi32, #tpu.memory_space<hbm>>) target(%dma_start3A_149 : memref<25x80xi32, #tpu.memory_space<vmem>>) target_semaphore(%arg13 : memref<!tpu.dma_semaphore, #tpu.memory_space<semaphore_mem>>)
    %scan3A = arith.constant 0 : i32
    %scan3A_154 = arith.constant 0 : i32
    %scan3A_155 = arith.constant 12 : i32
    %scan3A_156 = arith.addi %scan3A_154, %scan3A_155 : i32
    %scan3A_157 = arith.constant 1 : i32
    scf.for %scan3A_613 = %scan3A_154 to %scan3A_156 step %scan3A_157  : i32 {
      %mul3A_614 = arith.constant 2 : i32
      %mul3A_615 = arith.muli %mul3A_614, %scan3A_613 : i32
      %add3A_616 = arith.constant 1 : i32
      %add3A_617 = arith.addi %mul3A_615, %add3A_616 : i32
      %dma_start3A_618 = arith.constant 0 : i32
      %dma_start3A_619 = arith.constant 1 : i32
      %dma_start3A_620 = arith.constant 0 : i32
      %dma_start3A_621 = arith.constant 0 : i32
      %dma_start3A_622 = tpu.memref_slice %arg9[%dma_start3A_619, %dma_start3A_620, %dma_start3A_621] : memref<2x80x128xf32, #tpu.memory_space<vmem>> -> memref<1x80x128xf32, #tpu.memory_space<vmem>>
      %dma_start3A_623 = tpu.memref_squeeze %dma_start3A_622 : memref<1x80x128xf32, #tpu.memory_space<vmem>> -> memref<80x128xf32, #tpu.memory_space<vmem>>
      %dma_start3A_624 = arith.constant 0 : i32
      %dma_start3A_625 = tpu.memref_slice %arg7[%dma_start3A_618, %add3A_617, %dma_start3A_624] : memref<2x25x80xi32, #tpu.memory_space<vmem>> -> memref<1x1x80xi32, #tpu.memory_space<vmem>>
      %dma_start3A_626 = tpu.memref_squeeze %dma_start3A_625 : memref<1x1x80xi32, #tpu.memory_space<vmem>> -> memref<80xi32, #tpu.memory_space<vmem>>
      %dma_start3A_627 = arith.constant 0 : i32
      %dma_start3A_628 = arith.constant 0 : i32
      %dma_start3A_629 = tpu.memref_slice %arg2[%dma_start3A_627, %dma_start3A_628] : memref<10000x128xf32, #tpu.memory_space<hbm>> -> memref<10000x128xf32, #tpu.memory_space<hbm>>
      tpu.enqueue_indirect_dma source(%dma_start3A_629 : memref<10000x128xf32, #tpu.memory_space<hbm>>) target(%dma_start3A_623 : memref<80x128xf32, #tpu.memory_space<vmem>>) offsets(%dma_start3A_626 : memref<80xi32, #tpu.memory_space<vmem>>) semaphore(%arg11 : memref<!tpu.dma_semaphore, #tpu.memory_space<semaphore_mem>>)
      %dma_wait3A_630 = arith.constant 0 : i32
      %dma_wait3A_631 = arith.constant 0 : i32
      %dma_wait3A_632 = arith.constant 0 : i32
      %dma_wait3A_633 = arith.constant 0 : i32
      %dma_wait3A_634 = tpu.memref_slice %arg9[%dma_wait3A_631, %dma_wait3A_632, %dma_wait3A_633] : memref<2x80x128xf32, #tpu.memory_space<vmem>> -> memref<1x80x128xf32, #tpu.memory_space<vmem>>
      %dma_wait3A_635 = tpu.memref_squeeze %dma_wait3A_634 : memref<1x80x128xf32, #tpu.memory_space<vmem>> -> memref<80x128xf32, #tpu.memory_space<vmem>>
      %dma_wait3A_636 = arith.constant 0 : i32
      %dma_wait3A_637 = tpu.memref_slice %arg7[%dma_wait3A_630, %mul3A_615, %dma_wait3A_636] : memref<2x25x80xi32, #tpu.memory_space<vmem>> -> memref<1x1x80xi32, #tpu.memory_space<vmem>>
      %dma_wait3A_638 = tpu.memref_squeeze %dma_wait3A_637 : memref<1x1x80xi32, #tpu.memory_space<vmem>> -> memref<80xi32, #tpu.memory_space<vmem>>
      %dma_wait3A_639 = arith.constant 0 : i32
      %dma_wait3A_640 = arith.constant 0 : i32
      %dma_wait3A_641 = tpu.memref_slice %arg2[%dma_wait3A_639, %dma_wait3A_640] : memref<10000x128xf32, #tpu.memory_space<hbm>> -> memref<10000x128xf32, #tpu.memory_space<hbm>>
      tpu.wait_indirect_dma semaphore(%arg10 : memref<!tpu.dma_semaphore, #tpu.memory_space<semaphore_mem>>) src(%dma_wait3A_641 : memref<10000x128xf32, #tpu.memory_space<hbm>>) dst(%dma_wait3A_635 : memref<80x128xf32, #tpu.memory_space<vmem>>)
      %run_scoped3A_642 = arith.constant 0 : i32
      %run_scoped3A_643 = arith.constant 0 : i32
      "tpu.region"() ({
        %run_scoped3A_676 = tpu.sem_alloc : memref<!tpu.dma_semaphore, #tpu.memory_space<semaphore_mem>>
        %dma_start3A_677 = arith.constant 0 : i32
        %dma_start3A_678 = arith.constant 0 : i32
        %dma_start3A_679 = tpu.memref_slice %arg9[%run_scoped3A_642, %dma_start3A_677, %dma_start3A_678] : memref<2x80x128xf32, #tpu.memory_space<vmem>> -> memref<1x80x128xf32, #tpu.memory_space<vmem>>
        %dma_start3A_680 = tpu.memref_squeeze %dma_start3A_679 : memref<1x80x128xf32, #tpu.memory_space<vmem>> -> memref<80x128xf32, #tpu.memory_space<vmem>>
        %dma_start3A_681 = arith.constant 0 : i32
        %dma_start3A_682 = tpu.memref_slice %arg8[%run_scoped3A_643, %mul3A_615, %dma_start3A_681] : memref<2x25x80xi32, #tpu.memory_space<vmem>> -> memref<1x1x80xi32, #tpu.memory_space<vmem>>
        %dma_start3A_683 = tpu.memref_squeeze %dma_start3A_682 : memref<1x1x80xi32, #tpu.memory_space<vmem>> -> memref<80xi32, #tpu.memory_space<vmem>>
        %dma_start3A_684 = arith.constant 0 : i32
        %dma_start3A_685 = arith.constant 0 : i32
        %dma_start3A_686 = tpu.memref_slice %arg14[%dma_start3A_684, %dma_start3A_685] : memref<10240x128xf32, #tpu.memory_space<vmem_shared>> -> memref<10240x128xf32, #tpu.memory_space<vmem_shared>>
        tpu.enqueue_indirect_dma source(%dma_start3A_680 : memref<80x128xf32, #tpu.memory_space<vmem>>) target(%dma_start3A_686 : memref<10240x128xf32, #tpu.memory_space<vmem_shared>>) offsets(%dma_start3A_683 : memref<80xi32, #tpu.memory_space<vmem>>) semaphore(%run_scoped3A_676 : memref<!tpu.dma_semaphore, #tpu.memory_space<semaphore_mem>>) {add = true}
        %dma_wait3A_687 = arith.constant 0 : i32
        %dma_wait3A_688 = arith.constant 0 : i32
        %dma_wait3A_689 = tpu.memref_slice %arg9[%run_scoped3A_642, %dma_wait3A_687, %dma_wait3A_688] : memref<2x80x128xf32, #tpu.memory_space<vmem>> -> memref<1x80x128xf32, #tpu.memory_space<vmem>>
        %dma_wait3A_690 = tpu.memref_squeeze %dma_wait3A_689 : memref<1x80x128xf32, #tpu.memory_space<vmem>> -> memref<80x128xf32, #tpu.memory_space<vmem>>
        %dma_wait3A_691 = arith.constant 0 : i32
        %dma_wait3A_692 = tpu.memref_slice %arg8[%run_scoped3A_643, %mul3A_615, %dma_wait3A_691] : memref<2x25x80xi32, #tpu.memory_space<vmem>> -> memref<1x1x80xi32, #tpu.memory_space<vmem>>
        %dma_wait3A_693 = tpu.memref_squeeze %dma_wait3A_692 : memref<1x1x80xi32, #tpu.memory_space<vmem>> -> memref<80xi32, #tpu.memory_space<vmem>>
        %dma_wait3A_694 = arith.constant 0 : i32
        %dma_wait3A_695 = arith.constant 0 : i32
        %dma_wait3A_696 = tpu.memref_slice %arg14[%dma_wait3A_694, %dma_wait3A_695] : memref<10240x128xf32, #tpu.memory_space<vmem_shared>> -> memref<10240x128xf32, #tpu.memory_space<vmem_shared>>
        tpu.wait_indirect_dma semaphore(%run_scoped3A_676 : memref<!tpu.dma_semaphore, #tpu.memory_space<semaphore_mem>>) src(%dma_wait3A_690 : memref<80x128xf32, #tpu.memory_space<vmem>>) dst(%dma_wait3A_696 : memref<10240x128xf32, #tpu.memory_space<vmem_shared>>)
        tpu.yield
      }) : () -> ()
      %add3A_644 = arith.constant 2 : i32
      %add3A_645 = arith.addi %mul3A_615, %add3A_644 : i32
      %dma_start3A_646 = arith.constant 0 : i32
      %dma_start3A_647 = arith.constant 0 : i32
      %dma_start3A_648 = arith.constant 0 : i32
      %dma_start3A_649 = arith.constant 0 : i32
      %dma_start3A_650 = tpu.memref_slice %arg9[%dma_start3A_647, %dma_start3A_648, %dma_start3A_649] : memref<2x80x128xf32, #tpu.memory_space<vmem>> -> memref<1x80x128xf32, #tpu.memory_space<vmem>>
      %dma_start3A_651 = tpu.memref_squeeze %dma_start3A_650 : memref<1x80x128xf32, #tpu.memory_space<vmem>> -> memref<80x128xf32, #tpu.memory_space<vmem>>
      %dma_start3A_652 = arith.constant 0 : i32
      %dma_start3A_653 = tpu.memref_slice %arg7[%dma_start3A_646, %add3A_645, %dma_start3A_652] : memref<2x25x80xi32, #tpu.memory_space<vmem>> -> memref<1x1x80xi32, #tpu.memory_space<vmem>>
      %dma_start3A_654 = tpu.memref_squeeze %dma_start3A_653 : memref<1x1x80xi32, #tpu.memory_space<vmem>> -> memref<80xi32, #tpu.memory_space<vmem>>
      %dma_start3A_655 = arith.constant 0 : i32
      %dma_start3A_656 = arith.constant 0 : i32
      %dma_start3A_657 = tpu.memref_slice %arg2[%dma_start3A_655, %dma_start3A_656] : memref<10000x128xf32, #tpu.memory_space<hbm>> -> memref<10000x128xf32, #tpu.memory_space<hbm>>
      tpu.enqueue_indirect_dma source(%dma_start3A_657 : memref<10000x128xf32, #tpu.memory_space<hbm>>) target(%dma_start3A_651 : memref<80x128xf32, #tpu.memory_space<vmem>>) offsets(%dma_start3A_654 : memref<80xi32, #tpu.memory_space<vmem>>) semaphore(%arg10 : memref<!tpu.dma_semaphore, #tpu.memory_space<semaphore_mem>>)
      %add3A_658 = arith.constant 1 : i32
      %add3A_659 = arith.addi %mul3A_615, %add3A_658 : i32
      %dma_wait3A_660 = arith.constant 0 : i32
      %dma_wait3A_661 = arith.constant 1 : i32
      %dma_wait3A_662 = arith.constant 0 : i32
      %dma_wait3A_663 = arith.constant 0 : i32
      %dma_wait3A_664 = tpu.memref_slice %arg9[%dma_wait3A_661, %dma_wait3A_662, %dma_wait3A_663] : memref<2x80x128xf32, #tpu.memory_space<vmem>> -> memref<1x80x128xf32, #tpu.memory_space<vmem>>
      %dma_wait3A_665 = tpu.memref_squeeze %dma_wait3A_664 : memref<1x80x128xf32, #tpu.memory_space<vmem>> -> memref<80x128xf32, #tpu.memory_space<vmem>>
      %dma_wait3A_666 = arith.constant 0 : i32
      %dma_wait3A_667 = tpu.memref_slice %arg7[%dma_wait3A_660, %add3A_659, %dma_wait3A_666] : memref<2x25x80xi32, #tpu.memory_space<vmem>> -> memref<1x1x80xi32, #tpu.memory_space<vmem>>
      %dma_wait3A_668 = tpu.memref_squeeze %dma_wait3A_667 : memref<1x1x80xi32, #tpu.memory_space<vmem>> -> memref<80xi32, #tpu.memory_space<vmem>>
      %dma_wait3A_669 = arith.constant 0 : i32
      %dma_wait3A_670 = arith.constant 0 : i32
      %dma_wait3A_671 = tpu.memref_slice %arg2[%dma_wait3A_669, %dma_wait3A_670] : memref<10000x128xf32, #tpu.memory_space<hbm>> -> memref<10000x128xf32, #tpu.memory_space<hbm>>
      tpu.wait_indirect_dma semaphore(%arg11 : memref<!tpu.dma_semaphore, #tpu.memory_space<semaphore_mem>>) src(%dma_wait3A_671 : memref<10000x128xf32, #tpu.memory_space<hbm>>) dst(%dma_wait3A_665 : memref<80x128xf32, #tpu.memory_space<vmem>>)
      %add3A_672 = arith.constant 1 : i32
      %add3A_673 = arith.addi %mul3A_615, %add3A_672 : i32
      %run_scoped3A_674 = arith.constant 1 : i32
      %run_scoped3A_675 = arith.constant 0 : i32
      "tpu.region"() ({
        %run_scoped3A_676 = tpu.sem_alloc : memref<!tpu.dma_semaphore, #tpu.memory_space<semaphore_mem>>
        %dma_start3A_677 = arith.constant 0 : i32
        %dma_start3A_678 = arith.constant 0 : i32
        %dma_start3A_679 = tpu.memref_slice %arg9[%run_scoped3A_674, %dma_start3A_677, %dma_start3A_678] : memref<2x80x128xf32, #tpu.memory_space<vmem>> -> memref<1x80x128xf32, #tpu.memory_space<vmem>>
        %dma_start3A_680 = tpu.memref_squeeze %dma_start3A_679 : memref<1x80x128xf32, #tpu.memory_space<vmem>> -> memref<80x128xf32, #tpu.memory_space<vmem>>
        %dma_start3A_681 = arith.constant 0 : i32
        %dma_start3A_682 = tpu.memref_slice %arg8[%run_scoped3A_675, %add3A_673, %dma_start3A_681] : memref<2x25x80xi32, #tpu.memory_space<vmem>> -> memref<1x1x80xi32, #tpu.memory_space<vmem>>
        %dma_start3A_683 = tpu.memref_squeeze %dma_start3A_682 : memref<1x1x80xi32, #tpu.memory_space<vmem>> -> memref<80xi32, #tpu.memory_space<vmem>>
        %dma_start3A_684 = arith.constant 0 : i32
        %dma_start3A_685 = arith.constant 0 : i32
        %dma_start3A_686 = tpu.memref_slice %arg14[%dma_start3A_684, %dma_start3A_685] : memref<10240x128xf32, #tpu.memory_space<vmem_shared>> -> memref<10240x128xf32, #tpu.memory_space<vmem_shared>>
        tpu.enqueue_indirect_dma source(%dma_start3A_680 : memref<80x128xf32, #tpu.memory_space<vmem>>) target(%dma_start3A_686 : memref<10240x128xf32, #tpu.memory_space<vmem_shared>>) offsets(%dma_start3A_683 : memref<80xi32, #tpu.memory_space<vmem>>) semaphore(%run_scoped3A_676 : memref<!tpu.dma_semaphore, #tpu.memory_space<semaphore_mem>>) {add = true}
        %dma_wait3A_687 = arith.constant 0 : i32
        %dma_wait3A_688 = arith.constant 0 : i32
        %dma_wait3A_689 = tpu.memref_slice %arg9[%run_scoped3A_674, %dma_wait3A_687, %dma_wait3A_688] : memref<2x80x128xf32, #tpu.memory_space<vmem>> -> memref<1x80x128xf32, #tpu.memory_space<vmem>>
        %dma_wait3A_690 = tpu.memref_squeeze %dma_wait3A_689 : memref<1x80x128xf32, #tpu.memory_space<vmem>> -> memref<80x128xf32, #tpu.memory_space<vmem>>
        %dma_wait3A_691 = arith.constant 0 : i32
        %dma_wait3A_692 = tpu.memref_slice %arg8[%run_scoped3A_675, %add3A_673, %dma_wait3A_691] : memref<2x25x80xi32, #tpu.memory_space<vmem>> -> memref<1x1x80xi32, #tpu.memory_space<vmem>>
        %dma_wait3A_693 = tpu.memref_squeeze %dma_wait3A_692 : memref<1x1x80xi32, #tpu.memory_space<vmem>> -> memref<80xi32, #tpu.memory_space<vmem>>
        %dma_wait3A_694 = arith.constant 0 : i32
        %dma_wait3A_695 = arith.constant 0 : i32
        %dma_wait3A_696 = tpu.memref_slice %arg14[%dma_wait3A_694, %dma_wait3A_695] : memref<10240x128xf32, #tpu.memory_space<vmem_shared>> -> memref<10240x128xf32, #tpu.memory_space<vmem_shared>>
        tpu.wait_indirect_dma semaphore(%run_scoped3A_676 : memref<!tpu.dma_semaphore, #tpu.memory_space<semaphore_mem>>) src(%dma_wait3A_690 : memref<80x128xf32, #tpu.memory_space<vmem>>) dst(%dma_wait3A_696 : memref<10240x128xf32, #tpu.memory_space<vmem_shared>>)
        tpu.yield
      }) : () -> ()
    }
    %scan3A_158 = arith.constant 12 : i32
    %mul3A_159 = arith.constant 5 : i32
    %mul3A_160 = arith.muli %add3A, %mul3A_159 : i32
    %add3A_161 = arith.constant 1 : i32
    %add3A_162 = arith.addi %mul3A_160, %add3A_161 : i32
    %dma_wait3A_163 = arith.constant 1 : i32
    %dma_wait3A_164 = arith.constant 0 : i32
    %dma_wait3A_165 = arith.constant 0 : i32
    %dma_wait3A_166 = tpu.memref_slice %arg7[%dma_wait3A_163, %dma_wait3A_164, %dma_wait3A_165] : memref<2x25x80xi32, #tpu.memory_space<vmem>> -> memref<1x25x80xi32, #tpu.memory_space<vmem>>
    %dma_wait3A_167 = tpu.memref_squeeze %dma_wait3A_166 : memref<1x25x80xi32, #tpu.memory_space<vmem>> -> memref<25x80xi32, #tpu.memory_space<vmem>>
    %dma_wait3A_168 = arith.constant 0 : i32
    %dma_wait3A_169 = arith.constant 0 : i32
    %dma_wait3A_170 = tpu.memref_slice %arg3[%add3A_162, %dma_wait3A_168, %dma_wait3A_169] : memref<160x25x80xi32, #tpu.memory_space<hbm>> -> memref<1x25x80xi32, #tpu.memory_space<hbm>>
    %dma_wait3A_171 = tpu.memref_squeeze %dma_wait3A_170 : memref<1x25x80xi32, #tpu.memory_space<hbm>> -> memref<25x80xi32, #tpu.memory_space<hbm>>
    %dma_wait3A_172 = arith.constant 0 : i32
    %dma_wait3A_173 = arith.constant 0 : i32
    %dma_wait3A_174 = tpu.memref_slice %arg7[%dma_wait3A_163, %dma_wait3A_172, %dma_wait3A_173] : memref<2x25x80xi32, #tpu.memory_space<vmem>> -> memref<1x25x80xi32, #tpu.memory_space<vmem>>
    %dma_wait3A_175 = tpu.memref_squeeze %dma_wait3A_174 : memref<1x25x80xi32, #tpu.memory_space<vmem>> -> memref<25x80xi32, #tpu.memory_space<vmem>>
    %dma_wait3A_176 = arith.constant 0 : i32
    %dma_wait3A_177 = arith.constant 0 : i32
    %dma_wait3A_178 = tpu.memref_slice %arg3[%add3A_162, %dma_wait3A_176, %dma_wait3A_177] : memref<160x25x80xi32, #tpu.memory_space<hbm>> -> memref<1x25x80xi32, #tpu.memory_space<hbm>>
    %dma_wait3A_179 = tpu.memref_squeeze %dma_wait3A_178 : memref<1x25x80xi32, #tpu.memory_space<hbm>> -> memref<25x80xi32, #tpu.memory_space<hbm>>
    tpu.wait_dma2 semaphore(%arg13 : memref<!tpu.dma_semaphore, #tpu.memory_space<semaphore_mem>>) src(%dma_wait3A_179 : memref<25x80xi32, #tpu.memory_space<hbm>>) dst(%dma_wait3A_175 : memref<25x80xi32, #tpu.memory_space<vmem>>)
    %mul3A_180 = arith.constant 5 : i32
    %mul3A_181 = arith.muli %add3A, %mul3A_180 : i32
    %add3A_182 = arith.constant 1 : i32
    %add3A_183 = arith.addi %mul3A_181, %add3A_182 : i32
    %dma_wait3A_184 = arith.constant 1 : i32
    %dma_wait3A_185 = arith.constant 0 : i32
    %dma_wait3A_186 = arith.constant 0 : i32
    %dma_wait3A_187 = tpu.memref_slice %arg8[%dma_wait3A_184, %dma_wait3A_185, %dma_wait3A_186] : memref<2x25x80xi32, #tpu.memory_space<vmem>> -> memref<1x25x80xi32, #tpu.memory_space<vmem>>
    %dma_wait3A_188 = tpu.memref_squeeze %dma_wait3A_187 : memref<1x25x80xi32, #tpu.memory_space<vmem>> -> memref<25x80xi32, #tpu.memory_space<vmem>>
    %dma_wait3A_189 = arith.constant 0 : i32
    %dma_wait3A_190 = arith.constant 0 : i32
    %dma_wait3A_191 = tpu.memref_slice %arg4[%add3A_183, %dma_wait3A_189, %dma_wait3A_190] : memref<160x25x80xi32, #tpu.memory_space<hbm>> -> memref<1x25x80xi32, #tpu.memory_space<hbm>>
    %dma_wait3A_192 = tpu.memref_squeeze %dma_wait3A_191 : memref<1x25x80xi32, #tpu.memory_space<hbm>> -> memref<25x80xi32, #tpu.memory_space<hbm>>
    %dma_wait3A_193 = arith.constant 0 : i32
    %dma_wait3A_194 = arith.constant 0 : i32
    %dma_wait3A_195 = tpu.memref_slice %arg8[%dma_wait3A_184, %dma_wait3A_193, %dma_wait3A_194] : memref<2x25x80xi32, #tpu.memory_space<vmem>> -> memref<1x25x80xi32, #tpu.memory_space<vmem>>
    %dma_wait3A_196 = tpu.memref_squeeze %dma_wait3A_195 : memref<1x25x80xi32, #tpu.memory_space<vmem>> -> memref<25x80xi32, #tpu.memory_space<vmem>>
    %dma_wait3A_197 = arith.constant 0 : i32
    %dma_wait3A_198 = arith.constant 0 : i32
    %dma_wait3A_199 = tpu.memref_slice %arg4[%add3A_183, %dma_wait3A_197, %dma_wait3A_198] : memref<160x25x80xi32, #tpu.memory_space<hbm>> -> memref<1x25x80xi32, #tpu.memory_space<hbm>>
    %dma_wait3A_200 = tpu.memref_squeeze %dma_wait3A_199 : memref<1x25x80xi32, #tpu.memory_space<hbm>> -> memref<25x80xi32, #tpu.memory_space<hbm>>
    tpu.wait_dma2 semaphore(%arg13 : memref<!tpu.dma_semaphore, #tpu.memory_space<semaphore_mem>>) src(%dma_wait3A_200 : memref<25x80xi32, #tpu.memory_space<hbm>>) dst(%dma_wait3A_196 : memref<25x80xi32, #tpu.memory_space<vmem>>)
    %dma_start3A_201 = arith.constant 1 : i32
    %dma_start3A_202 = arith.constant 0 : i32
    %dma_start3A_203 = arith.constant 1 : i32
    %dma_start3A_204 = arith.constant 0 : i32
    %dma_start3A_205 = arith.constant 0 : i32
    %dma_start3A_206 = tpu.memref_slice %arg9[%dma_start3A_203, %dma_start3A_204, %dma_start3A_205] : memref<2x80x128xf32, #tpu.memory_space<vmem>> -> memref<1x80x128xf32, #tpu.memory_space<vmem>>
    %dma_start3A_207 = tpu.memref_squeeze %dma_start3A_206 : memref<1x80x128xf32, #tpu.memory_space<vmem>> -> memref<80x128xf32, #tpu.memory_space<vmem>>
    %dma_start3A_208 = arith.constant 0 : i32
    %dma_start3A_209 = tpu.memref_slice %arg7[%dma_start3A_201, %dma_start3A_202, %dma_start3A_208] : memref<2x25x80xi32, #tpu.memory_space<vmem>> -> memref<1x1x80xi32, #tpu.memory_space<vmem>>
    %dma_start3A_210 = tpu.memref_squeeze %dma_start3A_209 : memref<1x1x80xi32, #tpu.memory_space<vmem>> -> memref<80xi32, #tpu.memory_space<vmem>>
    %dma_start3A_211 = arith.constant 0 : i32
    %dma_start3A_212 = arith.constant 0 : i32
    %dma_start3A_213 = tpu.memref_slice %arg2[%dma_start3A_211, %dma_start3A_212] : memref<10000x128xf32, #tpu.memory_space<hbm>> -> memref<10000x128xf32, #tpu.memory_space<hbm>>
    tpu.enqueue_indirect_dma source(%dma_start3A_213 : memref<10000x128xf32, #tpu.memory_space<hbm>>) target(%dma_start3A_207 : memref<80x128xf32, #tpu.memory_space<vmem>>) offsets(%dma_start3A_210 : memref<80xi32, #tpu.memory_space<vmem>>) semaphore(%arg11 : memref<!tpu.dma_semaphore, #tpu.memory_space<semaphore_mem>>)
    %dma_wait3A_214 = arith.constant 0 : i32
    %dma_wait3A_215 = arith.constant 24 : i32
    %dma_wait3A_216 = arith.constant 0 : i32
    %dma_wait3A_217 = arith.constant 0 : i32
    %dma_wait3A_218 = arith.constant 0 : i32
    %dma_wait3A_219 = tpu.memref_slice %arg9[%dma_wait3A_216, %dma_wait3A_217, %dma_wait3A_218] : memref<2x80x128xf32, #tpu.memory_space<vmem>> -> memref<1x80x128xf32, #tpu.memory_space<vmem>>
    %dma_wait3A_220 = tpu.memref_squeeze %dma_wait3A_219 : memref<1x80x128xf32, #tpu.memory_space<vmem>> -> memref<80x128xf32, #tpu.memory_space<vmem>>
    %dma_wait3A_221 = arith.constant 0 : i32
    %dma_wait3A_222 = tpu.memref_slice %arg7[%dma_wait3A_214, %dma_wait3A_215, %dma_wait3A_221] : memref<2x25x80xi32, #tpu.memory_space<vmem>> -> memref<1x1x80xi32, #tpu.memory_space<vmem>>
    %dma_wait3A_223 = tpu.memref_squeeze %dma_wait3A_222 : memref<1x1x80xi32, #tpu.memory_space<vmem>> -> memref<80xi32, #tpu.memory_space<vmem>>
    %dma_wait3A_224 = arith.constant 0 : i32
    %dma_wait3A_225 = arith.constant 0 : i32
    %dma_wait3A_226 = tpu.memref_slice %arg2[%dma_wait3A_224, %dma_wait3A_225] : memref<10000x128xf32, #tpu.memory_space<hbm>> -> memref<10000x128xf32, #tpu.memory_space<hbm>>
    tpu.wait_indirect_dma semaphore(%arg10 : memref<!tpu.dma_semaphore, #tpu.memory_space<semaphore_mem>>) src(%dma_wait3A_226 : memref<10000x128xf32, #tpu.memory_space<hbm>>) dst(%dma_wait3A_220 : memref<80x128xf32, #tpu.memory_space<vmem>>)
    %run_scoped3A = arith.constant 0 : i32
    %run_scoped3A_227 = arith.constant 0 : i32
    %run_scoped3A_228 = arith.constant 24 : i32
    "tpu.region"() ({
      %run_scoped3A_613 = tpu.sem_alloc : memref<!tpu.dma_semaphore, #tpu.memory_space<semaphore_mem>>
      %dma_start3A_614 = arith.constant 0 : i32
      %dma_start3A_615 = arith.constant 0 : i32
      %dma_start3A_616 = tpu.memref_slice %arg9[%run_scoped3A, %dma_start3A_614, %dma_start3A_615] : memref<2x80x128xf32, #tpu.memory_space<vmem>> -> memref<1x80x128xf32, #tpu.memory_space<vmem>>
      %dma_start3A_617 = tpu.memref_squeeze %dma_start3A_616 : memref<1x80x128xf32, #tpu.memory_space<vmem>> -> memref<80x128xf32, #tpu.memory_space<vmem>>
      %dma_start3A_618 = arith.constant 0 : i32
      %dma_start3A_619 = tpu.memref_slice %arg8[%run_scoped3A_227, %run_scoped3A_228, %dma_start3A_618] : memref<2x25x80xi32, #tpu.memory_space<vmem>> -> memref<1x1x80xi32, #tpu.memory_space<vmem>>
      %dma_start3A_620 = tpu.memref_squeeze %dma_start3A_619 : memref<1x1x80xi32, #tpu.memory_space<vmem>> -> memref<80xi32, #tpu.memory_space<vmem>>
      %dma_start3A_621 = arith.constant 0 : i32
      %dma_start3A_622 = arith.constant 0 : i32
      %dma_start3A_623 = tpu.memref_slice %arg14[%dma_start3A_621, %dma_start3A_622] : memref<10240x128xf32, #tpu.memory_space<vmem_shared>> -> memref<10240x128xf32, #tpu.memory_space<vmem_shared>>
      tpu.enqueue_indirect_dma source(%dma_start3A_617 : memref<80x128xf32, #tpu.memory_space<vmem>>) target(%dma_start3A_623 : memref<10240x128xf32, #tpu.memory_space<vmem_shared>>) offsets(%dma_start3A_620 : memref<80xi32, #tpu.memory_space<vmem>>) semaphore(%run_scoped3A_613 : memref<!tpu.dma_semaphore, #tpu.memory_space<semaphore_mem>>) {add = true}
      %dma_wait3A_624 = arith.constant 0 : i32
      %dma_wait3A_625 = arith.constant 0 : i32
      %dma_wait3A_626 = tpu.memref_slice %arg9[%run_scoped3A, %dma_wait3A_624, %dma_wait3A_625] : memref<2x80x128xf32, #tpu.memory_space<vmem>> -> memref<1x80x128xf32, #tpu.memory_space<vmem>>
      %dma_wait3A_627 = tpu.memref_squeeze %dma_wait3A_626 : memref<1x80x128xf32, #tpu.memory_space<vmem>> -> memref<80x128xf32, #tpu.memory_space<vmem>>
      %dma_wait3A_628 = arith.constant 0 : i32
      %dma_wait3A_629 = tpu.memref_slice %arg8[%run_scoped3A_227, %run_scoped3A_228, %dma_wait3A_628] : memref<2x25x80xi32, #tpu.memory_space<vmem>> -> memref<1x1x80xi32, #tpu.memory_space<vmem>>
      %dma_wait3A_630 = tpu.memref_squeeze %dma_wait3A_629 : memref<1x1x80xi32, #tpu.memory_space<vmem>> -> memref<80xi32, #tpu.memory_space<vmem>>
      %dma_wait3A_631 = arith.constant 0 : i32
      %dma_wait3A_632 = arith.constant 0 : i32
      %dma_wait3A_633 = tpu.memref_slice %arg14[%dma_wait3A_631, %dma_wait3A_632] : memref<10240x128xf32, #tpu.memory_space<vmem_shared>> -> memref<10240x128xf32, #tpu.memory_space<vmem_shared>>
      tpu.wait_indirect_dma semaphore(%run_scoped3A_613 : memref<!tpu.dma_semaphore, #tpu.memory_space<semaphore_mem>>) src(%dma_wait3A_627 : memref<80x128xf32, #tpu.memory_space<vmem>>) dst(%dma_wait3A_633 : memref<10240x128xf32, #tpu.memory_space<vmem_shared>>)
      tpu.yield
    }) : () -> ()
    %mul3A_229 = arith.constant 5 : i32
    %mul3A_230 = arith.muli %add3A, %mul3A_229 : i32
    %add3A_231 = arith.constant 2 : i32
    %add3A_232 = arith.addi %mul3A_230, %add3A_231 : i32
    %dma_start3A_233 = arith.constant 0 : i32
    %dma_start3A_234 = arith.constant 0 : i32
    %dma_start3A_235 = arith.constant 0 : i32
    %dma_start3A_236 = tpu.memref_slice %arg7[%dma_start3A_233, %dma_start3A_234, %dma_start3A_235] : memref<2x25x80xi32, #tpu.memory_space<vmem>> -> memref<1x25x80xi32, #tpu.memory_space<vmem>>
    %dma_start3A_237 = tpu.memref_squeeze %dma_start3A_236 : memref<1x25x80xi32, #tpu.memory_space<vmem>> -> memref<25x80xi32, #tpu.memory_space<vmem>>
    %dma_start3A_238 = arith.constant 0 : i32
    %dma_start3A_239 = arith.constant 0 : i32
    %dma_start3A_240 = tpu.memref_slice %arg3[%add3A_232, %dma_start3A_238, %dma_start3A_239] : memref<160x25x80xi32, #tpu.memory_space<hbm>> -> memref<1x25x80xi32, #tpu.memory_space<hbm>>
    %dma_start3A_241 = tpu.memref_squeeze %dma_start3A_240 : memref<1x25x80xi32, #tpu.memory_space<hbm>> -> memref<25x80xi32, #tpu.memory_space<hbm>>
    %dma_start3A_242 = arith.constant 0 : i32
    %dma_start3A_243 = arith.constant 0 : i32
    %dma_start3A_244 = tpu.memref_slice %arg7[%dma_start3A_233, %dma_start3A_242, %dma_start3A_243] : memref<2x25x80xi32, #tpu.memory_space<vmem>> -> memref<1x25x80xi32, #tpu.memory_space<vmem>>
    %dma_start3A_245 = tpu.memref_squeeze %dma_start3A_244 : memref<1x25x80xi32, #tpu.memory_space<vmem>> -> memref<25x80xi32, #tpu.memory_space<vmem>>
    %dma_start3A_246 = arith.constant 0 : i32
    %dma_start3A_247 = arith.constant 0 : i32
    %dma_start3A_248 = tpu.memref_slice %arg3[%add3A_232, %dma_start3A_246, %dma_start3A_247] : memref<160x25x80xi32, #tpu.memory_space<hbm>> -> memref<1x25x80xi32, #tpu.memory_space<hbm>>
    %dma_start3A_249 = tpu.memref_squeeze %dma_start3A_248 : memref<1x25x80xi32, #tpu.memory_space<hbm>> -> memref<25x80xi32, #tpu.memory_space<hbm>>
    tpu.enqueue_dma source(%dma_start3A_249 : memref<25x80xi32, #tpu.memory_space<hbm>>) target(%dma_start3A_245 : memref<25x80xi32, #tpu.memory_space<vmem>>) target_semaphore(%arg13 : memref<!tpu.dma_semaphore, #tpu.memory_space<semaphore_mem>>)
    %mul3A_250 = arith.constant 5 : i32
    %mul3A_251 = arith.muli %add3A, %mul3A_250 : i32
    %add3A_252 = arith.constant 2 : i32
    %add3A_253 = arith.addi %mul3A_251, %add3A_252 : i32
    %dma_start3A_254 = arith.constant 0 : i32
    %dma_start3A_255 = arith.constant 0 : i32
    %dma_start3A_256 = arith.constant 0 : i32
    %dma_start3A_257 = tpu.memref_slice %arg8[%dma_start3A_254, %dma_start3A_255, %dma_start3A_256] : memref<2x25x80xi32, #tpu.memory_space<vmem>> -> memref<1x25x80xi32, #tpu.memory_space<vmem>>
    %dma_start3A_258 = tpu.memref_squeeze %dma_start3A_257 : memref<1x25x80xi32, #tpu.memory_space<vmem>> -> memref<25x80xi32, #tpu.memory_space<vmem>>
    %dma_start3A_259 = arith.constant 0 : i32
    %dma_start3A_260 = arith.constant 0 : i32
    %dma_start3A_261 = tpu.memref_slice %arg4[%add3A_253, %dma_start3A_259, %dma_start3A_260] : memref<160x25x80xi32, #tpu.memory_space<hbm>> -> memref<1x25x80xi32, #tpu.memory_space<hbm>>
    %dma_start3A_262 = tpu.memref_squeeze %dma_start3A_261 : memref<1x25x80xi32, #tpu.memory_space<hbm>> -> memref<25x80xi32, #tpu.memory_space<hbm>>
    %dma_start3A_263 = arith.constant 0 : i32
    %dma_start3A_264 = arith.constant 0 : i32
    %dma_start3A_265 = tpu.memref_slice %arg8[%dma_start3A_254, %dma_start3A_263, %dma_start3A_264] : memref<2x25x80xi32, #tpu.memory_space<vmem>> -> memref<1x25x80xi32, #tpu.memory_space<vmem>>
    %dma_start3A_266 = tpu.memref_squeeze %dma_start3A_265 : memref<1x25x80xi32, #tpu.memory_space<vmem>> -> memref<25x80xi32, #tpu.memory_space<vmem>>
    %dma_start3A_267 = arith.constant 0 : i32
    %dma_start3A_268 = arith.constant 0 : i32
    %dma_start3A_269 = tpu.memref_slice %arg4[%add3A_253, %dma_start3A_267, %dma_start3A_268] : memref<160x25x80xi32, #tpu.memory_space<hbm>> -> memref<1x25x80xi32, #tpu.memory_space<hbm>>
    %dma_start3A_270 = tpu.memref_squeeze %dma_start3A_269 : memref<1x25x80xi32, #tpu.memory_space<hbm>> -> memref<25x80xi32, #tpu.memory_space<hbm>>
    tpu.enqueue_dma source(%dma_start3A_270 : memref<25x80xi32, #tpu.memory_space<hbm>>) target(%dma_start3A_266 : memref<25x80xi32, #tpu.memory_space<vmem>>) target_semaphore(%arg13 : memref<!tpu.dma_semaphore, #tpu.memory_space<semaphore_mem>>)
    %scan3A_271 = arith.constant 0 : i32
    %scan3A_272 = arith.constant 0 : i32
    %scan3A_273 = arith.constant 12 : i32
    %scan3A_274 = arith.addi %scan3A_272, %scan3A_273 : i32
    %scan3A_275 = arith.constant 1 : i32
    scf.for %scan3A_613 = %scan3A_272 to %scan3A_274 step %scan3A_275  : i32 {
      %mul3A_614 = arith.constant 2 : i32
      %mul3A_615 = arith.muli %mul3A_614, %scan3A_613 : i32
      %add3A_616 = arith.constant 1 : i32
      %add3A_617 = arith.addi %mul3A_615, %add3A_616 : i32
      %dma_start3A_618 = arith.constant 1 : i32
      %dma_start3A_619 = arith.constant 0 : i32
      %dma_start3A_620 = arith.constant 0 : i32
      %dma_start3A_621 = arith.constant 0 : i32
      %dma_start3A_622 = tpu.memref_slice %arg9[%dma_start3A_619, %dma_start3A_620, %dma_start3A_621] : memref<2x80x128xf32, #tpu.memory_space<vmem>> -> memref<1x80x128xf32, #tpu.memory_space<vmem>>
      %dma_start3A_623 = tpu.memref_squeeze %dma_start3A_622 : memref<1x80x128xf32, #tpu.memory_space<vmem>> -> memref<80x128xf32, #tpu.memory_space<vmem>>
      %dma_start3A_624 = arith.constant 0 : i32
      %dma_start3A_625 = tpu.memref_slice %arg7[%dma_start3A_618, %add3A_617, %dma_start3A_624] : memref<2x25x80xi32, #tpu.memory_space<vmem>> -> memref<1x1x80xi32, #tpu.memory_space<vmem>>
      %dma_start3A_626 = tpu.memref_squeeze %dma_start3A_625 : memref<1x1x80xi32, #tpu.memory_space<vmem>> -> memref<80xi32, #tpu.memory_space<vmem>>
      %dma_start3A_627 = arith.constant 0 : i32
      %dma_start3A_628 = arith.constant 0 : i32
      %dma_start3A_629 = tpu.memref_slice %arg2[%dma_start3A_627, %dma_start3A_628] : memref<10000x128xf32, #tpu.memory_space<hbm>> -> memref<10000x128xf32, #tpu.memory_space<hbm>>
      tpu.enqueue_indirect_dma source(%dma_start3A_629 : memref<10000x128xf32, #tpu.memory_space<hbm>>) target(%dma_start3A_623 : memref<80x128xf32, #tpu.memory_space<vmem>>) offsets(%dma_start3A_626 : memref<80xi32, #tpu.memory_space<vmem>>) semaphore(%arg10 : memref<!tpu.dma_semaphore, #tpu.memory_space<semaphore_mem>>)
      %dma_wait3A_630 = arith.constant 1 : i32
      %dma_wait3A_631 = arith.constant 1 : i32
      %dma_wait3A_632 = arith.constant 0 : i32
      %dma_wait3A_633 = arith.constant 0 : i32
      %dma_wait3A_634 = tpu.memref_slice %arg9[%dma_wait3A_631, %dma_wait3A_632, %dma_wait3A_633] : memref<2x80x128xf32, #tpu.memory_space<vmem>> -> memref<1x80x128xf32, #tpu.memory_space<vmem>>
      %dma_wait3A_635 = tpu.memref_squeeze %dma_wait3A_634 : memref<1x80x128xf32, #tpu.memory_space<vmem>> -> memref<80x128xf32, #tpu.memory_space<vmem>>
      %dma_wait3A_636 = arith.constant 0 : i32
      %dma_wait3A_637 = tpu.memref_slice %arg7[%dma_wait3A_630, %mul3A_615, %dma_wait3A_636] : memref<2x25x80xi32, #tpu.memory_space<vmem>> -> memref<1x1x80xi32, #tpu.memory_space<vmem>>
      %dma_wait3A_638 = tpu.memref_squeeze %dma_wait3A_637 : memref<1x1x80xi32, #tpu.memory_space<vmem>> -> memref<80xi32, #tpu.memory_space<vmem>>
      %dma_wait3A_639 = arith.constant 0 : i32
      %dma_wait3A_640 = arith.constant 0 : i32
      %dma_wait3A_641 = tpu.memref_slice %arg2[%dma_wait3A_639, %dma_wait3A_640] : memref<10000x128xf32, #tpu.memory_space<hbm>> -> memref<10000x128xf32, #tpu.memory_space<hbm>>
      tpu.wait_indirect_dma semaphore(%arg11 : memref<!tpu.dma_semaphore, #tpu.memory_space<semaphore_mem>>) src(%dma_wait3A_641 : memref<10000x128xf32, #tpu.memory_space<hbm>>) dst(%dma_wait3A_635 : memref<80x128xf32, #tpu.memory_space<vmem>>)
      %run_scoped3A_642 = arith.constant 1 : i32
      %run_scoped3A_643 = arith.constant 1 : i32
      "tpu.region"() ({
        %run_scoped3A_676 = tpu.sem_alloc : memref<!tpu.dma_semaphore, #tpu.memory_space<semaphore_mem>>
        %dma_start3A_677 = arith.constant 0 : i32
        %dma_start3A_678 = arith.constant 0 : i32
        %dma_start3A_679 = tpu.memref_slice %arg9[%run_scoped3A_642, %dma_start3A_677, %dma_start3A_678] : memref<2x80x128xf32, #tpu.memory_space<vmem>> -> memref<1x80x128xf32, #tpu.memory_space<vmem>>
        %dma_start3A_680 = tpu.memref_squeeze %dma_start3A_679 : memref<1x80x128xf32, #tpu.memory_space<vmem>> -> memref<80x128xf32, #tpu.memory_space<vmem>>
        %dma_start3A_681 = arith.constant 0 : i32
        %dma_start3A_682 = tpu.memref_slice %arg8[%run_scoped3A_643, %mul3A_615, %dma_start3A_681] : memref<2x25x80xi32, #tpu.memory_space<vmem>> -> memref<1x1x80xi32, #tpu.memory_space<vmem>>
        %dma_start3A_683 = tpu.memref_squeeze %dma_start3A_682 : memref<1x1x80xi32, #tpu.memory_space<vmem>> -> memref<80xi32, #tpu.memory_space<vmem>>
        %dma_start3A_684 = arith.constant 0 : i32
        %dma_start3A_685 = arith.constant 0 : i32
        %dma_start3A_686 = tpu.memref_slice %arg14[%dma_start3A_684, %dma_start3A_685] : memref<10240x128xf32, #tpu.memory_space<vmem_shared>> -> memref<10240x128xf32, #tpu.memory_space<vmem_shared>>
        tpu.enqueue_indirect_dma source(%dma_start3A_680 : memref<80x128xf32, #tpu.memory_space<vmem>>) target(%dma_start3A_686 : memref<10240x128xf32, #tpu.memory_space<vmem_shared>>) offsets(%dma_start3A_683 : memref<80xi32, #tpu.memory_space<vmem>>) semaphore(%run_scoped3A_676 : memref<!tpu.dma_semaphore, #tpu.memory_space<semaphore_mem>>) {add = true}
        %dma_wait3A_687 = arith.constant 0 : i32
        %dma_wait3A_688 = arith.constant 0 : i32
        %dma_wait3A_689 = tpu.memref_slice %arg9[%run_scoped3A_642, %dma_wait3A_687, %dma_wait3A_688] : memref<2x80x128xf32, #tpu.memory_space<vmem>> -> memref<1x80x128xf32, #tpu.memory_space<vmem>>
        %dma_wait3A_690 = tpu.memref_squeeze %dma_wait3A_689 : memref<1x80x128xf32, #tpu.memory_space<vmem>> -> memref<80x128xf32, #tpu.memory_space<vmem>>
        %dma_wait3A_691 = arith.constant 0 : i32
        %dma_wait3A_692 = tpu.memref_slice %arg8[%run_scoped3A_643, %mul3A_615, %dma_wait3A_691] : memref<2x25x80xi32, #tpu.memory_space<vmem>> -> memref<1x1x80xi32, #tpu.memory_space<vmem>>
        %dma_wait3A_693 = tpu.memref_squeeze %dma_wait3A_692 : memref<1x1x80xi32, #tpu.memory_space<vmem>> -> memref<80xi32, #tpu.memory_space<vmem>>
        %dma_wait3A_694 = arith.constant 0 : i32
        %dma_wait3A_695 = arith.constant 0 : i32
        %dma_wait3A_696 = tpu.memref_slice %arg14[%dma_wait3A_694, %dma_wait3A_695] : memref<10240x128xf32, #tpu.memory_space<vmem_shared>> -> memref<10240x128xf32, #tpu.memory_space<vmem_shared>>
        tpu.wait_indirect_dma semaphore(%run_scoped3A_676 : memref<!tpu.dma_semaphore, #tpu.memory_space<semaphore_mem>>) src(%dma_wait3A_690 : memref<80x128xf32, #tpu.memory_space<vmem>>) dst(%dma_wait3A_696 : memref<10240x128xf32, #tpu.memory_space<vmem_shared>>)
        tpu.yield
      }) : () -> ()
      %add3A_644 = arith.constant 2 : i32
      %add3A_645 = arith.addi %mul3A_615, %add3A_644 : i32
      %dma_start3A_646 = arith.constant 1 : i32
      %dma_start3A_647 = arith.constant 1 : i32
      %dma_start3A_648 = arith.constant 0 : i32
      %dma_start3A_649 = arith.constant 0 : i32
      %dma_start3A_650 = tpu.memref_slice %arg9[%dma_start3A_647, %dma_start3A_648, %dma_start3A_649] : memref<2x80x128xf32, #tpu.memory_space<vmem>> -> memref<1x80x128xf32, #tpu.memory_space<vmem>>
      %dma_start3A_651 = tpu.memref_squeeze %dma_start3A_650 : memref<1x80x128xf32, #tpu.memory_space<vmem>> -> memref<80x128xf32, #tpu.memory_space<vmem>>
      %dma_start3A_652 = arith.constant 0 : i32
      %dma_start3A_653 = tpu.memref_slice %arg7[%dma_start3A_646, %add3A_645, %dma_start3A_652] : memref<2x25x80xi32, #tpu.memory_space<vmem>> -> memref<1x1x80xi32, #tpu.memory_space<vmem>>
      %dma_start3A_654 = tpu.memref_squeeze %dma_start3A_653 : memref<1x1x80xi32, #tpu.memory_space<vmem>> -> memref<80xi32, #tpu.memory_space<vmem>>
      %dma_start3A_655 = arith.constant 0 : i32
      %dma_start3A_656 = arith.constant 0 : i32
      %dma_start3A_657 = tpu.memref_slice %arg2[%dma_start3A_655, %dma_start3A_656] : memref<10000x128xf32, #tpu.memory_space<hbm>> -> memref<10000x128xf32, #tpu.memory_space<hbm>>
      tpu.enqueue_indirect_dma source(%dma_start3A_657 : memref<10000x128xf32, #tpu.memory_space<hbm>>) target(%dma_start3A_651 : memref<80x128xf32, #tpu.memory_space<vmem>>) offsets(%dma_start3A_654 : memref<80xi32, #tpu.memory_space<vmem>>) semaphore(%arg11 : memref<!tpu.dma_semaphore, #tpu.memory_space<semaphore_mem>>)
      %add3A_658 = arith.constant 1 : i32
      %add3A_659 = arith.addi %mul3A_615, %add3A_658 : i32
      %dma_wait3A_660 = arith.constant 1 : i32
      %dma_wait3A_661 = arith.constant 0 : i32
      %dma_wait3A_662 = arith.constant 0 : i32
      %dma_wait3A_663 = arith.constant 0 : i32
      %dma_wait3A_664 = tpu.memref_slice %arg9[%dma_wait3A_661, %dma_wait3A_662, %dma_wait3A_663] : memref<2x80x128xf32, #tpu.memory_space<vmem>> -> memref<1x80x128xf32, #tpu.memory_space<vmem>>
      %dma_wait3A_665 = tpu.memref_squeeze %dma_wait3A_664 : memref<1x80x128xf32, #tpu.memory_space<vmem>> -> memref<80x128xf32, #tpu.memory_space<vmem>>
      %dma_wait3A_666 = arith.constant 0 : i32
      %dma_wait3A_667 = tpu.memref_slice %arg7[%dma_wait3A_660, %add3A_659, %dma_wait3A_666] : memref<2x25x80xi32, #tpu.memory_space<vmem>> -> memref<1x1x80xi32, #tpu.memory_space<vmem>>
      %dma_wait3A_668 = tpu.memref_squeeze %dma_wait3A_667 : memref<1x1x80xi32, #tpu.memory_space<vmem>> -> memref<80xi32, #tpu.memory_space<vmem>>
      %dma_wait3A_669 = arith.constant 0 : i32
      %dma_wait3A_670 = arith.constant 0 : i32
      %dma_wait3A_671 = tpu.memref_slice %arg2[%dma_wait3A_669, %dma_wait3A_670] : memref<10000x128xf32, #tpu.memory_space<hbm>> -> memref<10000x128xf32, #tpu.memory_space<hbm>>
      tpu.wait_indirect_dma semaphore(%arg10 : memref<!tpu.dma_semaphore, #tpu.memory_space<semaphore_mem>>) src(%dma_wait3A_671 : memref<10000x128xf32, #tpu.memory_space<hbm>>) dst(%dma_wait3A_665 : memref<80x128xf32, #tpu.memory_space<vmem>>)
      %add3A_672 = arith.constant 1 : i32
      %add3A_673 = arith.addi %mul3A_615, %add3A_672 : i32
      %run_scoped3A_674 = arith.constant 0 : i32
      %run_scoped3A_675 = arith.constant 1 : i32
      "tpu.region"() ({
        %run_scoped3A_676 = tpu.sem_alloc : memref<!tpu.dma_semaphore, #tpu.memory_space<semaphore_mem>>
        %dma_start3A_677 = arith.constant 0 : i32
        %dma_start3A_678 = arith.constant 0 : i32
        %dma_start3A_679 = tpu.memref_slice %arg9[%run_scoped3A_674, %dma_start3A_677, %dma_start3A_678] : memref<2x80x128xf32, #tpu.memory_space<vmem>> -> memref<1x80x128xf32, #tpu.memory_space<vmem>>
        %dma_start3A_680 = tpu.memref_squeeze %dma_start3A_679 : memref<1x80x128xf32, #tpu.memory_space<vmem>> -> memref<80x128xf32, #tpu.memory_space<vmem>>
        %dma_start3A_681 = arith.constant 0 : i32
        %dma_start3A_682 = tpu.memref_slice %arg8[%run_scoped3A_675, %add3A_673, %dma_start3A_681] : memref<2x25x80xi32, #tpu.memory_space<vmem>> -> memref<1x1x80xi32, #tpu.memory_space<vmem>>
        %dma_start3A_683 = tpu.memref_squeeze %dma_start3A_682 : memref<1x1x80xi32, #tpu.memory_space<vmem>> -> memref<80xi32, #tpu.memory_space<vmem>>
        %dma_start3A_684 = arith.constant 0 : i32
        %dma_start3A_685 = arith.constant 0 : i32
        %dma_start3A_686 = tpu.memref_slice %arg14[%dma_start3A_684, %dma_start3A_685] : memref<10240x128xf32, #tpu.memory_space<vmem_shared>> -> memref<10240x128xf32, #tpu.memory_space<vmem_shared>>
        tpu.enqueue_indirect_dma source(%dma_start3A_680 : memref<80x128xf32, #tpu.memory_space<vmem>>) target(%dma_start3A_686 : memref<10240x128xf32, #tpu.memory_space<vmem_shared>>) offsets(%dma_start3A_683 : memref<80xi32, #tpu.memory_space<vmem>>) semaphore(%run_scoped3A_676 : memref<!tpu.dma_semaphore, #tpu.memory_space<semaphore_mem>>) {add = true}
        %dma_wait3A_687 = arith.constant 0 : i32
        %dma_wait3A_688 = arith.constant 0 : i32
        %dma_wait3A_689 = tpu.memref_slice %arg9[%run_scoped3A_674, %dma_wait3A_687, %dma_wait3A_688] : memref<2x80x128xf32, #tpu.memory_space<vmem>> -> memref<1x80x128xf32, #tpu.memory_space<vmem>>
        %dma_wait3A_690 = tpu.memref_squeeze %dma_wait3A_689 : memref<1x80x128xf32, #tpu.memory_space<vmem>> -> memref<80x128xf32, #tpu.memory_space<vmem>>
        %dma_wait3A_691 = arith.constant 0 : i32
        %dma_wait3A_692 = tpu.memref_slice %arg8[%run_scoped3A_675, %add3A_673, %dma_wait3A_691] : memref<2x25x80xi32, #tpu.memory_space<vmem>> -> memref<1x1x80xi32, #tpu.memory_space<vmem>>
        %dma_wait3A_693 = tpu.memref_squeeze %dma_wait3A_692 : memref<1x1x80xi32, #tpu.memory_space<vmem>> -> memref<80xi32, #tpu.memory_space<vmem>>
        %dma_wait3A_694 = arith.constant 0 : i32
        %dma_wait3A_695 = arith.constant 0 : i32
        %dma_wait3A_696 = tpu.memref_slice %arg14[%dma_wait3A_694, %dma_wait3A_695] : memref<10240x128xf32, #tpu.memory_space<vmem_shared>> -> memref<10240x128xf32, #tpu.memory_space<vmem_shared>>
        tpu.wait_indirect_dma semaphore(%run_scoped3A_676 : memref<!tpu.dma_semaphore, #tpu.memory_space<semaphore_mem>>) src(%dma_wait3A_690 : memref<80x128xf32, #tpu.memory_space<vmem>>) dst(%dma_wait3A_696 : memref<10240x128xf32, #tpu.memory_space<vmem_shared>>)
        tpu.yield
      }) : () -> ()
    }
    %scan3A_276 = arith.constant 12 : i32
    %mul3A_277 = arith.constant 5 : i32
    %mul3A_278 = arith.muli %add3A, %mul3A_277 : i32
    %add3A_279 = arith.constant 2 : i32
    %add3A_280 = arith.addi %mul3A_278, %add3A_279 : i32
    %dma_wait3A_281 = arith.constant 0 : i32
    %dma_wait3A_282 = arith.constant 0 : i32
    %dma_wait3A_283 = arith.constant 0 : i32
    %dma_wait3A_284 = tpu.memref_slice %arg7[%dma_wait3A_281, %dma_wait3A_282, %dma_wait3A_283] : memref<2x25x80xi32, #tpu.memory_space<vmem>> -> memref<1x25x80xi32, #tpu.memory_space<vmem>>
    %dma_wait3A_285 = tpu.memref_squeeze %dma_wait3A_284 : memref<1x25x80xi32, #tpu.memory_space<vmem>> -> memref<25x80xi32, #tpu.memory_space<vmem>>
    %dma_wait3A_286 = arith.constant 0 : i32
    %dma_wait3A_287 = arith.constant 0 : i32
    %dma_wait3A_288 = tpu.memref_slice %arg3[%add3A_280, %dma_wait3A_286, %dma_wait3A_287] : memref<160x25x80xi32, #tpu.memory_space<hbm>> -> memref<1x25x80xi32, #tpu.memory_space<hbm>>
    %dma_wait3A_289 = tpu.memref_squeeze %dma_wait3A_288 : memref<1x25x80xi32, #tpu.memory_space<hbm>> -> memref<25x80xi32, #tpu.memory_space<hbm>>
    %dma_wait3A_290 = arith.constant 0 : i32
    %dma_wait3A_291 = arith.constant 0 : i32
    %dma_wait3A_292 = tpu.memref_slice %arg7[%dma_wait3A_281, %dma_wait3A_290, %dma_wait3A_291] : memref<2x25x80xi32, #tpu.memory_space<vmem>> -> memref<1x25x80xi32, #tpu.memory_space<vmem>>
    %dma_wait3A_293 = tpu.memref_squeeze %dma_wait3A_292 : memref<1x25x80xi32, #tpu.memory_space<vmem>> -> memref<25x80xi32, #tpu.memory_space<vmem>>
    %dma_wait3A_294 = arith.constant 0 : i32
    %dma_wait3A_295 = arith.constant 0 : i32
    %dma_wait3A_296 = tpu.memref_slice %arg3[%add3A_280, %dma_wait3A_294, %dma_wait3A_295] : memref<160x25x80xi32, #tpu.memory_space<hbm>> -> memref<1x25x80xi32, #tpu.memory_space<hbm>>
    %dma_wait3A_297 = tpu.memref_squeeze %dma_wait3A_296 : memref<1x25x80xi32, #tpu.memory_space<hbm>> -> memref<25x80xi32, #tpu.memory_space<hbm>>
    tpu.wait_dma2 semaphore(%arg13 : memref<!tpu.dma_semaphore, #tpu.memory_space<semaphore_mem>>) src(%dma_wait3A_297 : memref<25x80xi32, #tpu.memory_space<hbm>>) dst(%dma_wait3A_293 : memref<25x80xi32, #tpu.memory_space<vmem>>)
    %mul3A_298 = arith.constant 5 : i32
    %mul3A_299 = arith.muli %add3A, %mul3A_298 : i32
    %add3A_300 = arith.constant 2 : i32
    %add3A_301 = arith.addi %mul3A_299, %add3A_300 : i32
    %dma_wait3A_302 = arith.constant 0 : i32
    %dma_wait3A_303 = arith.constant 0 : i32
    %dma_wait3A_304 = arith.constant 0 : i32
    %dma_wait3A_305 = tpu.memref_slice %arg8[%dma_wait3A_302, %dma_wait3A_303, %dma_wait3A_304] : memref<2x25x80xi32, #tpu.memory_space<vmem>> -> memref<1x25x80xi32, #tpu.memory_space<vmem>>
    %dma_wait3A_306 = tpu.memref_squeeze %dma_wait3A_305 : memref<1x25x80xi32, #tpu.memory_space<vmem>> -> memref<25x80xi32, #tpu.memory_space<vmem>>
    %dma_wait3A_307 = arith.constant 0 : i32
    %dma_wait3A_308 = arith.constant 0 : i32
    %dma_wait3A_309 = tpu.memref_slice %arg4[%add3A_301, %dma_wait3A_307, %dma_wait3A_308] : memref<160x25x80xi32, #tpu.memory_space<hbm>> -> memref<1x25x80xi32, #tpu.memory_space<hbm>>
    %dma_wait3A_310 = tpu.memref_squeeze %dma_wait3A_309 : memref<1x25x80xi32, #tpu.memory_space<hbm>> -> memref<25x80xi32, #tpu.memory_space<hbm>>
    %dma_wait3A_311 = arith.constant 0 : i32
    %dma_wait3A_312 = arith.constant 0 : i32
    %dma_wait3A_313 = tpu.memref_slice %arg8[%dma_wait3A_302, %dma_wait3A_311, %dma_wait3A_312] : memref<2x25x80xi32, #tpu.memory_space<vmem>> -> memref<1x25x80xi32, #tpu.memory_space<vmem>>
    %dma_wait3A_314 = tpu.memref_squeeze %dma_wait3A_313 : memref<1x25x80xi32, #tpu.memory_space<vmem>> -> memref<25x80xi32, #tpu.memory_space<vmem>>
    %dma_wait3A_315 = arith.constant 0 : i32
    %dma_wait3A_316 = arith.constant 0 : i32
    %dma_wait3A_317 = tpu.memref_slice %arg4[%add3A_301, %dma_wait3A_315, %dma_wait3A_316] : memref<160x25x80xi32, #tpu.memory_space<hbm>> -> memref<1x25x80xi32, #tpu.memory_space<hbm>>
    %dma_wait3A_318 = tpu.memref_squeeze %dma_wait3A_317 : memref<1x25x80xi32, #tpu.memory_space<hbm>> -> memref<25x80xi32, #tpu.memory_space<hbm>>
    tpu.wait_dma2 semaphore(%arg13 : memref<!tpu.dma_semaphore, #tpu.memory_space<semaphore_mem>>) src(%dma_wait3A_318 : memref<25x80xi32, #tpu.memory_space<hbm>>) dst(%dma_wait3A_314 : memref<25x80xi32, #tpu.memory_space<vmem>>)
    %dma_start3A_319 = arith.constant 0 : i32
    %dma_start3A_320 = arith.constant 0 : i32
    %dma_start3A_321 = arith.constant 0 : i32
    %dma_start3A_322 = arith.constant 0 : i32
    %dma_start3A_323 = arith.constant 0 : i32
    %dma_start3A_324 = tpu.memref_slice %arg9[%dma_start3A_321, %dma_start3A_322, %dma_start3A_323] : memref<2x80x128xf32, #tpu.memory_space<vmem>> -> memref<1x80x128xf32, #tpu.memory_space<vmem>>
    %dma_start3A_325 = tpu.memref_squeeze %dma_start3A_324 : memref<1x80x128xf32, #tpu.memory_space<vmem>> -> memref<80x128xf32, #tpu.memory_space<vmem>>
    %dma_start3A_326 = arith.constant 0 : i32
    %dma_start3A_327 = tpu.memref_slice %arg7[%dma_start3A_319, %dma_start3A_320, %dma_start3A_326] : memref<2x25x80xi32, #tpu.memory_space<vmem>> -> memref<1x1x80xi32, #tpu.memory_space<vmem>>
    %dma_start3A_328 = tpu.memref_squeeze %dma_start3A_327 : memref<1x1x80xi32, #tpu.memory_space<vmem>> -> memref<80xi32, #tpu.memory_space<vmem>>
    %dma_start3A_329 = arith.constant 0 : i32
    %dma_start3A_330 = arith.constant 0 : i32
    %dma_start3A_331 = tpu.memref_slice %arg2[%dma_start3A_329, %dma_start3A_330] : memref<10000x128xf32, #tpu.memory_space<hbm>> -> memref<10000x128xf32, #tpu.memory_space<hbm>>
    tpu.enqueue_indirect_dma source(%dma_start3A_331 : memref<10000x128xf32, #tpu.memory_space<hbm>>) target(%dma_start3A_325 : memref<80x128xf32, #tpu.memory_space<vmem>>) offsets(%dma_start3A_328 : memref<80xi32, #tpu.memory_space<vmem>>) semaphore(%arg10 : memref<!tpu.dma_semaphore, #tpu.memory_space<semaphore_mem>>)
    %dma_wait3A_332 = arith.constant 1 : i32
    %dma_wait3A_333 = arith.constant 24 : i32
    %dma_wait3A_334 = arith.constant 1 : i32
    %dma_wait3A_335 = arith.constant 0 : i32
    %dma_wait3A_336 = arith.constant 0 : i32
    %dma_wait3A_337 = tpu.memref_slice %arg9[%dma_wait3A_334, %dma_wait3A_335, %dma_wait3A_336] : memref<2x80x128xf32, #tpu.memory_space<vmem>> -> memref<1x80x128xf32, #tpu.memory_space<vmem>>
    %dma_wait3A_338 = tpu.memref_squeeze %dma_wait3A_337 : memref<1x80x128xf32, #tpu.memory_space<vmem>> -> memref<80x128xf32, #tpu.memory_space<vmem>>
    %dma_wait3A_339 = arith.constant 0 : i32
    %dma_wait3A_340 = tpu.memref_slice %arg7[%dma_wait3A_332, %dma_wait3A_333, %dma_wait3A_339] : memref<2x25x80xi32, #tpu.memory_space<vmem>> -> memref<1x1x80xi32, #tpu.memory_space<vmem>>
    %dma_wait3A_341 = tpu.memref_squeeze %dma_wait3A_340 : memref<1x1x80xi32, #tpu.memory_space<vmem>> -> memref<80xi32, #tpu.memory_space<vmem>>
    %dma_wait3A_342 = arith.constant 0 : i32
    %dma_wait3A_343 = arith.constant 0 : i32
    %dma_wait3A_344 = tpu.memref_slice %arg2[%dma_wait3A_342, %dma_wait3A_343] : memref<10000x128xf32, #tpu.memory_space<hbm>> -> memref<10000x128xf32, #tpu.memory_space<hbm>>
    tpu.wait_indirect_dma semaphore(%arg11 : memref<!tpu.dma_semaphore, #tpu.memory_space<semaphore_mem>>) src(%dma_wait3A_344 : memref<10000x128xf32, #tpu.memory_space<hbm>>) dst(%dma_wait3A_338 : memref<80x128xf32, #tpu.memory_space<vmem>>)
    %run_scoped3A_345 = arith.constant 1 : i32
    %run_scoped3A_346 = arith.constant 1 : i32
    %run_scoped3A_347 = arith.constant 24 : i32
    "tpu.region"() ({
      %run_scoped3A_613 = tpu.sem_alloc : memref<!tpu.dma_semaphore, #tpu.memory_space<semaphore_mem>>
      %dma_start3A_614 = arith.constant 0 : i32
      %dma_start3A_615 = arith.constant 0 : i32
      %dma_start3A_616 = tpu.memref_slice %arg9[%run_scoped3A_345, %dma_start3A_614, %dma_start3A_615] : memref<2x80x128xf32, #tpu.memory_space<vmem>> -> memref<1x80x128xf32, #tpu.memory_space<vmem>>
      %dma_start3A_617 = tpu.memref_squeeze %dma_start3A_616 : memref<1x80x128xf32, #tpu.memory_space<vmem>> -> memref<80x128xf32, #tpu.memory_space<vmem>>
      %dma_start3A_618 = arith.constant 0 : i32
      %dma_start3A_619 = tpu.memref_slice %arg8[%run_scoped3A_346, %run_scoped3A_347, %dma_start3A_618] : memref<2x25x80xi32, #tpu.memory_space<vmem>> -> memref<1x1x80xi32, #tpu.memory_space<vmem>>
      %dma_start3A_620 = tpu.memref_squeeze %dma_start3A_619 : memref<1x1x80xi32, #tpu.memory_space<vmem>> -> memref<80xi32, #tpu.memory_space<vmem>>
      %dma_start3A_621 = arith.constant 0 : i32
      %dma_start3A_622 = arith.constant 0 : i32
      %dma_start3A_623 = tpu.memref_slice %arg14[%dma_start3A_621, %dma_start3A_622] : memref<10240x128xf32, #tpu.memory_space<vmem_shared>> -> memref<10240x128xf32, #tpu.memory_space<vmem_shared>>
      tpu.enqueue_indirect_dma source(%dma_start3A_617 : memref<80x128xf32, #tpu.memory_space<vmem>>) target(%dma_start3A_623 : memref<10240x128xf32, #tpu.memory_space<vmem_shared>>) offsets(%dma_start3A_620 : memref<80xi32, #tpu.memory_space<vmem>>) semaphore(%run_scoped3A_613 : memref<!tpu.dma_semaphore, #tpu.memory_space<semaphore_mem>>) {add = true}
      %dma_wait3A_624 = arith.constant 0 : i32
      %dma_wait3A_625 = arith.constant 0 : i32
      %dma_wait3A_626 = tpu.memref_slice %arg9[%run_scoped3A_345, %dma_wait3A_624, %dma_wait3A_625] : memref<2x80x128xf32, #tpu.memory_space<vmem>> -> memref<1x80x128xf32, #tpu.memory_space<vmem>>
      %dma_wait3A_627 = tpu.memref_squeeze %dma_wait3A_626 : memref<1x80x128xf32, #tpu.memory_space<vmem>> -> memref<80x128xf32, #tpu.memory_space<vmem>>
      %dma_wait3A_628 = arith.constant 0 : i32
      %dma_wait3A_629 = tpu.memref_slice %arg8[%run_scoped3A_346, %run_scoped3A_347, %dma_wait3A_628] : memref<2x25x80xi32, #tpu.memory_space<vmem>> -> memref<1x1x80xi32, #tpu.memory_space<vmem>>
      %dma_wait3A_630 = tpu.memref_squeeze %dma_wait3A_629 : memref<1x1x80xi32, #tpu.memory_space<vmem>> -> memref<80xi32, #tpu.memory_space<vmem>>
      %dma_wait3A_631 = arith.constant 0 : i32
      %dma_wait3A_632 = arith.constant 0 : i32
      %dma_wait3A_633 = tpu.memref_slice %arg14[%dma_wait3A_631, %dma_wait3A_632] : memref<10240x128xf32, #tpu.memory_space<vmem_shared>> -> memref<10240x128xf32, #tpu.memory_space<vmem_shared>>
      tpu.wait_indirect_dma semaphore(%run_scoped3A_613 : memref<!tpu.dma_semaphore, #tpu.memory_space<semaphore_mem>>) src(%dma_wait3A_627 : memref<80x128xf32, #tpu.memory_space<vmem>>) dst(%dma_wait3A_633 : memref<10240x128xf32, #tpu.memory_space<vmem_shared>>)
      tpu.yield
    }) : () -> ()
    %mul3A_348 = arith.constant 5 : i32
    %mul3A_349 = arith.muli %add3A, %mul3A_348 : i32
    %add3A_350 = arith.constant 3 : i32
    %add3A_351 = arith.addi %mul3A_349, %add3A_350 : i32
    %dma_start3A_352 = arith.constant 1 : i32
    %dma_start3A_353 = arith.constant 0 : i32
    %dma_start3A_354 = arith.constant 0 : i32
    %dma_start3A_355 = tpu.memref_slice %arg7[%dma_start3A_352, %dma_start3A_353, %dma_start3A_354] : memref<2x25x80xi32, #tpu.memory_space<vmem>> -> memref<1x25x80xi32, #tpu.memory_space<vmem>>
    %dma_start3A_356 = tpu.memref_squeeze %dma_start3A_355 : memref<1x25x80xi32, #tpu.memory_space<vmem>> -> memref<25x80xi32, #tpu.memory_space<vmem>>
    %dma_start3A_357 = arith.constant 0 : i32
    %dma_start3A_358 = arith.constant 0 : i32
    %dma_start3A_359 = tpu.memref_slice %arg3[%add3A_351, %dma_start3A_357, %dma_start3A_358] : memref<160x25x80xi32, #tpu.memory_space<hbm>> -> memref<1x25x80xi32, #tpu.memory_space<hbm>>
    %dma_start3A_360 = tpu.memref_squeeze %dma_start3A_359 : memref<1x25x80xi32, #tpu.memory_space<hbm>> -> memref<25x80xi32, #tpu.memory_space<hbm>>
    %dma_start3A_361 = arith.constant 0 : i32
    %dma_start3A_362 = arith.constant 0 : i32
    %dma_start3A_363 = tpu.memref_slice %arg7[%dma_start3A_352, %dma_start3A_361, %dma_start3A_362] : memref<2x25x80xi32, #tpu.memory_space<vmem>> -> memref<1x25x80xi32, #tpu.memory_space<vmem>>
    %dma_start3A_364 = tpu.memref_squeeze %dma_start3A_363 : memref<1x25x80xi32, #tpu.memory_space<vmem>> -> memref<25x80xi32, #tpu.memory_space<vmem>>
    %dma_start3A_365 = arith.constant 0 : i32
    %dma_start3A_366 = arith.constant 0 : i32
    %dma_start3A_367 = tpu.memref_slice %arg3[%add3A_351, %dma_start3A_365, %dma_start3A_366] : memref<160x25x80xi32, #tpu.memory_space<hbm>> -> memref<1x25x80xi32, #tpu.memory_space<hbm>>
    %dma_start3A_368 = tpu.memref_squeeze %dma_start3A_367 : memref<1x25x80xi32, #tpu.memory_space<hbm>> -> memref<25x80xi32, #tpu.memory_space<hbm>>
    tpu.enqueue_dma source(%dma_start3A_368 : memref<25x80xi32, #tpu.memory_space<hbm>>) target(%dma_start3A_364 : memref<25x80xi32, #tpu.memory_space<vmem>>) target_semaphore(%arg13 : memref<!tpu.dma_semaphore, #tpu.memory_space<semaphore_mem>>)
    %mul3A_369 = arith.constant 5 : i32
    %mul3A_370 = arith.muli %add3A, %mul3A_369 : i32
    %add3A_371 = arith.constant 3 : i32
    %add3A_372 = arith.addi %mul3A_370, %add3A_371 : i32
    %dma_start3A_373 = arith.constant 1 : i32
    %dma_start3A_374 = arith.constant 0 : i32
    %dma_start3A_375 = arith.constant 0 : i32
    %dma_start3A_376 = tpu.memref_slice %arg8[%dma_start3A_373, %dma_start3A_374, %dma_start3A_375] : memref<2x25x80xi32, #tpu.memory_space<vmem>> -> memref<1x25x80xi32, #tpu.memory_space<vmem>>
    %dma_start3A_377 = tpu.memref_squeeze %dma_start3A_376 : memref<1x25x80xi32, #tpu.memory_space<vmem>> -> memref<25x80xi32, #tpu.memory_space<vmem>>
    %dma_start3A_378 = arith.constant 0 : i32
    %dma_start3A_379 = arith.constant 0 : i32
    %dma_start3A_380 = tpu.memref_slice %arg4[%add3A_372, %dma_start3A_378, %dma_start3A_379] : memref<160x25x80xi32, #tpu.memory_space<hbm>> -> memref<1x25x80xi32, #tpu.memory_space<hbm>>
    %dma_start3A_381 = tpu.memref_squeeze %dma_start3A_380 : memref<1x25x80xi32, #tpu.memory_space<hbm>> -> memref<25x80xi32, #tpu.memory_space<hbm>>
    %dma_start3A_382 = arith.constant 0 : i32
    %dma_start3A_383 = arith.constant 0 : i32
    %dma_start3A_384 = tpu.memref_slice %arg8[%dma_start3A_373, %dma_start3A_382, %dma_start3A_383] : memref<2x25x80xi32, #tpu.memory_space<vmem>> -> memref<1x25x80xi32, #tpu.memory_space<vmem>>
    %dma_start3A_385 = tpu.memref_squeeze %dma_start3A_384 : memref<1x25x80xi32, #tpu.memory_space<vmem>> -> memref<25x80xi32, #tpu.memory_space<vmem>>
    %dma_start3A_386 = arith.constant 0 : i32
    %dma_start3A_387 = arith.constant 0 : i32
    %dma_start3A_388 = tpu.memref_slice %arg4[%add3A_372, %dma_start3A_386, %dma_start3A_387] : memref<160x25x80xi32, #tpu.memory_space<hbm>> -> memref<1x25x80xi32, #tpu.memory_space<hbm>>
    %dma_start3A_389 = tpu.memref_squeeze %dma_start3A_388 : memref<1x25x80xi32, #tpu.memory_space<hbm>> -> memref<25x80xi32, #tpu.memory_space<hbm>>
    tpu.enqueue_dma source(%dma_start3A_389 : memref<25x80xi32, #tpu.memory_space<hbm>>) target(%dma_start3A_385 : memref<25x80xi32, #tpu.memory_space<vmem>>) target_semaphore(%arg13 : memref<!tpu.dma_semaphore, #tpu.memory_space<semaphore_mem>>)
    %scan3A_390 = arith.constant 0 : i32
    %scan3A_391 = arith.constant 0 : i32
    %scan3A_392 = arith.constant 12 : i32
    %scan3A_393 = arith.addi %scan3A_391, %scan3A_392 : i32
    %scan3A_394 = arith.constant 1 : i32
    scf.for %scan3A_613 = %scan3A_391 to %scan3A_393 step %scan3A_394  : i32 {
      %mul3A_614 = arith.constant 2 : i32
      %mul3A_615 = arith.muli %mul3A_614, %scan3A_613 : i32
      %add3A_616 = arith.constant 1 : i32
      %add3A_617 = arith.addi %mul3A_615, %add3A_616 : i32
      %dma_start3A_618 = arith.constant 0 : i32
      %dma_start3A_619 = arith.constant 1 : i32
      %dma_start3A_620 = arith.constant 0 : i32
      %dma_start3A_621 = arith.constant 0 : i32
      %dma_start3A_622 = tpu.memref_slice %arg9[%dma_start3A_619, %dma_start3A_620, %dma_start3A_621] : memref<2x80x128xf32, #tpu.memory_space<vmem>> -> memref<1x80x128xf32, #tpu.memory_space<vmem>>
      %dma_start3A_623 = tpu.memref_squeeze %dma_start3A_622 : memref<1x80x128xf32, #tpu.memory_space<vmem>> -> memref<80x128xf32, #tpu.memory_space<vmem>>
      %dma_start3A_624 = arith.constant 0 : i32
      %dma_start3A_625 = tpu.memref_slice %arg7[%dma_start3A_618, %add3A_617, %dma_start3A_624] : memref<2x25x80xi32, #tpu.memory_space<vmem>> -> memref<1x1x80xi32, #tpu.memory_space<vmem>>
      %dma_start3A_626 = tpu.memref_squeeze %dma_start3A_625 : memref<1x1x80xi32, #tpu.memory_space<vmem>> -> memref<80xi32, #tpu.memory_space<vmem>>
      %dma_start3A_627 = arith.constant 0 : i32
      %dma_start3A_628 = arith.constant 0 : i32
      %dma_start3A_629 = tpu.memref_slice %arg2[%dma_start3A_627, %dma_start3A_628] : memref<10000x128xf32, #tpu.memory_space<hbm>> -> memref<10000x128xf32, #tpu.memory_space<hbm>>
      tpu.enqueue_indirect_dma source(%dma_start3A_629 : memref<10000x128xf32, #tpu.memory_space<hbm>>) target(%dma_start3A_623 : memref<80x128xf32, #tpu.memory_space<vmem>>) offsets(%dma_start3A_626 : memref<80xi32, #tpu.memory_space<vmem>>) semaphore(%arg11 : memref<!tpu.dma_semaphore, #tpu.memory_space<semaphore_mem>>)
      %dma_wait3A_630 = arith.constant 0 : i32
      %dma_wait3A_631 = arith.constant 0 : i32
      %dma_wait3A_632 = arith.constant 0 : i32
      %dma_wait3A_633 = arith.constant 0 : i32
      %dma_wait3A_634 = tpu.memref_slice %arg9[%dma_wait3A_631, %dma_wait3A_632, %dma_wait3A_633] : memref<2x80x128xf32, #tpu.memory_space<vmem>> -> memref<1x80x128xf32, #tpu.memory_space<vmem>>
      %dma_wait3A_635 = tpu.memref_squeeze %dma_wait3A_634 : memref<1x80x128xf32, #tpu.memory_space<vmem>> -> memref<80x128xf32, #tpu.memory_space<vmem>>
      %dma_wait3A_636 = arith.constant 0 : i32
      %dma_wait3A_637 = tpu.memref_slice %arg7[%dma_wait3A_630, %mul3A_615, %dma_wait3A_636] : memref<2x25x80xi32, #tpu.memory_space<vmem>> -> memref<1x1x80xi32, #tpu.memory_space<vmem>>
      %dma_wait3A_638 = tpu.memref_squeeze %dma_wait3A_637 : memref<1x1x80xi32, #tpu.memory_space<vmem>> -> memref<80xi32, #tpu.memory_space<vmem>>
      %dma_wait3A_639 = arith.constant 0 : i32
      %dma_wait3A_640 = arith.constant 0 : i32
      %dma_wait3A_641 = tpu.memref_slice %arg2[%dma_wait3A_639, %dma_wait3A_640] : memref<10000x128xf32, #tpu.memory_space<hbm>> -> memref<10000x128xf32, #tpu.memory_space<hbm>>
      tpu.wait_indirect_dma semaphore(%arg10 : memref<!tpu.dma_semaphore, #tpu.memory_space<semaphore_mem>>) src(%dma_wait3A_641 : memref<10000x128xf32, #tpu.memory_space<hbm>>) dst(%dma_wait3A_635 : memref<80x128xf32, #tpu.memory_space<vmem>>)
      %run_scoped3A_642 = arith.constant 0 : i32
      %run_scoped3A_643 = arith.constant 0 : i32
      "tpu.region"() ({
        %run_scoped3A_676 = tpu.sem_alloc : memref<!tpu.dma_semaphore, #tpu.memory_space<semaphore_mem>>
        %dma_start3A_677 = arith.constant 0 : i32
        %dma_start3A_678 = arith.constant 0 : i32
        %dma_start3A_679 = tpu.memref_slice %arg9[%run_scoped3A_642, %dma_start3A_677, %dma_start3A_678] : memref<2x80x128xf32, #tpu.memory_space<vmem>> -> memref<1x80x128xf32, #tpu.memory_space<vmem>>
        %dma_start3A_680 = tpu.memref_squeeze %dma_start3A_679 : memref<1x80x128xf32, #tpu.memory_space<vmem>> -> memref<80x128xf32, #tpu.memory_space<vmem>>
        %dma_start3A_681 = arith.constant 0 : i32
        %dma_start3A_682 = tpu.memref_slice %arg8[%run_scoped3A_643, %mul3A_615, %dma_start3A_681] : memref<2x25x80xi32, #tpu.memory_space<vmem>> -> memref<1x1x80xi32, #tpu.memory_space<vmem>>
        %dma_start3A_683 = tpu.memref_squeeze %dma_start3A_682 : memref<1x1x80xi32, #tpu.memory_space<vmem>> -> memref<80xi32, #tpu.memory_space<vmem>>
        %dma_start3A_684 = arith.constant 0 : i32
        %dma_start3A_685 = arith.constant 0 : i32
        %dma_start3A_686 = tpu.memref_slice %arg14[%dma_start3A_684, %dma_start3A_685] : memref<10240x128xf32, #tpu.memory_space<vmem_shared>> -> memref<10240x128xf32, #tpu.memory_space<vmem_shared>>
        tpu.enqueue_indirect_dma source(%dma_start3A_680 : memref<80x128xf32, #tpu.memory_space<vmem>>) target(%dma_start3A_686 : memref<10240x128xf32, #tpu.memory_space<vmem_shared>>) offsets(%dma_start3A_683 : memref<80xi32, #tpu.memory_space<vmem>>) semaphore(%run_scoped3A_676 : memref<!tpu.dma_semaphore, #tpu.memory_space<semaphore_mem>>) {add = true}
        %dma_wait3A_687 = arith.constant 0 : i32
        %dma_wait3A_688 = arith.constant 0 : i32
        %dma_wait3A_689 = tpu.memref_slice %arg9[%run_scoped3A_642, %dma_wait3A_687, %dma_wait3A_688] : memref<2x80x128xf32, #tpu.memory_space<vmem>> -> memref<1x80x128xf32, #tpu.memory_space<vmem>>
        %dma_wait3A_690 = tpu.memref_squeeze %dma_wait3A_689 : memref<1x80x128xf32, #tpu.memory_space<vmem>> -> memref<80x128xf32, #tpu.memory_space<vmem>>
        %dma_wait3A_691 = arith.constant 0 : i32
        %dma_wait3A_692 = tpu.memref_slice %arg8[%run_scoped3A_643, %mul3A_615, %dma_wait3A_691] : memref<2x25x80xi32, #tpu.memory_space<vmem>> -> memref<1x1x80xi32, #tpu.memory_space<vmem>>
        %dma_wait3A_693 = tpu.memref_squeeze %dma_wait3A_692 : memref<1x1x80xi32, #tpu.memory_space<vmem>> -> memref<80xi32, #tpu.memory_space<vmem>>
        %dma_wait3A_694 = arith.constant 0 : i32
        %dma_wait3A_695 = arith.constant 0 : i32
        %dma_wait3A_696 = tpu.memref_slice %arg14[%dma_wait3A_694, %dma_wait3A_695] : memref<10240x128xf32, #tpu.memory_space<vmem_shared>> -> memref<10240x128xf32, #tpu.memory_space<vmem_shared>>
        tpu.wait_indirect_dma semaphore(%run_scoped3A_676 : memref<!tpu.dma_semaphore, #tpu.memory_space<semaphore_mem>>) src(%dma_wait3A_690 : memref<80x128xf32, #tpu.memory_space<vmem>>) dst(%dma_wait3A_696 : memref<10240x128xf32, #tpu.memory_space<vmem_shared>>)
        tpu.yield
      }) : () -> ()
      %add3A_644 = arith.constant 2 : i32
      %add3A_645 = arith.addi %mul3A_615, %add3A_644 : i32
      %dma_start3A_646 = arith.constant 0 : i32
      %dma_start3A_647 = arith.constant 0 : i32
      %dma_start3A_648 = arith.constant 0 : i32
      %dma_start3A_649 = arith.constant 0 : i32
      %dma_start3A_650 = tpu.memref_slice %arg9[%dma_start3A_647, %dma_start3A_648, %dma_start3A_649] : memref<2x80x128xf32, #tpu.memory_space<vmem>> -> memref<1x80x128xf32, #tpu.memory_space<vmem>>
      %dma_start3A_651 = tpu.memref_squeeze %dma_start3A_650 : memref<1x80x128xf32, #tpu.memory_space<vmem>> -> memref<80x128xf32, #tpu.memory_space<vmem>>
      %dma_start3A_652 = arith.constant 0 : i32
      %dma_start3A_653 = tpu.memref_slice %arg7[%dma_start3A_646, %add3A_645, %dma_start3A_652] : memref<2x25x80xi32, #tpu.memory_space<vmem>> -> memref<1x1x80xi32, #tpu.memory_space<vmem>>
      %dma_start3A_654 = tpu.memref_squeeze %dma_start3A_653 : memref<1x1x80xi32, #tpu.memory_space<vmem>> -> memref<80xi32, #tpu.memory_space<vmem>>
      %dma_start3A_655 = arith.constant 0 : i32
      %dma_start3A_656 = arith.constant 0 : i32
      %dma_start3A_657 = tpu.memref_slice %arg2[%dma_start3A_655, %dma_start3A_656] : memref<10000x128xf32, #tpu.memory_space<hbm>> -> memref<10000x128xf32, #tpu.memory_space<hbm>>
      tpu.enqueue_indirect_dma source(%dma_start3A_657 : memref<10000x128xf32, #tpu.memory_space<hbm>>) target(%dma_start3A_651 : memref<80x128xf32, #tpu.memory_space<vmem>>) offsets(%dma_start3A_654 : memref<80xi32, #tpu.memory_space<vmem>>) semaphore(%arg10 : memref<!tpu.dma_semaphore, #tpu.memory_space<semaphore_mem>>)
      %add3A_658 = arith.constant 1 : i32
      %add3A_659 = arith.addi %mul3A_615, %add3A_658 : i32
      %dma_wait3A_660 = arith.constant 0 : i32
      %dma_wait3A_661 = arith.constant 1 : i32
      %dma_wait3A_662 = arith.constant 0 : i32
      %dma_wait3A_663 = arith.constant 0 : i32
      %dma_wait3A_664 = tpu.memref_slice %arg9[%dma_wait3A_661, %dma_wait3A_662, %dma_wait3A_663] : memref<2x80x128xf32, #tpu.memory_space<vmem>> -> memref<1x80x128xf32, #tpu.memory_space<vmem>>
      %dma_wait3A_665 = tpu.memref_squeeze %dma_wait3A_664 : memref<1x80x128xf32, #tpu.memory_space<vmem>> -> memref<80x128xf32, #tpu.memory_space<vmem>>
      %dma_wait3A_666 = arith.constant 0 : i32
      %dma_wait3A_667 = tpu.memref_slice %arg7[%dma_wait3A_660, %add3A_659, %dma_wait3A_666] : memref<2x25x80xi32, #tpu.memory_space<vmem>> -> memref<1x1x80xi32, #tpu.memory_space<vmem>>
      %dma_wait3A_668 = tpu.memref_squeeze %dma_wait3A_667 : memref<1x1x80xi32, #tpu.memory_space<vmem>> -> memref<80xi32, #tpu.memory_space<vmem>>
      %dma_wait3A_669 = arith.constant 0 : i32
      %dma_wait3A_670 = arith.constant 0 : i32
      %dma_wait3A_671 = tpu.memref_slice %arg2[%dma_wait3A_669, %dma_wait3A_670] : memref<10000x128xf32, #tpu.memory_space<hbm>> -> memref<10000x128xf32, #tpu.memory_space<hbm>>
      tpu.wait_indirect_dma semaphore(%arg11 : memref<!tpu.dma_semaphore, #tpu.memory_space<semaphore_mem>>) src(%dma_wait3A_671 : memref<10000x128xf32, #tpu.memory_space<hbm>>) dst(%dma_wait3A_665 : memref<80x128xf32, #tpu.memory_space<vmem>>)
      %add3A_672 = arith.constant 1 : i32
      %add3A_673 = arith.addi %mul3A_615, %add3A_672 : i32
      %run_scoped3A_674 = arith.constant 1 : i32
      %run_scoped3A_675 = arith.constant 0 : i32
      "tpu.region"() ({
        %run_scoped3A_676 = tpu.sem_alloc : memref<!tpu.dma_semaphore, #tpu.memory_space<semaphore_mem>>
        %dma_start3A_677 = arith.constant 0 : i32
        %dma_start3A_678 = arith.constant 0 : i32
        %dma_start3A_679 = tpu.memref_slice %arg9[%run_scoped3A_674, %dma_start3A_677, %dma_start3A_678] : memref<2x80x128xf32, #tpu.memory_space<vmem>> -> memref<1x80x128xf32, #tpu.memory_space<vmem>>
        %dma_start3A_680 = tpu.memref_squeeze %dma_start3A_679 : memref<1x80x128xf32, #tpu.memory_space<vmem>> -> memref<80x128xf32, #tpu.memory_space<vmem>>
        %dma_start3A_681 = arith.constant 0 : i32
        %dma_start3A_682 = tpu.memref_slice %arg8[%run_scoped3A_675, %add3A_673, %dma_start3A_681] : memref<2x25x80xi32, #tpu.memory_space<vmem>> -> memref<1x1x80xi32, #tpu.memory_space<vmem>>
        %dma_start3A_683 = tpu.memref_squeeze %dma_start3A_682 : memref<1x1x80xi32, #tpu.memory_space<vmem>> -> memref<80xi32, #tpu.memory_space<vmem>>
        %dma_start3A_684 = arith.constant 0 : i32
        %dma_start3A_685 = arith.constant 0 : i32
        %dma_start3A_686 = tpu.memref_slice %arg14[%dma_start3A_684, %dma_start3A_685] : memref<10240x128xf32, #tpu.memory_space<vmem_shared>> -> memref<10240x128xf32, #tpu.memory_space<vmem_shared>>
        tpu.enqueue_indirect_dma source(%dma_start3A_680 : memref<80x128xf32, #tpu.memory_space<vmem>>) target(%dma_start3A_686 : memref<10240x128xf32, #tpu.memory_space<vmem_shared>>) offsets(%dma_start3A_683 : memref<80xi32, #tpu.memory_space<vmem>>) semaphore(%run_scoped3A_676 : memref<!tpu.dma_semaphore, #tpu.memory_space<semaphore_mem>>) {add = true}
        %dma_wait3A_687 = arith.constant 0 : i32
        %dma_wait3A_688 = arith.constant 0 : i32
        %dma_wait3A_689 = tpu.memref_slice %arg9[%run_scoped3A_674, %dma_wait3A_687, %dma_wait3A_688] : memref<2x80x128xf32, #tpu.memory_space<vmem>> -> memref<1x80x128xf32, #tpu.memory_space<vmem>>
        %dma_wait3A_690 = tpu.memref_squeeze %dma_wait3A_689 : memref<1x80x128xf32, #tpu.memory_space<vmem>> -> memref<80x128xf32, #tpu.memory_space<vmem>>
        %dma_wait3A_691 = arith.constant 0 : i32
        %dma_wait3A_692 = tpu.memref_slice %arg8[%run_scoped3A_675, %add3A_673, %dma_wait3A_691] : memref<2x25x80xi32, #tpu.memory_space<vmem>> -> memref<1x1x80xi32, #tpu.memory_space<vmem>>
        %dma_wait3A_693 = tpu.memref_squeeze %dma_wait3A_692 : memref<1x1x80xi32, #tpu.memory_space<vmem>> -> memref<80xi32, #tpu.memory_space<vmem>>
        %dma_wait3A_694 = arith.constant 0 : i32
        %dma_wait3A_695 = arith.constant 0 : i32
        %dma_wait3A_696 = tpu.memref_slice %arg14[%dma_wait3A_694, %dma_wait3A_695] : memref<10240x128xf32, #tpu.memory_space<vmem_shared>> -> memref<10240x128xf32, #tpu.memory_space<vmem_shared>>
        tpu.wait_indirect_dma semaphore(%run_scoped3A_676 : memref<!tpu.dma_semaphore, #tpu.memory_space<semaphore_mem>>) src(%dma_wait3A_690 : memref<80x128xf32, #tpu.memory_space<vmem>>) dst(%dma_wait3A_696 : memref<10240x128xf32, #tpu.memory_space<vmem_shared>>)
        tpu.yield
      }) : () -> ()
    }
    %scan3A_395 = arith.constant 12 : i32
    %mul3A_396 = arith.constant 5 : i32
    %mul3A_397 = arith.muli %add3A, %mul3A_396 : i32
    %add3A_398 = arith.constant 3 : i32
    %add3A_399 = arith.addi %mul3A_397, %add3A_398 : i32
    %dma_wait3A_400 = arith.constant 1 : i32
    %dma_wait3A_401 = arith.constant 0 : i32
    %dma_wait3A_402 = arith.constant 0 : i32
    %dma_wait3A_403 = tpu.memref_slice %arg7[%dma_wait3A_400, %dma_wait3A_401, %dma_wait3A_402] : memref<2x25x80xi32, #tpu.memory_space<vmem>> -> memref<1x25x80xi32, #tpu.memory_space<vmem>>
    %dma_wait3A_404 = tpu.memref_squeeze %dma_wait3A_403 : memref<1x25x80xi32, #tpu.memory_space<vmem>> -> memref<25x80xi32, #tpu.memory_space<vmem>>
    %dma_wait3A_405 = arith.constant 0 : i32
    %dma_wait3A_406 = arith.constant 0 : i32
    %dma_wait3A_407 = tpu.memref_slice %arg3[%add3A_399, %dma_wait3A_405, %dma_wait3A_406] : memref<160x25x80xi32, #tpu.memory_space<hbm>> -> memref<1x25x80xi32, #tpu.memory_space<hbm>>
    %dma_wait3A_408 = tpu.memref_squeeze %dma_wait3A_407 : memref<1x25x80xi32, #tpu.memory_space<hbm>> -> memref<25x80xi32, #tpu.memory_space<hbm>>
    %dma_wait3A_409 = arith.constant 0 : i32
    %dma_wait3A_410 = arith.constant 0 : i32
    %dma_wait3A_411 = tpu.memref_slice %arg7[%dma_wait3A_400, %dma_wait3A_409, %dma_wait3A_410] : memref<2x25x80xi32, #tpu.memory_space<vmem>> -> memref<1x25x80xi32, #tpu.memory_space<vmem>>
    %dma_wait3A_412 = tpu.memref_squeeze %dma_wait3A_411 : memref<1x25x80xi32, #tpu.memory_space<vmem>> -> memref<25x80xi32, #tpu.memory_space<vmem>>
    %dma_wait3A_413 = arith.constant 0 : i32
    %dma_wait3A_414 = arith.constant 0 : i32
    %dma_wait3A_415 = tpu.memref_slice %arg3[%add3A_399, %dma_wait3A_413, %dma_wait3A_414] : memref<160x25x80xi32, #tpu.memory_space<hbm>> -> memref<1x25x80xi32, #tpu.memory_space<hbm>>
    %dma_wait3A_416 = tpu.memref_squeeze %dma_wait3A_415 : memref<1x25x80xi32, #tpu.memory_space<hbm>> -> memref<25x80xi32, #tpu.memory_space<hbm>>
    tpu.wait_dma2 semaphore(%arg13 : memref<!tpu.dma_semaphore, #tpu.memory_space<semaphore_mem>>) src(%dma_wait3A_416 : memref<25x80xi32, #tpu.memory_space<hbm>>) dst(%dma_wait3A_412 : memref<25x80xi32, #tpu.memory_space<vmem>>)
    %mul3A_417 = arith.constant 5 : i32
    %mul3A_418 = arith.muli %add3A, %mul3A_417 : i32
    %add3A_419 = arith.constant 3 : i32
    %add3A_420 = arith.addi %mul3A_418, %add3A_419 : i32
    %dma_wait3A_421 = arith.constant 1 : i32
    %dma_wait3A_422 = arith.constant 0 : i32
    %dma_wait3A_423 = arith.constant 0 : i32
    %dma_wait3A_424 = tpu.memref_slice %arg8[%dma_wait3A_421, %dma_wait3A_422, %dma_wait3A_423] : memref<2x25x80xi32, #tpu.memory_space<vmem>> -> memref<1x25x80xi32, #tpu.memory_space<vmem>>
    %dma_wait3A_425 = tpu.memref_squeeze %dma_wait3A_424 : memref<1x25x80xi32, #tpu.memory_space<vmem>> -> memref<25x80xi32, #tpu.memory_space<vmem>>
    %dma_wait3A_426 = arith.constant 0 : i32
    %dma_wait3A_427 = arith.constant 0 : i32
    %dma_wait3A_428 = tpu.memref_slice %arg4[%add3A_420, %dma_wait3A_426, %dma_wait3A_427] : memref<160x25x80xi32, #tpu.memory_space<hbm>> -> memref<1x25x80xi32, #tpu.memory_space<hbm>>
    %dma_wait3A_429 = tpu.memref_squeeze %dma_wait3A_428 : memref<1x25x80xi32, #tpu.memory_space<hbm>> -> memref<25x80xi32, #tpu.memory_space<hbm>>
    %dma_wait3A_430 = arith.constant 0 : i32
    %dma_wait3A_431 = arith.constant 0 : i32
    %dma_wait3A_432 = tpu.memref_slice %arg8[%dma_wait3A_421, %dma_wait3A_430, %dma_wait3A_431] : memref<2x25x80xi32, #tpu.memory_space<vmem>> -> memref<1x25x80xi32, #tpu.memory_space<vmem>>
    %dma_wait3A_433 = tpu.memref_squeeze %dma_wait3A_432 : memref<1x25x80xi32, #tpu.memory_space<vmem>> -> memref<25x80xi32, #tpu.memory_space<vmem>>
    %dma_wait3A_434 = arith.constant 0 : i32
    %dma_wait3A_435 = arith.constant 0 : i32
    %dma_wait3A_436 = tpu.memref_slice %arg4[%add3A_420, %dma_wait3A_434, %dma_wait3A_435] : memref<160x25x80xi32, #tpu.memory_space<hbm>> -> memref<1x25x80xi32, #tpu.memory_space<hbm>>
    %dma_wait3A_437 = tpu.memref_squeeze %dma_wait3A_436 : memref<1x25x80xi32, #tpu.memory_space<hbm>> -> memref<25x80xi32, #tpu.memory_space<hbm>>
    tpu.wait_dma2 semaphore(%arg13 : memref<!tpu.dma_semaphore, #tpu.memory_space<semaphore_mem>>) src(%dma_wait3A_437 : memref<25x80xi32, #tpu.memory_space<hbm>>) dst(%dma_wait3A_433 : memref<25x80xi32, #tpu.memory_space<vmem>>)
    %dma_start3A_438 = arith.constant 1 : i32
    %dma_start3A_439 = arith.constant 0 : i32
    %dma_start3A_440 = arith.constant 1 : i32
    %dma_start3A_441 = arith.constant 0 : i32
    %dma_start3A_442 = arith.constant 0 : i32
    %dma_start3A_443 = tpu.memref_slice %arg9[%dma_start3A_440, %dma_start3A_441, %dma_start3A_442] : memref<2x80x128xf32, #tpu.memory_space<vmem>> -> memref<1x80x128xf32, #tpu.memory_space<vmem>>
    %dma_start3A_444 = tpu.memref_squeeze %dma_start3A_443 : memref<1x80x128xf32, #tpu.memory_space<vmem>> -> memref<80x128xf32, #tpu.memory_space<vmem>>
    %dma_start3A_445 = arith.constant 0 : i32
    %dma_start3A_446 = tpu.memref_slice %arg7[%dma_start3A_438, %dma_start3A_439, %dma_start3A_445] : memref<2x25x80xi32, #tpu.memory_space<vmem>> -> memref<1x1x80xi32, #tpu.memory_space<vmem>>
    %dma_start3A_447 = tpu.memref_squeeze %dma_start3A_446 : memref<1x1x80xi32, #tpu.memory_space<vmem>> -> memref<80xi32, #tpu.memory_space<vmem>>
    %dma_start3A_448 = arith.constant 0 : i32
    %dma_start3A_449 = arith.constant 0 : i32
    %dma_start3A_450 = tpu.memref_slice %arg2[%dma_start3A_448, %dma_start3A_449] : memref<10000x128xf32, #tpu.memory_space<hbm>> -> memref<10000x128xf32, #tpu.memory_space<hbm>>
    tpu.enqueue_indirect_dma source(%dma_start3A_450 : memref<10000x128xf32, #tpu.memory_space<hbm>>) target(%dma_start3A_444 : memref<80x128xf32, #tpu.memory_space<vmem>>) offsets(%dma_start3A_447 : memref<80xi32, #tpu.memory_space<vmem>>) semaphore(%arg11 : memref<!tpu.dma_semaphore, #tpu.memory_space<semaphore_mem>>)
    %dma_wait3A_451 = arith.constant 0 : i32
    %dma_wait3A_452 = arith.constant 24 : i32
    %dma_wait3A_453 = arith.constant 0 : i32
    %dma_wait3A_454 = arith.constant 0 : i32
    %dma_wait3A_455 = arith.constant 0 : i32
    %dma_wait3A_456 = tpu.memref_slice %arg9[%dma_wait3A_453, %dma_wait3A_454, %dma_wait3A_455] : memref<2x80x128xf32, #tpu.memory_space<vmem>> -> memref<1x80x128xf32, #tpu.memory_space<vmem>>
    %dma_wait3A_457 = tpu.memref_squeeze %dma_wait3A_456 : memref<1x80x128xf32, #tpu.memory_space<vmem>> -> memref<80x128xf32, #tpu.memory_space<vmem>>
    %dma_wait3A_458 = arith.constant 0 : i32
    %dma_wait3A_459 = tpu.memref_slice %arg7[%dma_wait3A_451, %dma_wait3A_452, %dma_wait3A_458] : memref<2x25x80xi32, #tpu.memory_space<vmem>> -> memref<1x1x80xi32, #tpu.memory_space<vmem>>
    %dma_wait3A_460 = tpu.memref_squeeze %dma_wait3A_459 : memref<1x1x80xi32, #tpu.memory_space<vmem>> -> memref<80xi32, #tpu.memory_space<vmem>>
    %dma_wait3A_461 = arith.constant 0 : i32
    %dma_wait3A_462 = arith.constant 0 : i32
    %dma_wait3A_463 = tpu.memref_slice %arg2[%dma_wait3A_461, %dma_wait3A_462] : memref<10000x128xf32, #tpu.memory_space<hbm>> -> memref<10000x128xf32, #tpu.memory_space<hbm>>
    tpu.wait_indirect_dma semaphore(%arg10 : memref<!tpu.dma_semaphore, #tpu.memory_space<semaphore_mem>>) src(%dma_wait3A_463 : memref<10000x128xf32, #tpu.memory_space<hbm>>) dst(%dma_wait3A_457 : memref<80x128xf32, #tpu.memory_space<vmem>>)
    %run_scoped3A_464 = arith.constant 0 : i32
    %run_scoped3A_465 = arith.constant 0 : i32
    %run_scoped3A_466 = arith.constant 24 : i32
    "tpu.region"() ({
      %run_scoped3A_613 = tpu.sem_alloc : memref<!tpu.dma_semaphore, #tpu.memory_space<semaphore_mem>>
      %dma_start3A_614 = arith.constant 0 : i32
      %dma_start3A_615 = arith.constant 0 : i32
      %dma_start3A_616 = tpu.memref_slice %arg9[%run_scoped3A_464, %dma_start3A_614, %dma_start3A_615] : memref<2x80x128xf32, #tpu.memory_space<vmem>> -> memref<1x80x128xf32, #tpu.memory_space<vmem>>
      %dma_start3A_617 = tpu.memref_squeeze %dma_start3A_616 : memref<1x80x128xf32, #tpu.memory_space<vmem>> -> memref<80x128xf32, #tpu.memory_space<vmem>>
      %dma_start3A_618 = arith.constant 0 : i32
      %dma_start3A_619 = tpu.memref_slice %arg8[%run_scoped3A_465, %run_scoped3A_466, %dma_start3A_618] : memref<2x25x80xi32, #tpu.memory_space<vmem>> -> memref<1x1x80xi32, #tpu.memory_space<vmem>>
      %dma_start3A_620 = tpu.memref_squeeze %dma_start3A_619 : memref<1x1x80xi32, #tpu.memory_space<vmem>> -> memref<80xi32, #tpu.memory_space<vmem>>
      %dma_start3A_621 = arith.constant 0 : i32
      %dma_start3A_622 = arith.constant 0 : i32
      %dma_start3A_623 = tpu.memref_slice %arg14[%dma_start3A_621, %dma_start3A_622] : memref<10240x128xf32, #tpu.memory_space<vmem_shared>> -> memref<10240x128xf32, #tpu.memory_space<vmem_shared>>
      tpu.enqueue_indirect_dma source(%dma_start3A_617 : memref<80x128xf32, #tpu.memory_space<vmem>>) target(%dma_start3A_623 : memref<10240x128xf32, #tpu.memory_space<vmem_shared>>) offsets(%dma_start3A_620 : memref<80xi32, #tpu.memory_space<vmem>>) semaphore(%run_scoped3A_613 : memref<!tpu.dma_semaphore, #tpu.memory_space<semaphore_mem>>) {add = true}
      %dma_wait3A_624 = arith.constant 0 : i32
      %dma_wait3A_625 = arith.constant 0 : i32
      %dma_wait3A_626 = tpu.memref_slice %arg9[%run_scoped3A_464, %dma_wait3A_624, %dma_wait3A_625] : memref<2x80x128xf32, #tpu.memory_space<vmem>> -> memref<1x80x128xf32, #tpu.memory_space<vmem>>
      %dma_wait3A_627 = tpu.memref_squeeze %dma_wait3A_626 : memref<1x80x128xf32, #tpu.memory_space<vmem>> -> memref<80x128xf32, #tpu.memory_space<vmem>>
      %dma_wait3A_628 = arith.constant 0 : i32
      %dma_wait3A_629 = tpu.memref_slice %arg8[%run_scoped3A_465, %run_scoped3A_466, %dma_wait3A_628] : memref<2x25x80xi32, #tpu.memory_space<vmem>> -> memref<1x1x80xi32, #tpu.memory_space<vmem>>
      %dma_wait3A_630 = tpu.memref_squeeze %dma_wait3A_629 : memref<1x1x80xi32, #tpu.memory_space<vmem>> -> memref<80xi32, #tpu.memory_space<vmem>>
      %dma_wait3A_631 = arith.constant 0 : i32
      %dma_wait3A_632 = arith.constant 0 : i32
      %dma_wait3A_633 = tpu.memref_slice %arg14[%dma_wait3A_631, %dma_wait3A_632] : memref<10240x128xf32, #tpu.memory_space<vmem_shared>> -> memref<10240x128xf32, #tpu.memory_space<vmem_shared>>
      tpu.wait_indirect_dma semaphore(%run_scoped3A_613 : memref<!tpu.dma_semaphore, #tpu.memory_space<semaphore_mem>>) src(%dma_wait3A_627 : memref<80x128xf32, #tpu.memory_space<vmem>>) dst(%dma_wait3A_633 : memref<10240x128xf32, #tpu.memory_space<vmem_shared>>)
      tpu.yield
    }) : () -> ()
    %mul3A_467 = arith.constant 5 : i32
    %mul3A_468 = arith.muli %add3A, %mul3A_467 : i32
    %add3A_469 = arith.constant 4 : i32
    %add3A_470 = arith.addi %mul3A_468, %add3A_469 : i32
    %dma_start3A_471 = arith.constant 0 : i32
    %dma_start3A_472 = arith.constant 0 : i32
    %dma_start3A_473 = arith.constant 0 : i32
    %dma_start3A_474 = tpu.memref_slice %arg7[%dma_start3A_471, %dma_start3A_472, %dma_start3A_473] : memref<2x25x80xi32, #tpu.memory_space<vmem>> -> memref<1x25x80xi32, #tpu.memory_space<vmem>>
    %dma_start3A_475 = tpu.memref_squeeze %dma_start3A_474 : memref<1x25x80xi32, #tpu.memory_space<vmem>> -> memref<25x80xi32, #tpu.memory_space<vmem>>
    %dma_start3A_476 = arith.constant 0 : i32
    %dma_start3A_477 = arith.constant 0 : i32
    %dma_start3A_478 = tpu.memref_slice %arg3[%add3A_470, %dma_start3A_476, %dma_start3A_477] : memref<160x25x80xi32, #tpu.memory_space<hbm>> -> memref<1x25x80xi32, #tpu.memory_space<hbm>>
    %dma_start3A_479 = tpu.memref_squeeze %dma_start3A_478 : memref<1x25x80xi32, #tpu.memory_space<hbm>> -> memref<25x80xi32, #tpu.memory_space<hbm>>
    %dma_start3A_480 = arith.constant 0 : i32
    %dma_start3A_481 = arith.constant 0 : i32
    %dma_start3A_482 = tpu.memref_slice %arg7[%dma_start3A_471, %dma_start3A_480, %dma_start3A_481] : memref<2x25x80xi32, #tpu.memory_space<vmem>> -> memref<1x25x80xi32, #tpu.memory_space<vmem>>
    %dma_start3A_483 = tpu.memref_squeeze %dma_start3A_482 : memref<1x25x80xi32, #tpu.memory_space<vmem>> -> memref<25x80xi32, #tpu.memory_space<vmem>>
    %dma_start3A_484 = arith.constant 0 : i32
    %dma_start3A_485 = arith.constant 0 : i32
    %dma_start3A_486 = tpu.memref_slice %arg3[%add3A_470, %dma_start3A_484, %dma_start3A_485] : memref<160x25x80xi32, #tpu.memory_space<hbm>> -> memref<1x25x80xi32, #tpu.memory_space<hbm>>
    %dma_start3A_487 = tpu.memref_squeeze %dma_start3A_486 : memref<1x25x80xi32, #tpu.memory_space<hbm>> -> memref<25x80xi32, #tpu.memory_space<hbm>>
    tpu.enqueue_dma source(%dma_start3A_487 : memref<25x80xi32, #tpu.memory_space<hbm>>) target(%dma_start3A_483 : memref<25x80xi32, #tpu.memory_space<vmem>>) target_semaphore(%arg13 : memref<!tpu.dma_semaphore, #tpu.memory_space<semaphore_mem>>)
    %mul3A_488 = arith.constant 5 : i32
    %mul3A_489 = arith.muli %add3A, %mul3A_488 : i32
    %add3A_490 = arith.constant 4 : i32
    %add3A_491 = arith.addi %mul3A_489, %add3A_490 : i32
    %dma_start3A_492 = arith.constant 0 : i32
    %dma_start3A_493 = arith.constant 0 : i32
    %dma_start3A_494 = arith.constant 0 : i32
    %dma_start3A_495 = tpu.memref_slice %arg8[%dma_start3A_492, %dma_start3A_493, %dma_start3A_494] : memref<2x25x80xi32, #tpu.memory_space<vmem>> -> memref<1x25x80xi32, #tpu.memory_space<vmem>>
    %dma_start3A_496 = tpu.memref_squeeze %dma_start3A_495 : memref<1x25x80xi32, #tpu.memory_space<vmem>> -> memref<25x80xi32, #tpu.memory_space<vmem>>
    %dma_start3A_497 = arith.constant 0 : i32
    %dma_start3A_498 = arith.constant 0 : i32
    %dma_start3A_499 = tpu.memref_slice %arg4[%add3A_491, %dma_start3A_497, %dma_start3A_498] : memref<160x25x80xi32, #tpu.memory_space<hbm>> -> memref<1x25x80xi32, #tpu.memory_space<hbm>>
    %dma_start3A_500 = tpu.memref_squeeze %dma_start3A_499 : memref<1x25x80xi32, #tpu.memory_space<hbm>> -> memref<25x80xi32, #tpu.memory_space<hbm>>
    %dma_start3A_501 = arith.constant 0 : i32
    %dma_start3A_502 = arith.constant 0 : i32
    %dma_start3A_503 = tpu.memref_slice %arg8[%dma_start3A_492, %dma_start3A_501, %dma_start3A_502] : memref<2x25x80xi32, #tpu.memory_space<vmem>> -> memref<1x25x80xi32, #tpu.memory_space<vmem>>
    %dma_start3A_504 = tpu.memref_squeeze %dma_start3A_503 : memref<1x25x80xi32, #tpu.memory_space<vmem>> -> memref<25x80xi32, #tpu.memory_space<vmem>>
    %dma_start3A_505 = arith.constant 0 : i32
    %dma_start3A_506 = arith.constant 0 : i32
    %dma_start3A_507 = tpu.memref_slice %arg4[%add3A_491, %dma_start3A_505, %dma_start3A_506] : memref<160x25x80xi32, #tpu.memory_space<hbm>> -> memref<1x25x80xi32, #tpu.memory_space<hbm>>
    %dma_start3A_508 = tpu.memref_squeeze %dma_start3A_507 : memref<1x25x80xi32, #tpu.memory_space<hbm>> -> memref<25x80xi32, #tpu.memory_space<hbm>>
    tpu.enqueue_dma source(%dma_start3A_508 : memref<25x80xi32, #tpu.memory_space<hbm>>) target(%dma_start3A_504 : memref<25x80xi32, #tpu.memory_space<vmem>>) target_semaphore(%arg13 : memref<!tpu.dma_semaphore, #tpu.memory_space<semaphore_mem>>)
    %scan3A_509 = arith.constant 0 : i32
    %scan3A_510 = arith.constant 0 : i32
    %scan3A_511 = arith.constant 12 : i32
    %scan3A_512 = arith.addi %scan3A_510, %scan3A_511 : i32
    %scan3A_513 = arith.constant 1 : i32
    scf.for %scan3A_613 = %scan3A_510 to %scan3A_512 step %scan3A_513  : i32 {
      %mul3A_614 = arith.constant 2 : i32
      %mul3A_615 = arith.muli %mul3A_614, %scan3A_613 : i32
      %add3A_616 = arith.constant 1 : i32
      %add3A_617 = arith.addi %mul3A_615, %add3A_616 : i32
      %dma_start3A_618 = arith.constant 1 : i32
      %dma_start3A_619 = arith.constant 0 : i32
      %dma_start3A_620 = arith.constant 0 : i32
      %dma_start3A_621 = arith.constant 0 : i32
      %dma_start3A_622 = tpu.memref_slice %arg9[%dma_start3A_619, %dma_start3A_620, %dma_start3A_621] : memref<2x80x128xf32, #tpu.memory_space<vmem>> -> memref<1x80x128xf32, #tpu.memory_space<vmem>>
      %dma_start3A_623 = tpu.memref_squeeze %dma_start3A_622 : memref<1x80x128xf32, #tpu.memory_space<vmem>> -> memref<80x128xf32, #tpu.memory_space<vmem>>
      %dma_start3A_624 = arith.constant 0 : i32
      %dma_start3A_625 = tpu.memref_slice %arg7[%dma_start3A_618, %add3A_617, %dma_start3A_624] : memref<2x25x80xi32, #tpu.memory_space<vmem>> -> memref<1x1x80xi32, #tpu.memory_space<vmem>>
      %dma_start3A_626 = tpu.memref_squeeze %dma_start3A_625 : memref<1x1x80xi32, #tpu.memory_space<vmem>> -> memref<80xi32, #tpu.memory_space<vmem>>
      %dma_start3A_627 = arith.constant 0 : i32
      %dma_start3A_628 = arith.constant 0 : i32
      %dma_start3A_629 = tpu.memref_slice %arg2[%dma_start3A_627, %dma_start3A_628] : memref<10000x128xf32, #tpu.memory_space<hbm>> -> memref<10000x128xf32, #tpu.memory_space<hbm>>
      tpu.enqueue_indirect_dma source(%dma_start3A_629 : memref<10000x128xf32, #tpu.memory_space<hbm>>) target(%dma_start3A_623 : memref<80x128xf32, #tpu.memory_space<vmem>>) offsets(%dma_start3A_626 : memref<80xi32, #tpu.memory_space<vmem>>) semaphore(%arg10 : memref<!tpu.dma_semaphore, #tpu.memory_space<semaphore_mem>>)
      %dma_wait3A_630 = arith.constant 1 : i32
      %dma_wait3A_631 = arith.constant 1 : i32
      %dma_wait3A_632 = arith.constant 0 : i32
      %dma_wait3A_633 = arith.constant 0 : i32
      %dma_wait3A_634 = tpu.memref_slice %arg9[%dma_wait3A_631, %dma_wait3A_632, %dma_wait3A_633] : memref<2x80x128xf32, #tpu.memory_space<vmem>> -> memref<1x80x128xf32, #tpu.memory_space<vmem>>
      %dma_wait3A_635 = tpu.memref_squeeze %dma_wait3A_634 : memref<1x80x128xf32, #tpu.memory_space<vmem>> -> memref<80x128xf32, #tpu.memory_space<vmem>>
      %dma_wait3A_636 = arith.constant 0 : i32
      %dma_wait3A_637 = tpu.memref_slice %arg7[%dma_wait3A_630, %mul3A_615, %dma_wait3A_636] : memref<2x25x80xi32, #tpu.memory_space<vmem>> -> memref<1x1x80xi32, #tpu.memory_space<vmem>>
      %dma_wait3A_638 = tpu.memref_squeeze %dma_wait3A_637 : memref<1x1x80xi32, #tpu.memory_space<vmem>> -> memref<80xi32, #tpu.memory_space<vmem>>
      %dma_wait3A_639 = arith.constant 0 : i32
      %dma_wait3A_640 = arith.constant 0 : i32
      %dma_wait3A_641 = tpu.memref_slice %arg2[%dma_wait3A_639, %dma_wait3A_640] : memref<10000x128xf32, #tpu.memory_space<hbm>> -> memref<10000x128xf32, #tpu.memory_space<hbm>>
      tpu.wait_indirect_dma semaphore(%arg11 : memref<!tpu.dma_semaphore, #tpu.memory_space<semaphore_mem>>) src(%dma_wait3A_641 : memref<10000x128xf32, #tpu.memory_space<hbm>>) dst(%dma_wait3A_635 : memref<80x128xf32, #tpu.memory_space<vmem>>)
      %run_scoped3A_642 = arith.constant 1 : i32
      %run_scoped3A_643 = arith.constant 1 : i32
      "tpu.region"() ({
        %run_scoped3A_676 = tpu.sem_alloc : memref<!tpu.dma_semaphore, #tpu.memory_space<semaphore_mem>>
        %dma_start3A_677 = arith.constant 0 : i32
        %dma_start3A_678 = arith.constant 0 : i32
        %dma_start3A_679 = tpu.memref_slice %arg9[%run_scoped3A_642, %dma_start3A_677, %dma_start3A_678] : memref<2x80x128xf32, #tpu.memory_space<vmem>> -> memref<1x80x128xf32, #tpu.memory_space<vmem>>
        %dma_start3A_680 = tpu.memref_squeeze %dma_start3A_679 : memref<1x80x128xf32, #tpu.memory_space<vmem>> -> memref<80x128xf32, #tpu.memory_space<vmem>>
        %dma_start3A_681 = arith.constant 0 : i32
        %dma_start3A_682 = tpu.memref_slice %arg8[%run_scoped3A_643, %mul3A_615, %dma_start3A_681] : memref<2x25x80xi32, #tpu.memory_space<vmem>> -> memref<1x1x80xi32, #tpu.memory_space<vmem>>
        %dma_start3A_683 = tpu.memref_squeeze %dma_start3A_682 : memref<1x1x80xi32, #tpu.memory_space<vmem>> -> memref<80xi32, #tpu.memory_space<vmem>>
        %dma_start3A_684 = arith.constant 0 : i32
        %dma_start3A_685 = arith.constant 0 : i32
        %dma_start3A_686 = tpu.memref_slice %arg14[%dma_start3A_684, %dma_start3A_685] : memref<10240x128xf32, #tpu.memory_space<vmem_shared>> -> memref<10240x128xf32, #tpu.memory_space<vmem_shared>>
        tpu.enqueue_indirect_dma source(%dma_start3A_680 : memref<80x128xf32, #tpu.memory_space<vmem>>) target(%dma_start3A_686 : memref<10240x128xf32, #tpu.memory_space<vmem_shared>>) offsets(%dma_start3A_683 : memref<80xi32, #tpu.memory_space<vmem>>) semaphore(%run_scoped3A_676 : memref<!tpu.dma_semaphore, #tpu.memory_space<semaphore_mem>>) {add = true}
        %dma_wait3A_687 = arith.constant 0 : i32
        %dma_wait3A_688 = arith.constant 0 : i32
        %dma_wait3A_689 = tpu.memref_slice %arg9[%run_scoped3A_642, %dma_wait3A_687, %dma_wait3A_688] : memref<2x80x128xf32, #tpu.memory_space<vmem>> -> memref<1x80x128xf32, #tpu.memory_space<vmem>>
        %dma_wait3A_690 = tpu.memref_squeeze %dma_wait3A_689 : memref<1x80x128xf32, #tpu.memory_space<vmem>> -> memref<80x128xf32, #tpu.memory_space<vmem>>
        %dma_wait3A_691 = arith.constant 0 : i32
        %dma_wait3A_692 = tpu.memref_slice %arg8[%run_scoped3A_643, %mul3A_615, %dma_wait3A_691] : memref<2x25x80xi32, #tpu.memory_space<vmem>> -> memref<1x1x80xi32, #tpu.memory_space<vmem>>
        %dma_wait3A_693 = tpu.memref_squeeze %dma_wait3A_692 : memref<1x1x80xi32, #tpu.memory_space<vmem>> -> memref<80xi32, #tpu.memory_space<vmem>>
        %dma_wait3A_694 = arith.constant 0 : i32
        %dma_wait3A_695 = arith.constant 0 : i32
        %dma_wait3A_696 = tpu.memref_slice %arg14[%dma_wait3A_694, %dma_wait3A_695] : memref<10240x128xf32, #tpu.memory_space<vmem_shared>> -> memref<10240x128xf32, #tpu.memory_space<vmem_shared>>
        tpu.wait_indirect_dma semaphore(%run_scoped3A_676 : memref<!tpu.dma_semaphore, #tpu.memory_space<semaphore_mem>>) src(%dma_wait3A_690 : memref<80x128xf32, #tpu.memory_space<vmem>>) dst(%dma_wait3A_696 : memref<10240x128xf32, #tpu.memory_space<vmem_shared>>)
        tpu.yield
      }) : () -> ()
      %add3A_644 = arith.constant 2 : i32
      %add3A_645 = arith.addi %mul3A_615, %add3A_644 : i32
      %dma_start3A_646 = arith.constant 1 : i32
      %dma_start3A_647 = arith.constant 1 : i32
      %dma_start3A_648 = arith.constant 0 : i32
      %dma_start3A_649 = arith.constant 0 : i32
      %dma_start3A_650 = tpu.memref_slice %arg9[%dma_start3A_647, %dma_start3A_648, %dma_start3A_649] : memref<2x80x128xf32, #tpu.memory_space<vmem>> -> memref<1x80x128xf32, #tpu.memory_space<vmem>>
      %dma_start3A_651 = tpu.memref_squeeze %dma_start3A_650 : memref<1x80x128xf32, #tpu.memory_space<vmem>> -> memref<80x128xf32, #tpu.memory_space<vmem>>
      %dma_start3A_652 = arith.constant 0 : i32
      %dma_start3A_653 = tpu.memref_slice %arg7[%dma_start3A_646, %add3A_645, %dma_start3A_652] : memref<2x25x80xi32, #tpu.memory_space<vmem>> -> memref<1x1x80xi32, #tpu.memory_space<vmem>>
      %dma_start3A_654 = tpu.memref_squeeze %dma_start3A_653 : memref<1x1x80xi32, #tpu.memory_space<vmem>> -> memref<80xi32, #tpu.memory_space<vmem>>
      %dma_start3A_655 = arith.constant 0 : i32
      %dma_start3A_656 = arith.constant 0 : i32
      %dma_start3A_657 = tpu.memref_slice %arg2[%dma_start3A_655, %dma_start3A_656] : memref<10000x128xf32, #tpu.memory_space<hbm>> -> memref<10000x128xf32, #tpu.memory_space<hbm>>
      tpu.enqueue_indirect_dma source(%dma_start3A_657 : memref<10000x128xf32, #tpu.memory_space<hbm>>) target(%dma_start3A_651 : memref<80x128xf32, #tpu.memory_space<vmem>>) offsets(%dma_start3A_654 : memref<80xi32, #tpu.memory_space<vmem>>) semaphore(%arg11 : memref<!tpu.dma_semaphore, #tpu.memory_space<semaphore_mem>>)
      %add3A_658 = arith.constant 1 : i32
      %add3A_659 = arith.addi %mul3A_615, %add3A_658 : i32
      %dma_wait3A_660 = arith.constant 1 : i32
      %dma_wait3A_661 = arith.constant 0 : i32
      %dma_wait3A_662 = arith.constant 0 : i32
      %dma_wait3A_663 = arith.constant 0 : i32
      %dma_wait3A_664 = tpu.memref_slice %arg9[%dma_wait3A_661, %dma_wait3A_662, %dma_wait3A_663] : memref<2x80x128xf32, #tpu.memory_space<vmem>> -> memref<1x80x128xf32, #tpu.memory_space<vmem>>
      %dma_wait3A_665 = tpu.memref_squeeze %dma_wait3A_664 : memref<1x80x128xf32, #tpu.memory_space<vmem>> -> memref<80x128xf32, #tpu.memory_space<vmem>>
      %dma_wait3A_666 = arith.constant 0 : i32
      %dma_wait3A_667 = tpu.memref_slice %arg7[%dma_wait3A_660, %add3A_659, %dma_wait3A_666] : memref<2x25x80xi32, #tpu.memory_space<vmem>> -> memref<1x1x80xi32, #tpu.memory_space<vmem>>
      %dma_wait3A_668 = tpu.memref_squeeze %dma_wait3A_667 : memref<1x1x80xi32, #tpu.memory_space<vmem>> -> memref<80xi32, #tpu.memory_space<vmem>>
      %dma_wait3A_669 = arith.constant 0 : i32
      %dma_wait3A_670 = arith.constant 0 : i32
      %dma_wait3A_671 = tpu.memref_slice %arg2[%dma_wait3A_669, %dma_wait3A_670] : memref<10000x128xf32, #tpu.memory_space<hbm>> -> memref<10000x128xf32, #tpu.memory_space<hbm>>
      tpu.wait_indirect_dma semaphore(%arg10 : memref<!tpu.dma_semaphore, #tpu.memory_space<semaphore_mem>>) src(%dma_wait3A_671 : memref<10000x128xf32, #tpu.memory_space<hbm>>) dst(%dma_wait3A_665 : memref<80x128xf32, #tpu.memory_space<vmem>>)
      %add3A_672 = arith.constant 1 : i32
      %add3A_673 = arith.addi %mul3A_615, %add3A_672 : i32
      %run_scoped3A_674 = arith.constant 0 : i32
      %run_scoped3A_675 = arith.constant 1 : i32
      "tpu.region"() ({
        %run_scoped3A_676 = tpu.sem_alloc : memref<!tpu.dma_semaphore, #tpu.memory_space<semaphore_mem>>
        %dma_start3A_677 = arith.constant 0 : i32
        %dma_start3A_678 = arith.constant 0 : i32
        %dma_start3A_679 = tpu.memref_slice %arg9[%run_scoped3A_674, %dma_start3A_677, %dma_start3A_678] : memref<2x80x128xf32, #tpu.memory_space<vmem>> -> memref<1x80x128xf32, #tpu.memory_space<vmem>>
        %dma_start3A_680 = tpu.memref_squeeze %dma_start3A_679 : memref<1x80x128xf32, #tpu.memory_space<vmem>> -> memref<80x128xf32, #tpu.memory_space<vmem>>
        %dma_start3A_681 = arith.constant 0 : i32
        %dma_start3A_682 = tpu.memref_slice %arg8[%run_scoped3A_675, %add3A_673, %dma_start3A_681] : memref<2x25x80xi32, #tpu.memory_space<vmem>> -> memref<1x1x80xi32, #tpu.memory_space<vmem>>
        %dma_start3A_683 = tpu.memref_squeeze %dma_start3A_682 : memref<1x1x80xi32, #tpu.memory_space<vmem>> -> memref<80xi32, #tpu.memory_space<vmem>>
        %dma_start3A_684 = arith.constant 0 : i32
        %dma_start3A_685 = arith.constant 0 : i32
        %dma_start3A_686 = tpu.memref_slice %arg14[%dma_start3A_684, %dma_start3A_685] : memref<10240x128xf32, #tpu.memory_space<vmem_shared>> -> memref<10240x128xf32, #tpu.memory_space<vmem_shared>>
        tpu.enqueue_indirect_dma source(%dma_start3A_680 : memref<80x128xf32, #tpu.memory_space<vmem>>) target(%dma_start3A_686 : memref<10240x128xf32, #tpu.memory_space<vmem_shared>>) offsets(%dma_start3A_683 : memref<80xi32, #tpu.memory_space<vmem>>) semaphore(%run_scoped3A_676 : memref<!tpu.dma_semaphore, #tpu.memory_space<semaphore_mem>>) {add = true}
        %dma_wait3A_687 = arith.constant 0 : i32
        %dma_wait3A_688 = arith.constant 0 : i32
        %dma_wait3A_689 = tpu.memref_slice %arg9[%run_scoped3A_674, %dma_wait3A_687, %dma_wait3A_688] : memref<2x80x128xf32, #tpu.memory_space<vmem>> -> memref<1x80x128xf32, #tpu.memory_space<vmem>>
        %dma_wait3A_690 = tpu.memref_squeeze %dma_wait3A_689 : memref<1x80x128xf32, #tpu.memory_space<vmem>> -> memref<80x128xf32, #tpu.memory_space<vmem>>
        %dma_wait3A_691 = arith.constant 0 : i32
        %dma_wait3A_692 = tpu.memref_slice %arg8[%run_scoped3A_675, %add3A_673, %dma_wait3A_691] : memref<2x25x80xi32, #tpu.memory_space<vmem>> -> memref<1x1x80xi32, #tpu.memory_space<vmem>>
        %dma_wait3A_693 = tpu.memref_squeeze %dma_wait3A_692 : memref<1x1x80xi32, #tpu.memory_space<vmem>> -> memref<80xi32, #tpu.memory_space<vmem>>
        %dma_wait3A_694 = arith.constant 0 : i32
        %dma_wait3A_695 = arith.constant 0 : i32
        %dma_wait3A_696 = tpu.memref_slice %arg14[%dma_wait3A_694, %dma_wait3A_695] : memref<10240x128xf32, #tpu.memory_space<vmem_shared>> -> memref<10240x128xf32, #tpu.memory_space<vmem_shared>>
        tpu.wait_indirect_dma semaphore(%run_scoped3A_676 : memref<!tpu.dma_semaphore, #tpu.memory_space<semaphore_mem>>) src(%dma_wait3A_690 : memref<80x128xf32, #tpu.memory_space<vmem>>) dst(%dma_wait3A_696 : memref<10240x128xf32, #tpu.memory_space<vmem_shared>>)
        tpu.yield
      }) : () -> ()
    }
    %scan3A_514 = arith.constant 12 : i32
    %mul3A_515 = arith.constant 5 : i32
    %mul3A_516 = arith.muli %add3A, %mul3A_515 : i32
    %add3A_517 = arith.constant 4 : i32
    %add3A_518 = arith.addi %mul3A_516, %add3A_517 : i32
    %dma_wait3A_519 = arith.constant 0 : i32
    %dma_wait3A_520 = arith.constant 0 : i32
    %dma_wait3A_521 = arith.constant 0 : i32
    %dma_wait3A_522 = tpu.memref_slice %arg7[%dma_wait3A_519, %dma_wait3A_520, %dma_wait3A_521] : memref<2x25x80xi32, #tpu.memory_space<vmem>> -> memref<1x25x80xi32, #tpu.memory_space<vmem>>
    %dma_wait3A_523 = tpu.memref_squeeze %dma_wait3A_522 : memref<1x25x80xi32, #tpu.memory_space<vmem>> -> memref<25x80xi32, #tpu.memory_space<vmem>>
    %dma_wait3A_524 = arith.constant 0 : i32
    %dma_wait3A_525 = arith.constant 0 : i32
    %dma_wait3A_526 = tpu.memref_slice %arg3[%add3A_518, %dma_wait3A_524, %dma_wait3A_525] : memref<160x25x80xi32, #tpu.memory_space<hbm>> -> memref<1x25x80xi32, #tpu.memory_space<hbm>>
    %dma_wait3A_527 = tpu.memref_squeeze %dma_wait3A_526 : memref<1x25x80xi32, #tpu.memory_space<hbm>> -> memref<25x80xi32, #tpu.memory_space<hbm>>
    %dma_wait3A_528 = arith.constant 0 : i32
    %dma_wait3A_529 = arith.constant 0 : i32
    %dma_wait3A_530 = tpu.memref_slice %arg7[%dma_wait3A_519, %dma_wait3A_528, %dma_wait3A_529] : memref<2x25x80xi32, #tpu.memory_space<vmem>> -> memref<1x25x80xi32, #tpu.memory_space<vmem>>
    %dma_wait3A_531 = tpu.memref_squeeze %dma_wait3A_530 : memref<1x25x80xi32, #tpu.memory_space<vmem>> -> memref<25x80xi32, #tpu.memory_space<vmem>>
    %dma_wait3A_532 = arith.constant 0 : i32
    %dma_wait3A_533 = arith.constant 0 : i32
    %dma_wait3A_534 = tpu.memref_slice %arg3[%add3A_518, %dma_wait3A_532, %dma_wait3A_533] : memref<160x25x80xi32, #tpu.memory_space<hbm>> -> memref<1x25x80xi32, #tpu.memory_space<hbm>>
    %dma_wait3A_535 = tpu.memref_squeeze %dma_wait3A_534 : memref<1x25x80xi32, #tpu.memory_space<hbm>> -> memref<25x80xi32, #tpu.memory_space<hbm>>
    tpu.wait_dma2 semaphore(%arg13 : memref<!tpu.dma_semaphore, #tpu.memory_space<semaphore_mem>>) src(%dma_wait3A_535 : memref<25x80xi32, #tpu.memory_space<hbm>>) dst(%dma_wait3A_531 : memref<25x80xi32, #tpu.memory_space<vmem>>)
    %mul3A_536 = arith.constant 5 : i32
    %mul3A_537 = arith.muli %add3A, %mul3A_536 : i32
    %add3A_538 = arith.constant 4 : i32
    %add3A_539 = arith.addi %mul3A_537, %add3A_538 : i32
    %dma_wait3A_540 = arith.constant 0 : i32
    %dma_wait3A_541 = arith.constant 0 : i32
    %dma_wait3A_542 = arith.constant 0 : i32
    %dma_wait3A_543 = tpu.memref_slice %arg8[%dma_wait3A_540, %dma_wait3A_541, %dma_wait3A_542] : memref<2x25x80xi32, #tpu.memory_space<vmem>> -> memref<1x25x80xi32, #tpu.memory_space<vmem>>
    %dma_wait3A_544 = tpu.memref_squeeze %dma_wait3A_543 : memref<1x25x80xi32, #tpu.memory_space<vmem>> -> memref<25x80xi32, #tpu.memory_space<vmem>>
    %dma_wait3A_545 = arith.constant 0 : i32
    %dma_wait3A_546 = arith.constant 0 : i32
    %dma_wait3A_547 = tpu.memref_slice %arg4[%add3A_539, %dma_wait3A_545, %dma_wait3A_546] : memref<160x25x80xi32, #tpu.memory_space<hbm>> -> memref<1x25x80xi32, #tpu.memory_space<hbm>>
    %dma_wait3A_548 = tpu.memref_squeeze %dma_wait3A_547 : memref<1x25x80xi32, #tpu.memory_space<hbm>> -> memref<25x80xi32, #tpu.memory_space<hbm>>
    %dma_wait3A_549 = arith.constant 0 : i32
    %dma_wait3A_550 = arith.constant 0 : i32
    %dma_wait3A_551 = tpu.memref_slice %arg8[%dma_wait3A_540, %dma_wait3A_549, %dma_wait3A_550] : memref<2x25x80xi32, #tpu.memory_space<vmem>> -> memref<1x25x80xi32, #tpu.memory_space<vmem>>
    %dma_wait3A_552 = tpu.memref_squeeze %dma_wait3A_551 : memref<1x25x80xi32, #tpu.memory_space<vmem>> -> memref<25x80xi32, #tpu.memory_space<vmem>>
    %dma_wait3A_553 = arith.constant 0 : i32
    %dma_wait3A_554 = arith.constant 0 : i32
    %dma_wait3A_555 = tpu.memref_slice %arg4[%add3A_539, %dma_wait3A_553, %dma_wait3A_554] : memref<160x25x80xi32, #tpu.memory_space<hbm>> -> memref<1x25x80xi32, #tpu.memory_space<hbm>>
    %dma_wait3A_556 = tpu.memref_squeeze %dma_wait3A_555 : memref<1x25x80xi32, #tpu.memory_space<hbm>> -> memref<25x80xi32, #tpu.memory_space<hbm>>
    tpu.wait_dma2 semaphore(%arg13 : memref<!tpu.dma_semaphore, #tpu.memory_space<semaphore_mem>>) src(%dma_wait3A_556 : memref<25x80xi32, #tpu.memory_space<hbm>>) dst(%dma_wait3A_552 : memref<25x80xi32, #tpu.memory_space<vmem>>)
    %dma_start3A_557 = arith.constant 0 : i32
    %dma_start3A_558 = arith.constant 0 : i32
    %dma_start3A_559 = arith.constant 0 : i32
    %dma_start3A_560 = arith.constant 0 : i32
    %dma_start3A_561 = arith.constant 0 : i32
    %dma_start3A_562 = tpu.memref_slice %arg9[%dma_start3A_559, %dma_start3A_560, %dma_start3A_561] : memref<2x80x128xf32, #tpu.memory_space<vmem>> -> memref<1x80x128xf32, #tpu.memory_space<vmem>>
    %dma_start3A_563 = tpu.memref_squeeze %dma_start3A_562 : memref<1x80x128xf32, #tpu.memory_space<vmem>> -> memref<80x128xf32, #tpu.memory_space<vmem>>
    %dma_start3A_564 = arith.constant 0 : i32
    %dma_start3A_565 = tpu.memref_slice %arg7[%dma_start3A_557, %dma_start3A_558, %dma_start3A_564] : memref<2x25x80xi32, #tpu.memory_space<vmem>> -> memref<1x1x80xi32, #tpu.memory_space<vmem>>
    %dma_start3A_566 = tpu.memref_squeeze %dma_start3A_565 : memref<1x1x80xi32, #tpu.memory_space<vmem>> -> memref<80xi32, #tpu.memory_space<vmem>>
    %dma_start3A_567 = arith.constant 0 : i32
    %dma_start3A_568 = arith.constant 0 : i32
    %dma_start3A_569 = tpu.memref_slice %arg2[%dma_start3A_567, %dma_start3A_568] : memref<10000x128xf32, #tpu.memory_space<hbm>> -> memref<10000x128xf32, #tpu.memory_space<hbm>>
    tpu.enqueue_indirect_dma source(%dma_start3A_569 : memref<10000x128xf32, #tpu.memory_space<hbm>>) target(%dma_start3A_563 : memref<80x128xf32, #tpu.memory_space<vmem>>) offsets(%dma_start3A_566 : memref<80xi32, #tpu.memory_space<vmem>>) semaphore(%arg10 : memref<!tpu.dma_semaphore, #tpu.memory_space<semaphore_mem>>)
    %dma_wait3A_570 = arith.constant 1 : i32
    %dma_wait3A_571 = arith.constant 24 : i32
    %dma_wait3A_572 = arith.constant 1 : i32
    %dma_wait3A_573 = arith.constant 0 : i32
    %dma_wait3A_574 = arith.constant 0 : i32
    %dma_wait3A_575 = tpu.memref_slice %arg9[%dma_wait3A_572, %dma_wait3A_573, %dma_wait3A_574] : memref<2x80x128xf32, #tpu.memory_space<vmem>> -> memref<1x80x128xf32, #tpu.memory_space<vmem>>
    %dma_wait3A_576 = tpu.memref_squeeze %dma_wait3A_575 : memref<1x80x128xf32, #tpu.memory_space<vmem>> -> memref<80x128xf32, #tpu.memory_space<vmem>>
    %dma_wait3A_577 = arith.constant 0 : i32
    %dma_wait3A_578 = tpu.memref_slice %arg7[%dma_wait3A_570, %dma_wait3A_571, %dma_wait3A_577] : memref<2x25x80xi32, #tpu.memory_space<vmem>> -> memref<1x1x80xi32, #tpu.memory_space<vmem>>
    %dma_wait3A_579 = tpu.memref_squeeze %dma_wait3A_578 : memref<1x1x80xi32, #tpu.memory_space<vmem>> -> memref<80xi32, #tpu.memory_space<vmem>>
    %dma_wait3A_580 = arith.constant 0 : i32
    %dma_wait3A_581 = arith.constant 0 : i32
    %dma_wait3A_582 = tpu.memref_slice %arg2[%dma_wait3A_580, %dma_wait3A_581] : memref<10000x128xf32, #tpu.memory_space<hbm>> -> memref<10000x128xf32, #tpu.memory_space<hbm>>
    tpu.wait_indirect_dma semaphore(%arg11 : memref<!tpu.dma_semaphore, #tpu.memory_space<semaphore_mem>>) src(%dma_wait3A_582 : memref<10000x128xf32, #tpu.memory_space<hbm>>) dst(%dma_wait3A_576 : memref<80x128xf32, #tpu.memory_space<vmem>>)
    %run_scoped3A_583 = arith.constant 1 : i32
    %run_scoped3A_584 = arith.constant 1 : i32
    %run_scoped3A_585 = arith.constant 24 : i32
    "tpu.region"() ({
      %run_scoped3A_613 = tpu.sem_alloc : memref<!tpu.dma_semaphore, #tpu.memory_space<semaphore_mem>>
      %dma_start3A_614 = arith.constant 0 : i32
      %dma_start3A_615 = arith.constant 0 : i32
      %dma_start3A_616 = tpu.memref_slice %arg9[%run_scoped3A_583, %dma_start3A_614, %dma_start3A_615] : memref<2x80x128xf32, #tpu.memory_space<vmem>> -> memref<1x80x128xf32, #tpu.memory_space<vmem>>
      %dma_start3A_617 = tpu.memref_squeeze %dma_start3A_616 : memref<1x80x128xf32, #tpu.memory_space<vmem>> -> memref<80x128xf32, #tpu.memory_space<vmem>>
      %dma_start3A_618 = arith.constant 0 : i32
      %dma_start3A_619 = tpu.memref_slice %arg8[%run_scoped3A_584, %run_scoped3A_585, %dma_start3A_618] : memref<2x25x80xi32, #tpu.memory_space<vmem>> -> memref<1x1x80xi32, #tpu.memory_space<vmem>>
      %dma_start3A_620 = tpu.memref_squeeze %dma_start3A_619 : memref<1x1x80xi32, #tpu.memory_space<vmem>> -> memref<80xi32, #tpu.memory_space<vmem>>
      %dma_start3A_621 = arith.constant 0 : i32
      %dma_start3A_622 = arith.constant 0 : i32
      %dma_start3A_623 = tpu.memref_slice %arg14[%dma_start3A_621, %dma_start3A_622] : memref<10240x128xf32, #tpu.memory_space<vmem_shared>> -> memref<10240x128xf32, #tpu.memory_space<vmem_shared>>
      tpu.enqueue_indirect_dma source(%dma_start3A_617 : memref<80x128xf32, #tpu.memory_space<vmem>>) target(%dma_start3A_623 : memref<10240x128xf32, #tpu.memory_space<vmem_shared>>) offsets(%dma_start3A_620 : memref<80xi32, #tpu.memory_space<vmem>>) semaphore(%run_scoped3A_613 : memref<!tpu.dma_semaphore, #tpu.memory_space<semaphore_mem>>) {add = true}
      %dma_wait3A_624 = arith.constant 0 : i32
      %dma_wait3A_625 = arith.constant 0 : i32
      %dma_wait3A_626 = tpu.memref_slice %arg9[%run_scoped3A_583, %dma_wait3A_624, %dma_wait3A_625] : memref<2x80x128xf32, #tpu.memory_space<vmem>> -> memref<1x80x128xf32, #tpu.memory_space<vmem>>
      %dma_wait3A_627 = tpu.memref_squeeze %dma_wait3A_626 : memref<1x80x128xf32, #tpu.memory_space<vmem>> -> memref<80x128xf32, #tpu.memory_space<vmem>>
      %dma_wait3A_628 = arith.constant 0 : i32
      %dma_wait3A_629 = tpu.memref_slice %arg8[%run_scoped3A_584, %run_scoped3A_585, %dma_wait3A_628] : memref<2x25x80xi32, #tpu.memory_space<vmem>> -> memref<1x1x80xi32, #tpu.memory_space<vmem>>
      %dma_wait3A_630 = tpu.memref_squeeze %dma_wait3A_629 : memref<1x1x80xi32, #tpu.memory_space<vmem>> -> memref<80xi32, #tpu.memory_space<vmem>>
      %dma_wait3A_631 = arith.constant 0 : i32
      %dma_wait3A_632 = arith.constant 0 : i32
      %dma_wait3A_633 = tpu.memref_slice %arg14[%dma_wait3A_631, %dma_wait3A_632] : memref<10240x128xf32, #tpu.memory_space<vmem_shared>> -> memref<10240x128xf32, #tpu.memory_space<vmem_shared>>
      tpu.wait_indirect_dma semaphore(%run_scoped3A_613 : memref<!tpu.dma_semaphore, #tpu.memory_space<semaphore_mem>>) src(%dma_wait3A_627 : memref<80x128xf32, #tpu.memory_space<vmem>>) dst(%dma_wait3A_633 : memref<10240x128xf32, #tpu.memory_space<vmem_shared>>)
      tpu.yield
    }) : () -> ()
    %scan3A_586 = arith.constant 0 : i32
    %scan3A_587 = arith.constant 0 : i32
    %scan3A_588 = arith.constant 12 : i32
    %scan3A_589 = arith.addi %scan3A_587, %scan3A_588 : i32
    %scan3A_590 = arith.constant 1 : i32
    scf.for %scan3A_613 = %scan3A_587 to %scan3A_589 step %scan3A_590  : i32 {
      %mul3A_614 = arith.constant 2 : i32
      %mul3A_615 = arith.muli %mul3A_614, %scan3A_613 : i32
      %add3A_616 = arith.constant 1 : i32
      %add3A_617 = arith.addi %mul3A_615, %add3A_616 : i32
      %dma_start3A_618 = arith.constant 0 : i32
      %dma_start3A_619 = arith.constant 1 : i32
      %dma_start3A_620 = arith.constant 0 : i32
      %dma_start3A_621 = arith.constant 0 : i32
      %dma_start3A_622 = tpu.memref_slice %arg9[%dma_start3A_619, %dma_start3A_620, %dma_start3A_621] : memref<2x80x128xf32, #tpu.memory_space<vmem>> -> memref<1x80x128xf32, #tpu.memory_space<vmem>>
      %dma_start3A_623 = tpu.memref_squeeze %dma_start3A_622 : memref<1x80x128xf32, #tpu.memory_space<vmem>> -> memref<80x128xf32, #tpu.memory_space<vmem>>
      %dma_start3A_624 = arith.constant 0 : i32
      %dma_start3A_625 = tpu.memref_slice %arg7[%dma_start3A_618, %add3A_617, %dma_start3A_624] : memref<2x25x80xi32, #tpu.memory_space<vmem>> -> memref<1x1x80xi32, #tpu.memory_space<vmem>>
      %dma_start3A_626 = tpu.memref_squeeze %dma_start3A_625 : memref<1x1x80xi32, #tpu.memory_space<vmem>> -> memref<80xi32, #tpu.memory_space<vmem>>
      %dma_start3A_627 = arith.constant 0 : i32
      %dma_start3A_628 = arith.constant 0 : i32
      %dma_start3A_629 = tpu.memref_slice %arg2[%dma_start3A_627, %dma_start3A_628] : memref<10000x128xf32, #tpu.memory_space<hbm>> -> memref<10000x128xf32, #tpu.memory_space<hbm>>
      tpu.enqueue_indirect_dma source(%dma_start3A_629 : memref<10000x128xf32, #tpu.memory_space<hbm>>) target(%dma_start3A_623 : memref<80x128xf32, #tpu.memory_space<vmem>>) offsets(%dma_start3A_626 : memref<80xi32, #tpu.memory_space<vmem>>) semaphore(%arg11 : memref<!tpu.dma_semaphore, #tpu.memory_space<semaphore_mem>>)
      %dma_wait3A_630 = arith.constant 0 : i32
      %dma_wait3A_631 = arith.constant 0 : i32
      %dma_wait3A_632 = arith.constant 0 : i32
      %dma_wait3A_633 = arith.constant 0 : i32
      %dma_wait3A_634 = tpu.memref_slice %arg9[%dma_wait3A_631, %dma_wait3A_632, %dma_wait3A_633] : memref<2x80x128xf32, #tpu.memory_space<vmem>> -> memref<1x80x128xf32, #tpu.memory_space<vmem>>
      %dma_wait3A_635 = tpu.memref_squeeze %dma_wait3A_634 : memref<1x80x128xf32, #tpu.memory_space<vmem>> -> memref<80x128xf32, #tpu.memory_space<vmem>>
      %dma_wait3A_636 = arith.constant 0 : i32
      %dma_wait3A_637 = tpu.memref_slice %arg7[%dma_wait3A_630, %mul3A_615, %dma_wait3A_636] : memref<2x25x80xi32, #tpu.memory_space<vmem>> -> memref<1x1x80xi32, #tpu.memory_space<vmem>>
      %dma_wait3A_638 = tpu.memref_squeeze %dma_wait3A_637 : memref<1x1x80xi32, #tpu.memory_space<vmem>> -> memref<80xi32, #tpu.memory_space<vmem>>
      %dma_wait3A_639 = arith.constant 0 : i32
      %dma_wait3A_640 = arith.constant 0 : i32
      %dma_wait3A_641 = tpu.memref_slice %arg2[%dma_wait3A_639, %dma_wait3A_640] : memref<10000x128xf32, #tpu.memory_space<hbm>> -> memref<10000x128xf32, #tpu.memory_space<hbm>>
      tpu.wait_indirect_dma semaphore(%arg10 : memref<!tpu.dma_semaphore, #tpu.memory_space<semaphore_mem>>) src(%dma_wait3A_641 : memref<10000x128xf32, #tpu.memory_space<hbm>>) dst(%dma_wait3A_635 : memref<80x128xf32, #tpu.memory_space<vmem>>)
      %run_scoped3A_642 = arith.constant 0 : i32
      %run_scoped3A_643 = arith.constant 0 : i32
      "tpu.region"() ({
        %run_scoped3A_676 = tpu.sem_alloc : memref<!tpu.dma_semaphore, #tpu.memory_space<semaphore_mem>>
        %dma_start3A_677 = arith.constant 0 : i32
        %dma_start3A_678 = arith.constant 0 : i32
        %dma_start3A_679 = tpu.memref_slice %arg9[%run_scoped3A_642, %dma_start3A_677, %dma_start3A_678] : memref<2x80x128xf32, #tpu.memory_space<vmem>> -> memref<1x80x128xf32, #tpu.memory_space<vmem>>
        %dma_start3A_680 = tpu.memref_squeeze %dma_start3A_679 : memref<1x80x128xf32, #tpu.memory_space<vmem>> -> memref<80x128xf32, #tpu.memory_space<vmem>>
        %dma_start3A_681 = arith.constant 0 : i32
        %dma_start3A_682 = tpu.memref_slice %arg8[%run_scoped3A_643, %mul3A_615, %dma_start3A_681] : memref<2x25x80xi32, #tpu.memory_space<vmem>> -> memref<1x1x80xi32, #tpu.memory_space<vmem>>
        %dma_start3A_683 = tpu.memref_squeeze %dma_start3A_682 : memref<1x1x80xi32, #tpu.memory_space<vmem>> -> memref<80xi32, #tpu.memory_space<vmem>>
        %dma_start3A_684 = arith.constant 0 : i32
        %dma_start3A_685 = arith.constant 0 : i32
        %dma_start3A_686 = tpu.memref_slice %arg14[%dma_start3A_684, %dma_start3A_685] : memref<10240x128xf32, #tpu.memory_space<vmem_shared>> -> memref<10240x128xf32, #tpu.memory_space<vmem_shared>>
        tpu.enqueue_indirect_dma source(%dma_start3A_680 : memref<80x128xf32, #tpu.memory_space<vmem>>) target(%dma_start3A_686 : memref<10240x128xf32, #tpu.memory_space<vmem_shared>>) offsets(%dma_start3A_683 : memref<80xi32, #tpu.memory_space<vmem>>) semaphore(%run_scoped3A_676 : memref<!tpu.dma_semaphore, #tpu.memory_space<semaphore_mem>>) {add = true}
        %dma_wait3A_687 = arith.constant 0 : i32
        %dma_wait3A_688 = arith.constant 0 : i32
        %dma_wait3A_689 = tpu.memref_slice %arg9[%run_scoped3A_642, %dma_wait3A_687, %dma_wait3A_688] : memref<2x80x128xf32, #tpu.memory_space<vmem>> -> memref<1x80x128xf32, #tpu.memory_space<vmem>>
        %dma_wait3A_690 = tpu.memref_squeeze %dma_wait3A_689 : memref<1x80x128xf32, #tpu.memory_space<vmem>> -> memref<80x128xf32, #tpu.memory_space<vmem>>
        %dma_wait3A_691 = arith.constant 0 : i32
        %dma_wait3A_692 = tpu.memref_slice %arg8[%run_scoped3A_643, %mul3A_615, %dma_wait3A_691] : memref<2x25x80xi32, #tpu.memory_space<vmem>> -> memref<1x1x80xi32, #tpu.memory_space<vmem>>
        %dma_wait3A_693 = tpu.memref_squeeze %dma_wait3A_692 : memref<1x1x80xi32, #tpu.memory_space<vmem>> -> memref<80xi32, #tpu.memory_space<vmem>>
        %dma_wait3A_694 = arith.constant 0 : i32
        %dma_wait3A_695 = arith.constant 0 : i32
        %dma_wait3A_696 = tpu.memref_slice %arg14[%dma_wait3A_694, %dma_wait3A_695] : memref<10240x128xf32, #tpu.memory_space<vmem_shared>> -> memref<10240x128xf32, #tpu.memory_space<vmem_shared>>
        tpu.wait_indirect_dma semaphore(%run_scoped3A_676 : memref<!tpu.dma_semaphore, #tpu.memory_space<semaphore_mem>>) src(%dma_wait3A_690 : memref<80x128xf32, #tpu.memory_space<vmem>>) dst(%dma_wait3A_696 : memref<10240x128xf32, #tpu.memory_space<vmem_shared>>)
        tpu.yield
      }) : () -> ()
      %add3A_644 = arith.constant 2 : i32
      %add3A_645 = arith.addi %mul3A_615, %add3A_644 : i32
      %dma_start3A_646 = arith.constant 0 : i32
      %dma_start3A_647 = arith.constant 0 : i32
      %dma_start3A_648 = arith.constant 0 : i32
      %dma_start3A_649 = arith.constant 0 : i32
      %dma_start3A_650 = tpu.memref_slice %arg9[%dma_start3A_647, %dma_start3A_648, %dma_start3A_649] : memref<2x80x128xf32, #tpu.memory_space<vmem>> -> memref<1x80x128xf32, #tpu.memory_space<vmem>>
      %dma_start3A_651 = tpu.memref_squeeze %dma_start3A_650 : memref<1x80x128xf32, #tpu.memory_space<vmem>> -> memref<80x128xf32, #tpu.memory_space<vmem>>
      %dma_start3A_652 = arith.constant 0 : i32
      %dma_start3A_653 = tpu.memref_slice %arg7[%dma_start3A_646, %add3A_645, %dma_start3A_652] : memref<2x25x80xi32, #tpu.memory_space<vmem>> -> memref<1x1x80xi32, #tpu.memory_space<vmem>>
      %dma_start3A_654 = tpu.memref_squeeze %dma_start3A_653 : memref<1x1x80xi32, #tpu.memory_space<vmem>> -> memref<80xi32, #tpu.memory_space<vmem>>
      %dma_start3A_655 = arith.constant 0 : i32
      %dma_start3A_656 = arith.constant 0 : i32
      %dma_start3A_657 = tpu.memref_slice %arg2[%dma_start3A_655, %dma_start3A_656] : memref<10000x128xf32, #tpu.memory_space<hbm>> -> memref<10000x128xf32, #tpu.memory_space<hbm>>
      tpu.enqueue_indirect_dma source(%dma_start3A_657 : memref<10000x128xf32, #tpu.memory_space<hbm>>) target(%dma_start3A_651 : memref<80x128xf32, #tpu.memory_space<vmem>>) offsets(%dma_start3A_654 : memref<80xi32, #tpu.memory_space<vmem>>) semaphore(%arg10 : memref<!tpu.dma_semaphore, #tpu.memory_space<semaphore_mem>>)
      %add3A_658 = arith.constant 1 : i32
      %add3A_659 = arith.addi %mul3A_615, %add3A_658 : i32
      %dma_wait3A_660 = arith.constant 0 : i32
      %dma_wait3A_661 = arith.constant 1 : i32
      %dma_wait3A_662 = arith.constant 0 : i32
      %dma_wait3A_663 = arith.constant 0 : i32
      %dma_wait3A_664 = tpu.memref_slice %arg9[%dma_wait3A_661, %dma_wait3A_662, %dma_wait3A_663] : memref<2x80x128xf32, #tpu.memory_space<vmem>> -> memref<1x80x128xf32, #tpu.memory_space<vmem>>
      %dma_wait3A_665 = tpu.memref_squeeze %dma_wait3A_664 : memref<1x80x128xf32, #tpu.memory_space<vmem>> -> memref<80x128xf32, #tpu.memory_space<vmem>>
      %dma_wait3A_666 = arith.constant 0 : i32
      %dma_wait3A_667 = tpu.memref_slice %arg7[%dma_wait3A_660, %add3A_659, %dma_wait3A_666] : memref<2x25x80xi32, #tpu.memory_space<vmem>> -> memref<1x1x80xi32, #tpu.memory_space<vmem>>
      %dma_wait3A_668 = tpu.memref_squeeze %dma_wait3A_667 : memref<1x1x80xi32, #tpu.memory_space<vmem>> -> memref<80xi32, #tpu.memory_space<vmem>>
      %dma_wait3A_669 = arith.constant 0 : i32
      %dma_wait3A_670 = arith.constant 0 : i32
      %dma_wait3A_671 = tpu.memref_slice %arg2[%dma_wait3A_669, %dma_wait3A_670] : memref<10000x128xf32, #tpu.memory_space<hbm>> -> memref<10000x128xf32, #tpu.memory_space<hbm>>
      tpu.wait_indirect_dma semaphore(%arg11 : memref<!tpu.dma_semaphore, #tpu.memory_space<semaphore_mem>>) src(%dma_wait3A_671 : memref<10000x128xf32, #tpu.memory_space<hbm>>) dst(%dma_wait3A_665 : memref<80x128xf32, #tpu.memory_space<vmem>>)
      %add3A_672 = arith.constant 1 : i32
      %add3A_673 = arith.addi %mul3A_615, %add3A_672 : i32
      %run_scoped3A_674 = arith.constant 1 : i32
      %run_scoped3A_675 = arith.constant 0 : i32
      "tpu.region"() ({
        %run_scoped3A_676 = tpu.sem_alloc : memref<!tpu.dma_semaphore, #tpu.memory_space<semaphore_mem>>
        %dma_start3A_677 = arith.constant 0 : i32
        %dma_start3A_678 = arith.constant 0 : i32
        %dma_start3A_679 = tpu.memref_slice %arg9[%run_scoped3A_674, %dma_start3A_677, %dma_start3A_678] : memref<2x80x128xf32, #tpu.memory_space<vmem>> -> memref<1x80x128xf32, #tpu.memory_space<vmem>>
        %dma_start3A_680 = tpu.memref_squeeze %dma_start3A_679 : memref<1x80x128xf32, #tpu.memory_space<vmem>> -> memref<80x128xf32, #tpu.memory_space<vmem>>
        %dma_start3A_681 = arith.constant 0 : i32
        %dma_start3A_682 = tpu.memref_slice %arg8[%run_scoped3A_675, %add3A_673, %dma_start3A_681] : memref<2x25x80xi32, #tpu.memory_space<vmem>> -> memref<1x1x80xi32, #tpu.memory_space<vmem>>
        %dma_start3A_683 = tpu.memref_squeeze %dma_start3A_682 : memref<1x1x80xi32, #tpu.memory_space<vmem>> -> memref<80xi32, #tpu.memory_space<vmem>>
        %dma_start3A_684 = arith.constant 0 : i32
        %dma_start3A_685 = arith.constant 0 : i32
        %dma_start3A_686 = tpu.memref_slice %arg14[%dma_start3A_684, %dma_start3A_685] : memref<10240x128xf32, #tpu.memory_space<vmem_shared>> -> memref<10240x128xf32, #tpu.memory_space<vmem_shared>>
        tpu.enqueue_indirect_dma source(%dma_start3A_680 : memref<80x128xf32, #tpu.memory_space<vmem>>) target(%dma_start3A_686 : memref<10240x128xf32, #tpu.memory_space<vmem_shared>>) offsets(%dma_start3A_683 : memref<80xi32, #tpu.memory_space<vmem>>) semaphore(%run_scoped3A_676 : memref<!tpu.dma_semaphore, #tpu.memory_space<semaphore_mem>>) {add = true}
        %dma_wait3A_687 = arith.constant 0 : i32
        %dma_wait3A_688 = arith.constant 0 : i32
        %dma_wait3A_689 = tpu.memref_slice %arg9[%run_scoped3A_674, %dma_wait3A_687, %dma_wait3A_688] : memref<2x80x128xf32, #tpu.memory_space<vmem>> -> memref<1x80x128xf32, #tpu.memory_space<vmem>>
        %dma_wait3A_690 = tpu.memref_squeeze %dma_wait3A_689 : memref<1x80x128xf32, #tpu.memory_space<vmem>> -> memref<80x128xf32, #tpu.memory_space<vmem>>
        %dma_wait3A_691 = arith.constant 0 : i32
        %dma_wait3A_692 = tpu.memref_slice %arg8[%run_scoped3A_675, %add3A_673, %dma_wait3A_691] : memref<2x25x80xi32, #tpu.memory_space<vmem>> -> memref<1x1x80xi32, #tpu.memory_space<vmem>>
        %dma_wait3A_693 = tpu.memref_squeeze %dma_wait3A_692 : memref<1x1x80xi32, #tpu.memory_space<vmem>> -> memref<80xi32, #tpu.memory_space<vmem>>
        %dma_wait3A_694 = arith.constant 0 : i32
        %dma_wait3A_695 = arith.constant 0 : i32
        %dma_wait3A_696 = tpu.memref_slice %arg14[%dma_wait3A_694, %dma_wait3A_695] : memref<10240x128xf32, #tpu.memory_space<vmem_shared>> -> memref<10240x128xf32, #tpu.memory_space<vmem_shared>>
        tpu.wait_indirect_dma semaphore(%run_scoped3A_676 : memref<!tpu.dma_semaphore, #tpu.memory_space<semaphore_mem>>) src(%dma_wait3A_690 : memref<80x128xf32, #tpu.memory_space<vmem>>) dst(%dma_wait3A_696 : memref<10240x128xf32, #tpu.memory_space<vmem_shared>>)
        tpu.yield
      }) : () -> ()
    }
    %scan3A_591 = arith.constant 12 : i32
    %dma_wait3A_592 = arith.constant 0 : i32
    %dma_wait3A_593 = arith.constant 24 : i32
    %dma_wait3A_594 = arith.constant 0 : i32
    %dma_wait3A_595 = arith.constant 0 : i32
    %dma_wait3A_596 = arith.constant 0 : i32
    %dma_wait3A_597 = tpu.memref_slice %arg9[%dma_wait3A_594, %dma_wait3A_595, %dma_wait3A_596] : memref<2x80x128xf32, #tpu.memory_space<vmem>> -> memref<1x80x128xf32, #tpu.memory_space<vmem>>
    %dma_wait3A_598 = tpu.memref_squeeze %dma_wait3A_597 : memref<1x80x128xf32, #tpu.memory_space<vmem>> -> memref<80x128xf32, #tpu.memory_space<vmem>>
    %dma_wait3A_599 = arith.constant 0 : i32
    %dma_wait3A_600 = tpu.memref_slice %arg7[%dma_wait3A_592, %dma_wait3A_593, %dma_wait3A_599] : memref<2x25x80xi32, #tpu.memory_space<vmem>> -> memref<1x1x80xi32, #tpu.memory_space<vmem>>
    %dma_wait3A_601 = tpu.memref_squeeze %dma_wait3A_600 : memref<1x1x80xi32, #tpu.memory_space<vmem>> -> memref<80xi32, #tpu.memory_space<vmem>>
    %dma_wait3A_602 = arith.constant 0 : i32
    %dma_wait3A_603 = arith.constant 0 : i32
    %dma_wait3A_604 = tpu.memref_slice %arg2[%dma_wait3A_602, %dma_wait3A_603] : memref<10000x128xf32, #tpu.memory_space<hbm>> -> memref<10000x128xf32, #tpu.memory_space<hbm>>
    tpu.wait_indirect_dma semaphore(%arg10 : memref<!tpu.dma_semaphore, #tpu.memory_space<semaphore_mem>>) src(%dma_wait3A_604 : memref<10000x128xf32, #tpu.memory_space<hbm>>) dst(%dma_wait3A_598 : memref<80x128xf32, #tpu.memory_space<vmem>>)
    %run_scoped3A_605 = arith.constant 0 : i32
    %run_scoped3A_606 = arith.constant 0 : i32
    %run_scoped3A_607 = arith.constant 24 : i32
    "tpu.region"() ({
      %run_scoped3A_613 = tpu.sem_alloc : memref<!tpu.dma_semaphore, #tpu.memory_space<semaphore_mem>>
      %dma_start3A_614 = arith.constant 0 : i32
      %dma_start3A_615 = arith.constant 0 : i32
      %dma_start3A_616 = tpu.memref_slice %arg9[%run_scoped3A_605, %dma_start3A_614, %dma_start3A_615] : memref<2x80x128xf32, #tpu.memory_space<vmem>> -> memref<1x80x128xf32, #tpu.memory_space<vmem>>
      %dma_start3A_617 = tpu.memref_squeeze %dma_start3A_616 : memref<1x80x128xf32, #tpu.memory_space<vmem>> -> memref<80x128xf32, #tpu.memory_space<vmem>>
      %dma_start3A_618 = arith.constant 0 : i32
      %dma_start3A_619 = tpu.memref_slice %arg8[%run_scoped3A_606, %run_scoped3A_607, %dma_start3A_618] : memref<2x25x80xi32, #tpu.memory_space<vmem>> -> memref<1x1x80xi32, #tpu.memory_space<vmem>>
      %dma_start3A_620 = tpu.memref_squeeze %dma_start3A_619 : memref<1x1x80xi32, #tpu.memory_space<vmem>> -> memref<80xi32, #tpu.memory_space<vmem>>
      %dma_start3A_621 = arith.constant 0 : i32
      %dma_start3A_622 = arith.constant 0 : i32
      %dma_start3A_623 = tpu.memref_slice %arg14[%dma_start3A_621, %dma_start3A_622] : memref<10240x128xf32, #tpu.memory_space<vmem_shared>> -> memref<10240x128xf32, #tpu.memory_space<vmem_shared>>
      tpu.enqueue_indirect_dma source(%dma_start3A_617 : memref<80x128xf32, #tpu.memory_space<vmem>>) target(%dma_start3A_623 : memref<10240x128xf32, #tpu.memory_space<vmem_shared>>) offsets(%dma_start3A_620 : memref<80xi32, #tpu.memory_space<vmem>>) semaphore(%run_scoped3A_613 : memref<!tpu.dma_semaphore, #tpu.memory_space<semaphore_mem>>) {add = true}
      %dma_wait3A_624 = arith.constant 0 : i32
      %dma_wait3A_625 = arith.constant 0 : i32
      %dma_wait3A_626 = tpu.memref_slice %arg9[%run_scoped3A_605, %dma_wait3A_624, %dma_wait3A_625] : memref<2x80x128xf32, #tpu.memory_space<vmem>> -> memref<1x80x128xf32, #tpu.memory_space<vmem>>
      %dma_wait3A_627 = tpu.memref_squeeze %dma_wait3A_626 : memref<1x80x128xf32, #tpu.memory_space<vmem>> -> memref<80x128xf32, #tpu.memory_space<vmem>>
      %dma_wait3A_628 = arith.constant 0 : i32
      %dma_wait3A_629 = tpu.memref_slice %arg8[%run_scoped3A_606, %run_scoped3A_607, %dma_wait3A_628] : memref<2x25x80xi32, #tpu.memory_space<vmem>> -> memref<1x1x80xi32, #tpu.memory_space<vmem>>
      %dma_wait3A_630 = tpu.memref_squeeze %dma_wait3A_629 : memref<1x1x80xi32, #tpu.memory_space<vmem>> -> memref<80xi32, #tpu.memory_space<vmem>>
      %dma_wait3A_631 = arith.constant 0 : i32
      %dma_wait3A_632 = arith.constant 0 : i32
      %dma_wait3A_633 = tpu.memref_slice %arg14[%dma_wait3A_631, %dma_wait3A_632] : memref<10240x128xf32, #tpu.memory_space<vmem_shared>> -> memref<10240x128xf32, #tpu.memory_space<vmem_shared>>
      tpu.wait_indirect_dma semaphore(%run_scoped3A_613 : memref<!tpu.dma_semaphore, #tpu.memory_space<semaphore_mem>>) src(%dma_wait3A_627 : memref<80x128xf32, #tpu.memory_space<vmem>>) dst(%dma_wait3A_633 : memref<10240x128xf32, #tpu.memory_space<vmem_shared>>)
      tpu.yield
    }) : () -> ()
    %barrier3A_608 = arith.constant 0 : index
    tpu.barrier barrier_id(%barrier3A_608)
    %mul3A_609 = arith.constant 640 : i32
    %mul3A_610 = arith.muli %arg1, %mul3A_609 : i32
    %mul3A_611 = arith.constant 640 : i32
    %mul3A_612 = arith.muli %arg1, %mul3A_611 : i32
    "tpu.region"() ({
      %run_scoped3A_613 = tpu.sem_alloc : memref<!tpu.dma_semaphore, #tpu.memory_space<semaphore_mem>>
      %dma_start3A_614 = arith.constant 0 : i32
      %dma_start3A_615 = tpu.memref_slice %arg6[%arg0, %mul3A_612, %dma_start3A_614] : memref<2x10240x128xf32, #tpu.memory_space<hbm>> -> memref<1x640x128xf32, #tpu.memory_space<hbm>>
      %dma_start3A_616 = tpu.memref_squeeze %dma_start3A_615 : memref<1x640x128xf32, #tpu.memory_space<hbm>> -> memref<640x128xf32, #tpu.memory_space<hbm>>
      %dma_start3A_617 = arith.constant 0 : i32
      %dma_start3A_618 = tpu.memref_slice %arg14[%mul3A_610, %dma_start3A_617] : memref<10240x128xf32, #tpu.memory_space<vmem_shared>> -> memref<640x128xf32, #tpu.memory_space<vmem_shared>>
      tpu.enqueue_dma source(%dma_start3A_618 : memref<640x128xf32, #tpu.memory_space<vmem_shared>>) target(%dma_start3A_616 : memref<640x128xf32, #tpu.memory_space<hbm>>) target_semaphore(%run_scoped3A_613 : memref<!tpu.dma_semaphore, #tpu.memory_space<semaphore_mem>>)
      %dma_wait3A_619 = arith.constant 0 : i32
      %dma_wait3A_620 = tpu.memref_slice %arg6[%arg0, %mul3A_612, %dma_wait3A_619] : memref<2x10240x128xf32, #tpu.memory_space<hbm>> -> memref<1x640x128xf32, #tpu.memory_space<hbm>>
      %dma_wait3A_621 = tpu.memref_squeeze %dma_wait3A_620 : memref<1x640x128xf32, #tpu.memory_space<hbm>> -> memref<640x128xf32, #tpu.memory_space<hbm>>
      %dma_wait3A_622 = arith.constant 0 : i32
      %dma_wait3A_623 = tpu.memref_slice %arg14[%mul3A_610, %dma_wait3A_622] : memref<10240x128xf32, #tpu.memory_space<vmem_shared>> -> memref<640x128xf32, #tpu.memory_space<vmem_shared>>
      tpu.wait_dma2 semaphore(%run_scoped3A_613 : memref<!tpu.dma_semaphore, #tpu.memory_space<semaphore_mem>>) src(%dma_wait3A_623 : memref<640x128xf32, #tpu.memory_space<vmem_shared>>) dst(%dma_wait3A_621 : memref<640x128xf32, #tpu.memory_space<hbm>>)
      tpu.yield
    }) : () -> ()
    return
  }
}

module attributes {stable_mosaic.version = 14 : i64} {
  func.func @_tc_first(%arg0: memref<10000x128xf32, #tpu.memory_space<vmem>>, %arg1: memref<128x128xf32, #tpu.memory_space<vmem>>, %arg2: memref<10000x1xf32, #tpu.memory_space<vmem>>, %arg3: memref<10000x128xf32, #tpu.memory_space<vmem>>, %arg4: memref<10000x1xf32, #tpu.memory_space<vmem>>) attributes {dimension_semantics = [], scalar_prefetch = 0 : i64, scratch_operands = 0 : i64, tpu.core_type = #tpu.core_type<tc>} {
    %get3A = arith.constant 0 : index
    %get3A_0 = arith.constant 0 : index
    %get3A_1 = vector.load %arg2[%get3A, %get3A_0] : memref<10000x1xf32, #tpu.memory_space<vmem>>, vector<10000x1xf32>
    %rsqrt3A = math.rsqrt %get3A_1 : vector<10000x1xf32>
    %get3A_2 = arith.constant 0 : index
    %get3A_3 = arith.constant 0 : index
    %get3A_4 = vector.load %arg0[%get3A_2, %get3A_3] : memref<10000x128xf32, #tpu.memory_space<vmem>>, vector<10000x128xf32>
    %get3A_5 = arith.constant 0 : index
    %get3A_6 = arith.constant 0 : index
    %get3A_7 = vector.load %arg1[%get3A_5, %get3A_6] : memref<128x128xf32, #tpu.memory_space<vmem>>, vector<128x128xf32>
    %dot_general3A = arith.constant dense<0.000000e+00> : vector<10000x128xf32>
    %dot_general3A_8 = tpu.matmul %get3A_4, %get3A_7, %dot_general3A {dimension_numbers = #tpu.dot_dimension_numbers<[1], [0], [0], [1], [0, 0, 1, 1], [], []>, transpose_lhs_hint = false} : vector<10000x128xf32>, vector<128x128xf32>, vector<10000x128xf32> -> vector<10000x128xf32>
    %swap3A = arith.constant 0 : index
    %swap3A_9 = arith.constant 0 : index
    %swap3A_10 = vector.load %arg4[%swap3A, %swap3A_9] : memref<10000x1xf32, #tpu.memory_space<vmem>>, vector<10000x1xf32>
    tpu.vector_store %arg4[%swap3A, %swap3A_9], %rsqrt3A {strides = array<i32>} : memref<10000x1xf32, #tpu.memory_space<vmem>>, vector<10000x1xf32>,
    %mul3A = vector.broadcast %rsqrt3A : vector<10000x1xf32> to vector<10000x128xf32>
    %mul3A_11 = arith.mulf %mul3A, %dot_general3A_8 : vector<10000x128xf32>
    %swap3A_12 = arith.constant 0 : index
    %swap3A_13 = arith.constant 0 : index
    %swap3A_14 = vector.load %arg3[%swap3A_12, %swap3A_13] : memref<10000x128xf32, #tpu.memory_space<vmem>>, vector<10000x128xf32>
    tpu.vector_store %arg3[%swap3A_12, %swap3A_13], %mul3A_11 {strides = array<i32>} : memref<10000x128xf32, #tpu.memory_space<vmem>>, vector<10000x128xf32>,
    return
  }
}

module attributes {stable_mosaic.version = 14 : i64} {
  func.func @_tc_mid(%arg0: memref<2x10240x128xf32, #tpu.memory_space<vmem>>, %arg1: memref<10000x128xf32, #tpu.memory_space<vmem>>, %arg2: memref<10000x1xf32, #tpu.memory_space<vmem>>, %arg3: memref<1x128xf32, #tpu.memory_space<vmem>>, %arg4: memref<128x128xf32, #tpu.memory_space<vmem>>, %arg5: memref<10000x128xf32, #tpu.memory_space<vmem>>) attributes {dimension_semantics = [], scalar_prefetch = 0 : i64, scratch_operands = 0 : i64, tpu.core_type = #tpu.core_type<tc>} {
    %get3A = arith.constant 0 : index
    %get3A_0 = arith.constant 0 : index
    %get3A_1 = arith.constant 0 : index
    %get3A_2 = vector.load %arg0[%get3A, %get3A_0, %get3A_1] : memref<2x10240x128xf32, #tpu.memory_space<vmem>>, vector<1x10000x128xf32>
    %get3A_3 = vector.shape_cast %get3A_2 : vector<1x10000x128xf32> to vector<10000x128xf32>
    %get3A_4 = arith.constant 1 : index
    %get3A_5 = arith.constant 0 : index
    %get3A_6 = arith.constant 0 : index
    %get3A_7 = vector.load %arg0[%get3A_4, %get3A_5, %get3A_6] : memref<2x10240x128xf32, #tpu.memory_space<vmem>>, vector<1x10000x128xf32>
    %get3A_8 = vector.shape_cast %get3A_7 : vector<1x10000x128xf32> to vector<10000x128xf32>
    %add3A = arith.addf %get3A_3, %get3A_8 : vector<10000x128xf32>
    %get3A_9 = arith.constant 0 : index
    %get3A_10 = arith.constant 0 : index
    %get3A_11 = vector.load %arg1[%get3A_9, %get3A_10] : memref<10000x128xf32, #tpu.memory_space<vmem>>, vector<10000x128xf32>
    %add3A_12 = arith.addf %add3A, %get3A_11 : vector<10000x128xf32>
    %get3A_13 = arith.constant 0 : index
    %get3A_14 = arith.constant 0 : index
    %get3A_15 = vector.load %arg2[%get3A_13, %get3A_14] : memref<10000x1xf32, #tpu.memory_space<vmem>>, vector<10000x1xf32>
    %mul3A = vector.broadcast %get3A_15 : vector<10000x1xf32> to vector<10000x128xf32>
    %mul3A_16 = arith.mulf %mul3A, %add3A_12 : vector<10000x128xf32>
    %get3A_17 = arith.constant 0 : index
    %get3A_18 = arith.constant 0 : index
    %get3A_19 = vector.load %arg3[%get3A_17, %get3A_18] : memref<1x128xf32, #tpu.memory_space<vmem>>, vector<1x128xf32>
    %add3A_20 = vector.broadcast %get3A_19 : vector<1x128xf32> to vector<10000x128xf32>
    %add3A_21 = arith.addf %mul3A_16, %add3A_20 : vector<10000x128xf32>
    %max3A = arith.constant 0.000000e+00 : f32
    %max3A_22 = vector.broadcast %max3A : f32 to vector<10000x128xf32>
    %max3A_23 = arith.maximumf %add3A_21, %max3A_22 : vector<10000x128xf32>
    %get3A_24 = arith.constant 0 : index
    %get3A_25 = arith.constant 0 : index
    %get3A_26 = vector.load %arg4[%get3A_24, %get3A_25] : memref<128x128xf32, #tpu.memory_space<vmem>>, vector<128x128xf32>
    %dot_general3A = arith.constant dense<0.000000e+00> : vector<10000x128xf32>
    %dot_general3A_27 = tpu.matmul %max3A_23, %get3A_26, %dot_general3A {dimension_numbers = #tpu.dot_dimension_numbers<[1], [0], [0], [1], [0, 0, 1, 1], [], []>, transpose_lhs_hint = false} : vector<10000x128xf32>, vector<128x128xf32>, vector<10000x128xf32> -> vector<10000x128xf32>
    %get3A_28 = arith.constant 0 : index
    %get3A_29 = arith.constant 0 : index
    %get3A_30 = vector.load %arg2[%get3A_28, %get3A_29] : memref<10000x1xf32, #tpu.memory_space<vmem>>, vector<10000x1xf32>
    %mul3A_31 = vector.broadcast %get3A_30 : vector<10000x1xf32> to vector<10000x128xf32>
    %mul3A_32 = arith.mulf %mul3A_31, %dot_general3A_27 : vector<10000x128xf32>
    %swap3A = arith.constant 0 : index
    %swap3A_33 = arith.constant 0 : index
    %swap3A_34 = vector.load %arg5[%swap3A, %swap3A_33] : memref<10000x128xf32, #tpu.memory_space<vmem>>, vector<10000x128xf32>
    tpu.vector_store %arg5[%swap3A, %swap3A_33], %mul3A_32 {strides = array<i32>} : memref<10000x128xf32, #tpu.memory_space<vmem>>, vector<10000x128xf32>,
    return
  }
}

module attributes {stable_mosaic.version = 14 : i64} {
  func.func @_tc_last(%arg0: memref<2x10240x128xf32, #tpu.memory_space<vmem>>, %arg1: memref<10000x128xf32, #tpu.memory_space<vmem>>, %arg2: memref<10000x1xf32, #tpu.memory_space<vmem>>, %arg3: memref<1x128xf32, #tpu.memory_space<vmem>>, %arg4: memref<128x40xf32, #tpu.memory_space<vmem>>, %arg5: memref<1x40xf32, #tpu.memory_space<vmem>>, %arg6: memref<10000x40xf32, #tpu.memory_space<vmem>>) attributes {dimension_semantics = [], scalar_prefetch = 0 : i64, scratch_operands = 0 : i64, tpu.core_type = #tpu.core_type<tc>} {
    %get3A = arith.constant 0 : index
    %get3A_0 = arith.constant 0 : index
    %get3A_1 = arith.constant 0 : index
    %get3A_2 = vector.load %arg0[%get3A, %get3A_0, %get3A_1] : memref<2x10240x128xf32, #tpu.memory_space<vmem>>, vector<1x10000x128xf32>
    %get3A_3 = vector.shape_cast %get3A_2 : vector<1x10000x128xf32> to vector<10000x128xf32>
    %get3A_4 = arith.constant 1 : index
    %get3A_5 = arith.constant 0 : index
    %get3A_6 = arith.constant 0 : index
    %get3A_7 = vector.load %arg0[%get3A_4, %get3A_5, %get3A_6] : memref<2x10240x128xf32, #tpu.memory_space<vmem>>, vector<1x10000x128xf32>
    %get3A_8 = vector.shape_cast %get3A_7 : vector<1x10000x128xf32> to vector<10000x128xf32>
    %add3A = arith.addf %get3A_3, %get3A_8 : vector<10000x128xf32>
    %get3A_9 = arith.constant 0 : index
    %get3A_10 = arith.constant 0 : index
    %get3A_11 = vector.load %arg1[%get3A_9, %get3A_10] : memref<10000x128xf32, #tpu.memory_space<vmem>>, vector<10000x128xf32>
    %add3A_12 = arith.addf %add3A, %get3A_11 : vector<10000x128xf32>
    %get3A_13 = arith.constant 0 : index
    %get3A_14 = arith.constant 0 : index
    %get3A_15 = vector.load %arg2[%get3A_13, %get3A_14] : memref<10000x1xf32, #tpu.memory_space<vmem>>, vector<10000x1xf32>
    %mul3A = vector.broadcast %get3A_15 : vector<10000x1xf32> to vector<10000x128xf32>
    %mul3A_16 = arith.mulf %mul3A, %add3A_12 : vector<10000x128xf32>
    %get3A_17 = arith.constant 0 : index
    %get3A_18 = arith.constant 0 : index
    %get3A_19 = vector.load %arg3[%get3A_17, %get3A_18] : memref<1x128xf32, #tpu.memory_space<vmem>>, vector<1x128xf32>
    %add3A_20 = vector.broadcast %get3A_19 : vector<1x128xf32> to vector<10000x128xf32>
    %add3A_21 = arith.addf %mul3A_16, %add3A_20 : vector<10000x128xf32>
    %max3A = arith.constant 0.000000e+00 : f32
    %max3A_22 = vector.broadcast %max3A : f32 to vector<10000x128xf32>
    %max3A_23 = arith.maximumf %add3A_21, %max3A_22 : vector<10000x128xf32>
    %get3A_24 = arith.constant 0 : index
    %get3A_25 = arith.constant 0 : index
    %get3A_26 = vector.load %arg4[%get3A_24, %get3A_25] : memref<128x40xf32, #tpu.memory_space<vmem>>, vector<128x40xf32>
    %dot_general3A = arith.constant dense<0.000000e+00> : vector<10000x40xf32>
    %dot_general3A_27 = tpu.matmul %max3A_23, %get3A_26, %dot_general3A {dimension_numbers = #tpu.dot_dimension_numbers<[1], [0], [0], [1], [0, 0, 1, 1], [], []>, transpose_lhs_hint = false} : vector<10000x128xf32>, vector<128x40xf32>, vector<10000x40xf32> -> vector<10000x40xf32>
    %get3A_28 = arith.constant 0 : index
    %get3A_29 = arith.constant 0 : index
    %get3A_30 = vector.load %arg5[%get3A_28, %get3A_29] : memref<1x40xf32, #tpu.memory_space<vmem>>, vector<1x40xf32>
    %add3A_31 = vector.broadcast %get3A_30 : vector<1x40xf32> to vector<10000x40xf32>
    %add3A_32 = arith.addf %dot_general3A_27, %add3A_31 : vector<10000x40xf32>
    %swap3A = arith.constant 0 : index
    %swap3A_33 = arith.constant 0 : index
    %swap3A_34 = vector.load %arg6[%swap3A, %swap3A_33] : memref<10000x40xf32, #tpu.memory_space<vmem>>, vector<10000x40xf32>
    tpu.vector_store %arg6[%swap3A, %swap3A_33], %add3A_32 {strides = array<i32>} : memref<10000x40xf32, #tpu.memory_space<vmem>>, vector<10000x40xf32>,
    return
  }
}

</mosaic_0001>

<sc_bundles>
// kernel: kernel.11.cloned.1.call-start
scs
__scs_entry_jumppad:
0x0: {  	(pc) =	sbr.rel $0x88, $3  }
0x1: {  	(tag) =	ssettag $0x0;
	lr =	simm.s32 $0x1  }
0x2: {  	[smem:$0x3F99] =	sst lr;
	_ =	strace $0xD0000000  }
0x3: {  	_ = 	snop  }
0x4: {  	_ = 	snop  }
0x5: {  	_ = 	snop  }
0x6: {  	_ = 	snop  }
0x7: {  	_ = 	snop  }
__scs_overlays_trampoline_lowered:
0x8: {  	[smem:$0x3FA8] =	sst s0  }
0x9: {  	[smem:$0x3FA9] =	sst s1  }
0xa: {  	[smem:$0x3FAA] =	sst s2  }
0xb: {  	[smem:$0x3FAB] =	sst s3  }
0xc: {  	[smem:$0x3FAC] =	sst s4  }
0xd: {  	[smem:$0x3FAD] =	sst s5  }
0xe: {  	[smem:$0x3FAE] =	sst s6  }
0xf: {  	[smem:$0x3FAF] =	sst s7  }
0x10: {  	[smem:$0x3FB0] =	sst s8  }
0x11: {  	[smem:$0x3FB1] =	sst s9;
	s0 =	simm.s32 @!p0 $0x0  }
0x12: {  	s1 =	sld [smem:$0x3F97];
	s0 =	simm.s32 @p0 $0x1  }
0x13: {  	[smem:$0x3FB2] =	sst s0;
	s0 =	simm.s32 @!p1 $0x0  }
0x14: {  	s2 =	sld [smem:$0x3F96];
	s0 =	simm.s32 @p1 $0x1  }
0x15: {  	[smem:$0x3FB3] =	sst s0;
	s0 =	simm.s32 @!p2 $0x0  }
0x16: {  	s3 =	sld [smem:$0x3FDB];
	s0 =	simm.s32 @p2 $0x1  }
0x17: {  	s4 =	simm.s32 $0x1BF5;
	[smem:$0x3FB5] =	sst s0  }
0x18: {  	s0 =	sld [smem:$0x3F98];
	_ =	swait.ge [sflag:s4], $0x0  }
0x19: {  	s7 =	sld [smem:$0x3F99]  }
0x1a: {  	s8 =	sadd.s32 $0xFFFFE003, lr  }
0x1b: {  	s9 =	sadd.s32 $0xFFFFFEF7, lr;
	s5 =	simm.s32 $0xFFFFFFFF;
	p2 =	slt.u32 s8, $0xFFFFF086  }
0x1c: {  	p1 =	slt.u32 s9, $0xF7A;
	s5 =	simm.s32 @!p2 $0x0  }
0x1d: {  	s5 =	simm.s32 @p1 $0x1;
	p0 =	seq.s32 s7, s2  }
0x1e: {  	s7 =	smul.u32 @!p0 $0xF7A, s2;
	p2 =	seq.s32 @!p0 s5, $0x0  }
0x1f: {  	s9 =	smul.u32 $0xF7A, s1;
	s8 =	simm.s32 @!p0 $0x1BF5;
	p2 =	por !p2, p0  }
0x20: {  	[sflag:s8] =	ssyncset.s32 @!p0 $0xFFFFF086;
	s6 =	sadd.s32 @!p0 s3, s7;
	s7 =	simm.s32 @!p0 $0x108  }
0x21: {  	s3 =	sadd.s32 s3, s9;
	s6 =	sadd.s32 @!p0 $0x88, s6;
	s7 =	simm.s32 @p2 $0x1082  }
0x22: {  	[simem:s7], [sflag:s8] =	dma.local @!p0 [hbm:s6], $0xF7A  }
0x23: {  	s9 =	sor.u32 $0xD0000000, s2;
	s6 =	simm.s32 $0x108;
	_ =	swait.ge @!p0 [sflag:s8], $0x0  }
0x24: {  	s3 =	sadd.s32 $0x88, s3;
	s6 =	simm.s32 @!p1 $0x1082;
	[sflag:s4] =	ssyncset.s32 $0xFFFFF086  }
0x25: {  	[simem:s6], [sflag:s4] =	dma.local [hbm:s3], $0xF7A  }
0x26: {  	[smem:$0x3F99] =	sst s1;
	(tag) =	ssettag s2;
	_ =	strace s9  }
0x27: {  	s1 =	sld [smem:$0x3FA9]  }
0x28: {  	s2 =	sld [smem:$0x3FAA]  }
0x29: {  	s4 =	sld [smem:$0x3FAC]  }
0x2a: {  	p0 =	seq.s32 s5, $0x0;
	s5 =	sld [smem:$0x3FAD]  }
0x2b: {  	s6 =	sld [smem:$0x3FAE]  }
0x2c: {  	s7 =	sld [smem:$0x3FAF]  }
0x2d: {  	s3 =	simm.s32 $0x108;
	s8 =	sld [smem:$0x3FB0]  }
0x2e: {  	s3 =	simm.s32 @!p0 $0x1082;
	s9 =	sld [smem:$0x3FB1]  }
0x2f: {  	lr =	sadd.s32 s0, s3;
	s0 =	sld [smem:$0x3FA8]  }
0x30: {  	s3 =	sld [smem:$0x3FAB]  }
0x31: {  	[smem:$0x3FB4] =	sst s10  }
0x32: {  	s10 =	sld [smem:$0x3FB2];
	_ =	sdelay $0x3  }
0x33: {  	p0 =	seq.s32 s10, $0x1;
	s10 =	sld [smem:$0x3FB4];
	_ =	sdelay $0x3  }
0x34: {  	[smem:$0x3FB4] =	sst s10  }
0x35: {  	s10 =	sld [smem:$0x3FB3];
	_ =	sdelay $0x3  }
0x36: {  	p1 =	seq.s32 s10, $0x1;
	s10 =	sld [smem:$0x3FB4];
	_ =	sdelay $0x3  }
0x37: {  	[smem:$0x3FB4] =	sst s10  }
0x38: {  	s10 =	sld [smem:$0x3FB5]  }
0x39: {  	_ = 	snop;
	(pc) =	sbr.ind lr, $3  }
0x3a: {  	_ = 	snop  }
0x3b: {  	_ = 	snop  }
0x3c: {  	p2 =	seq.s32 s10, $0x1;
	s10 =	sld [smem:$0x3FB4]  }
0x3d: {  	_ =	shalt  }
0x3e: {  	_ =	shalt  }
0x3f: {  	_ =	shalt  }
0x40: {  	_ =	shalt  }
0x41: {  	_ =	shalt  }
0x42: {  	_ =	shalt  }
0x43: {  	_ =	shalt  }
0x44: {  	_ =	shalt  }
0x45: {  	_ =	shalt  }
0x46: {  	_ =	shalt  }
0x47: {  	_ =	shalt  }
0x48: {  	_ =	shalt  }
0x49: {  	_ =	shalt  }
0x4a: {  	_ =	shalt  }
0x4b: {  	_ =	shalt  }
0x4c: {  	_ =	shalt  }
0x4d: {  	_ =	shalt  }
0x4e: {  	_ =	shalt  }
0x4f: {  	_ =	shalt  }
0x50: {  	_ =	shalt  }
0x51: {  	_ =	shalt  }
0x52: {  	_ =	shalt  }
0x53: {  	_ =	shalt  }
0x54: {  	_ =	shalt  }
0x55: {  	_ =	shalt  }
0x56: {  	_ =	shalt  }
0x57: {  	_ =	shalt  }
0x58: {  	_ =	shalt  }
0x59: {  	_ =	shalt  }
0x5a: {  	_ =	shalt  }
0x5b: {  	_ =	shalt  }
0x5c: {  	_ =	shalt  }
0x5d: {  	_ =	shalt  }
0x5e: {  	_ =	shalt  }
0x5f: {  	_ =	shalt  }
0x60: {  	_ =	shalt  }
0x61: {  	_ =	shalt  }
0x62: {  	_ =	shalt  }
0x63: {  	_ =	shalt  }
0x64: {  	_ =	shalt  }
0x65: {  	_ =	shalt  }
0x66: {  	_ =	shalt  }
0x67: {  	_ =	shalt  }
0x68: {  	_ =	shalt  }
0x69: {  	_ =	shalt  }
0x6a: {  	_ =	shalt  }
0x6b: {  	_ =	shalt  }
0x6c: {  	_ =	shalt  }
0x6d: {  	_ =	shalt  }
0x6e: {  	_ =	shalt  }
0x6f: {  	_ =	shalt  }
0x70: {  	_ =	shalt  }
0x71: {  	_ =	shalt  }
0x72: {  	_ =	shalt  }
0x73: {  	_ =	shalt  }
0x74: {  	_ =	shalt  }
0x75: {  	_ =	shalt  }
0x76: {  	_ =	shalt  }
0x77: {  	_ =	shalt  }
0x78: {  	_ =	shalt  }
0x79: {  	_ =	shalt  }
0x7a: {  	_ =	shalt  }
0x7b: {  	_ =	shalt  }
0x7c: {  	_ =	shalt  }
0x7d: {  	_ =	shalt  }
0x7e: {  	_ =	shalt  }
0x7f: {  	_ =	shalt  }
0x80: {  	_ =	shalt  }
0x81: {  	_ =	shalt  }
0x82: {  	_ =	shalt  }
0x83: {  	_ =	shalt  }
0x84: {  	_ =	shalt  }
0x85: {  	_ =	shalt  }
0x86: {  	_ =	shalt  }
0x87: {  	_ =	shalt  }
.Lfunc_end0:
.L_simem_size_0:
called_computation.1_lowered:
.L_overlay_start_0:
0x88: {  	s2 =	sld [smem:$0x3FD9]  }
0x89: {  	s3 =	sld [smem:$0x3FFE];
	_ =	sdelay $0x1  }
0x8a: {  	s1 =	srdreg.scid  }
0x8b: {  	s0 =	sand.u32 $0x1, s1  }
0x8c: {  	s16 =	sshll.u32 s0, $0xA;
	s2 =	sadd.s32 s3, s2  }
0x8d: {  	s2 =	sadd.s32 s2, s16  }
0x8e: {  	[smem:$0x3FC0] =	sst s2  }
0x8f: {  	_ = 	snop  }
0x90: {  	(tm) =	ssettm $0x1  }
0x91: {  	s17 =	sld [smem:$0x3FFB];
	_ =	sdelay $0x3  }
0x92: {  	_ =	strace s17  }
0x93: {  	s2 =	sld [smem:$0x3FFC];
	_ =	sdelay $0x3  }
0x94: {  	_ =	strace s2  }
0x95: {  	s2 =	sld [smem:$0x3FFD];
	_ =	sdelay $0x3  }
0x96: {  	_ =	strace s2  }
0x97: {  	_ =	strace $0x8FFFFFFF  }
0x98: {  	s18 =	sld [smem:$0x3FDB];
	_ =	sdelay $0x1  }
0x99: {  	s19 =	simm.s32 $_scs_section_size  }
0x9a: {  	s4 =	simm.s32 $_size__tile_overlayer_lowered;
	s5 =	simm.s32 $_tile_overlayer_lowered  }
0x9b: {  	s22 =	simm.s32 $0x1BFF;
	s21 =	sshll.u32 s5, $0x1;
	s2 =	sadd.s32 s19, s18  }
0x9c: {  	s6 =	simm.s32 $0x0;
	s20 =	sshll.u32 s4, $0x1;
	s4 =	sadd.s32 s21, s2  }
0x9d: {  	[timem:s6], [sflag:s22] =	dma.local [hbm:s4], s20  }
0x9e: {  	_ =	swait.ge [sflag:s22], s20  }
0x9f: {  	s3 =	ssub.s32 $0x0, s20;
	[sflag:s22] =	ssyncset.done $0x0  }
0xa0: {  	[sflag:s22] =	ssyncadd.s32 s3;
	_ =	sdelay $0x1  }
0xa1: {  	s23 =	simm.s32 $0x1B8B  }
0xa2: {  	_ =	swait.ge [sflag:s23], $0x1  }
0xa3: {  	[sflag:s23] =	ssyncset.done $0x0  }
0xa4: {  	s25 =	simm.s32 $0x1B8E;
	s24 =	sld [smem:$0x3FFE];
	[sflag:s23] =	ssyncadd.s32 $0xFFFFFFFF  }
0xa5: {  	s26 =	simm.s32 $execute0_lowered;
	[smem:$0x3FD2] =	sst s25  }
0xa6: {  	s4 =	sshll.u32 s26, $0x1;
	_ =	strace $0x80000049;
	[dreg:$0x1] =	wrdreg $0xFFFFFFFF  }
0xa7: {  	s28 =	simm.s32 $_size_execute0_lowered;
	s2 =	sadd.s32 s2, s4;
	[dreg:$0x0] =	wrdreg $0x0  }
0xa8: {  	s4 =	sshll.u32 s28, $0x1;
	[dreg:$0x2] =	wrdreg s2  }
0xa9: {  	[dreg:$0x3] =	wrdreg s4  }
0xaa: {  	[dreg:$0x4] =	wrdreg $0xC0  }
0xab: {  	_ =	task [dreg:s6], $0x5FFFF  }
0xac: {  	[dreg:$0x1] =	wrdreg $0xFFFFFFFF  }
0xad: {  	[dreg:$0x0] =	wrdreg $0x60  }
0xae: {  	[dreg:$0x2] =	wrdreg s24  }
0xaf: {  	[dreg:$0x3] =	wrdreg $0x90000  }
0xb0: {  	[dreg:$0x4] =	wrdreg $0x9  }
0xb1: {  	_ =	task.clear_ibuf [dreg:s6], $0x5FFFF;
	_ =	strace $0x90000049  }
0xb2: {  	s29 =	simm.s32 $0x9;
	_ =	strace $0x8000004B  }
0xb3: {  	_ =	swait.ge [sflag:s29], $0x1  }
0xb4: {  	[sflag:s29] =	ssyncadd.s32 $0xFFFFFFFF  }
0xb5: {  	_ =	strace $0x9000004B  }
0xb6: {  	_ =	sfence  }
0xb7: {  	s30 =	sld [smem:$0x0];
	_ =	sdelay $0x2  }
0xb8: {  	s31 =	sshll.u32 s1, $0xD;
	s1 =	sshrl.u32 s1, $0x2  }
0xb9: {  	s3 =	sand.u32 $0x4000, s31;
	s1 =	sadd.s32 s1, s30  }
0xba: {  	s0 =	sor.u32 s3, s0;
	s1 =	sshll.u32 s1, $0x11  }
0xbb: {  	s0 =	sor.u32 s1, s0  }
0xbc: {  	s0 =	sadd.s32 $0x8F2B, s0  }
0xbd: {  	[sflag:s0] =	ssyncadd.remote.s32 $0x1  }
0xbe: {  	_ =	sfence.sel $0xFFFF  }
0xbf: {  	[dreg:$0x0] =	wrdreg $0xFFFFFFFF;
	(pc) =	sbr.abs _section_cstart, $3  }
0xc0: {  	[dreg:$0x1] =	wrdreg $0xFFFFFFFF  }
0xc1: {  	_ =	task.clear_ibuf [dreg:s6], $0x2FFFF;
	_ =	strace $0x9FFFFFFF  }
0xc2: {  	(tm) =	ssettm $0x7FFFFFFF  }
0xc3: {  	_ =	shalt  }
tec
execute0_lowered:
.L_overlay_start_1:
0x0: {  	(tag) =	ssettag $0x1  }
0x1: {  	s0 =	rddreg [dreg:$0x0]  }
0x2: {  	s2 =	rddreg [dreg:$0x1]  }
0x3: {  	s12 =	stileid.u32;
	s1 =	srdreg.scid  }
0x4: {  	s3 =	simm.s32 $0x0;
	s28 =	simm.s32 $0x3000;
	s29 =	simm.s32 $0x6800  }
0x5: {  	s30 =	simm.s32 $0x1;
	s31 =	simm.s32 $0x5;
	s5 =	smul.u32 $0x14000, s12  }
0x6: {  	s1 =	sand.u32 $0x1, s1;
	[smem:$0x7FF] =	sst s3;
	s4 =	sadd.s32 $0x2A800, s0  }
0x7: {  	s7 =	sadd.s32 $0x16800, s0;
	s9 =	sadd.s32 $0x2200, s0;
	s11 =	smul.u32 $0x50000, s12  }
0x8: {  	s10 =	sshll.u32 s12, $0x1;
	s6 =	smul.u32 $0x140000, s1;
	_ =	strace $0x8000004A  }
0x9: {  	s15 =	ssub.s32 $0x2, s1;
	s1 =	sor.u32 s1, s10;
	s8 =	sshrl.u32 s5, $0x3  }
0xa: {  	s16 =	sshrl.u32 s15, $0x1;
	s17 =	sshrl.u32 s11, $0x2;
	s10 =	smul.u32 $0x5000, s1  }
0xb: {  	s1 =	smul.u32 $0xA00, s1;
	s5 =	sadd.s32 s5, s6;
	s6 =	sadd.s32 s17, s2  }
0xc: {  	s8 =	sadd.s32 s8, s0;
	s5 =	sshrl.u32 s5, $0x3;
	[dreg:$0x3] =	wrdreg s6  }
0xd: {  	s6 =	sshll.u32 s12, $0x6;
	s8 =	sadd.s32 $0x51A00, s8;
	s19 =	sshrl.u32 s10, $0x3  }
0xe: {  	s20 =	sadd.s32 s7, s1;
	s1 =	sadd.s32 s9, s1;
	[dreg:$0x4] =	wrdreg s8  }
0xf: {  	s0 =	sadd.s32 s5, s0;
	s5 =	ssub.s32 s15, s16;
	[dreg:$0x6] =	wrdreg s20  }
0x10: {  	s18 =	sor.u32 $0x1C03, s6;
	[dreg:$0x7] =	wrdreg s1;
	s21 =	sadd.s32 $0x200, s19  }
0x11: {  	s23 =	sadd.s32 $0x400, s19;
	s25 =	sadd.s32 $0x600, s19;
	s26 =	sadd.s32 $0x800, s19  }
0x12: {  	[dreg:$0x5] =	wrdreg s18;
	s22 =	sadd.s32 s7, s21;
	s1 =	sadd.s32 s9, s21  }
0x13: {  	s24 =	sadd.s32 s7, s23;
	s14 =	sadd.s32 s9, s23;
	s15 =	sadd.s32 s7, s25  }
0x14: {  	s16 =	sadd.s32 s9, s25;
	s17 =	sadd.s32 s7, s26;
	s18 =	sadd.s32 s9, s26  }
0x15: {  	s19 =	sadd.s32 $0x79A00, s0;
	s20 =	smax.u32 s5, $0x1;
	s21 =	simm.s32 $0x2000  }
0x16: {  	s23 =	simm.s32 $0x50;
	s25 =	simm.s32 $0x3;
	[dreg:$0x8] =	wrdreg s22  }
0x17: {  	s26 =	simm.s32 $0x1000;
	s0 =	simm.s32 $0x2;
	[dreg:$0x9] =	wrdreg s1  }
0x18: {  	s5 =	simm.s32 $0x3C00;
	s7 =	simm.s32 $0x0;
	[dreg:$0xa] =	wrdreg s24  }
0x19: {  	s22 =	simm.s32 $0x4;
	s24 =	simm.s32 $0x4000;
	s1 =	simm.s32 $0x2C00  }
.LBB2_1:
0x1a: {  	s8 =	rddreg [dreg:$0x3]  }
0x1b: {  	s9 =	rddreg [dreg:$0x4]  }
0x1c: {  	s10 =	rddreg [dreg:$0x5];
	s8 =	sshrl.u32 s8, $0x3  }
0x1d: {  	[spmem:s8], [sflag:s10] =	dma.local [hbm:s9], $0x2800  }
0x1e: {  	s9 =	rddreg [dreg:$0x6]  }
0x1f: {  	[tilespmem:s3], [sflag:$0x4] =	stream.linear.gather [hbm4b:s9+s3], $0xC80, $0x38;
	[tilespmem:$0x1D000] =	vst v63  }
0x20: {  	s11 =	rddreg [dreg:$0x7]  }
0x21: {  	[tilespmem:s21], [sflag:$0x4] =	stream.linear.gather [hbm4b:s11+s3], $0xC80, $0x38;
	[tilespmem:$0x1D000] =	vst v63  }
0x22: {  	_ =	swait.ge [sflag:s22], $0xC80  }
0x23: {  	[sflag:s22] =	ssyncset.done $0x0  }
0x24: {  	[sflag:s22] =	ssyncadd.s32 $0xFFFFF380  }
0x25: {  	_ =	swait.ge [sflag:s22], $0xC80  }
0x26: {  	[sflag:s22] =	ssyncset.done $0x0  }
0x27: {  	[sflag:s22] =	ssyncadd.s32 $0xFFFFF380  }
0x28: {  	[tilespmem:s24], [sflag:$0x1] =	stream.indirect.gather [hbm4b:s4+s23], $0x80, s3, s23, $0xb8;
	[tilespmem:$0x1D000] =	vst v63  }
0x29: {  	_ =	swait.ge [sflag:s25], $0x2800  }
0x2a: {  	[sflag:s25] =	ssyncset.done $0x0  }
0x2b: {  	[sflag:s25] =	ssyncadd.s32 $0xFFFFD800  }
0x2c: {  	[bflag:$0x0] =	sbarrier.arrive $0xFFFF  }
0x2d: {  	s12 =	rddreg [dreg:$0x8]  }
0x2e: {  	[tilespmem:s26], [sflag:$0x4] =	stream.linear.gather [hbm4b:s12+s3], $0xC80, $0x38;
	[tilespmem:$0x1D000] =	vst v63  }
0x2f: {  	s13 =	rddreg [dreg:$0x9]  }
0x30: {  	[tilespmem:s28], [sflag:$0x4] =	stream.linear.gather [hbm4b:s13+s3], $0xC80, $0x38;
	[tilespmem:$0x1D000] =	vst v63  }
0x31: {  	s10 =	simm.s32 $0x80  }
0x32: {  	[tilespmem:s29], [sflag:$0x2] =	stream.indirect.gather [hbm4b:s4+s23], $0x80, s10, s23, $0xb8;
	[tilespmem:$0x1D000] =	vst v63  }
0x33: {  	_ =	swait.ge [sflag:s30], $0x2800  }
0x34: {  	[sflag:s30] =	ssyncset.done $0x0  }
0x35: {  	s11 =	simm.s32 $0x2000;
	[sflag:s30] =	ssyncadd.s32 $0xFFFFD800  }
0x36: {  	[spmem:s2] =	stream.indirect.scatter.add.f32 [tilespmem:s24], [sflag:$0x5], $0x80, s11, s23, $0xb8;
	[tilespmem:$0x1D000] =	vst v63  }
0x37: {  	_ =	swait.ge [sflag:s31], $0x2800  }
0x38: {  	[sflag:s31] =	ssyncset.done $0x0  }
0x39: {  	s12 =	simm.s32 $0x100;
	[sflag:s31] =	ssyncadd.s32 $0xFFFFD800  }
0x3a: {  	[tilespmem:s24], [sflag:$0x1] =	stream.indirect.gather [hbm4b:s4+s23], $0x80, s12, s23, $0xb8;
	[tilespmem:$0x1D000] =	vst v63  }
0x3b: {  	_ =	swait.ge [sflag:s0], $0x2800  }
0x3c: {  	[sflag:s0] =	ssyncset.done $0x0  }
0x3d: {  	s13 =	simm.s32 $0x2080;
	[sflag:s0] =	ssyncadd.s32 $0xFFFFD800  }
0x3e: {  	[spmem:s2] =	stream.indirect.scatter.add.f32 [tilespmem:s29], [sflag:$0x5], $0x80, s13, s23, $0xb8;
	[tilespmem:$0x1D000] =	vst v63  }
0x3f: {  	_ =	swait.ge [sflag:s31], $0x2800  }
0x40: {  	s9 =	simm.s32 $0x100;
	s10 =	simm.s32 $0x800;
	[sflag:s31] =	ssyncset.done $0x0  }
.LBB2_2:
0x41: {  	s11 =	sadd.s32 $0x80, s9  }
0x42: {  	[sflag:s31] =	ssyncadd.s32 $0xFFFFD800;
	s12 =	smov.u32 s10;
	s13 =	sadd.s32 $0x400, s10  }
0x43: {  	[tilespmem:s29], [sflag:$0x2] =	stream.indirect.gather [hbm4b:s4+s23], $0x80, s11, s23, $0xb8;
	[tilespmem:$0x1D000] =	vst v63  }
0x44: {  	p0 =	sne.s32 s10, $0x2C00;
	_ =	swait.ge [sflag:s30], $0x2800  }
0x45: {  	[sflag:s30] =	ssyncset.done $0x0  }
0x46: {  	s10 =	sadd.s32 $0x2000, s9;
	[sflag:s30] =	ssyncadd.s32 $0xFFFFD800  }
0x47: {  	[spmem:s2] =	stream.indirect.scatter.add.f32 [tilespmem:s24], [sflag:$0x5], $0x80, s10, s23, $0xb8;
	[tilespmem:$0x1D000] =	vst v63  }
0x48: {  	_ =	swait.ge [sflag:s31], $0x2800  }
0x49: {  	[sflag:s31] =	ssyncset.done $0x0  }
0x4a: {  	s10 =	sadd.s32 $0x100, s9;
	[sflag:s31] =	ssyncadd.s32 $0xFFFFD800  }
0x4b: {  	[tilespmem:s24], [sflag:$0x1] =	stream.indirect.gather [hbm4b:s4+s23], $0x80, s10, s23, $0xb8;
	[tilespmem:$0x1D000] =	vst v63  }
0x4c: {  	_ =	swait.ge [sflag:s0], $0x2800  }
.Ltmp0:
0x4d: {  	[sflag:s0] =	ssyncset.done $0x0;
	(pc) =	sbr.rel @p0 .LBB2_2-.Ltmp0, $4  }
0x4e: {  	s9 =	sadd.s32 $0x2080, s9;
	[sflag:s0] =	ssyncadd.s32 $0xFFFFD800  }
0x4f: {  	[spmem:s2] =	stream.indirect.scatter.add.f32 [tilespmem:s29], [sflag:$0x5], $0x80, s9, s23, $0xb8;
	[tilespmem:$0x1D000] =	vst v63  }
0x50: {  	_ =	swait.ge [sflag:s31], $0x2800  }
0x51: {  	s10 =	smov.u32 s13;
	s9 =	sshra.s32 s12, $0x2;
	[sflag:s31] =	ssyncset.done $0x0  }
0x52: {  	s10 =	sadd.s32 $0x80, s9;
	[sflag:s31] =	ssyncadd.s32 $0xFFFFD800  }
0x53: {  	[tilespmem:s29], [sflag:$0x2] =	stream.indirect.gather [hbm4b:s4+s23], $0x80, s10, s23, $0xb8;
	[tilespmem:$0x1D000] =	vst v63  }
0x54: {  	_ =	swait.ge [sflag:s30], $0x2800  }
0x55: {  	[sflag:s30] =	ssyncset.done $0x0  }
0x56: {  	s13 =	sadd.s32 $0x2000, s9;
	[sflag:s30] =	ssyncadd.s32 $0xFFFFD800  }
0x57: {  	[spmem:s2] =	stream.indirect.scatter.add.f32 [tilespmem:s24], [sflag:$0x5], $0x80, s13, s23, $0xb8;
	[tilespmem:$0x1D000] =	vst v63  }
0x58: {  	_ =	swait.ge [sflag:s31], $0x2800  }
0x59: {  	[sflag:s31] =	ssyncset.done $0x0  }
0x5a: {  	s11 =	sadd.s32 $0x100, s9;
	[sflag:s31] =	ssyncadd.s32 $0xFFFFD800  }
0x5b: {  	[tilespmem:s24], [sflag:$0x1] =	stream.indirect.gather [hbm4b:s4+s23], $0x80, s11, s23, $0xb8;
	[tilespmem:$0x1D000] =	vst v63  }
0x5c: {  	_ =	swait.ge [sflag:s0], $0x2800  }
0x5d: {  	[sflag:s0] =	ssyncset.done $0x0  }
0x5e: {  	s12 =	sadd.s32 $0x2080, s9;
	[sflag:s0] =	ssyncadd.s32 $0xFFFFD800  }
0x5f: {  	[spmem:s2] =	stream.indirect.scatter.add.f32 [tilespmem:s29], [sflag:$0x5], $0x80, s12, s23, $0xb8;
	[tilespmem:$0x1D000] =	vst v63  }
0x60: {  	_ =	swait.ge [sflag:s31], $0x2800  }
0x61: {  	[sflag:s31] =	ssyncset.done $0x0  }
0x62: {  	[sflag:s31] =	ssyncadd.s32 $0xFFFFD800  }
0x63: {  	_ =	swait.ge [sflag:s22], $0xC80  }
0x64: {  	[sflag:s22] =	ssyncset.done $0x0  }
0x65: {  	[sflag:s22] =	ssyncadd.s32 $0xFFFFF380  }
0x66: {  	_ =	swait.ge [sflag:s22], $0xC80  }
0x67: {  	[sflag:s22] =	ssyncset.done $0x0  }
0x68: {  	[sflag:s22] =	ssyncadd.s32 $0xFFFFF380  }
0x69: {  	[tilespmem:s29], [sflag:$0x2] =	stream.indirect.gather [hbm4b:s4+s23], $0x80, s26, s23, $0xb8;
	[tilespmem:$0x1D000] =	vst v63  }
0x6a: {  	_ =	swait.ge [sflag:s30], $0x2800  }
0x6b: {  	[sflag:s30] =	ssyncset.done $0x0  }
0x6c: {  	[sflag:s30] =	ssyncadd.s32 $0xFFFFD800  }
0x6d: {  	[spmem:s2] =	stream.indirect.scatter.add.f32 [tilespmem:s24], [sflag:$0x5], $0x80, s1, s23, $0xb8;
	[tilespmem:$0x1D000] =	vst v63  }
0x6e: {  	_ =	swait.ge [sflag:s31], $0x2800  }
0x6f: {  	[sflag:s31] =	ssyncset.done $0x0  }
0x70: {  	s13 =	rddreg [dreg:$0xa];
	[sflag:s31] =	ssyncadd.s32 $0xFFFFD800  }
0x71: {  	[tilespmem:s3], [sflag:$0x4] =	stream.linear.gather [hbm4b:s13+s3], $0xC80, $0x38;
	[tilespmem:$0x1D000] =	vst v63  }
0x72: {  	_ = 	snop  }
0x73: {  	[tilespmem:s21], [sflag:$0x4] =	stream.linear.gather [hbm4b:s14+s3], $0xC80, $0x38;
	[tilespmem:$0x1D000] =	vst v63  }
0x74: {  	s10 =	simm.s32 $0x1080  }
0x75: {  	[tilespmem:s24], [sflag:$0x1] =	stream.indirect.gather [hbm4b:s4+s23], $0x80, s10, s23, $0xb8;
	[tilespmem:$0x1D000] =	vst v63  }
0x76: {  	_ =	swait.ge [sflag:s0], $0x2800  }
0x77: {  	[sflag:s0] =	ssyncset.done $0x0  }
0x78: {  	s11 =	simm.s32 $0x3000;
	[sflag:s0] =	ssyncadd.s32 $0xFFFFD800  }
0x79: {  	[spmem:s2] =	stream.indirect.scatter.add.f32 [tilespmem:s29], [sflag:$0x5], $0x80, s11, s23, $0xb8;
	[tilespmem:$0x1D000] =	vst v63  }
0x7a: {  	_ =	swait.ge [sflag:s31], $0x2800  }
0x7b: {  	[sflag:s31] =	ssyncset.done $0x0  }
0x7c: {  	s12 =	simm.s32 $0x1100;
	[sflag:s31] =	ssyncadd.s32 $0xFFFFD800  }
0x7d: {  	[tilespmem:s29], [sflag:$0x2] =	stream.indirect.gather [hbm4b:s4+s23], $0x80, s12, s23, $0xb8;
	[tilespmem:$0x1D000] =	vst v63  }
0x7e: {  	_ =	swait.ge [sflag:s30], $0x2800  }
0x7f: {  	[sflag:s30] =	ssyncset.done $0x0  }
0x80: {  	s13 =	simm.s32 $0x3080;
	[sflag:s30] =	ssyncadd.s32 $0xFFFFD800  }
0x81: {  	[spmem:s2] =	stream.indirect.scatter.add.f32 [tilespmem:s24], [sflag:$0x5], $0x80, s13, s23, $0xb8;
	[tilespmem:$0x1D000] =	vst v63  }
0x82: {  	_ =	swait.ge [sflag:s31], $0x2800  }
0x83: {  	s9 =	simm.s32 $0xFFFFF500;
	s10 =	simm.s32 $0xFFFFD800;
	[sflag:s31] =	ssyncset.done $0x0  }
.LBB2_4:
0x84: {  	s11 =	sadd.s32 $0x1C80, s9  }
0x85: {  	[sflag:s31] =	ssyncadd.s32 $0xFFFFD800;
	s12 =	smov.u32 s10;
	s13 =	sadd.s32 $0x400, s10  }
0x86: {  	[tilespmem:s24], [sflag:$0x1] =	stream.indirect.gather [hbm4b:s4+s23], $0x80, s11, s23, $0xb8;
	[tilespmem:$0x1D000] =	vst v63  }
0x87: {  	p0 =	sne.s32 s10, $0xFFFFFC00;
	_ =	swait.ge [sflag:s0], $0x2800  }
0x88: {  	[sflag:s0] =	ssyncset.done $0x0  }
0x89: {  	s10 =	sadd.s32 $0x3C00, s9;
	[sflag:s0] =	ssyncadd.s32 $0xFFFFD800  }
0x8a: {  	[spmem:s2] =	stream.indirect.scatter.add.f32 [tilespmem:s29], [sflag:$0x5], $0x80, s10, s23, $0xb8;
	[tilespmem:$0x1D000] =	vst v63  }
0x8b: {  	_ =	swait.ge [sflag:s31], $0x2800  }
0x8c: {  	[sflag:s31] =	ssyncset.done $0x0  }
0x8d: {  	s10 =	sadd.s32 $0x1D00, s9;
	[sflag:s31] =	ssyncadd.s32 $0xFFFFD800  }
0x8e: {  	[tilespmem:s29], [sflag:$0x2] =	stream.indirect.gather [hbm4b:s4+s23], $0x80, s10, s23, $0xb8;
	[tilespmem:$0x1D000] =	vst v63  }
0x8f: {  	_ =	swait.ge [sflag:s30], $0x2800  }
.Ltmp1:
0x90: {  	[sflag:s30] =	ssyncset.done $0x0;
	(pc) =	sbr.rel @p0 .LBB2_4-.Ltmp1, $4  }
0x91: {  	s9 =	sadd.s32 $0x3C80, s9;
	[sflag:s30] =	ssyncadd.s32 $0xFFFFD800  }
0x92: {  	[spmem:s2] =	stream.indirect.scatter.add.f32 [tilespmem:s24], [sflag:$0x5], $0x80, s9, s23, $0xb8;
	[tilespmem:$0x1D000] =	vst v63  }
0x93: {  	_ =	swait.ge [sflag:s31], $0x2800  }
0x94: {  	s10 =	smov.u32 s13;
	s9 =	sshra.s32 s12, $0x2;
	[sflag:s31] =	ssyncset.done $0x0  }
0x95: {  	s10 =	sadd.s32 $0x1C80, s9;
	[sflag:s31] =	ssyncadd.s32 $0xFFFFD800  }
0x96: {  	[tilespmem:s24], [sflag:$0x1] =	stream.indirect.gather [hbm4b:s4+s23], $0x80, s10, s23, $0xb8;
	[tilespmem:$0x1D000] =	vst v63  }
0x97: {  	_ =	swait.ge [sflag:s0], $0x2800  }
0x98: {  	[sflag:s0] =	ssyncset.done $0x0  }
0x99: {  	s13 =	sadd.s32 $0x3C00, s9;
	[sflag:s0] =	ssyncadd.s32 $0xFFFFD800  }
0x9a: {  	[spmem:s2] =	stream.indirect.scatter.add.f32 [tilespmem:s29], [sflag:$0x5], $0x80, s13, s23, $0xb8;
	[tilespmem:$0x1D000] =	vst v63  }
0x9b: {  	_ =	swait.ge [sflag:s31], $0x2800  }
0x9c: {  	[sflag:s31] =	ssyncset.done $0x0  }
0x9d: {  	s11 =	sadd.s32 $0x1D00, s9;
	[sflag:s31] =	ssyncadd.s32 $0xFFFFD800  }
0x9e: {  	[tilespmem:s29], [sflag:$0x2] =	stream.indirect.gather [hbm4b:s4+s23], $0x80, s11, s23, $0xb8;
	[tilespmem:$0x1D000] =	vst v63  }
0x9f: {  	_ =	swait.ge [sflag:s30], $0x2800  }
0xa0: {  	[sflag:s30] =	ssyncset.done $0x0  }
0xa1: {  	s12 =	sadd.s32 $0x3C80, s9;
	[sflag:s30] =	ssyncadd.s32 $0xFFFFD800  }
0xa2: {  	[spmem:s2] =	stream.indirect.scatter.add.f32 [tilespmem:s24], [sflag:$0x5], $0x80, s12, s23, $0xb8;
	[tilespmem:$0x1D000] =	vst v63  }
0xa3: {  	_ =	swait.ge [sflag:s31], $0x2800  }
0xa4: {  	[sflag:s31] =	ssyncset.done $0x0  }
0xa5: {  	[sflag:s31] =	ssyncadd.s32 $0xFFFFD800  }
0xa6: {  	_ =	swait.ge [sflag:s22], $0xC80  }
0xa7: {  	[sflag:s22] =	ssyncset.done $0x0  }
0xa8: {  	[sflag:s22] =	ssyncadd.s32 $0xFFFFF380  }
0xa9: {  	_ =	swait.ge [sflag:s22], $0xC80  }
0xaa: {  	[sflag:s22] =	ssyncset.done $0x0  }
0xab: {  	s13 =	simm.s32 $0x0;
	[sflag:s22] =	ssyncadd.s32 $0xFFFFF380  }
0xac: {  	[tilespmem:s24], [sflag:$0x1] =	stream.indirect.gather [hbm4b:s4+s23], $0x80, s13, s23, $0xb8;
	[tilespmem:$0x1D000] =	vst v63  }
0xad: {  	_ =	swait.ge [sflag:s0], $0x2800  }
0xae: {  	[sflag:s0] =	ssyncset.done $0x0  }
0xaf: {  	[sflag:s0] =	ssyncadd.s32 $0xFFFFD800  }
0xb0: {  	[spmem:s2] =	stream.indirect.scatter.add.f32 [tilespmem:s29], [sflag:$0x5], $0x80, s5, s23, $0xb8;
	[tilespmem:$0x1D000] =	vst v63  }
0xb1: {  	_ =	swait.ge [sflag:s31], $0x2800  }
0xb2: {  	[sflag:s31] =	ssyncset.done $0x0  }
0xb3: {  	[sflag:s31] =	ssyncadd.s32 $0xFFFFD800  }
0xb4: {  	[tilespmem:s26], [sflag:$0x4] =	stream.linear.gather [hbm4b:s15+s13], $0xC80, $0x38;
	[tilespmem:$0x1D000] =	vst v63  }
0xb5: {  	_ = 	snop  }
0xb6: {  	[tilespmem:s28], [sflag:$0x4] =	stream.linear.gather [hbm4b:s16+s13], $0xC80, $0x38;
	[tilespmem:$0x1D000] =	vst v63  }
0xb7: {  	s10 =	simm.s32 $0x80  }
0xb8: {  	[tilespmem:s29], [sflag:$0x2] =	stream.indirect.gather [hbm4b:s4+s23], $0x80, s10, s23, $0xb8;
	[tilespmem:$0x1D000] =	vst v63  }
0xb9: {  	_ =	swait.ge [sflag:s30], $0x2800  }
0xba: {  	[sflag:s30] =	ssyncset.done $0x0  }
0xbb: {  	s11 =	simm.s32 $0x2000;
	[sflag:s30] =	ssyncadd.s32 $0xFFFFD800  }
0xbc: {  	[spmem:s2] =	stream.indirect.scatter.add.f32 [tilespmem:s24], [sflag:$0x5], $0x80, s11, s23, $0xb8;
	[tilespmem:$0x1D000] =	vst v63  }
0xbd: {  	_ =	swait.ge [sflag:s31], $0x2800  }
0xbe: {  	[sflag:s31] =	ssyncset.done $0x0  }
0xbf: {  	s12 =	simm.s32 $0x100;
	[sflag:s31] =	ssyncadd.s32 $0xFFFFD800  }
0xc0: {  	[tilespmem:s24], [sflag:$0x1] =	stream.indirect.gather [hbm4b:s4+s23], $0x80, s12, s23, $0xb8;
	[tilespmem:$0x1D000] =	vst v63  }
0xc1: {  	_ =	swait.ge [sflag:s0], $0x2800  }
0xc2: {  	[sflag:s0] =	ssyncset.done $0x0  }
0xc3: {  	s13 =	simm.s32 $0x2080;
	[sflag:s0] =	ssyncadd.s32 $0xFFFFD800  }
0xc4: {  	[spmem:s2] =	stream.indirect.scatter.add.f32 [tilespmem:s29], [sflag:$0x5], $0x80, s13, s23, $0xb8;
	[tilespmem:$0x1D000] =	vst v63  }
0xc5: {  	_ =	swait.ge [sflag:s31], $0x2800  }
0xc6: {  	s9 =	simm.s32 $0x100;
	s10 =	simm.s32 $0x800;
	[sflag:s31] =	ssyncset.done $0x0  }
.LBB2_6:
0xc7: {  	s11 =	sadd.s32 $0x80, s9  }
0xc8: {  	[sflag:s31] =	ssyncadd.s32 $0xFFFFD800;
	s12 =	smov.u32 s10;
	s13 =	sadd.s32 $0x400, s10  }
0xc9: {  	[tilespmem:s29], [sflag:$0x2] =	stream.indirect.gather [hbm4b:s4+s23], $0x80, s11, s23, $0xb8;
	[tilespmem:$0x1D000] =	vst v63  }
0xca: {  	p0 =	sne.s32 s10, $0x2C00;
	_ =	swait.ge [sflag:s30], $0x2800  }
0xcb: {  	[sflag:s30] =	ssyncset.done $0x0  }
0xcc: {  	s10 =	sadd.s32 $0x2000, s9;
	[sflag:s30] =	ssyncadd.s32 $0xFFFFD800  }
0xcd: {  	[spmem:s2] =	stream.indirect.scatter.add.f32 [tilespmem:s24], [sflag:$0x5], $0x80, s10, s23, $0xb8;
	[tilespmem:$0x1D000] =	vst v63  }
0xce: {  	_ =	swait.ge [sflag:s31], $0x2800  }
0xcf: {  	[sflag:s31] =	ssyncset.done $0x0  }
0xd0: {  	s10 =	sadd.s32 $0x100, s9;
	[sflag:s31] =	ssyncadd.s32 $0xFFFFD800  }
0xd1: {  	[tilespmem:s24], [sflag:$0x1] =	stream.indirect.gather [hbm4b:s4+s23], $0x80, s10, s23, $0xb8;
	[tilespmem:$0x1D000] =	vst v63  }
0xd2: {  	_ =	swait.ge [sflag:s0], $0x2800  }
.Ltmp2:
0xd3: {  	[sflag:s0] =	ssyncset.done $0x0;
	(pc) =	sbr.rel @p0 .LBB2_6-.Ltmp2, $4  }
0xd4: {  	s9 =	sadd.s32 $0x2080, s9;
	[sflag:s0] =	ssyncadd.s32 $0xFFFFD800  }
0xd5: {  	[spmem:s2] =	stream.indirect.scatter.add.f32 [tilespmem:s29], [sflag:$0x5], $0x80, s9, s23, $0xb8;
	[tilespmem:$0x1D000] =	vst v63  }
0xd6: {  	_ =	swait.ge [sflag:s31], $0x2800  }
0xd7: {  	s10 =	smov.u32 s13;
	s9 =	sshra.s32 s12, $0x2;
	[sflag:s31] =	ssyncset.done $0x0  }
0xd8: {  	s10 =	sadd.s32 $0x80, s9;
	[sflag:s31] =	ssyncadd.s32 $0xFFFFD800  }
0xd9: {  	[tilespmem:s29], [sflag:$0x2] =	stream.indirect.gather [hbm4b:s4+s23], $0x80, s10, s23, $0xb8;
	[tilespmem:$0x1D000] =	vst v63  }
0xda: {  	_ =	swait.ge [sflag:s30], $0x2800  }
0xdb: {  	[sflag:s30] =	ssyncset.done $0x0  }
0xdc: {  	s11 =	sadd.s32 $0x2000, s9;
	[sflag:s30] =	ssyncadd.s32 $0xFFFFD800  }
0xdd: {  	[spmem:s2] =	stream.indirect.scatter.add.f32 [tilespmem:s24], [sflag:$0x5], $0x80, s11, s23, $0xb8;
	[tilespmem:$0x1D000] =	vst v63  }
0xde: {  	_ =	swait.ge [sflag:s31], $0x2800  }
0xdf: {  	[sflag:s31] =	ssyncset.done $0x0  }
0xe0: {  	s12 =	sadd.s32 $0x100, s9;
	[sflag:s31] =	ssyncadd.s32 $0xFFFFD800  }
0xe1: {  	[tilespmem:s24], [sflag:$0x1] =	stream.indirect.gather [hbm4b:s4+s23], $0x80, s12, s23, $0xb8;
	[tilespmem:$0x1D000] =	vst v63  }
0xe2: {  	_ =	swait.ge [sflag:s0], $0x2800  }
0xe3: {  	[sflag:s0] =	ssyncset.done $0x0  }
0xe4: {  	s13 =	sadd.s32 $0x2080, s9;
	[sflag:s0] =	ssyncadd.s32 $0xFFFFD800  }
0xe5: {  	[spmem:s2] =	stream.indirect.scatter.add.f32 [tilespmem:s29], [sflag:$0x5], $0x80, s13, s23, $0xb8;
	[tilespmem:$0x1D000] =	vst v63  }
0xe6: {  	_ =	swait.ge [sflag:s31], $0x2800  }
0xe7: {  	[sflag:s31] =	ssyncset.done $0x0  }
0xe8: {  	[sflag:s31] =	ssyncadd.s32 $0xFFFFD800  }
0xe9: {  	_ =	swait.ge [sflag:s22], $0xC80  }
0xea: {  	[sflag:s22] =	ssyncset.done $0x0  }
0xeb: {  	[sflag:s22] =	ssyncadd.s32 $0xFFFFF380  }
0xec: {  	_ =	swait.ge [sflag:s22], $0xC80  }
0xed: {  	[sflag:s22] =	ssyncset.done $0x0  }
0xee: {  	[sflag:s22] =	ssyncadd.s32 $0xFFFFF380  }
0xef: {  	[tilespmem:s29], [sflag:$0x2] =	stream.indirect.gather [hbm4b:s4+s23], $0x80, s26, s23, $0xb8;
	[tilespmem:$0x1D000] =	vst v63  }
0xf0: {  	_ =	swait.ge [sflag:s30], $0x2800  }
0xf1: {  	[sflag:s30] =	ssyncset.done $0x0  }
0xf2: {  	[sflag:s30] =	ssyncadd.s32 $0xFFFFD800  }
0xf3: {  	[spmem:s2] =	stream.indirect.scatter.add.f32 [tilespmem:s24], [sflag:$0x5], $0x80, s1, s23, $0xb8;
	[tilespmem:$0x1D000] =	vst v63  }
0xf4: {  	_ =	swait.ge [sflag:s31], $0x2800  }
0xf5: {  	[sflag:s31] =	ssyncset.done $0x0  }
0xf6: {  	[sflag:s31] =	ssyncadd.s32 $0xFFFFD800  }
0xf7: {  	[tilespmem:s3], [sflag:$0x4] =	stream.linear.gather [hbm4b:s17+s3], $0xC80, $0x38;
	[tilespmem:$0x1D000] =	vst v63  }
0xf8: {  	_ = 	snop  }
0xf9: {  	[tilespmem:s21], [sflag:$0x4] =	stream.linear.gather [hbm4b:s18+s3], $0xC80, $0x38;
	[tilespmem:$0x1D000] =	vst v63  }
0xfa: {  	s10 =	simm.s32 $0x1080  }
0xfb: {  	[tilespmem:s24], [sflag:$0x1] =	stream.indirect.gather [hbm4b:s4+s23], $0x80, s10, s23, $0xb8;
	[tilespmem:$0x1D000] =	vst v63  }
0xfc: {  	_ =	swait.ge [sflag:s0], $0x2800  }
0xfd: {  	[sflag:s0] =	ssyncset.done $0x0  }
0xfe: {  	s11 =	simm.s32 $0x3000;
	[sflag:s0] =	ssyncadd.s32 $0xFFFFD800  }
0xff: {  	[spmem:s2] =	stream.indirect.scatter.add.f32 [tilespmem:s29], [sflag:$0x5], $0x80, s11, s23, $0xb8;
	[tilespmem:$0x1D000] =	vst v63  }
0x100: {  	_ =	swait.ge [sflag:s31], $0x2800  }
0x101: {  	[sflag:s31] =	ssyncset.done $0x0  }
0x102: {  	s12 =	simm.s32 $0x1100;
	[sflag:s31] =	ssyncadd.s32 $0xFFFFD800  }
0x103: {  	[tilespmem:s29], [sflag:$0x2] =	stream.indirect.gather [hbm4b:s4+s23], $0x80, s12, s23, $0xb8;
	[tilespmem:$0x1D000] =	vst v63  }
0x104: {  	_ =	swait.ge [sflag:s30], $0x2800  }
0x105: {  	[sflag:s30] =	ssyncset.done $0x0  }
0x106: {  	s13 =	simm.s32 $0x3080;
	[sflag:s30] =	ssyncadd.s32 $0xFFFFD800  }
0x107: {  	[spmem:s2] =	stream.indirect.scatter.add.f32 [tilespmem:s24], [sflag:$0x5], $0x80, s13, s23, $0xb8;
	[tilespmem:$0x1D000] =	vst v63  }
0x108: {  	_ =	swait.ge [sflag:s31], $0x2800  }
0x109: {  	s9 =	simm.s32 $0xFFFFF500;
	s10 =	simm.s32 $0xFFFFD800;
	[sflag:s31] =	ssyncset.done $0x0  }
.LBB2_8:
0x10a: {  	s11 =	sadd.s32 $0x1C80, s9  }
0x10b: {  	[sflag:s31] =	ssyncadd.s32 $0xFFFFD800;
	s12 =	smov.u32 s10;
	s13 =	sadd.s32 $0x400, s10  }
0x10c: {  	[tilespmem:s24], [sflag:$0x1] =	stream.indirect.gather [hbm4b:s4+s23], $0x80, s11, s23, $0xb8;
	[tilespmem:$0x1D000] =	vst v63  }
0x10d: {  	p0 =	sne.s32 s10, $0xFFFFFC00;
	_ =	swait.ge [sflag:s0], $0x2800  }
0x10e: {  	[sflag:s0] =	ssyncset.done $0x0  }
0x10f: {  	s10 =	sadd.s32 $0x3C00, s9;
	[sflag:s0] =	ssyncadd.s32 $0xFFFFD800  }
0x110: {  	[spmem:s2] =	stream.indirect.scatter.add.f32 [tilespmem:s29], [sflag:$0x5], $0x80, s10, s23, $0xb8;
	[tilespmem:$0x1D000] =	vst v63  }
0x111: {  	_ =	swait.ge [sflag:s31], $0x2800  }
0x112: {  	[sflag:s31] =	ssyncset.done $0x0  }
0x113: {  	s10 =	sadd.s32 $0x1D00, s9;
	[sflag:s31] =	ssyncadd.s32 $0xFFFFD800  }
0x114: {  	[tilespmem:s29], [sflag:$0x2] =	stream.indirect.gather [hbm4b:s4+s23], $0x80, s10, s23, $0xb8;
	[tilespmem:$0x1D000] =	vst v63  }
0x115: {  	_ =	swait.ge [sflag:s30], $0x2800  }
.Ltmp3:
0x116: {  	[sflag:s30] =	ssyncset.done $0x0;
	(pc) =	sbr.rel @p0 .LBB2_8-.Ltmp3, $4  }
0x117: {  	s9 =	sadd.s32 $0x3C80, s9;
	[sflag:s30] =	ssyncadd.s32 $0xFFFFD800  }
0x118: {  	[spmem:s2] =	stream.indirect.scatter.add.f32 [tilespmem:s24], [sflag:$0x5], $0x80, s9, s23, $0xb8;
	[tilespmem:$0x1D000] =	vst v63  }
0x119: {  	_ =	swait.ge [sflag:s31], $0x2800  }
0x11a: {  	s10 =	smov.u32 s13;
	s9 =	sshra.s32 s12, $0x2;
	[sflag:s31] =	ssyncset.done $0x0  }
0x11b: {  	s10 =	sadd.s32 $0x1C80, s9;
	[sflag:s31] =	ssyncadd.s32 $0xFFFFD800  }
0x11c: {  	[tilespmem:s24], [sflag:$0x1] =	stream.indirect.gather [hbm4b:s4+s23], $0x80, s10, s23, $0xb8;
	[tilespmem:$0x1D000] =	vst v63  }
0x11d: {  	_ =	swait.ge [sflag:s0], $0x2800  }
0x11e: {  	[sflag:s0] =	ssyncset.done $0x0  }
0x11f: {  	s13 =	sadd.s32 $0x3C00, s9;
	[sflag:s0] =	ssyncadd.s32 $0xFFFFD800  }
0x120: {  	[spmem:s2] =	stream.indirect.scatter.add.f32 [tilespmem:s29], [sflag:$0x5], $0x80, s13, s23, $0xb8;
	[tilespmem:$0x1D000] =	vst v63  }
0x121: {  	_ =	swait.ge [sflag:s31], $0x2800  }
0x122: {  	[sflag:s31] =	ssyncset.done $0x0  }
0x123: {  	s11 =	sadd.s32 $0x1D00, s9;
	[sflag:s31] =	ssyncadd.s32 $0xFFFFD800  }
0x124: {  	[tilespmem:s29], [sflag:$0x2] =	stream.indirect.gather [hbm4b:s4+s23], $0x80, s11, s23, $0xb8;
	[tilespmem:$0x1D000] =	vst v63  }
0x125: {  	_ =	swait.ge [sflag:s30], $0x2800  }
0x126: {  	[sflag:s30] =	ssyncset.done $0x0  }
0x127: {  	s12 =	sadd.s32 $0x3C80, s9;
	[sflag:s30] =	ssyncadd.s32 $0xFFFFD800  }
0x128: {  	[spmem:s2] =	stream.indirect.scatter.add.f32 [tilespmem:s24], [sflag:$0x5], $0x80, s12, s23, $0xb8;
	[tilespmem:$0x1D000] =	vst v63  }
0x129: {  	_ =	swait.ge [sflag:s31], $0x2800  }
0x12a: {  	[sflag:s31] =	ssyncset.done $0x0  }
0x12b: {  	[sflag:s31] =	ssyncadd.s32 $0xFFFFD800  }
0x12c: {  	_ =	swait.ge [sflag:s22], $0xC80  }
0x12d: {  	[sflag:s22] =	ssyncset.done $0x0  }
0x12e: {  	[sflag:s22] =	ssyncadd.s32 $0xFFFFF380  }
0x12f: {  	_ =	swait.ge [sflag:s22], $0xC80  }
0x130: {  	[sflag:s22] =	ssyncset.done $0x0  }
0x131: {  	s13 =	simm.s32 $0x0;
	[sflag:s22] =	ssyncadd.s32 $0xFFFFF380  }
0x132: {  	[tilespmem:s24], [sflag:$0x1] =	stream.indirect.gather [hbm4b:s4+s23], $0x80, s13, s23, $0xb8;
	[tilespmem:$0x1D000] =	vst v63  }
0x133: {  	_ =	swait.ge [sflag:s0], $0x2800  }
0x134: {  	[sflag:s0] =	ssyncset.done $0x0  }
0x135: {  	[sflag:s0] =	ssyncadd.s32 $0xFFFFD800  }
0x136: {  	[spmem:s2] =	stream.indirect.scatter.add.f32 [tilespmem:s29], [sflag:$0x5], $0x80, s5, s23, $0xb8;
	[tilespmem:$0x1D000] =	vst v63  }
0x137: {  	_ =	swait.ge [sflag:s31], $0x2800  }
0x138: {  	[sflag:s31] =	ssyncset.done $0x0  }
0x139: {  	s10 =	simm.s32 $0x80;
	[sflag:s31] =	ssyncadd.s32 $0xFFFFD800  }
0x13a: {  	[tilespmem:s29], [sflag:$0x2] =	stream.indirect.gather [hbm4b:s4+s23], $0x80, s10, s23, $0xb8;
	[tilespmem:$0x1D000] =	vst v63  }
0x13b: {  	_ =	swait.ge [sflag:s30], $0x2800  }
0x13c: {  	[sflag:s30] =	ssyncset.done $0x0  }
0x13d: {  	s11 =	simm.s32 $0x2000;
	[sflag:s30] =	ssyncadd.s32 $0xFFFFD800  }
0x13e: {  	[spmem:s2] =	stream.indirect.scatter.add.f32 [tilespmem:s24], [sflag:$0x5], $0x80, s11, s23, $0xb8;
	[tilespmem:$0x1D000] =	vst v63  }
0x13f: {  	_ =	swait.ge [sflag:s31], $0x2800  }
0x140: {  	[sflag:s31] =	ssyncset.done $0x0  }
0x141: {  	s12 =	simm.s32 $0x100;
	[sflag:s31] =	ssyncadd.s32 $0xFFFFD800  }
0x142: {  	[tilespmem:s24], [sflag:$0x1] =	stream.indirect.gather [hbm4b:s4+s23], $0x80, s12, s23, $0xb8;
	[tilespmem:$0x1D000] =	vst v63  }
0x143: {  	_ =	swait.ge [sflag:s0], $0x2800  }
0x144: {  	[sflag:s0] =	ssyncset.done $0x0  }
0x145: {  	s13 =	simm.s32 $0x2080;
	[sflag:s0] =	ssyncadd.s32 $0xFFFFD800  }
0x146: {  	[spmem:s2] =	stream.indirect.scatter.add.f32 [tilespmem:s29], [sflag:$0x5], $0x80, s13, s23, $0xb8;
	[tilespmem:$0x1D000] =	vst v63  }
0x147: {  	_ =	swait.ge [sflag:s31], $0x2800  }
0x148: {  	s9 =	simm.s32 $0x100;
	s10 =	simm.s32 $0x800;
	[sflag:s31] =	ssyncset.done $0x0  }
.LBB2_10:
0x149: {  	s11 =	sadd.s32 $0x80, s9  }
0x14a: {  	[sflag:s31] =	ssyncadd.s32 $0xFFFFD800;
	s12 =	smov.u32 s10;
	s13 =	sadd.s32 $0x400, s10  }
0x14b: {  	[tilespmem:s29], [sflag:$0x2] =	stream.indirect.gather [hbm4b:s4+s23], $0x80, s11, s23, $0xb8;
	[tilespmem:$0x1D000] =	vst v63  }
0x14c: {  	p0 =	sne.s32 s10, $0x2C00;
	_ =	swait.ge [sflag:s30], $0x2800  }
0x14d: {  	[sflag:s30] =	ssyncset.done $0x0  }
0x14e: {  	s10 =	sadd.s32 $0x2000, s9;
	[sflag:s30] =	ssyncadd.s32 $0xFFFFD800  }
0x14f: {  	[spmem:s2] =	stream.indirect.scatter.add.f32 [tilespmem:s24], [sflag:$0x5], $0x80, s10, s23, $0xb8;
	[tilespmem:$0x1D000] =	vst v63  }
0x150: {  	_ =	swait.ge [sflag:s31], $0x2800  }
0x151: {  	[sflag:s31] =	ssyncset.done $0x0  }
0x152: {  	s10 =	sadd.s32 $0x100, s9;
	[sflag:s31] =	ssyncadd.s32 $0xFFFFD800  }
0x153: {  	[tilespmem:s24], [sflag:$0x1] =	stream.indirect.gather [hbm4b:s4+s23], $0x80, s10, s23, $0xb8;
	[tilespmem:$0x1D000] =	vst v63  }
0x154: {  	_ =	swait.ge [sflag:s0], $0x2800  }
.Ltmp4:
0x155: {  	[sflag:s0] =	ssyncset.done $0x0;
	(pc) =	sbr.rel @p0 .LBB2_10-.Ltmp4, $4  }
0x156: {  	s9 =	sadd.s32 $0x2080, s9;
	[sflag:s0] =	ssyncadd.s32 $0xFFFFD800  }
0x157: {  	[spmem:s2] =	stream.indirect.scatter.add.f32 [tilespmem:s29], [sflag:$0x5], $0x80, s9, s23, $0xb8;
	[tilespmem:$0x1D000] =	vst v63  }
0x158: {  	_ =	swait.ge [sflag:s31], $0x2800  }
0x159: {  	s10 =	smov.u32 s13;
	s9 =	sshra.s32 s12, $0x2;
	[sflag:s31] =	ssyncset.done $0x0  }
0x15a: {  	s10 =	sadd.s32 $0x80, s9;
	[sflag:s31] =	ssyncadd.s32 $0xFFFFD800  }
0x15b: {  	[tilespmem:s29], [sflag:$0x2] =	stream.indirect.gather [hbm4b:s4+s23], $0x80, s10, s23, $0xb8;
	[tilespmem:$0x1D000] =	vst v63  }
0x15c: {  	_ =	swait.ge [sflag:s30], $0x2800  }
0x15d: {  	[sflag:s30] =	ssyncset.done $0x0  }
0x15e: {  	s13 =	sadd.s32 $0x2000, s9;
	[sflag:s30] =	ssyncadd.s32 $0xFFFFD800  }
0x15f: {  	[spmem:s2] =	stream.indirect.scatter.add.f32 [tilespmem:s24], [sflag:$0x5], $0x80, s13, s23, $0xb8;
	[tilespmem:$0x1D000] =	vst v63  }
0x160: {  	_ =	swait.ge [sflag:s31], $0x2800  }
0x161: {  	[sflag:s31] =	ssyncset.done $0x0  }
0x162: {  	s11 =	sadd.s32 $0x100, s9;
	[sflag:s31] =	ssyncadd.s32 $0xFFFFD800  }
0x163: {  	[tilespmem:s24], [sflag:$0x1] =	stream.indirect.gather [hbm4b:s4+s23], $0x80, s11, s23, $0xb8;
	[tilespmem:$0x1D000] =	vst v63  }
0x164: {  	_ =	swait.ge [sflag:s0], $0x2800  }
0x165: {  	[sflag:s0] =	ssyncset.done $0x0  }
0x166: {  	s12 =	sadd.s32 $0x2080, s9;
	[sflag:s0] =	ssyncadd.s32 $0xFFFFD800  }
0x167: {  	[spmem:s2] =	stream.indirect.scatter.add.f32 [tilespmem:s29], [sflag:$0x5], $0x80, s12, s23, $0xb8;
	[tilespmem:$0x1D000] =	vst v63  }
0x168: {  	_ =	swait.ge [sflag:s31], $0x2800  }
0x169: {  	[sflag:s31] =	ssyncset.done $0x0  }
0x16a: {  	[sflag:s31] =	ssyncadd.s32 $0xFFFFD800  }
0x16b: {  	_ =	swait.ge [sflag:s30], $0x2800  }
0x16c: {  	[sflag:s30] =	ssyncset.done $0x0  }
0x16d: {  	[sflag:s30] =	ssyncadd.s32 $0xFFFFD800  }
0x16e: {  	[spmem:s2] =	stream.indirect.scatter.add.f32 [tilespmem:s24], [sflag:$0x5], $0x80, s1, s23, $0xb8;
	[tilespmem:$0x1D000] =	vst v63  }
0x16f: {  	_ =	swait.ge [sflag:s31], $0x2800  }
0x170: {  	s7 =	sadd.s32 $0x1, s7;
	[sflag:s31] =	ssyncset.done $0x0  }
0x171: {  	p0 =	sne.s32 s7, s20;
	[sflag:s31] =	ssyncadd.s32 $0xFFFFD800  }
.Ltmp5:
0x172: {  	s13 =	sor.u32 $0x1C05, s6;
	[bflag:$0x0] =	sbarrier.arrive $0xFFFF;
	(pc) =	sbr.rel @p0 .LBB2_1-.Ltmp5, $4  }
0x173: {  	[hbm:s19], [sflag:s13] =	dma.local [spmem:s8], $0x2800  }
0x174: {  	_ =	swait.ge [sflag:s31], $0x2800  }
0x175: {  	[sflag:s31] =	ssyncset.done $0x0  }
0x176: {  	[sflag:s31] =	ssyncadd.s32 $0xFFFFD800  }
0x177: {  	_ =	sfence.sel $0x180000  }
0x178: {  	[bflag:$0x0] =	sbarrier.arrive $0xFFFF  }
0x179: {  	_ =	strace $0x9000004A  }
0x17a: {  	s0 =	stileid.u32;
	[bflag:$0x2] =	sbarrier.arrive $0xFFFF  }
0x17b: {  	p0 =	sne.s32 s0, $0x0;
	s0 =	rddreg [dreg:$0x2]  }
0x17c: {  	s0 =	sadd.s32 @!p0 $0x100000, s0  }
0x17d: {  	[sflag:s0] =	ssyncadd.tile.s32 @!p0 $0x1;
	_ =	shalt  }
.Lfunc_end2:
_tile_overlayer_lowered:
.L_overlay_start_2:
0x17e: {  	(tag) =	ssettag $0x2  }
0x17f: {  	s0 =	rddreg [dreg:$0x0];
	s2 =	stileid.u32  }
0x180: {  	s1 =	rddreg [dreg:$0x1];
	p0 =	sne.s32 s2, $0x0  }
0x181: {  	s3 =	rddreg [dreg:$0x2];
	[bflag:$0x3] =	sbarrier.arrive $0xFFFF;
	s2 =	simm.s32 @!p0 $0x1C05  }
0x182: {  	[timem:s3], [sflag:s2] =	dma.local @!p0 [hbm:s0], s1  }
0x183: {  	s0 =	simm.s32 @!p0 $0x5  }
0x184: {  	_ =	swait.ge @!p0 [sflag:s0], s1  }
0x185: {  	s1 =	ssub.s32 @!p0 $0x0, s1;
	[sflag:s0] =	ssyncset.done @!p0 $0x0  }
0x186: {  	[sflag:s0] =	ssyncadd.s32 @!p0 s1  }
0x187: {  	[bflag:$0x3] =	sbarrier.arrive $0xFFFF  }
0x188: {  	_ =	shalt  }

// kernel: kernel.14.cloned.1.call-start
scs
__scs_entry_jumppad:
0x0: {  	(pc) =	sbr.rel $0x88, $3  }
0x1: {  	(tag) =	ssettag $0x0;
	lr =	simm.s32 $0x1  }
0x2: {  	[smem:$0x3F99] =	sst lr;
	_ =	strace $0xD0000000  }
0x3: {  	_ = 	snop  }
0x4: {  	_ = 	snop  }
0x5: {  	_ = 	snop  }
0x6: {  	_ = 	snop  }
0x7: {  	_ = 	snop  }
__scs_overlays_trampoline_lowered:
0x8: {  	[smem:$0x3FA8] =	sst s0  }
0x9: {  	[smem:$0x3FA9] =	sst s1  }
0xa: {  	[smem:$0x3FAA] =	sst s2  }
0xb: {  	[smem:$0x3FAB] =	sst s3  }
0xc: {  	[smem:$0x3FAC] =	sst s4  }
0xd: {  	[smem:$0x3FAD] =	sst s5  }
0xe: {  	[smem:$0x3FAE] =	sst s6  }
0xf: {  	[smem:$0x3FAF] =	sst s7  }
0x10: {  	[smem:$0x3FB0] =	sst s8  }
0x11: {  	[smem:$0x3FB1] =	sst s9;
	s0 =	simm.s32 @!p0 $0x0  }
0x12: {  	s1 =	sld [smem:$0x3F97];
	s0 =	simm.s32 @p0 $0x1  }
0x13: {  	[smem:$0x3FB2] =	sst s0;
	s0 =	simm.s32 @!p1 $0x0  }
0x14: {  	s2 =	sld [smem:$0x3F96];
	s0 =	simm.s32 @p1 $0x1  }
0x15: {  	[smem:$0x3FB3] =	sst s0;
	s0 =	simm.s32 @!p2 $0x0  }
0x16: {  	s3 =	sld [smem:$0x3FDB];
	s0 =	simm.s32 @p2 $0x1  }
0x17: {  	s4 =	simm.s32 $0x1BF5;
	[smem:$0x3FB5] =	sst s0  }
0x18: {  	s0 =	sld [smem:$0x3F98];
	_ =	swait.ge [sflag:s4], $0x0  }
0x19: {  	s7 =	sld [smem:$0x3F99]  }
0x1a: {  	s8 =	sadd.s32 $0xFFFFE003, lr  }
0x1b: {  	s9 =	sadd.s32 $0xFFFFFEF7, lr;
	s5 =	simm.s32 $0xFFFFFFFF;
	p2 =	slt.u32 s8, $0xFFFFF086  }
0x1c: {  	p1 =	slt.u32 s9, $0xF7A;
	s5 =	simm.s32 @!p2 $0x0  }
0x1d: {  	s5 =	simm.s32 @p1 $0x1;
	p0 =	seq.s32 s7, s2  }
0x1e: {  	s7 =	smul.u32 @!p0 $0xF7A, s2;
	p2 =	seq.s32 @!p0 s5, $0x0  }
0x1f: {  	s9 =	smul.u32 $0xF7A, s1;
	s8 =	simm.s32 @!p0 $0x1BF5;
	p2 =	por !p2, p0  }
0x20: {  	[sflag:s8] =	ssyncset.s32 @!p0 $0xFFFFF086;
	s6 =	sadd.s32 @!p0 s3, s7;
	s7 =	simm.s32 @!p0 $0x108  }
0x21: {  	s3 =	sadd.s32 s3, s9;
	s6 =	sadd.s32 @!p0 $0x88, s6;
	s7 =	simm.s32 @p2 $0x1082  }
0x22: {  	[simem:s7], [sflag:s8] =	dma.local @!p0 [hbm:s6], $0xF7A  }
0x23: {  	s9 =	sor.u32 $0xD0000000, s2;
	s6 =	simm.s32 $0x108;
	_ =	swait.ge @!p0 [sflag:s8], $0x0  }
0x24: {  	s3 =	sadd.s32 $0x88, s3;
	s6 =	simm.s32 @!p1 $0x1082;
	[sflag:s4] =	ssyncset.s32 $0xFFFFF086  }
0x25: {  	[simem:s6], [sflag:s4] =	dma.local [hbm:s3], $0xF7A  }
0x26: {  	[smem:$0x3F99] =	sst s1;
	(tag) =	ssettag s2;
	_ =	strace s9  }
0x27: {  	s1 =	sld [smem:$0x3FA9]  }
0x28: {  	s2 =	sld [smem:$0x3FAA]  }
0x29: {  	s4 =	sld [smem:$0x3FAC]  }
0x2a: {  	p0 =	seq.s32 s5, $0x0;
	s5 =	sld [smem:$0x3FAD]  }
0x2b: {  	s6 =	sld [smem:$0x3FAE]  }
0x2c: {  	s7 =	sld [smem:$0x3FAF]  }
0x2d: {  	s3 =	simm.s32 $0x108;
	s8 =	sld [smem:$0x3FB0]  }
0x2e: {  	s3 =	simm.s32 @!p0 $0x1082;
	s9 =	sld [smem:$0x3FB1]  }
0x2f: {  	lr =	sadd.s32 s0, s3;
	s0 =	sld [smem:$0x3FA8]  }
0x30: {  	s3 =	sld [smem:$0x3FAB]  }
0x31: {  	[smem:$0x3FB4] =	sst s10  }
0x32: {  	s10 =	sld [smem:$0x3FB2];
	_ =	sdelay $0x3  }
0x33: {  	p0 =	seq.s32 s10, $0x1;
	s10 =	sld [smem:$0x3FB4];
	_ =	sdelay $0x3  }
0x34: {  	[smem:$0x3FB4] =	sst s10  }
0x35: {  	s10 =	sld [smem:$0x3FB3];
	_ =	sdelay $0x3  }
0x36: {  	p1 =	seq.s32 s10, $0x1;
	s10 =	sld [smem:$0x3FB4];
	_ =	sdelay $0x3  }
0x37: {  	[smem:$0x3FB4] =	sst s10  }
0x38: {  	s10 =	sld [smem:$0x3FB5]  }
0x39: {  	_ = 	snop;
	(pc) =	sbr.ind lr, $3  }
0x3a: {  	_ = 	snop  }
0x3b: {  	_ = 	snop  }
0x3c: {  	p2 =	seq.s32 s10, $0x1;
	s10 =	sld [smem:$0x3FB4]  }
0x3d: {  	_ =	shalt  }
0x3e: {  	_ =	shalt  }
0x3f: {  	_ =	shalt  }
0x40: {  	_ =	shalt  }
0x41: {  	_ =	shalt  }
0x42: {  	_ =	shalt  }
0x43: {  	_ =	shalt  }
0x44: {  	_ =	shalt  }
0x45: {  	_ =	shalt  }
0x46: {  	_ =	shalt  }
0x47: {  	_ =	shalt  }
0x48: {  	_ =	shalt  }
0x49: {  	_ =	shalt  }
0x4a: {  	_ =	shalt  }
0x4b: {  	_ =	shalt  }
0x4c: {  	_ =	shalt  }
0x4d: {  	_ =	shalt  }
0x4e: {  	_ =	shalt  }
0x4f: {  	_ =	shalt  }
0x50: {  	_ =	shalt  }
0x51: {  	_ =	shalt  }
0x52: {  	_ =	shalt  }
0x53: {  	_ =	shalt  }
0x54: {  	_ =	shalt  }
0x55: {  	_ =	shalt  }
0x56: {  	_ =	shalt  }
0x57: {  	_ =	shalt  }
0x58: {  	_ =	shalt  }
0x59: {  	_ =	shalt  }
0x5a: {  	_ =	shalt  }
0x5b: {  	_ =	shalt  }
0x5c: {  	_ =	shalt  }
0x5d: {  	_ =	shalt  }
0x5e: {  	_ =	shalt  }
0x5f: {  	_ =	shalt  }
0x60: {  	_ =	shalt  }
0x61: {  	_ =	shalt  }
0x62: {  	_ =	shalt  }
0x63: {  	_ =	shalt  }
0x64: {  	_ =	shalt  }
0x65: {  	_ =	shalt  }
0x66: {  	_ =	shalt  }
0x67: {  	_ =	shalt  }
0x68: {  	_ =	shalt  }
0x69: {  	_ =	shalt  }
0x6a: {  	_ =	shalt  }
0x6b: {  	_ =	shalt  }
0x6c: {  	_ =	shalt  }
0x6d: {  	_ =	shalt  }
0x6e: {  	_ =	shalt  }
0x6f: {  	_ =	shalt  }
0x70: {  	_ =	shalt  }
0x71: {  	_ =	shalt  }
0x72: {  	_ =	shalt  }
0x73: {  	_ =	shalt  }
0x74: {  	_ =	shalt  }
0x75: {  	_ =	shalt  }
0x76: {  	_ =	shalt  }
0x77: {  	_ =	shalt  }
0x78: {  	_ =	shalt  }
0x79: {  	_ =	shalt  }
0x7a: {  	_ =	shalt  }
0x7b: {  	_ =	shalt  }
0x7c: {  	_ =	shalt  }
0x7d: {  	_ =	shalt  }
0x7e: {  	_ =	shalt  }
0x7f: {  	_ =	shalt  }
0x80: {  	_ =	shalt  }
0x81: {  	_ =	shalt  }
0x82: {  	_ =	shalt  }
0x83: {  	_ =	shalt  }
0x84: {  	_ =	shalt  }
0x85: {  	_ =	shalt  }
0x86: {  	_ =	shalt  }
0x87: {  	_ =	shalt  }
.Lfunc_end0:
.L_simem_size_0:
called_computation.2_lowered:
.L_overlay_start_0:
0x88: {  	s2 =	sld [smem:$0x3FD9]  }
0x89: {  	s3 =	sld [smem:$0x3FFE];
	_ =	sdelay $0x1  }
0x8a: {  	s1 =	srdreg.scid  }
0x8b: {  	s0 =	sand.u32 $0x1, s1  }
0x8c: {  	s16 =	sshll.u32 s0, $0xA;
	s2 =	sadd.s32 s3, s2  }
0x8d: {  	s2 =	sadd.s32 s2, s16  }
0x8e: {  	[smem:$0x3FC0] =	sst s2  }
0x8f: {  	_ = 	snop  }
0x90: {  	(tm) =	ssettm $0x1  }
0x91: {  	s17 =	sld [smem:$0x3FFB];
	_ =	sdelay $0x3  }
0x92: {  	_ =	strace s17  }
0x93: {  	s2 =	sld [smem:$0x3FFC];
	_ =	sdelay $0x3  }
0x94: {  	_ =	strace s2  }
0x95: {  	s2 =	sld [smem:$0x3FFD];
	_ =	sdelay $0x3  }
0x96: {  	_ =	strace s2  }
0x97: {  	_ =	strace $0x8FFFFFFF  }
0x98: {  	s18 =	sld [smem:$0x3FDB];
	_ =	sdelay $0x1  }
0x99: {  	s19 =	simm.s32 $_scs_section_size  }
0x9a: {  	s4 =	simm.s32 $_size__tile_overlayer_lowered;
	s5 =	simm.s32 $_tile_overlayer_lowered  }
0x9b: {  	s22 =	simm.s32 $0x1BFF;
	s21 =	sshll.u32 s5, $0x1;
	s2 =	sadd.s32 s19, s18  }
0x9c: {  	s6 =	simm.s32 $0x0;
	s20 =	sshll.u32 s4, $0x1;
	s4 =	sadd.s32 s21, s2  }
0x9d: {  	[timem:s6], [sflag:s22] =	dma.local [hbm:s4], s20  }
0x9e: {  	_ =	swait.ge [sflag:s22], s20  }
0x9f: {  	s3 =	ssub.s32 $0x0, s20;
	[sflag:s22] =	ssyncset.done $0x0  }
0xa0: {  	[sflag:s22] =	ssyncadd.s32 s3;
	_ =	sdelay $0x1  }
0xa1: {  	s23 =	simm.s32 $0x1B8B  }
0xa2: {  	_ =	swait.ge [sflag:s23], $0x1  }
0xa3: {  	[sflag:s23] =	ssyncset.done $0x0  }
0xa4: {  	s25 =	simm.s32 $0x1B8E;
	s24 =	sld [smem:$0x3FFE];
	[sflag:s23] =	ssyncadd.s32 $0xFFFFFFFF  }
0xa5: {  	s26 =	simm.s32 $execute0_lowered;
	[smem:$0x3FD2] =	sst s25  }
0xa6: {  	s4 =	sshll.u32 s26, $0x1;
	_ =	strace $0x8000004C;
	[dreg:$0x1] =	wrdreg $0xFFFFFFFF  }
0xa7: {  	s28 =	simm.s32 $_size_execute0_lowered;
	s2 =	sadd.s32 s2, s4;
	[dreg:$0x0] =	wrdreg $0x0  }
0xa8: {  	s4 =	sshll.u32 s28, $0x1;
	[dreg:$0x2] =	wrdreg s2  }
0xa9: {  	[dreg:$0x3] =	wrdreg s4  }
0xaa: {  	[dreg:$0x4] =	wrdreg $0xC0  }
0xab: {  	_ =	task [dreg:s6], $0x5FFFF  }
0xac: {  	[dreg:$0x1] =	wrdreg $0xFFFFFFFF  }
0xad: {  	[dreg:$0x0] =	wrdreg $0x60  }
0xae: {  	[dreg:$0x2] =	wrdreg s24  }
0xaf: {  	[dreg:$0x3] =	wrdreg $0x90000  }
0xb0: {  	[dreg:$0x4] =	wrdreg $0x9  }
0xb1: {  	_ =	task.clear_ibuf [dreg:s6], $0x5FFFF;
	_ =	strace $0x9000004C  }
0xb2: {  	s29 =	simm.s32 $0x9;
	_ =	strace $0x8000004E  }
0xb3: {  	_ =	swait.ge [sflag:s29], $0x1  }
0xb4: {  	[sflag:s29] =	ssyncadd.s32 $0xFFFFFFFF  }
0xb5: {  	_ =	strace $0x9000004E  }
0xb6: {  	_ =	sfence  }
0xb7: {  	s30 =	sld [smem:$0x0];
	_ =	sdelay $0x2  }
0xb8: {  	s31 =	sshll.u32 s1, $0xD;
	s1 =	sshrl.u32 s1, $0x2  }
0xb9: {  	s3 =	sand.u32 $0x4000, s31;
	s1 =	sadd.s32 s1, s30  }
0xba: {  	s0 =	sor.u32 s3, s0;
	s1 =	sshll.u32 s1, $0x11  }
0xbb: {  	s0 =	sor.u32 s1, s0  }
0xbc: {  	s0 =	sadd.s32 $0x8F2B, s0  }
0xbd: {  	[sflag:s0] =	ssyncadd.remote.s32 $0x1  }
0xbe: {  	_ =	sfence.sel $0xFFFF  }
0xbf: {  	[dreg:$0x0] =	wrdreg $0xFFFFFFFF;
	(pc) =	sbr.abs _section_cstart, $3  }
0xc0: {  	[dreg:$0x1] =	wrdreg $0xFFFFFFFF  }
0xc1: {  	_ =	task.clear_ibuf [dreg:s6], $0x2FFFF;
	_ =	strace $0x9FFFFFFF  }
0xc2: {  	(tm) =	ssettm $0x7FFFFFFF  }
0xc3: {  	_ =	shalt  }
tec
execute0_lowered:
.L_overlay_start_1:
0x0: {  	(tag) =	ssettag $0x1  }
0x1: {  	s0 =	rddreg [dreg:$0x0]  }
0x2: {  	s2 =	rddreg [dreg:$0x1]  }
0x3: {  	s12 =	stileid.u32;
	s1 =	srdreg.scid  }
0x4: {  	s3 =	simm.s32 $0x0;
	s28 =	simm.s32 $0x3000;
	s29 =	simm.s32 $0x6800  }
0x5: {  	s30 =	simm.s32 $0x1;
	s31 =	simm.s32 $0x5;
	s5 =	smul.u32 $0x14000, s12  }
0x6: {  	s1 =	sand.u32 $0x1, s1;
	[smem:$0x7FF] =	sst s3;
	s4 =	sadd.s32 $0x2A800, s0  }
0x7: {  	s7 =	sadd.s32 $0x16800, s0;
	s9 =	sadd.s32 $0x2200, s0;
	s11 =	smul.u32 $0x50000, s12  }
0x8: {  	s10 =	sshll.u32 s12, $0x1;
	s6 =	smul.u32 $0x140000, s1;
	_ =	strace $0x8000004D  }
0x9: {  	s15 =	ssub.s32 $0x2, s1;
	s1 =	sor.u32 s1, s10;
	s8 =	sshrl.u32 s5, $0x3  }
0xa: {  	s16 =	sshrl.u32 s15, $0x1;
	s17 =	sshrl.u32 s11, $0x2;
	s10 =	smul.u32 $0x5000, s1  }
0xb: {  	s1 =	smul.u32 $0xA00, s1;
	s5 =	sadd.s32 s5, s6;
	s6 =	sadd.s32 s17, s2  }
0xc: {  	s8 =	sadd.s32 s8, s0;
	s5 =	sshrl.u32 s5, $0x3;
	[dreg:$0x3] =	wrdreg s6  }
0xd: {  	s6 =	sshll.u32 s12, $0x6;
	s8 =	sadd.s32 $0x51A00, s8;
	s19 =	sshrl.u32 s10, $0x3  }
0xe: {  	s20 =	sadd.s32 s7, s1;
	s1 =	sadd.s32 s9, s1;
	[dreg:$0x4] =	wrdreg s8  }
0xf: {  	s0 =	sadd.s32 s5, s0;
	s5 =	ssub.s32 s15, s16;
	[dreg:$0x6] =	wrdreg s20  }
0x10: {  	s18 =	sor.u32 $0x1C03, s6;
	[dreg:$0x7] =	wrdreg s1;
	s21 =	sadd.s32 $0x200, s19  }
0x11: {  	s23 =	sadd.s32 $0x400, s19;
	s25 =	sadd.s32 $0x600, s19;
	s26 =	sadd.s32 $0x800, s19  }
0x12: {  	[dreg:$0x5] =	wrdreg s18;
	s22 =	sadd.s32 s7, s21;
	s1 =	sadd.s32 s9, s21  }
0x13: {  	s24 =	sadd.s32 s7, s23;
	s14 =	sadd.s32 s9, s23;
	s15 =	sadd.s32 s7, s25  }
0x14: {  	s16 =	sadd.s32 s9, s25;
	s17 =	sadd.s32 s7, s26;
	s18 =	sadd.s32 s9, s26  }
0x15: {  	s19 =	sadd.s32 $0x79A00, s0;
	s20 =	smax.u32 s5, $0x1;
	s21 =	simm.s32 $0x2000  }
0x16: {  	s23 =	simm.s32 $0x50;
	s25 =	simm.s32 $0x3;
	[dreg:$0x8] =	wrdreg s22  }
0x17: {  	s26 =	simm.s32 $0x1000;
	s0 =	simm.s32 $0x2;
	[dreg:$0x9] =	wrdreg s1  }
0x18: {  	s5 =	simm.s32 $0x3C00;
	s7 =	simm.s32 $0x0;
	[dreg:$0xa] =	wrdreg s24  }
0x19: {  	s22 =	simm.s32 $0x4;
	s24 =	simm.s32 $0x4000;
	s1 =	simm.s32 $0x2C00  }
.LBB2_1:
0x1a: {  	s8 =	rddreg [dreg:$0x3]  }
0x1b: {  	s9 =	rddreg [dreg:$0x4]  }
0x1c: {  	s10 =	rddreg [dreg:$0x5];
	s8 =	sshrl.u32 s8, $0x3  }
0x1d: {  	[spmem:s8], [sflag:s10] =	dma.local [hbm:s9], $0x2800  }
0x1e: {  	s9 =	rddreg [dreg:$0x6]  }
0x1f: {  	[tilespmem:s3], [sflag:$0x4] =	stream.linear.gather [hbm4b:s9+s3], $0xC80, $0x38;
	[tilespmem:$0x1D000] =	vst v63  }
0x20: {  	s11 =	rddreg [dreg:$0x7]  }
0x21: {  	[tilespmem:s21], [sflag:$0x4] =	stream.linear.gather [hbm4b:s11+s3], $0xC80, $0x38;
	[tilespmem:$0x1D000] =	vst v63  }
0x22: {  	_ =	swait.ge [sflag:s22], $0xC80  }
0x23: {  	[sflag:s22] =	ssyncset.done $0x0  }
0x24: {  	[sflag:s22] =	ssyncadd.s32 $0xFFFFF380  }
0x25: {  	_ =	swait.ge [sflag:s22], $0xC80  }
0x26: {  	[sflag:s22] =	ssyncset.done $0x0  }
0x27: {  	[sflag:s22] =	ssyncadd.s32 $0xFFFFF380  }
0x28: {  	[tilespmem:s24], [sflag:$0x1] =	stream.indirect.gather [hbm4b:s4+s23], $0x80, s3, s23, $0xb8;
	[tilespmem:$0x1D000] =	vst v63  }
0x29: {  	_ =	swait.ge [sflag:s25], $0x2800  }
0x2a: {  	[sflag:s25] =	ssyncset.done $0x0  }
0x2b: {  	[sflag:s25] =	ssyncadd.s32 $0xFFFFD800  }
0x2c: {  	[bflag:$0x0] =	sbarrier.arrive $0xFFFF  }
0x2d: {  	s12 =	rddreg [dreg:$0x8]  }
0x2e: {  	[tilespmem:s26], [sflag:$0x4] =	stream.linear.gather [hbm4b:s12+s3], $0xC80, $0x38;
	[tilespmem:$0x1D000] =	vst v63  }
0x2f: {  	s13 =	rddreg [dreg:$0x9]  }
0x30: {  	[tilespmem:s28], [sflag:$0x4] =	stream.linear.gather [hbm4b:s13+s3], $0xC80, $0x38;
	[tilespmem:$0x1D000] =	vst v63  }
0x31: {  	s10 =	simm.s32 $0x80  }
0x32: {  	[tilespmem:s29], [sflag:$0x2] =	stream.indirect.gather [hbm4b:s4+s23], $0x80, s10, s23, $0xb8;
	[tilespmem:$0x1D000] =	vst v63  }
0x33: {  	_ =	swait.ge [sflag:s30], $0x2800  }
0x34: {  	[sflag:s30] =	ssyncset.done $0x0  }
0x35: {  	s11 =	simm.s32 $0x2000;
	[sflag:s30] =	ssyncadd.s32 $0xFFFFD800  }
0x36: {  	[spmem:s2] =	stream.indirect.scatter.add.f32 [tilespmem:s24], [sflag:$0x5], $0x80, s11, s23, $0xb8;
	[tilespmem:$0x1D000] =	vst v63  }
0x37: {  	_ =	swait.ge [sflag:s31], $0x2800  }
0x38: {  	[sflag:s31] =	ssyncset.done $0x0  }
0x39: {  	s12 =	simm.s32 $0x100;
	[sflag:s31] =	ssyncadd.s32 $0xFFFFD800  }
0x3a: {  	[tilespmem:s24], [sflag:$0x1] =	stream.indirect.gather [hbm4b:s4+s23], $0x80, s12, s23, $0xb8;
	[tilespmem:$0x1D000] =	vst v63  }
0x3b: {  	_ =	swait.ge [sflag:s0], $0x2800  }
0x3c: {  	[sflag:s0] =	ssyncset.done $0x0  }
0x3d: {  	s13 =	simm.s32 $0x2080;
	[sflag:s0] =	ssyncadd.s32 $0xFFFFD800  }
0x3e: {  	[spmem:s2] =	stream.indirect.scatter.add.f32 [tilespmem:s29], [sflag:$0x5], $0x80, s13, s23, $0xb8;
	[tilespmem:$0x1D000] =	vst v63  }
0x3f: {  	_ =	swait.ge [sflag:s31], $0x2800  }
0x40: {  	s9 =	simm.s32 $0x100;
	s10 =	simm.s32 $0x800;
	[sflag:s31] =	ssyncset.done $0x0  }
.LBB2_2:
0x41: {  	s11 =	sadd.s32 $0x80, s9  }
0x42: {  	[sflag:s31] =	ssyncadd.s32 $0xFFFFD800;
	s12 =	smov.u32 s10;
	s13 =	sadd.s32 $0x400, s10  }
0x43: {  	[tilespmem:s29], [sflag:$0x2] =	stream.indirect.gather [hbm4b:s4+s23], $0x80, s11, s23, $0xb8;
	[tilespmem:$0x1D000] =	vst v63  }
0x44: {  	p0 =	sne.s32 s10, $0x2C00;
	_ =	swait.ge [sflag:s30], $0x2800  }
0x45: {  	[sflag:s30] =	ssyncset.done $0x0  }
0x46: {  	s10 =	sadd.s32 $0x2000, s9;
	[sflag:s30] =	ssyncadd.s32 $0xFFFFD800  }
0x47: {  	[spmem:s2] =	stream.indirect.scatter.add.f32 [tilespmem:s24], [sflag:$0x5], $0x80, s10, s23, $0xb8;
	[tilespmem:$0x1D000] =	vst v63  }
0x48: {  	_ =	swait.ge [sflag:s31], $0x2800  }
0x49: {  	[sflag:s31] =	ssyncset.done $0x0  }
0x4a: {  	s10 =	sadd.s32 $0x100, s9;
	[sflag:s31] =	ssyncadd.s32 $0xFFFFD800  }
0x4b: {  	[tilespmem:s24], [sflag:$0x1] =	stream.indirect.gather [hbm4b:s4+s23], $0x80, s10, s23, $0xb8;
	[tilespmem:$0x1D000] =	vst v63  }
0x4c: {  	_ =	swait.ge [sflag:s0], $0x2800  }
.Ltmp0:
0x4d: {  	[sflag:s0] =	ssyncset.done $0x0;
	(pc) =	sbr.rel @p0 .LBB2_2-.Ltmp0, $4  }
0x4e: {  	s9 =	sadd.s32 $0x2080, s9;
	[sflag:s0] =	ssyncadd.s32 $0xFFFFD800  }
0x4f: {  	[spmem:s2] =	stream.indirect.scatter.add.f32 [tilespmem:s29], [sflag:$0x5], $0x80, s9, s23, $0xb8;
	[tilespmem:$0x1D000] =	vst v63  }
0x50: {  	_ =	swait.ge [sflag:s31], $0x2800  }
0x51: {  	s10 =	smov.u32 s13;
	s9 =	sshra.s32 s12, $0x2;
	[sflag:s31] =	ssyncset.done $0x0  }
0x52: {  	s10 =	sadd.s32 $0x80, s9;
	[sflag:s31] =	ssyncadd.s32 $0xFFFFD800  }
0x53: {  	[tilespmem:s29], [sflag:$0x2] =	stream.indirect.gather [hbm4b:s4+s23], $0x80, s10, s23, $0xb8;
	[tilespmem:$0x1D000] =	vst v63  }
0x54: {  	_ =	swait.ge [sflag:s30], $0x2800  }
0x55: {  	[sflag:s30] =	ssyncset.done $0x0  }
0x56: {  	s13 =	sadd.s32 $0x2000, s9;
	[sflag:s30] =	ssyncadd.s32 $0xFFFFD800  }
0x57: {  	[spmem:s2] =	stream.indirect.scatter.add.f32 [tilespmem:s24], [sflag:$0x5], $0x80, s13, s23, $0xb8;
	[tilespmem:$0x1D000] =	vst v63  }
0x58: {  	_ =	swait.ge [sflag:s31], $0x2800  }
0x59: {  	[sflag:s31] =	ssyncset.done $0x0  }
0x5a: {  	s11 =	sadd.s32 $0x100, s9;
	[sflag:s31] =	ssyncadd.s32 $0xFFFFD800  }
0x5b: {  	[tilespmem:s24], [sflag:$0x1] =	stream.indirect.gather [hbm4b:s4+s23], $0x80, s11, s23, $0xb8;
	[tilespmem:$0x1D000] =	vst v63  }
0x5c: {  	_ =	swait.ge [sflag:s0], $0x2800  }
0x5d: {  	[sflag:s0] =	ssyncset.done $0x0  }
0x5e: {  	s12 =	sadd.s32 $0x2080, s9;
	[sflag:s0] =	ssyncadd.s32 $0xFFFFD800  }
0x5f: {  	[spmem:s2] =	stream.indirect.scatter.add.f32 [tilespmem:s29], [sflag:$0x5], $0x80, s12, s23, $0xb8;
	[tilespmem:$0x1D000] =	vst v63  }
0x60: {  	_ =	swait.ge [sflag:s31], $0x2800  }
0x61: {  	[sflag:s31] =	ssyncset.done $0x0  }
0x62: {  	[sflag:s31] =	ssyncadd.s32 $0xFFFFD800  }
0x63: {  	_ =	swait.ge [sflag:s22], $0xC80  }
0x64: {  	[sflag:s22] =	ssyncset.done $0x0  }
0x65: {  	[sflag:s22] =	ssyncadd.s32 $0xFFFFF380  }
0x66: {  	_ =	swait.ge [sflag:s22], $0xC80  }
0x67: {  	[sflag:s22] =	ssyncset.done $0x0  }
0x68: {  	[sflag:s22] =	ssyncadd.s32 $0xFFFFF380  }
0x69: {  	[tilespmem:s29], [sflag:$0x2] =	stream.indirect.gather [hbm4b:s4+s23], $0x80, s26, s23, $0xb8;
	[tilespmem:$0x1D000] =	vst v63  }
0x6a: {  	_ =	swait.ge [sflag:s30], $0x2800  }
0x6b: {  	[sflag:s30] =	ssyncset.done $0x0  }
0x6c: {  	[sflag:s30] =	ssyncadd.s32 $0xFFFFD800  }
0x6d: {  	[spmem:s2] =	stream.indirect.scatter.add.f32 [tilespmem:s24], [sflag:$0x5], $0x80, s1, s23, $0xb8;
	[tilespmem:$0x1D000] =	vst v63  }
0x6e: {  	_ =	swait.ge [sflag:s31], $0x2800  }
0x6f: {  	[sflag:s31] =	ssyncset.done $0x0  }
0x70: {  	s13 =	rddreg [dreg:$0xa];
	[sflag:s31] =	ssyncadd.s32 $0xFFFFD800  }
0x71: {  	[tilespmem:s3], [sflag:$0x4] =	stream.linear.gather [hbm4b:s13+s3], $0xC80, $0x38;
	[tilespmem:$0x1D000] =	vst v63  }
0x72: {  	_ = 	snop  }
0x73: {  	[tilespmem:s21], [sflag:$0x4] =	stream.linear.gather [hbm4b:s14+s3], $0xC80, $0x38;
	[tilespmem:$0x1D000] =	vst v63  }
0x74: {  	s10 =	simm.s32 $0x1080  }
0x75: {  	[tilespmem:s24], [sflag:$0x1] =	stream.indirect.gather [hbm4b:s4+s23], $0x80, s10, s23, $0xb8;
	[tilespmem:$0x1D000] =	vst v63  }
0x76: {  	_ =	swait.ge [sflag:s0], $0x2800  }
0x77: {  	[sflag:s0] =	ssyncset.done $0x0  }
0x78: {  	s11 =	simm.s32 $0x3000;
	[sflag:s0] =	ssyncadd.s32 $0xFFFFD800  }
0x79: {  	[spmem:s2] =	stream.indirect.scatter.add.f32 [tilespmem:s29], [sflag:$0x5], $0x80, s11, s23, $0xb8;
	[tilespmem:$0x1D000] =	vst v63  }
0x7a: {  	_ =	swait.ge [sflag:s31], $0x2800  }
0x7b: {  	[sflag:s31] =	ssyncset.done $0x0  }
0x7c: {  	s12 =	simm.s32 $0x1100;
	[sflag:s31] =	ssyncadd.s32 $0xFFFFD800  }
0x7d: {  	[tilespmem:s29], [sflag:$0x2] =	stream.indirect.gather [hbm4b:s4+s23], $0x80, s12, s23, $0xb8;
	[tilespmem:$0x1D000] =	vst v63  }
0x7e: {  	_ =	swait.ge [sflag:s30], $0x2800  }
0x7f: {  	[sflag:s30] =	ssyncset.done $0x0  }
0x80: {  	s13 =	simm.s32 $0x3080;
	[sflag:s30] =	ssyncadd.s32 $0xFFFFD800  }
0x81: {  	[spmem:s2] =	stream.indirect.scatter.add.f32 [tilespmem:s24], [sflag:$0x5], $0x80, s13, s23, $0xb8;
	[tilespmem:$0x1D000] =	vst v63  }
0x82: {  	_ =	swait.ge [sflag:s31], $0x2800  }
0x83: {  	s9 =	simm.s32 $0xFFFFF500;
	s10 =	simm.s32 $0xFFFFD800;
	[sflag:s31] =	ssyncset.done $0x0  }
.LBB2_4:
0x84: {  	s11 =	sadd.s32 $0x1C80, s9  }
0x85: {  	[sflag:s31] =	ssyncadd.s32 $0xFFFFD800;
	s12 =	smov.u32 s10;
	s13 =	sadd.s32 $0x400, s10  }
0x86: {  	[tilespmem:s24], [sflag:$0x1] =	stream.indirect.gather [hbm4b:s4+s23], $0x80, s11, s23, $0xb8;
	[tilespmem:$0x1D000] =	vst v63  }
0x87: {  	p0 =	sne.s32 s10, $0xFFFFFC00;
	_ =	swait.ge [sflag:s0], $0x2800  }
0x88: {  	[sflag:s0] =	ssyncset.done $0x0  }
0x89: {  	s10 =	sadd.s32 $0x3C00, s9;
	[sflag:s0] =	ssyncadd.s32 $0xFFFFD800  }
0x8a: {  	[spmem:s2] =	stream.indirect.scatter.add.f32 [tilespmem:s29], [sflag:$0x5], $0x80, s10, s23, $0xb8;
	[tilespmem:$0x1D000] =	vst v63  }
0x8b: {  	_ =	swait.ge [sflag:s31], $0x2800  }
0x8c: {  	[sflag:s31] =	ssyncset.done $0x0  }
0x8d: {  	s10 =	sadd.s32 $0x1D00, s9;
	[sflag:s31] =	ssyncadd.s32 $0xFFFFD800  }
0x8e: {  	[tilespmem:s29], [sflag:$0x2] =	stream.indirect.gather [hbm4b:s4+s23], $0x80, s10, s23, $0xb8;
	[tilespmem:$0x1D000] =	vst v63  }
0x8f: {  	_ =	swait.ge [sflag:s30], $0x2800  }
.Ltmp1:
0x90: {  	[sflag:s30] =	ssyncset.done $0x0;
	(pc) =	sbr.rel @p0 .LBB2_4-.Ltmp1, $4  }
0x91: {  	s9 =	sadd.s32 $0x3C80, s9;
	[sflag:s30] =	ssyncadd.s32 $0xFFFFD800  }
0x92: {  	[spmem:s2] =	stream.indirect.scatter.add.f32 [tilespmem:s24], [sflag:$0x5], $0x80, s9, s23, $0xb8;
	[tilespmem:$0x1D000] =	vst v63  }
0x93: {  	_ =	swait.ge [sflag:s31], $0x2800  }
0x94: {  	s10 =	smov.u32 s13;
	s9 =	sshra.s32 s12, $0x2;
	[sflag:s31] =	ssyncset.done $0x0  }
0x95: {  	s10 =	sadd.s32 $0x1C80, s9;
	[sflag:s31] =	ssyncadd.s32 $0xFFFFD800  }
0x96: {  	[tilespmem:s24], [sflag:$0x1] =	stream.indirect.gather [hbm4b:s4+s23], $0x80, s10, s23, $0xb8;
	[tilespmem:$0x1D000] =	vst v63  }
0x97: {  	_ =	swait.ge [sflag:s0], $0x2800  }
0x98: {  	[sflag:s0] =	ssyncset.done $0x0  }
0x99: {  	s13 =	sadd.s32 $0x3C00, s9;
	[sflag:s0] =	ssyncadd.s32 $0xFFFFD800  }
0x9a: {  	[spmem:s2] =	stream.indirect.scatter.add.f32 [tilespmem:s29], [sflag:$0x5], $0x80, s13, s23, $0xb8;
	[tilespmem:$0x1D000] =	vst v63  }
0x9b: {  	_ =	swait.ge [sflag:s31], $0x2800  }
0x9c: {  	[sflag:s31] =	ssyncset.done $0x0  }
0x9d: {  	s11 =	sadd.s32 $0x1D00, s9;
	[sflag:s31] =	ssyncadd.s32 $0xFFFFD800  }
0x9e: {  	[tilespmem:s29], [sflag:$0x2] =	stream.indirect.gather [hbm4b:s4+s23], $0x80, s11, s23, $0xb8;
	[tilespmem:$0x1D000] =	vst v63  }
0x9f: {  	_ =	swait.ge [sflag:s30], $0x2800  }
0xa0: {  	[sflag:s30] =	ssyncset.done $0x0  }
0xa1: {  	s12 =	sadd.s32 $0x3C80, s9;
	[sflag:s30] =	ssyncadd.s32 $0xFFFFD800  }
0xa2: {  	[spmem:s2] =	stream.indirect.scatter.add.f32 [tilespmem:s24], [sflag:$0x5], $0x80, s12, s23, $0xb8;
	[tilespmem:$0x1D000] =	vst v63  }
0xa3: {  	_ =	swait.ge [sflag:s31], $0x2800  }
0xa4: {  	[sflag:s31] =	ssyncset.done $0x0  }
0xa5: {  	[sflag:s31] =	ssyncadd.s32 $0xFFFFD800  }
0xa6: {  	_ =	swait.ge [sflag:s22], $0xC80  }
0xa7: {  	[sflag:s22] =	ssyncset.done $0x0  }
0xa8: {  	[sflag:s22] =	ssyncadd.s32 $0xFFFFF380  }
0xa9: {  	_ =	swait.ge [sflag:s22], $0xC80  }
0xaa: {  	[sflag:s22] =	ssyncset.done $0x0  }
0xab: {  	s13 =	simm.s32 $0x0;
	[sflag:s22] =	ssyncadd.s32 $0xFFFFF380  }
0xac: {  	[tilespmem:s24], [sflag:$0x1] =	stream.indirect.gather [hbm4b:s4+s23], $0x80, s13, s23, $0xb8;
	[tilespmem:$0x1D000] =	vst v63  }
0xad: {  	_ =	swait.ge [sflag:s0], $0x2800  }
0xae: {  	[sflag:s0] =	ssyncset.done $0x0  }
0xaf: {  	[sflag:s0] =	ssyncadd.s32 $0xFFFFD800  }
0xb0: {  	[spmem:s2] =	stream.indirect.scatter.add.f32 [tilespmem:s29], [sflag:$0x5], $0x80, s5, s23, $0xb8;
	[tilespmem:$0x1D000] =	vst v63  }
0xb1: {  	_ =	swait.ge [sflag:s31], $0x2800  }
0xb2: {  	[sflag:s31] =	ssyncset.done $0x0  }
0xb3: {  	[sflag:s31] =	ssyncadd.s32 $0xFFFFD800  }
0xb4: {  	[tilespmem:s26], [sflag:$0x4] =	stream.linear.gather [hbm4b:s15+s13], $0xC80, $0x38;
	[tilespmem:$0x1D000] =	vst v63  }
0xb5: {  	_ = 	snop  }
0xb6: {  	[tilespmem:s28], [sflag:$0x4] =	stream.linear.gather [hbm4b:s16+s13], $0xC80, $0x38;
	[tilespmem:$0x1D000] =	vst v63  }
0xb7: {  	s10 =	simm.s32 $0x80  }
0xb8: {  	[tilespmem:s29], [sflag:$0x2] =	stream.indirect.gather [hbm4b:s4+s23], $0x80, s10, s23, $0xb8;
	[tilespmem:$0x1D000] =	vst v63  }
0xb9: {  	_ =	swait.ge [sflag:s30], $0x2800  }
0xba: {  	[sflag:s30] =	ssyncset.done $0x0  }
0xbb: {  	s11 =	simm.s32 $0x2000;
	[sflag:s30] =	ssyncadd.s32 $0xFFFFD800  }
0xbc: {  	[spmem:s2] =	stream.indirect.scatter.add.f32 [tilespmem:s24], [sflag:$0x5], $0x80, s11, s23, $0xb8;
	[tilespmem:$0x1D000] =	vst v63  }
0xbd: {  	_ =	swait.ge [sflag:s31], $0x2800  }
0xbe: {  	[sflag:s31] =	ssyncset.done $0x0  }
0xbf: {  	s12 =	simm.s32 $0x100;
	[sflag:s31] =	ssyncadd.s32 $0xFFFFD800  }
0xc0: {  	[tilespmem:s24], [sflag:$0x1] =	stream.indirect.gather [hbm4b:s4+s23], $0x80, s12, s23, $0xb8;
	[tilespmem:$0x1D000] =	vst v63  }
0xc1: {  	_ =	swait.ge [sflag:s0], $0x2800  }
0xc2: {  	[sflag:s0] =	ssyncset.done $0x0  }
0xc3: {  	s13 =	simm.s32 $0x2080;
	[sflag:s0] =	ssyncadd.s32 $0xFFFFD800  }
0xc4: {  	[spmem:s2] =	stream.indirect.scatter.add.f32 [tilespmem:s29], [sflag:$0x5], $0x80, s13, s23, $0xb8;
	[tilespmem:$0x1D000] =	vst v63  }
0xc5: {  	_ =	swait.ge [sflag:s31], $0x2800  }
0xc6: {  	s9 =	simm.s32 $0x100;
	s10 =	simm.s32 $0x800;
	[sflag:s31] =	ssyncset.done $0x0  }
.LBB2_6:
0xc7: {  	s11 =	sadd.s32 $0x80, s9  }
0xc8: {  	[sflag:s31] =	ssyncadd.s32 $0xFFFFD800;
	s12 =	smov.u32 s10;
	s13 =	sadd.s32 $0x400, s10  }
0xc9: {  	[tilespmem:s29], [sflag:$0x2] =	stream.indirect.gather [hbm4b:s4+s23], $0x80, s11, s23, $0xb8;
	[tilespmem:$0x1D000] =	vst v63  }
0xca: {  	p0 =	sne.s32 s10, $0x2C00;
	_ =	swait.ge [sflag:s30], $0x2800  }
0xcb: {  	[sflag:s30] =	ssyncset.done $0x0  }
0xcc: {  	s10 =	sadd.s32 $0x2000, s9;
	[sflag:s30] =	ssyncadd.s32 $0xFFFFD800  }
0xcd: {  	[spmem:s2] =	stream.indirect.scatter.add.f32 [tilespmem:s24], [sflag:$0x5], $0x80, s10, s23, $0xb8;
	[tilespmem:$0x1D000] =	vst v63  }
0xce: {  	_ =	swait.ge [sflag:s31], $0x2800  }
0xcf: {  	[sflag:s31] =	ssyncset.done $0x0  }
0xd0: {  	s10 =	sadd.s32 $0x100, s9;
	[sflag:s31] =	ssyncadd.s32 $0xFFFFD800  }
0xd1: {  	[tilespmem:s24], [sflag:$0x1] =	stream.indirect.gather [hbm4b:s4+s23], $0x80, s10, s23, $0xb8;
	[tilespmem:$0x1D000] =	vst v63  }
0xd2: {  	_ =	swait.ge [sflag:s0], $0x2800  }
.Ltmp2:
0xd3: {  	[sflag:s0] =	ssyncset.done $0x0;
	(pc) =	sbr.rel @p0 .LBB2_6-.Ltmp2, $4  }
0xd4: {  	s9 =	sadd.s32 $0x2080, s9;
	[sflag:s0] =	ssyncadd.s32 $0xFFFFD800  }
0xd5: {  	[spmem:s2] =	stream.indirect.scatter.add.f32 [tilespmem:s29], [sflag:$0x5], $0x80, s9, s23, $0xb8;
	[tilespmem:$0x1D000] =	vst v63  }
0xd6: {  	_ =	swait.ge [sflag:s31], $0x2800  }
0xd7: {  	s10 =	smov.u32 s13;
	s9 =	sshra.s32 s12, $0x2;
	[sflag:s31] =	ssyncset.done $0x0  }
0xd8: {  	s10 =	sadd.s32 $0x80, s9;
	[sflag:s31] =	ssyncadd.s32 $0xFFFFD800  }
0xd9: {  	[tilespmem:s29], [sflag:$0x2] =	stream.indirect.gather [hbm4b:s4+s23], $0x80, s10, s23, $0xb8;
	[tilespmem:$0x1D000] =	vst v63  }
0xda: {  	_ =	swait.ge [sflag:s30], $0x2800  }
0xdb: {  	[sflag:s30] =	ssyncset.done $0x0  }
0xdc: {  	s11 =	sadd.s32 $0x2000, s9;
	[sflag:s30] =	ssyncadd.s32 $0xFFFFD800  }
0xdd: {  	[spmem:s2] =	stream.indirect.scatter.add.f32 [tilespmem:s24], [sflag:$0x5], $0x80, s11, s23, $0xb8;
	[tilespmem:$0x1D000] =	vst v63  }
0xde: {  	_ =	swait.ge [sflag:s31], $0x2800  }
0xdf: {  	[sflag:s31] =	ssyncset.done $0x0  }
0xe0: {  	s12 =	sadd.s32 $0x100, s9;
	[sflag:s31] =	ssyncadd.s32 $0xFFFFD800  }
0xe1: {  	[tilespmem:s24], [sflag:$0x1] =	stream.indirect.gather [hbm4b:s4+s23], $0x80, s12, s23, $0xb8;
	[tilespmem:$0x1D000] =	vst v63  }
0xe2: {  	_ =	swait.ge [sflag:s0], $0x2800  }
0xe3: {  	[sflag:s0] =	ssyncset.done $0x0  }
0xe4: {  	s13 =	sadd.s32 $0x2080, s9;
	[sflag:s0] =	ssyncadd.s32 $0xFFFFD800  }
0xe5: {  	[spmem:s2] =	stream.indirect.scatter.add.f32 [tilespmem:s29], [sflag:$0x5], $0x80, s13, s23, $0xb8;
	[tilespmem:$0x1D000] =	vst v63  }
0xe6: {  	_ =	swait.ge [sflag:s31], $0x2800  }
0xe7: {  	[sflag:s31] =	ssyncset.done $0x0  }
0xe8: {  	[sflag:s31] =	ssyncadd.s32 $0xFFFFD800  }
0xe9: {  	_ =	swait.ge [sflag:s22], $0xC80  }
0xea: {  	[sflag:s22] =	ssyncset.done $0x0  }
0xeb: {  	[sflag:s22] =	ssyncadd.s32 $0xFFFFF380  }
0xec: {  	_ =	swait.ge [sflag:s22], $0xC80  }
0xed: {  	[sflag:s22] =	ssyncset.done $0x0  }
0xee: {  	[sflag:s22] =	ssyncadd.s32 $0xFFFFF380  }
0xef: {  	[tilespmem:s29], [sflag:$0x2] =	stream.indirect.gather [hbm4b:s4+s23], $0x80, s26, s23, $0xb8;
	[tilespmem:$0x1D000] =	vst v63  }
0xf0: {  	_ =	swait.ge [sflag:s30], $0x2800  }
0xf1: {  	[sflag:s30] =	ssyncset.done $0x0  }
0xf2: {  	[sflag:s30] =	ssyncadd.s32 $0xFFFFD800  }
0xf3: {  	[spmem:s2] =	stream.indirect.scatter.add.f32 [tilespmem:s24], [sflag:$0x5], $0x80, s1, s23, $0xb8;
	[tilespmem:$0x1D000] =	vst v63  }
0xf4: {  	_ =	swait.ge [sflag:s31], $0x2800  }
0xf5: {  	[sflag:s31] =	ssyncset.done $0x0  }
0xf6: {  	[sflag:s31] =	ssyncadd.s32 $0xFFFFD800  }
0xf7: {  	[tilespmem:s3], [sflag:$0x4] =	stream.linear.gather [hbm4b:s17+s3], $0xC80, $0x38;
	[tilespmem:$0x1D000] =	vst v63  }
0xf8: {  	_ = 	snop  }
0xf9: {  	[tilespmem:s21], [sflag:$0x4] =	stream.linear.gather [hbm4b:s18+s3], $0xC80, $0x38;
	[tilespmem:$0x1D000] =	vst v63  }
0xfa: {  	s10 =	simm.s32 $0x1080  }
0xfb: {  	[tilespmem:s24], [sflag:$0x1] =	stream.indirect.gather [hbm4b:s4+s23], $0x80, s10, s23, $0xb8;
	[tilespmem:$0x1D000] =	vst v63  }
0xfc: {  	_ =	swait.ge [sflag:s0], $0x2800  }
0xfd: {  	[sflag:s0] =	ssyncset.done $0x0  }
0xfe: {  	s11 =	simm.s32 $0x3000;
	[sflag:s0] =	ssyncadd.s32 $0xFFFFD800  }
0xff: {  	[spmem:s2] =	stream.indirect.scatter.add.f32 [tilespmem:s29], [sflag:$0x5], $0x80, s11, s23, $0xb8;
	[tilespmem:$0x1D000] =	vst v63  }
0x100: {  	_ =	swait.ge [sflag:s31], $0x2800  }
0x101: {  	[sflag:s31] =	ssyncset.done $0x0  }
0x102: {  	s12 =	simm.s32 $0x1100;
	[sflag:s31] =	ssyncadd.s32 $0xFFFFD800  }
0x103: {  	[tilespmem:s29], [sflag:$0x2] =	stream.indirect.gather [hbm4b:s4+s23], $0x80, s12, s23, $0xb8;
	[tilespmem:$0x1D000] =	vst v63  }
0x104: {  	_ =	swait.ge [sflag:s30], $0x2800  }
0x105: {  	[sflag:s30] =	ssyncset.done $0x0  }
0x106: {  	s13 =	simm.s32 $0x3080;
	[sflag:s30] =	ssyncadd.s32 $0xFFFFD800  }
0x107: {  	[spmem:s2] =	stream.indirect.scatter.add.f32 [tilespmem:s24], [sflag:$0x5], $0x80, s13, s23, $0xb8;
	[tilespmem:$0x1D000] =	vst v63  }
0x108: {  	_ =	swait.ge [sflag:s31], $0x2800  }
0x109: {  	s9 =	simm.s32 $0xFFFFF500;
	s10 =	simm.s32 $0xFFFFD800;
	[sflag:s31] =	ssyncset.done $0x0  }
.LBB2_8:
0x10a: {  	s11 =	sadd.s32 $0x1C80, s9  }
0x10b: {  	[sflag:s31] =	ssyncadd.s32 $0xFFFFD800;
	s12 =	smov.u32 s10;
	s13 =	sadd.s32 $0x400, s10  }
0x10c: {  	[tilespmem:s24], [sflag:$0x1] =	stream.indirect.gather [hbm4b:s4+s23], $0x80, s11, s23, $0xb8;
	[tilespmem:$0x1D000] =	vst v63  }
0x10d: {  	p0 =	sne.s32 s10, $0xFFFFFC00;
	_ =	swait.ge [sflag:s0], $0x2800  }
0x10e: {  	[sflag:s0] =	ssyncset.done $0x0  }
0x10f: {  	s10 =	sadd.s32 $0x3C00, s9;
	[sflag:s0] =	ssyncadd.s32 $0xFFFFD800  }
0x110: {  	[spmem:s2] =	stream.indirect.scatter.add.f32 [tilespmem:s29], [sflag:$0x5], $0x80, s10, s23, $0xb8;
	[tilespmem:$0x1D000] =	vst v63  }
0x111: {  	_ =	swait.ge [sflag:s31], $0x2800  }
0x112: {  	[sflag:s31] =	ssyncset.done $0x0  }
0x113: {  	s10 =	sadd.s32 $0x1D00, s9;
	[sflag:s31] =	ssyncadd.s32 $0xFFFFD800  }
0x114: {  	[tilespmem:s29], [sflag:$0x2] =	stream.indirect.gather [hbm4b:s4+s23], $0x80, s10, s23, $0xb8;
	[tilespmem:$0x1D000] =	vst v63  }
0x115: {  	_ =	swait.ge [sflag:s30], $0x2800  }
.Ltmp3:
0x116: {  	[sflag:s30] =	ssyncset.done $0x0;
	(pc) =	sbr.rel @p0 .LBB2_8-.Ltmp3, $4  }
0x117: {  	s9 =	sadd.s32 $0x3C80, s9;
	[sflag:s30] =	ssyncadd.s32 $0xFFFFD800  }
0x118: {  	[spmem:s2] =	stream.indirect.scatter.add.f32 [tilespmem:s24], [sflag:$0x5], $0x80, s9, s23, $0xb8;
	[tilespmem:$0x1D000] =	vst v63  }
0x119: {  	_ =	swait.ge [sflag:s31], $0x2800  }
0x11a: {  	s10 =	smov.u32 s13;
	s9 =	sshra.s32 s12, $0x2;
	[sflag:s31] =	ssyncset.done $0x0  }
0x11b: {  	s10 =	sadd.s32 $0x1C80, s9;
	[sflag:s31] =	ssyncadd.s32 $0xFFFFD800  }
0x11c: {  	[tilespmem:s24], [sflag:$0x1] =	stream.indirect.gather [hbm4b:s4+s23], $0x80, s10, s23, $0xb8;
	[tilespmem:$0x1D000] =	vst v63  }
0x11d: {  	_ =	swait.ge [sflag:s0], $0x2800  }
0x11e: {  	[sflag:s0] =	ssyncset.done $0x0  }
0x11f: {  	s13 =	sadd.s32 $0x3C00, s9;
	[sflag:s0] =	ssyncadd.s32 $0xFFFFD800  }
0x120: {  	[spmem:s2] =	stream.indirect.scatter.add.f32 [tilespmem:s29], [sflag:$0x5], $0x80, s13, s23, $0xb8;
	[tilespmem:$0x1D000] =	vst v63  }
0x121: {  	_ =	swait.ge [sflag:s31], $0x2800  }
0x122: {  	[sflag:s31] =	ssyncset.done $0x0  }
0x123: {  	s11 =	sadd.s32 $0x1D00, s9;
	[sflag:s31] =	ssyncadd.s32 $0xFFFFD800  }
0x124: {  	[tilespmem:s29], [sflag:$0x2] =	stream.indirect.gather [hbm4b:s4+s23], $0x80, s11, s23, $0xb8;
	[tilespmem:$0x1D000] =	vst v63  }
0x125: {  	_ =	swait.ge [sflag:s30], $0x2800  }
0x126: {  	[sflag:s30] =	ssyncset.done $0x0  }
0x127: {  	s12 =	sadd.s32 $0x3C80, s9;
	[sflag:s30] =	ssyncadd.s32 $0xFFFFD800  }
0x128: {  	[spmem:s2] =	stream.indirect.scatter.add.f32 [tilespmem:s24], [sflag:$0x5], $0x80, s12, s23, $0xb8;
	[tilespmem:$0x1D000] =	vst v63  }
0x129: {  	_ =	swait.ge [sflag:s31], $0x2800  }
0x12a: {  	[sflag:s31] =	ssyncset.done $0x0  }
0x12b: {  	[sflag:s31] =	ssyncadd.s32 $0xFFFFD800  }
0x12c: {  	_ =	swait.ge [sflag:s22], $0xC80  }
0x12d: {  	[sflag:s22] =	ssyncset.done $0x0  }
0x12e: {  	[sflag:s22] =	ssyncadd.s32 $0xFFFFF380  }
0x12f: {  	_ =	swait.ge [sflag:s22], $0xC80  }
0x130: {  	[sflag:s22] =	ssyncset.done $0x0  }
0x131: {  	s13 =	simm.s32 $0x0;
	[sflag:s22] =	ssyncadd.s32 $0xFFFFF380  }
0x132: {  	[tilespmem:s24], [sflag:$0x1] =	stream.indirect.gather [hbm4b:s4+s23], $0x80, s13, s23, $0xb8;
	[tilespmem:$0x1D000] =	vst v63  }
0x133: {  	_ =	swait.ge [sflag:s0], $0x2800  }
0x134: {  	[sflag:s0] =	ssyncset.done $0x0  }
0x135: {  	[sflag:s0] =	ssyncadd.s32 $0xFFFFD800  }
0x136: {  	[spmem:s2] =	stream.indirect.scatter.add.f32 [tilespmem:s29], [sflag:$0x5], $0x80, s5, s23, $0xb8;
	[tilespmem:$0x1D000] =	vst v63  }
0x137: {  	_ =	swait.ge [sflag:s31], $0x2800  }
0x138: {  	[sflag:s31] =	ssyncset.done $0x0  }
0x139: {  	s10 =	simm.s32 $0x80;
	[sflag:s31] =	ssyncadd.s32 $0xFFFFD800  }
0x13a: {  	[tilespmem:s29], [sflag:$0x2] =	stream.indirect.gather [hbm4b:s4+s23], $0x80, s10, s23, $0xb8;
	[tilespmem:$0x1D000] =	vst v63  }
0x13b: {  	_ =	swait.ge [sflag:s30], $0x2800  }
0x13c: {  	[sflag:s30] =	ssyncset.done $0x0  }
0x13d: {  	s11 =	simm.s32 $0x2000;
	[sflag:s30] =	ssyncadd.s32 $0xFFFFD800  }
0x13e: {  	[spmem:s2] =	stream.indirect.scatter.add.f32 [tilespmem:s24], [sflag:$0x5], $0x80, s11, s23, $0xb8;
	[tilespmem:$0x1D000] =	vst v63  }
0x13f: {  	_ =	swait.ge [sflag:s31], $0x2800  }
0x140: {  	[sflag:s31] =	ssyncset.done $0x0  }
0x141: {  	s12 =	simm.s32 $0x100;
	[sflag:s31] =	ssyncadd.s32 $0xFFFFD800  }
0x142: {  	[tilespmem:s24], [sflag:$0x1] =	stream.indirect.gather [hbm4b:s4+s23], $0x80, s12, s23, $0xb8;
	[tilespmem:$0x1D000] =	vst v63  }
0x143: {  	_ =	swait.ge [sflag:s0], $0x2800  }
0x144: {  	[sflag:s0] =	ssyncset.done $0x0  }
0x145: {  	s13 =	simm.s32 $0x2080;
	[sflag:s0] =	ssyncadd.s32 $0xFFFFD800  }
0x146: {  	[spmem:s2] =	stream.indirect.scatter.add.f32 [tilespmem:s29], [sflag:$0x5], $0x80, s13, s23, $0xb8;
	[tilespmem:$0x1D000] =	vst v63  }
0x147: {  	_ =	swait.ge [sflag:s31], $0x2800  }
0x148: {  	s9 =	simm.s32 $0x100;
	s10 =	simm.s32 $0x800;
	[sflag:s31] =	ssyncset.done $0x0  }
.LBB2_10:
0x149: {  	s11 =	sadd.s32 $0x80, s9  }
0x14a: {  	[sflag:s31] =	ssyncadd.s32 $0xFFFFD800;
	s12 =	smov.u32 s10;
	s13 =	sadd.s32 $0x400, s10  }
0x14b: {  	[tilespmem:s29], [sflag:$0x2] =	stream.indirect.gather [hbm4b:s4+s23], $0x80, s11, s23, $0xb8;
	[tilespmem:$0x1D000] =	vst v63  }
0x14c: {  	p0 =	sne.s32 s10, $0x2C00;
	_ =	swait.ge [sflag:s30], $0x2800  }
0x14d: {  	[sflag:s30] =	ssyncset.done $0x0  }
0x14e: {  	s10 =	sadd.s32 $0x2000, s9;
	[sflag:s30] =	ssyncadd.s32 $0xFFFFD800  }
0x14f: {  	[spmem:s2] =	stream.indirect.scatter.add.f32 [tilespmem:s24], [sflag:$0x5], $0x80, s10, s23, $0xb8;
	[tilespmem:$0x1D000] =	vst v63  }
0x150: {  	_ =	swait.ge [sflag:s31], $0x2800  }
0x151: {  	[sflag:s31] =	ssyncset.done $0x0  }
0x152: {  	s10 =	sadd.s32 $0x100, s9;
	[sflag:s31] =	ssyncadd.s32 $0xFFFFD800  }
0x153: {  	[tilespmem:s24], [sflag:$0x1] =	stream.indirect.gather [hbm4b:s4+s23], $0x80, s10, s23, $0xb8;
	[tilespmem:$0x1D000] =	vst v63  }
0x154: {  	_ =	swait.ge [sflag:s0], $0x2800  }
.Ltmp4:
0x155: {  	[sflag:s0] =	ssyncset.done $0x0;
	(pc) =	sbr.rel @p0 .LBB2_10-.Ltmp4, $4  }
0x156: {  	s9 =	sadd.s32 $0x2080, s9;
	[sflag:s0] =	ssyncadd.s32 $0xFFFFD800  }
0x157: {  	[spmem:s2] =	stream.indirect.scatter.add.f32 [tilespmem:s29], [sflag:$0x5], $0x80, s9, s23, $0xb8;
	[tilespmem:$0x1D000] =	vst v63  }
0x158: {  	_ =	swait.ge [sflag:s31], $0x2800  }
0x159: {  	s10 =	smov.u32 s13;
	s9 =	sshra.s32 s12, $0x2;
	[sflag:s31] =	ssyncset.done $0x0  }
0x15a: {  	s10 =	sadd.s32 $0x80, s9;
	[sflag:s31] =	ssyncadd.s32 $0xFFFFD800  }
0x15b: {  	[tilespmem:s29], [sflag:$0x2] =	stream.indirect.gather [hbm4b:s4+s23], $0x80, s10, s23, $0xb8;
	[tilespmem:$0x1D000] =	vst v63  }
0x15c: {  	_ =	swait.ge [sflag:s30], $0x2800  }
0x15d: {  	[sflag:s30] =	ssyncset.done $0x0  }
0x15e: {  	s13 =	sadd.s32 $0x2000, s9;
	[sflag:s30] =	ssyncadd.s32 $0xFFFFD800  }
0x15f: {  	[spmem:s2] =	stream.indirect.scatter.add.f32 [tilespmem:s24], [sflag:$0x5], $0x80, s13, s23, $0xb8;
	[tilespmem:$0x1D000] =	vst v63  }
0x160: {  	_ =	swait.ge [sflag:s31], $0x2800  }
0x161: {  	[sflag:s31] =	ssyncset.done $0x0  }
0x162: {  	s11 =	sadd.s32 $0x100, s9;
	[sflag:s31] =	ssyncadd.s32 $0xFFFFD800  }
0x163: {  	[tilespmem:s24], [sflag:$0x1] =	stream.indirect.gather [hbm4b:s4+s23], $0x80, s11, s23, $0xb8;
	[tilespmem:$0x1D000] =	vst v63  }
0x164: {  	_ =	swait.ge [sflag:s0], $0x2800  }
0x165: {  	[sflag:s0] =	ssyncset.done $0x0  }
0x166: {  	s12 =	sadd.s32 $0x2080, s9;
	[sflag:s0] =	ssyncadd.s32 $0xFFFFD800  }
0x167: {  	[spmem:s2] =	stream.indirect.scatter.add.f32 [tilespmem:s29], [sflag:$0x5], $0x80, s12, s23, $0xb8;
	[tilespmem:$0x1D000] =	vst v63  }
0x168: {  	_ =	swait.ge [sflag:s31], $0x2800  }
0x169: {  	[sflag:s31] =	ssyncset.done $0x0  }
0x16a: {  	[sflag:s31] =	ssyncadd.s32 $0xFFFFD800  }
0x16b: {  	_ =	swait.ge [sflag:s30], $0x2800  }
0x16c: {  	[sflag:s30] =	ssyncset.done $0x0  }
0x16d: {  	[sflag:s30] =	ssyncadd.s32 $0xFFFFD800  }
0x16e: {  	[spmem:s2] =	stream.indirect.scatter.add.f32 [tilespmem:s24], [sflag:$0x5], $0x80, s1, s23, $0xb8;
	[tilespmem:$0x1D000] =	vst v63  }
0x16f: {  	_ =	swait.ge [sflag:s31], $0x2800  }
0x170: {  	s7 =	sadd.s32 $0x1, s7;
	[sflag:s31] =	ssyncset.done $0x0  }
0x171: {  	p0 =	sne.s32 s7, s20;
	[sflag:s31] =	ssyncadd.s32 $0xFFFFD800  }
.Ltmp5:
0x172: {  	s13 =	sor.u32 $0x1C05, s6;
	[bflag:$0x0] =	sbarrier.arrive $0xFFFF;
	(pc) =	sbr.rel @p0 .LBB2_1-.Ltmp5, $4  }
0x173: {  	[hbm:s19], [sflag:s13] =	dma.local [spmem:s8], $0x2800  }
0x174: {  	_ =	swait.ge [sflag:s31], $0x2800  }
0x175: {  	[sflag:s31] =	ssyncset.done $0x0  }
0x176: {  	[sflag:s31] =	ssyncadd.s32 $0xFFFFD800  }
0x177: {  	_ =	sfence.sel $0x180000  }
0x178: {  	[bflag:$0x0] =	sbarrier.arrive $0xFFFF  }
0x179: {  	_ =	strace $0x9000004D  }
0x17a: {  	s0 =	stileid.u32;
	[bflag:$0x2] =	sbarrier.arrive $0xFFFF  }
0x17b: {  	p0 =	sne.s32 s0, $0x0;
	s0 =	rddreg [dreg:$0x2]  }
0x17c: {  	s0 =	sadd.s32 @!p0 $0x100000, s0  }
0x17d: {  	[sflag:s0] =	ssyncadd.tile.s32 @!p0 $0x1;
	_ =	shalt  }
.Lfunc_end2:
_tile_overlayer_lowered:
.L_overlay_start_2:
0x17e: {  	(tag) =	ssettag $0x2  }
0x17f: {  	s0 =	rddreg [dreg:$0x0];
	s2 =	stileid.u32  }
0x180: {  	s1 =	rddreg [dreg:$0x1];
	p0 =	sne.s32 s2, $0x0  }
0x181: {  	s3 =	rddreg [dreg:$0x2];
	[bflag:$0x3] =	sbarrier.arrive $0xFFFF;
	s2 =	simm.s32 @!p0 $0x1C05  }
0x182: {  	[timem:s3], [sflag:s2] =	dma.local @!p0 [hbm:s0], s1  }
0x183: {  	s0 =	simm.s32 @!p0 $0x5  }
0x184: {  	_ =	swait.ge @!p0 [sflag:s0], s1  }
0x185: {  	s1 =	ssub.s32 @!p0 $0x0, s1;
	[sflag:s0] =	ssyncset.done @!p0 $0x0  }
0x186: {  	[sflag:s0] =	ssyncadd.s32 @!p0 s1  }
0x187: {  	[bflag:$0x3] =	sbarrier.arrive $0xFFFF  }
0x188: {  	_ =	shalt  }

// kernel: kernel.8.cloned.1.call-start
scs
__scs_entry_jumppad:
0x0: {  	(pc) =	sbr.rel $0x88, $3  }
0x1: {  	(tag) =	ssettag $0x0;
	lr =	simm.s32 $0x1  }
0x2: {  	[smem:$0x3F99] =	sst lr;
	_ =	strace $0xD0000000  }
0x3: {  	_ = 	snop  }
0x4: {  	_ = 	snop  }
0x5: {  	_ = 	snop  }
0x6: {  	_ = 	snop  }
0x7: {  	_ = 	snop  }
__scs_overlays_trampoline_lowered:
0x8: {  	[smem:$0x3FA8] =	sst s0  }
0x9: {  	[smem:$0x3FA9] =	sst s1  }
0xa: {  	[smem:$0x3FAA] =	sst s2  }
0xb: {  	[smem:$0x3FAB] =	sst s3  }
0xc: {  	[smem:$0x3FAC] =	sst s4  }
0xd: {  	[smem:$0x3FAD] =	sst s5  }
0xe: {  	[smem:$0x3FAE] =	sst s6  }
0xf: {  	[smem:$0x3FAF] =	sst s7  }
0x10: {  	[smem:$0x3FB0] =	sst s8  }
0x11: {  	[smem:$0x3FB1] =	sst s9;
	s0 =	simm.s32 @!p0 $0x0  }
0x12: {  	s1 =	sld [smem:$0x3F97];
	s0 =	simm.s32 @p0 $0x1  }
0x13: {  	[smem:$0x3FB2] =	sst s0;
	s0 =	simm.s32 @!p1 $0x0  }
0x14: {  	s2 =	sld [smem:$0x3F96];
	s0 =	simm.s32 @p1 $0x1  }
0x15: {  	[smem:$0x3FB3] =	sst s0;
	s0 =	simm.s32 @!p2 $0x0  }
0x16: {  	s3 =	sld [smem:$0x3FDB];
	s0 =	simm.s32 @p2 $0x1  }
0x17: {  	s4 =	simm.s32 $0x1BF5;
	[smem:$0x3FB5] =	sst s0  }
0x18: {  	s0 =	sld [smem:$0x3F98];
	_ =	swait.ge [sflag:s4], $0x0  }
0x19: {  	s7 =	sld [smem:$0x3F99]  }
0x1a: {  	s8 =	sadd.s32 $0xFFFFE003, lr  }
0x1b: {  	s9 =	sadd.s32 $0xFFFFFEF7, lr;
	s5 =	simm.s32 $0xFFFFFFFF;
	p2 =	slt.u32 s8, $0xFFFFF086  }
0x1c: {  	p1 =	slt.u32 s9, $0xF7A;
	s5 =	simm.s32 @!p2 $0x0  }
0x1d: {  	s5 =	simm.s32 @p1 $0x1;
	p0 =	seq.s32 s7, s2  }
0x1e: {  	s7 =	smul.u32 @!p0 $0xF7A, s2;
	p2 =	seq.s32 @!p0 s5, $0x0  }
0x1f: {  	s9 =	smul.u32 $0xF7A, s1;
	s8 =	simm.s32 @!p0 $0x1BF5;
	p2 =	por !p2, p0  }
0x20: {  	[sflag:s8] =	ssyncset.s32 @!p0 $0xFFFFF086;
	s6 =	sadd.s32 @!p0 s3, s7;
	s7 =	simm.s32 @!p0 $0x108  }
0x21: {  	s3 =	sadd.s32 s3, s9;
	s6 =	sadd.s32 @!p0 $0x88, s6;
	s7 =	simm.s32 @p2 $0x1082  }
0x22: {  	[simem:s7], [sflag:s8] =	dma.local @!p0 [hbm:s6], $0xF7A  }
0x23: {  	s9 =	sor.u32 $0xD0000000, s2;
	s6 =	simm.s32 $0x108;
	_ =	swait.ge @!p0 [sflag:s8], $0x0  }
0x24: {  	s3 =	sadd.s32 $0x88, s3;
	s6 =	simm.s32 @!p1 $0x1082;
	[sflag:s4] =	ssyncset.s32 $0xFFFFF086  }
0x25: {  	[simem:s6], [sflag:s4] =	dma.local [hbm:s3], $0xF7A  }
0x26: {  	[smem:$0x3F99] =	sst s1;
	(tag) =	ssettag s2;
	_ =	strace s9  }
0x27: {  	s1 =	sld [smem:$0x3FA9]  }
0x28: {  	s2 =	sld [smem:$0x3FAA]  }
0x29: {  	s4 =	sld [smem:$0x3FAC]  }
0x2a: {  	p0 =	seq.s32 s5, $0x0;
	s5 =	sld [smem:$0x3FAD]  }
0x2b: {  	s6 =	sld [smem:$0x3FAE]  }
0x2c: {  	s7 =	sld [smem:$0x3FAF]  }
0x2d: {  	s3 =	simm.s32 $0x108;
	s8 =	sld [smem:$0x3FB0]  }
0x2e: {  	s3 =	simm.s32 @!p0 $0x1082;
	s9 =	sld [smem:$0x3FB1]  }
0x2f: {  	lr =	sadd.s32 s0, s3;
	s0 =	sld [smem:$0x3FA8]  }
0x30: {  	s3 =	sld [smem:$0x3FAB]  }
0x31: {  	[smem:$0x3FB4] =	sst s10  }
0x32: {  	s10 =	sld [smem:$0x3FB2];
	_ =	sdelay $0x3  }
0x33: {  	p0 =	seq.s32 s10, $0x1;
	s10 =	sld [smem:$0x3FB4];
	_ =	sdelay $0x3  }
0x34: {  	[smem:$0x3FB4] =	sst s10  }
0x35: {  	s10 =	sld [smem:$0x3FB3];
	_ =	sdelay $0x3  }
0x36: {  	p1 =	seq.s32 s10, $0x1;
	s10 =	sld [smem:$0x3FB4];
	_ =	sdelay $0x3  }
0x37: {  	[smem:$0x3FB4] =	sst s10  }
0x38: {  	s10 =	sld [smem:$0x3FB5]  }
0x39: {  	_ = 	snop;
	(pc) =	sbr.ind lr, $3  }
0x3a: {  	_ = 	snop  }
0x3b: {  	_ = 	snop  }
0x3c: {  	p2 =	seq.s32 s10, $0x1;
	s10 =	sld [smem:$0x3FB4]  }
0x3d: {  	_ =	shalt  }
0x3e: {  	_ =	shalt  }
0x3f: {  	_ =	shalt  }
0x40: {  	_ =	shalt  }
0x41: {  	_ =	shalt  }
0x42: {  	_ =	shalt  }
0x43: {  	_ =	shalt  }
0x44: {  	_ =	shalt  }
0x45: {  	_ =	shalt  }
0x46: {  	_ =	shalt  }
0x47: {  	_ =	shalt  }
0x48: {  	_ =	shalt  }
0x49: {  	_ =	shalt  }
0x4a: {  	_ =	shalt  }
0x4b: {  	_ =	shalt  }
0x4c: {  	_ =	shalt  }
0x4d: {  	_ =	shalt  }
0x4e: {  	_ =	shalt  }
0x4f: {  	_ =	shalt  }
0x50: {  	_ =	shalt  }
0x51: {  	_ =	shalt  }
0x52: {  	_ =	shalt  }
0x53: {  	_ =	shalt  }
0x54: {  	_ =	shalt  }
0x55: {  	_ =	shalt  }
0x56: {  	_ =	shalt  }
0x57: {  	_ =	shalt  }
0x58: {  	_ =	shalt  }
0x59: {  	_ =	shalt  }
0x5a: {  	_ =	shalt  }
0x5b: {  	_ =	shalt  }
0x5c: {  	_ =	shalt  }
0x5d: {  	_ =	shalt  }
0x5e: {  	_ =	shalt  }
0x5f: {  	_ =	shalt  }
0x60: {  	_ =	shalt  }
0x61: {  	_ =	shalt  }
0x62: {  	_ =	shalt  }
0x63: {  	_ =	shalt  }
0x64: {  	_ =	shalt  }
0x65: {  	_ =	shalt  }
0x66: {  	_ =	shalt  }
0x67: {  	_ =	shalt  }
0x68: {  	_ =	shalt  }
0x69: {  	_ =	shalt  }
0x6a: {  	_ =	shalt  }
0x6b: {  	_ =	shalt  }
0x6c: {  	_ =	shalt  }
0x6d: {  	_ =	shalt  }
0x6e: {  	_ =	shalt  }
0x6f: {  	_ =	shalt  }
0x70: {  	_ =	shalt  }
0x71: {  	_ =	shalt  }
0x72: {  	_ =	shalt  }
0x73: {  	_ =	shalt  }
0x74: {  	_ =	shalt  }
0x75: {  	_ =	shalt  }
0x76: {  	_ =	shalt  }
0x77: {  	_ =	shalt  }
0x78: {  	_ =	shalt  }
0x79: {  	_ =	shalt  }
0x7a: {  	_ =	shalt  }
0x7b: {  	_ =	shalt  }
0x7c: {  	_ =	shalt  }
0x7d: {  	_ =	shalt  }
0x7e: {  	_ =	shalt  }
0x7f: {  	_ =	shalt  }
0x80: {  	_ =	shalt  }
0x81: {  	_ =	shalt  }
0x82: {  	_ =	shalt  }
0x83: {  	_ =	shalt  }
0x84: {  	_ =	shalt  }
0x85: {  	_ =	shalt  }
0x86: {  	_ =	shalt  }
0x87: {  	_ =	shalt  }
.Lfunc_end0:
.L_simem_size_0:
called_computation_lowered:
.L_overlay_start_0:
0x88: {  	s2 =	sld [smem:$0x3FD9]  }
0x89: {  	s3 =	sld [smem:$0x3FFE];
	_ =	sdelay $0x1  }
0x8a: {  	s1 =	srdreg.scid  }
0x8b: {  	s0 =	sand.u32 $0x1, s1  }
0x8c: {  	s17 =	sshll.u32 s0, $0xA;
	s2 =	sadd.s32 s3, s2  }
0x8d: {  	s2 =	sadd.s32 s2, s17  }
0x8e: {  	[smem:$0x3FC0] =	sst s2  }
0x8f: {  	_ = 	snop  }
0x90: {  	s2 =	sld [smem:$0x3FD0];
	(tm) =	ssettm $0x1  }
0x91: {  	s18 =	sld [smem:$0x3FFB];
	_ =	sdelay $0x3  }
0x92: {  	_ =	strace s18  }
0x93: {  	s3 =	sld [smem:$0x3FFC];
	_ =	sdelay $0x3  }
0x94: {  	_ =	strace s3  }
0x95: {  	s3 =	sld [smem:$0x3FFD];
	_ =	sdelay $0x3  }
0x96: {  	_ =	strace s3  }
0x97: {  	_ =	strace $0x8FFFFFFF  }
0x98: {  	s19 =	sld [smem:$0x3FDB];
	_ =	sdelay $0x1  }
0x99: {  	s4 =	simm.s32 $_scs_section_size  }
0x9a: {  	s5 =	simm.s32 $_size__tile_overlayer_lowered;
	s6 =	simm.s32 $_tile_overlayer_lowered  }
0x9b: {  	s22 =	simm.s32 $0x1BFF;
	s21 =	sshll.u32 s6, $0x1;
	s3 =	sadd.s32 s4, s19  }
0x9c: {  	s7 =	simm.s32 $0x0;
	s20 =	sshll.u32 s5, $0x1;
	s5 =	sadd.s32 s21, s3  }
0x9d: {  	[timem:s7], [sflag:s22] =	dma.local [hbm:s5], s20  }
0x9e: {  	_ =	swait.ge [sflag:s22], s20  }
0x9f: {  	s4 =	ssub.s32 $0x0, s20;
	[sflag:s22] =	ssyncset.done $0x0  }
0xa0: {  	[sflag:s22] =	ssyncadd.s32 s4;
	_ =	sdelay $0x1  }
0xa1: {  	s23 =	simm.s32 $0x1B8B  }
0xa2: {  	_ =	swait.ge [sflag:s23], $0x1  }
0xa3: {  	[sflag:s23] =	ssyncset.done $0x0  }
0xa4: {  	s25 =	simm.s32 $0x1B8E;
	s24 =	sld [smem:$0x3FFE];
	[sflag:s23] =	ssyncadd.s32 $0xFFFFFFFF  }
0xa5: {  	s26 =	simm.s32 $execute0_lowered;
	[smem:$0x3FD2] =	sst s25  }
0xa6: {  	s5 =	sshll.u32 s26, $0x1;
	_ =	strace $0x80000046;
	[dreg:$0x1] =	wrdreg $0xFFFFFFFF  }
0xa7: {  	s28 =	simm.s32 $_size_execute0_lowered;
	s3 =	sadd.s32 s3, s5;
	[dreg:$0x0] =	wrdreg $0x0  }
0xa8: {  	s5 =	sshll.u32 s28, $0x1;
	[dreg:$0x2] =	wrdreg s3  }
0xa9: {  	[dreg:$0x3] =	wrdreg s5  }
0xaa: {  	[dreg:$0x4] =	wrdreg $0xC0  }
0xab: {  	_ =	task [dreg:s7], $0x5FFFF  }
0xac: {  	[dreg:$0x1] =	wrdreg $0xFFFFFFFF  }
0xad: {  	[dreg:$0x0] =	wrdreg $0x60  }
0xae: {  	[dreg:$0x2] =	wrdreg s24  }
0xaf: {  	[dreg:$0x3] =	wrdreg s2  }
0xb0: {  	[dreg:$0x4] =	wrdreg $0x40800  }
0xb1: {  	[dreg:$0x5] =	wrdreg $0x9  }
0xb2: {  	_ =	task.clear_ibuf [dreg:s7], $0x6FFFF;
	_ =	strace $0x90000046  }
0xb3: {  	s29 =	simm.s32 $0x9;
	_ =	strace $0x80000048  }
0xb4: {  	_ =	swait.ge [sflag:s29], $0x1  }
0xb5: {  	[sflag:s29] =	ssyncadd.s32 $0xFFFFFFFF  }
0xb6: {  	_ =	strace $0x90000048  }
0xb7: {  	_ =	sfence  }
0xb8: {  	s30 =	sld [smem:$0x0];
	_ =	sdelay $0x2  }
0xb9: {  	s31 =	sshll.u32 s1, $0xD;
	s1 =	sshrl.u32 s1, $0x2  }
0xba: {  	s3 =	sand.u32 $0x4000, s31;
	s1 =	sadd.s32 s1, s30  }
0xbb: {  	s0 =	sor.u32 s3, s0;
	s1 =	sshll.u32 s1, $0x11  }
0xbc: {  	s0 =	sor.u32 s1, s0  }
0xbd: {  	s0 =	sadd.s32 $0x8F2B, s0  }
0xbe: {  	[sflag:s0] =	ssyncadd.remote.s32 $0x1  }
0xbf: {  	_ =	sfence.sel $0xFFFF  }
0xc0: {  	[dreg:$0x0] =	wrdreg $0xFFFFFFFF;
	(pc) =	sbr.abs _section_cstart, $3  }
0xc1: {  	[dreg:$0x1] =	wrdreg $0xFFFFFFFF  }
0xc2: {  	_ =	task.clear_ibuf [dreg:s7], $0x2FFFF;
	_ =	strace $0x9FFFFFFF  }
0xc3: {  	(tm) =	ssettm $0x7FFFFFFF  }
tec
execute0_lowered:
.L_overlay_start_1:
0x0: {  	(tag) =	ssettag $0x1  }
0x1: {  	s4 =	rddreg [dreg:$0x0]  }
0x2: {  	s10 =	rddreg [dreg:$0x1]  }
0x3: {  	s2 =	rddreg [dreg:$0x2]  }
0x4: {  	s0 =	rddreg [dreg:$0x3];
	s3 =	simm.s32 $0x0  }
0x5: {  	s1 =	stileid.u32;
	s5 =	srdreg.scid;
	s14 =	simm.s32 $0x1900  }
0x6: {  	s15 =	simm.s32 $0x2580;
	s16 =	simm.s32 $0x3200;
	s19 =	simm.s32 $0x50  }
0x7: {  	s20 =	simm.s32 $0x4000;
	s21 =	simm.s32 $0x1;
	s22 =	simm.s32 $0x20  }
0x8: {  	s23 =	simm.s32 $0x10;
	s24 =	simm.s32 $0x0;
	[smem:$0x7FF] =	sst s3  }
0x9: {  	s9 =	smul.u32 $0x280, s1;
	s5 =	sand.u32 $0x1, s5;
	s6 =	sshll.u32 s1, $0x1  }
0xa: {  	s7 =	sadd.s32 $0x2200, s4;
	s30 =	smul.u32 $0x500, s1;
	s17 =	sshll.u32 s1, $0x6  }
0xb: {  	_ =	strace $0x80000047;
	s6 =	sor.u32 s5, s6;
	s11 =	ssub.s32 $0x2, s5  }
0xc: {  	s31 =	sshll.u32 s5, $0x7;
	s17 =	sor.u32 $0x1C02, s17;
	s12 =	smul.u32 $0x5000, s6  }
0xd: {  	s8 =	sshrl.u32 s9, $0x3;
	s28 =	sshrl.u32 s11, $0x1;
	s6 =	smul.u32 $0xA00, s6  }
0xe: {  	s18 =	sadd.s32 s9, s2;
	s13 =	sadd.s32 s8, s4;
	s11 =	ssub.s32 s11, s28  }
0xf: {  	s18 =	sshrl.u32 s18, $0x3;
	s29 =	sshrl.u32 s12, $0x3;
	s4 =	sadd.s32 s7, s6  }
0x10: {  	s12 =	sor.u32 s31, s30;
	s9 =	sadd.s32 $0x16200, s13;
	s11 =	smax.u32 s11, $0x1  }
0x11: {  	s13 =	simm.s32 $0xC80;
	s8 =	sadd.s32 s7, s29;
	s12 =	sshrl.u32 s12, $0x3  }
0x12: {  	s5 =	sadd.s32 $0x200, s8;
	s6 =	sadd.s32 $0x400, s8;
	s7 =	sadd.s32 $0x600, s8  }
0x13: {  	v0 =	vimm.f32 $1.000000000e+00;
	s8 =	sadd.s32 $0x800, s8;
	s10 =	sadd.s32 s10, s12;
	s12 =	simm.s32 $0x2  }
.LBB2_1:
0x14: {  	[tilespmem:s3], [sflag:$0x2] =	stream.linear.gather [hbm4b:s4+s3], $0xC80, $0x38;
	[tilespmem:$0x4300] =	vst v63  }
0x15: {  	_ =	swait.ge [sflag:s12], $0xC80  }
0x16: {  	[sflag:s12] =	ssyncset.done $0x0  }
0x17: {  	[sflag:s12] =	ssyncadd.s32 $0xFFFFF380  }
0x18: {  	[tilespmem:s13], [sflag:$0x2] =	stream.linear.gather [hbm4b:s5+s3], $0xC80, $0x38;
	[tilespmem:$0x4300] =	vst v63  }
0x19: {  	_ =	swait.ge [sflag:s12], $0xC80  }
0x1a: {  	[sflag:s12] =	ssyncset.done $0x0  }
0x1b: {  	[sflag:s12] =	ssyncadd.s32 $0xFFFFF380  }
0x1c: {  	[tilespmem:s14], [sflag:$0x2] =	stream.linear.gather [hbm4b:s6+s3], $0xC80, $0x38;
	[tilespmem:$0x4300] =	vst v63  }
0x1d: {  	_ =	swait.ge [sflag:s12], $0xC80  }
0x1e: {  	[sflag:s12] =	ssyncset.done $0x0  }
0x1f: {  	[sflag:s12] =	ssyncadd.s32 $0xFFFFF380  }
0x20: {  	[tilespmem:s15], [sflag:$0x2] =	stream.linear.gather [hbm4b:s7+s3], $0xC80, $0x38;
	[tilespmem:$0x4300] =	vst v63  }
0x21: {  	_ =	swait.ge [sflag:s12], $0xC80  }
0x22: {  	[sflag:s12] =	ssyncset.done $0x0  }
0x23: {  	[sflag:s12] =	ssyncadd.s32 $0xFFFFF380  }
0x24: {  	[tilespmem:s16], [sflag:$0x2] =	stream.linear.gather [hbm4b:s8+s3], $0xC80, $0x38;
	[tilespmem:$0x4300] =	vst v63  }
0x25: {  	_ =	swait.ge [sflag:s12], $0xC80  }
0x26: {  	[sflag:s12] =	ssyncset.done $0x0  }
0x27: {  	[sflag:s12] =	ssyncadd.s32 $0xFFFFF380  }
0x28: {  	[tilespmem:$0x4000] =	vst v0  }
0x29: {  	[tilespmem:$0x4010] =	vst v0  }
0x2a: {  	[tilespmem:$0x4020] =	vst v0  }
0x2b: {  	[tilespmem:$0x4030] =	vst v0  }
0x2c: {  	[tilespmem:$0x4040] =	vst v0  }
0x2d: {  	[spmem:s18], [sflag:s17] =	dma.local [hbm:s9], $0x50  }
0x2e: {  	_ =	swait.ge [sflag:s12], $0x50  }
0x2f: {  	[sflag:s12] =	ssyncset.done $0x0  }
0x30: {  	[sflag:s12] =	ssyncadd.s32 $0xFFFFFFB0  }
0x31: {  	s25 =	simm.s32 $0x0;
	[bflag:$0x0] =	sbarrier.arrive $0xFFFF  }
.LBB2_2:
0x32: {  	p0 =	sne.s32 s25, $0xF800  }
.Ltmp0:
0x33: {  	_ = 	snop;
	(pc) =	sbr.rel @p0 .LBB2_2-.Ltmp0, $3  }
0x34: {  	_ =	sdelay $0x1  }
0x35: {  	s26 =	sshra.s32 s25, $0x2;
	s25 =	sadd.s32 $0x200, s25  }
0x36: {  	[spmem:s2] =	stream.indirect.scatter.add.f32 [tilespmem:s20], [sflag:$0x1], $0x1, s26, s19, $0xb8;
	[tilespmem:$0x4300] =	vst v63  }
0x37: {  	_ =	swait.ge [sflag:s21], $0x50  }
0x38: {  	s25 =	simm.s32 $0x7C;
	[sflag:s21] =	ssyncset.done $0x0  }
.LBB2_4:
0x39: {  	p0 =	sne.s32 s25, $0x1;
	s25 =	sadd.s32 $0xFFFFFFFF, s25;
	[sflag:s21] =	ssyncadd.s32 $0xFFFFFFB0  }
.Ltmp1:
0x3a: {  	(pc) =	sbr.rel @p0 .LBB2_4-.Ltmp1, $3  }
0x3b: {  	_ =	sdelay $0x1  }
0x3c: {  	_ =	swait.ge [sflag:s21], $0x50  }
0x3d: {  	[sflag:s21] =	ssyncset.done $0x0  }
0x3e: {  	s24 =	sadd.s32 $0x1, s24  }
0x3f: {  	[sflag:s21] =	ssyncadd.s32 $0xFFFFFFB0;
	p0 =	sne.s32 s24, s11  }
.Ltmp2:
0x40: {  	[bflag:$0x0] =	sbarrier.arrive $0xFFFF;
	(pc) =	sbr.rel @p0 .LBB2_1-.Ltmp2, $4  }
0x41: {  	[hbm:s10@s22], [sflag:s17] =	dma.strided [spmem:s18@s23], $0x50, s21, $0x10   }
0x42: {  	_ =	swait.ge [sflag:s12], $0x50  }
0x43: {  	[sflag:s12] =	ssyncset.done $0x0  }
0x44: {  	[sflag:s12] =	ssyncadd.s32 $0xFFFFFFB0  }
0x45: {  	_ =	sfence.sel $0x180000  }
0x46: {  	[bflag:$0x0] =	sbarrier.arrive $0xFFFF  }
0x47: {  	p0 =	sne.s32 s1, $0x0;
	_ =	strace $0x90000047  }
0x48: {  	s0 =	sadd.s32 @!p0 $0x100000, s0;
	[bflag:$0x2] =	sbarrier.arrive $0xFFFF  }
0x49: {  	[sflag:s0] =	ssyncadd.tile.s32 @!p0 $0x1;
	_ =	shalt  }
.Lfunc_end2:
_tile_overlayer_lowered:
.L_overlay_start_2:
0x4a: {  	(tag) =	ssettag $0x2  }
0x4b: {  	s0 =	rddreg [dreg:$0x0];
	s2 =	stileid.u32  }
0x4c: {  	s1 =	rddreg [dreg:$0x1];
	p0 =	sne.s32 s2, $0x0  }
0x4d: {  	s3 =	rddreg [dreg:$0x2];
	[bflag:$0x3] =	sbarrier.arrive $0xFFFF;
	s2 =	simm.s32 @!p0 $0x1C02  }
0x4e: {  	[timem:s3], [sflag:s2] =	dma.local @!p0 [hbm:s0], s1  }
0x4f: {  	s0 =	simm.s32 @!p0 $0x2  }
0x50: {  	_ =	swait.ge @!p0 [sflag:s0], s1  }
0x51: {  	s1 =	ssub.s32 @!p0 $0x0, s1;
	[sflag:s0] =	ssyncset.done @!p0 $0x0  }
0x52: {  	[sflag:s0] =	ssyncadd.s32 @!p0 s1  }
0x53: {  	[bflag:$0x3] =	sbarrier.arrive $0xFFFF  }
0x54: {  	_ =	shalt  }

</sc_bundles>
